<compile_context>
chip_gen: v7x
topology: tpu7x:2x2x1
jax: 0.10.2.dev20260603
libtpu: 0.0.44.dev20260713+nightly
codegen_flags: <defaults>
</compile_context>

<pallas_src>
import functools

import jax
import jax.numpy as jnp
from jax import lax
from jax.experimental import pallas as pl
from jax.experimental.pallas import tpu as pltpu
from jax.experimental.pallas import tpu_sc as plsc

N = 10000
D = 128
E = 320000
NC = 2
NS = 16
NW = NC * NS
B = 128
TPW = 80
ACC_ROWS = 10240
RPT = ACC_ROWS // NS
CNT_W = 16
CF = 2
FW = D // CF
BM = 2000

_MESH = plsc.VectorSubcoreMesh(core_axis_name="c", subcore_axis_name="s")


def _sc_body(with_counts, NBUF, *refs):
    if with_counts:
        (table, src3, dst3, out_p, out_c, src_v, dst_v, *rest) = refs
        rows = rest[:NBUF]
        obuf, zcnt, acc, cnt = rest[NBUF:NBUF + 4]
        sems = rest[NBUF + 4:]
        gs, ss, cs = sems[:NBUF], sems[NBUF:2 * NBUF], sems[2 * NBUF:]
    else:
        table, src3, dst3, out_p, src_v, dst_v, *rest = refs
        rows = rest[:NBUF]
        acc = rest[NBUF]
        sems = rest[NBUF + 1:]
        gs, ss = sems[:NBUF], sems[NBUF:2 * NBUF]
    cid = lax.axis_index("c")
    sid = lax.axis_index("s")
    wid = sid * NC + cid

    pltpu.sync_copy(src3.at[wid], src_v)
    pltpu.sync_copy(dst3.at[wid], dst_v)

    zero16 = jnp.zeros((16,), jnp.float32)
    if with_counts:
        one16 = jnp.ones((16,), jnp.float32)

        def _orow(r, _):
            obuf[r, pl.ds(0, 16)] = one16
            zcnt[r, pl.ds(0, 16)] = zero16
            return 0

        lax.fori_loop(0, B, _orow, 0)

    for cf in range(CF):
        first = cf == 0
        def _zrow(r, _):
            for c8 in range(FW // 16):
                rows[0][r, pl.ds(c8 * 16, 16)] = zero16
            return 0

        lax.fori_loop(0, B, _zrow, 0)
        for k in range(RPT // B):
            pltpu.sync_copy(rows[0], acc.at[pl.ds(sid * RPT + k * B, B)])
            if with_counts and first:
                pltpu.sync_copy(zcnt, cnt.at[pl.ds(sid * RPT + k * B, B)])
        plsc.subcore_barrier()

        wc = with_counts and first

        def _wait_gather(j, b):
            pltpu.make_async_copy(table.at[src_v.at[j]], rows[b],
                                  gs[b]).wait()

        def _issue_scatter(j, b):
            pltpu.async_copy(rows[b], acc.at[dst_v.at[j]], ss[b], add=True)
            if wc:
                pltpu.async_copy(obuf, cnt.at[dst_v.at[j]], cs[b], add=True)

        def _wait_scatter(j, b):
            pltpu.make_async_copy(rows[b], acc.at[dst_v.at[j]], ss[b]).wait()
            if wc:
                pltpu.make_async_copy(obuf, cnt.at[dst_v.at[j]],
                                      cs[b]).wait()

        for b in range(NBUF):
            pltpu.async_copy(table.at[src_v.at[b]], rows[b], gs[b])

        def _super(t, _):
            for b in range(NBUF):
                j = t * NBUF + b
                _wait_gather(j, b)
                _issue_scatter(j, b)
            for b in range(NBUF):
                j = t * NBUF + b
                _wait_scatter(j, b)
                pltpu.async_copy(table.at[src_v.at[j + NBUF]], rows[b],
                                 gs[b])
            return 0

        lax.fori_loop(0, TPW // NBUF - 1, _super, 0)

        last = (TPW // NBUF - 1) * NBUF
        for b in range(NBUF):
            _wait_gather(last + b, b)
            _issue_scatter(last + b, b)
        for b in range(NBUF):
            _wait_scatter(last + b, b)
        plsc.subcore_barrier()

        pltpu.sync_copy(acc.at[pl.ds(sid * RPT, RPT)],
                        out_p.at[cid, pl.ds(sid * RPT, RPT),
                                 pl.ds(cf * FW, FW)])
        if with_counts and first:
            pltpu.sync_copy(cnt.at[pl.ds(sid * RPT, RPT)],
                            out_c.at[cid, pl.ds(sid * RPT, RPT)])

        if first:
            one16i = jnp.ones((16,), jnp.int32)

            def _inc(r, _):
                for c8 in range(B // 16):
                    sl = (r, pl.ds(c8 * 16, 16))
                    src_v[sl] = src_v[sl] + one16i
                return 0

            lax.fori_loop(0, TPW, _inc, 0)


def _make_segsum(with_counts, NBUF):
    out_type = [jax.ShapeDtypeStruct((NC, ACC_ROWS, D), jnp.float32)]
    scratch = [
        pltpu.VMEM((TPW, B), jnp.int32),
        pltpu.VMEM((TPW, B), jnp.int32),
    ]
    scratch += [pltpu.VMEM((B, FW), jnp.float32)] * NBUF
    if with_counts:
        out_type.append(jax.ShapeDtypeStruct((NC, ACC_ROWS, CNT_W),
                                             jnp.float32))
        scratch += [
            pltpu.VMEM((B, CNT_W), jnp.float32),
            pltpu.VMEM((B, CNT_W), jnp.float32),
        ]
    scratch.append(pltpu.VMEM_SHARED((ACC_ROWS, FW), jnp.float32))
    if with_counts:
        scratch.append(pltpu.VMEM_SHARED((ACC_ROWS, CNT_W), jnp.float32))
    n_sems = (3 if with_counts else 2) * NBUF
    scratch += [pltpu.SemaphoreType.DMA] * n_sems
    return pl.kernel(
        functools.partial(_sc_body, with_counts, NBUF),
        out_type=tuple(out_type) if with_counts else out_type[0],
        mesh=_MESH,
        scratch_types=scratch,
        compiler_params=pltpu.CompilerParams(use_tc_tiling_on_sc=False),
    )


_segsum_counts = _make_segsum(True, 4)
_segsum_plain = _make_segsum(False, 8)


def _mm_body(relu, p_ref, c_ref, x_ref, wl_ref, bl_ref, wr_ref, o_ref):
    p = p_ref[0] + p_ref[1]
    cnt = (c_ref[0] + c_ref[1])[:, 0:1]
    mean = p / jnp.maximum(cnt, 1.0)
    y = (jnp.dot(mean, wl_ref[...], preferred_element_type=jnp.float32)
         + bl_ref[...]
         + jnp.dot(x_ref[...], wr_ref[...], preferred_element_type=jnp.float32))
    if relu:
        y = jnp.maximum(y, 0.0)
    o_ref[...] = y


def _make_mm(relu):
    grid = (N // BM,)
    return pl.pallas_call(
        functools.partial(_mm_body, relu),
        grid=grid,
        in_specs=[
            pl.BlockSpec((NC, BM, D), lambda i: (0, i, 0)),
            pl.BlockSpec((NC, BM, CNT_W), lambda i: (0, i, 0)),
            pl.BlockSpec((BM, D), lambda i: (i, 0)),
            pl.BlockSpec((D, D), lambda i: (0, 0)),
            pl.BlockSpec((1, D), lambda i: (0, 0)),
            pl.BlockSpec((D, D), lambda i: (0, 0)),
        ],
        out_specs=pl.BlockSpec((BM, D), lambda i: (i, 0)),
        out_shape=jax.ShapeDtypeStruct((N, D), jnp.float32),
    )


_mm_relu = _make_mm(True)
_mm_lin = _make_mm(False)


def kernel(x, edge_index, Wl1, bl1, Wr1, Wl2, bl2, Wr2):
    src = edge_index[0]
    dst = edge_index[1]
    pad = NW * TPW * B - E
    fill = jnp.arange(pad, dtype=jnp.int32)
    src_p = (2 * jnp.concatenate([src, fill % N])).reshape(NW, TPW, B)
    dst_p = jnp.concatenate(
        [dst, N + (fill % (ACC_ROWS - N))]).reshape(NW, TPW, B)
    p, cnts = _segsum_counts(x.reshape(CF * N, FW), src_p, dst_p)
    h = _mm_relu(p, cnts, x, Wl1, bl1.reshape(1, D), Wr1)
    q = _segsum_plain(h.reshape(CF * N, FW), src_p, dst_p)
    out = _mm_lin(q, cnts, h, Wl2, bl2.reshape(1, D), Wr2)
    return out

# --- scband reference (transcript-rebuilt; emitter-appended) ---
"""Pipeline reference for scband-graph-sage-7327214207545 (READ-ONLY COPY).

The authoritative reference and input builder live on the scoring server;
editing this copy changes nothing except your own understanding.
"""

import jax, jax.numpy as jnp
import numpy as np

N_NODES = 10000
N_EDGES = 320000
D_IN = 128
D_HID = 128


def setup_inputs(seed: int = 0) -> dict:
    key = jax.random.key(seed)
    ks = jax.random.split(key, 9)
    x = jax.random.normal(ks[0], (N_NODES, D_IN), dtype=jnp.float32)
    edge_index = jax.random.randint(ks[1], (2, N_EDGES), 0, N_NODES, dtype=jnp.int32)
    # SAGEConv layer 1 params: lin_l (on aggregated neighbors, with bias), lin_r (on root, no bias)
    Wl1 = jax.random.normal(ks[2], (D_IN, D_HID), dtype=jnp.float32) * 0.05
    bl1 = jnp.zeros((D_HID,), dtype=jnp.float32)
    Wr1 = jax.random.normal(ks[3], (D_IN, D_HID), dtype=jnp.float32) * 0.05
    # SAGEConv layer 2 params
    Wl2 = jax.random.normal(ks[4], (D_HID, D_HID), dtype=jnp.float32) * 0.05
    bl2 = jnp.zeros((D_HID,), dtype=jnp.float32)
    Wr2 = jax.random.normal(ks[5], (D_HID, D_HID), dtype=jnp.float32) * 0.05
    return {"x": x, "edge_index": edge_index, "Wl1": Wl1, "bl1": bl1, "Wr1": Wr1, "Wl2": Wl2, "bl2": bl2, "Wr2": Wr2}


def _sage_conv(x, src, dst, Wl, bl, Wr, num_nodes):
    # message: x_j from source nodes, mean-aggregated at destination nodes
    msgs = x[src]
    summed = jax.ops.segment_sum(msgs, dst, num_segments=num_nodes)
    counts = jax.ops.segment_sum(jnp.ones(src.shape[0], dtype=x.dtype), dst, num_segments=num_nodes)
    mean = summed / jnp.maximum(counts, 1.0)[:, None]
    return mean @ Wl + bl + x @ Wr


def reference(x, edge_index, Wl1, bl1, Wr1, Wl2, bl2, Wr2):
    src = edge_index[0]
    dst = edge_index[1]
    n = x.shape[0]
    h = _sage_conv(x, src, dst, Wl1, bl1, Wr1, n)
    h = jax.nn.relu(h)  # activation between layers; dropout_rate=0 -> Identity
    h = _sage_conv(h, src, dst, Wl2, bl2, Wr2, n)
    return h

if __name__ == "__main__":
    import jax
    _d = setup_inputs()
    print(jax.jit(kernel)(*tuple(_d.values())))

</pallas_src>

<mosaic_0001>
#map = affine_map<(d0, d1) -> (0, 0)>
#map1 = affine_map<(d0, d1) -> (0, 0, 0)>
module attributes {stable_mosaic.version = 14 : i64} {
  func.func @_sc_body(%arg0: i32, %arg1: i32, %arg2: memref<20000x64xf32, #tpu.memory_space<hbm>>, %arg3: memref<32x80x128xi32, #tpu.memory_space<hbm>>, %arg4: memref<32x80x128xi32, #tpu.memory_space<hbm>>, %arg5: memref<2x10240x128xf32, #tpu.memory_space<hbm>>, %arg6: memref<80x128xi32, #tpu.memory_space<vmem>>, %arg7: memref<80x128xi32, #tpu.memory_space<vmem>>, %arg8: memref<128x64xf32, #tpu.memory_space<vmem>>, %arg9: memref<128x64xf32, #tpu.memory_space<vmem>>, %arg10: memref<128x64xf32, #tpu.memory_space<vmem>>, %arg11: memref<128x64xf32, #tpu.memory_space<vmem>>, %arg12: memref<128x64xf32, #tpu.memory_space<vmem>>, %arg13: memref<128x64xf32, #tpu.memory_space<vmem>>, %arg14: memref<128x64xf32, #tpu.memory_space<vmem>>, %arg15: memref<128x64xf32, #tpu.memory_space<vmem>>, %arg16: memref<10240x64xf32, #tpu.memory_space<vmem_shared>>, %arg17: memref<!tpu.dma_semaphore, #tpu.memory_space<semaphore_mem>>, %arg18: memref<!tpu.dma_semaphore, #tpu.memory_space<semaphore_mem>>, %arg19: memref<!tpu.dma_semaphore, #tpu.memory_space<semaphore_mem>>, %arg20: memref<!tpu.dma_semaphore, #tpu.memory_space<semaphore_mem>>, %arg21: memref<!tpu.dma_semaphore, #tpu.memory_space<semaphore_mem>>, %arg22: memref<!tpu.dma_semaphore, #tpu.memory_space<semaphore_mem>>, %arg23: memref<!tpu.dma_semaphore, #tpu.memory_space<semaphore_mem>>, %arg24: memref<!tpu.dma_semaphore, #tpu.memory_space<semaphore_mem>>, %arg25: memref<!tpu.dma_semaphore, #tpu.memory_space<semaphore_mem>>, %arg26: memref<!tpu.dma_semaphore, #tpu.memory_space<semaphore_mem>>, %arg27: memref<!tpu.dma_semaphore, #tpu.memory_space<semaphore_mem>>, %arg28: memref<!tpu.dma_semaphore, #tpu.memory_space<semaphore_mem>>, %arg29: memref<!tpu.dma_semaphore, #tpu.memory_space<semaphore_mem>>, %arg30: memref<!tpu.dma_semaphore, #tpu.memory_space<semaphore_mem>>, %arg31: memref<!tpu.dma_semaphore, #tpu.memory_space<semaphore_mem>>, %arg32: memref<!tpu.dma_semaphore, #tpu.memory_space<semaphore_mem>>) attributes {dimension_semantics = [#tpu.dimension_semantics<core_parallel>, #tpu.dimension_semantics<subcore_parallel>], iteration_bounds = array<i64: 2, 16>, scalar_prefetch = 0 : i64, scratch_operands = 27 : i64, tpu.core_type = #tpu.core_type<sc_vector_subcore>, window_params = [{transform_indices = #map}, {transform_indices = #map1}, {transform_indices = #map1}, {transform_indices = #map1}]} {
    %mul3A = arith.constant 2 : i32
    %mul3A_0 = arith.muli %arg1, %mul3A : i32
    %add3A = arith.addi %mul3A_0, %arg0 : i32
    "tpu.region"() ({
      %run_scoped3A = tpu.sem_alloc : memref<!tpu.dma_semaphore, #tpu.memory_space<semaphore_mem>>
      %dma_start3A_535 = arith.constant 0 : i32
      %dma_start3A_536 = arith.constant 0 : i32
      %dma_start3A_537 = tpu.memref_slice %arg3[%add3A, %dma_start3A_535, %dma_start3A_536] : memref<32x80x128xi32, #tpu.memory_space<hbm>> -> memref<1x80x128xi32, #tpu.memory_space<hbm>>
      %dma_start3A_538 = tpu.memref_squeeze %dma_start3A_537 : memref<1x80x128xi32, #tpu.memory_space<hbm>> -> memref<80x128xi32, #tpu.memory_space<hbm>>
      %dma_start3A_539 = arith.constant 0 : i32
      %dma_start3A_540 = arith.constant 0 : i32
      %dma_start3A_541 = tpu.memref_slice %arg3[%add3A, %dma_start3A_539, %dma_start3A_540] : memref<32x80x128xi32, #tpu.memory_space<hbm>> -> memref<1x80x128xi32, #tpu.memory_space<hbm>>
      %dma_start3A_542 = tpu.memref_squeeze %dma_start3A_541 : memref<1x80x128xi32, #tpu.memory_space<hbm>> -> memref<80x128xi32, #tpu.memory_space<hbm>>
      tpu.enqueue_dma source(%dma_start3A_542 : memref<80x128xi32, #tpu.memory_space<hbm>>) target(%arg6 : memref<80x128xi32, #tpu.memory_space<vmem>>) target_semaphore(%run_scoped3A : memref<!tpu.dma_semaphore, #tpu.memory_space<semaphore_mem>>)
      %dma_wait3A_543 = arith.constant 0 : i32
      %dma_wait3A_544 = arith.constant 0 : i32
      %dma_wait3A_545 = tpu.memref_slice %arg3[%add3A, %dma_wait3A_543, %dma_wait3A_544] : memref<32x80x128xi32, #tpu.memory_space<hbm>> -> memref<1x80x128xi32, #tpu.memory_space<hbm>>
      %dma_wait3A_546 = tpu.memref_squeeze %dma_wait3A_545 : memref<1x80x128xi32, #tpu.memory_space<hbm>> -> memref<80x128xi32, #tpu.memory_space<hbm>>
      %dma_wait3A_547 = arith.constant 0 : i32
      %dma_wait3A_548 = arith.constant 0 : i32
      %dma_wait3A_549 = tpu.memref_slice %arg3[%add3A, %dma_wait3A_547, %dma_wait3A_548] : memref<32x80x128xi32, #tpu.memory_space<hbm>> -> memref<1x80x128xi32, #tpu.memory_space<hbm>>
      %dma_wait3A_550 = tpu.memref_squeeze %dma_wait3A_549 : memref<1x80x128xi32, #tpu.memory_space<hbm>> -> memref<80x128xi32, #tpu.memory_space<hbm>>
      tpu.wait_dma2 semaphore(%run_scoped3A : memref<!tpu.dma_semaphore, #tpu.memory_space<semaphore_mem>>) src(%dma_wait3A_550 : memref<80x128xi32, #tpu.memory_space<hbm>>) dst(%arg6 : memref<80x128xi32, #tpu.memory_space<vmem>>)
      tpu.yield
    }) : () -> ()
    "tpu.region"() ({
      %run_scoped3A = tpu.sem_alloc : memref<!tpu.dma_semaphore, #tpu.memory_space<semaphore_mem>>
      %dma_start3A_535 = arith.constant 0 : i32
      %dma_start3A_536 = arith.constant 0 : i32
      %dma_start3A_537 = tpu.memref_slice %arg4[%add3A, %dma_start3A_535, %dma_start3A_536] : memref<32x80x128xi32, #tpu.memory_space<hbm>> -> memref<1x80x128xi32, #tpu.memory_space<hbm>>
      %dma_start3A_538 = tpu.memref_squeeze %dma_start3A_537 : memref<1x80x128xi32, #tpu.memory_space<hbm>> -> memref<80x128xi32, #tpu.memory_space<hbm>>
      %dma_start3A_539 = arith.constant 0 : i32
      %dma_start3A_540 = arith.constant 0 : i32
      %dma_start3A_541 = tpu.memref_slice %arg4[%add3A, %dma_start3A_539, %dma_start3A_540] : memref<32x80x128xi32, #tpu.memory_space<hbm>> -> memref<1x80x128xi32, #tpu.memory_space<hbm>>
      %dma_start3A_542 = tpu.memref_squeeze %dma_start3A_541 : memref<1x80x128xi32, #tpu.memory_space<hbm>> -> memref<80x128xi32, #tpu.memory_space<hbm>>
      tpu.enqueue_dma source(%dma_start3A_542 : memref<80x128xi32, #tpu.memory_space<hbm>>) target(%arg7 : memref<80x128xi32, #tpu.memory_space<vmem>>) target_semaphore(%run_scoped3A : memref<!tpu.dma_semaphore, #tpu.memory_space<semaphore_mem>>)
      %dma_wait3A_543 = arith.constant 0 : i32
      %dma_wait3A_544 = arith.constant 0 : i32
      %dma_wait3A_545 = tpu.memref_slice %arg4[%add3A, %dma_wait3A_543, %dma_wait3A_544] : memref<32x80x128xi32, #tpu.memory_space<hbm>> -> memref<1x80x128xi32, #tpu.memory_space<hbm>>
      %dma_wait3A_546 = tpu.memref_squeeze %dma_wait3A_545 : memref<1x80x128xi32, #tpu.memory_space<hbm>> -> memref<80x128xi32, #tpu.memory_space<hbm>>
      %dma_wait3A_547 = arith.constant 0 : i32
      %dma_wait3A_548 = arith.constant 0 : i32
      %dma_wait3A_549 = tpu.memref_slice %arg4[%add3A, %dma_wait3A_547, %dma_wait3A_548] : memref<32x80x128xi32, #tpu.memory_space<hbm>> -> memref<1x80x128xi32, #tpu.memory_space<hbm>>
      %dma_wait3A_550 = tpu.memref_squeeze %dma_wait3A_549 : memref<1x80x128xi32, #tpu.memory_space<hbm>> -> memref<80x128xi32, #tpu.memory_space<hbm>>
      tpu.wait_dma2 semaphore(%run_scoped3A : memref<!tpu.dma_semaphore, #tpu.memory_space<semaphore_mem>>) src(%dma_wait3A_550 : memref<80x128xi32, #tpu.memory_space<hbm>>) dst(%arg7 : memref<80x128xi32, #tpu.memory_space<vmem>>)
      tpu.yield
    }) : () -> ()
    %broadcast_in_dim3A = arith.constant 0.000000e+00 : f32
    %broadcast_in_dim3A_1 = vector.broadcast %broadcast_in_dim3A : f32 to vector<16xf32>
    %scan3A = arith.constant 0 : i32
    %scan3A_2 = arith.constant 0 : i32
    %scan3A_3 = arith.constant 128 : i32
    %scan3A_4 = arith.addi %scan3A_2, %scan3A_3 : i32
    %scan3A_5 = arith.constant 1 : i32
    %scan3A_6 = scf.for %scan3A_535 = %scan3A_2 to %scan3A_4 step %scan3A_5 iter_args(%scan3A_536 = %scan3A) -> (i32)  : i32 {
      %swap3A = arith.index_cast %scan3A_535 : i32 to index
      %swap3A_537 = arith.constant 0 : index
      %swap3A_538 = tpu.vector_load %arg8[%swap3A, %swap3A_537] {strides = array<i32>} : memref<128x64xf32, #tpu.memory_space<vmem>>, vector<1x16xf32>,
      %swap3A_539 = vector.shape_cast %swap3A_538 : vector<1x16xf32> to vector<16xf32>
      %swap3A_540 = vector.shape_cast %broadcast_in_dim3A_1 : vector<16xf32> to vector<1x16xf32>
      tpu.vector_store %arg8[%swap3A, %swap3A_537], %swap3A_540 {strides = array<i32>} : memref<128x64xf32, #tpu.memory_space<vmem>>, vector<1x16xf32>,
      %swap3A_541 = arith.index_cast %scan3A_535 : i32 to index
      %swap3A_542 = arith.constant 16 : index
      %swap3A_543 = tpu.vector_load %arg8[%swap3A_541, %swap3A_542] {strides = array<i32>} : memref<128x64xf32, #tpu.memory_space<vmem>>, vector<1x16xf32>,
      %swap3A_544 = vector.shape_cast %swap3A_543 : vector<1x16xf32> to vector<16xf32>
      %swap3A_545 = vector.shape_cast %broadcast_in_dim3A_1 : vector<16xf32> to vector<1x16xf32>
      tpu.vector_store %arg8[%swap3A_541, %swap3A_542], %swap3A_545 {strides = array<i32>} : memref<128x64xf32, #tpu.memory_space<vmem>>, vector<1x16xf32>,
      %swap3A_546 = arith.index_cast %scan3A_535 : i32 to index
      %swap3A_547 = arith.constant 32 : index
      %swap3A_548 = tpu.vector_load %arg8[%swap3A_546, %swap3A_547] {strides = array<i32>} : memref<128x64xf32, #tpu.memory_space<vmem>>, vector<1x16xf32>,
      %swap3A_549 = vector.shape_cast %swap3A_548 : vector<1x16xf32> to vector<16xf32>
      %swap3A_550 = vector.shape_cast %broadcast_in_dim3A_1 : vector<16xf32> to vector<1x16xf32>
      tpu.vector_store %arg8[%swap3A_546, %swap3A_547], %swap3A_550 {strides = array<i32>} : memref<128x64xf32, #tpu.memory_space<vmem>>, vector<1x16xf32>,
      %swap3A_551 = arith.index_cast %scan3A_535 : i32 to index
      %swap3A_552 = arith.constant 48 : index
      %swap3A_553 = tpu.vector_load %arg8[%swap3A_551, %swap3A_552] {strides = array<i32>} : memref<128x64xf32, #tpu.memory_space<vmem>>, vector<1x16xf32>,
      %swap3A_554 = vector.shape_cast %swap3A_553 : vector<1x16xf32> to vector<16xf32>
      %swap3A_555 = vector.shape_cast %broadcast_in_dim3A_1 : vector<16xf32> to vector<1x16xf32>
      tpu.vector_store %arg8[%swap3A_551, %swap3A_552], %swap3A_555 {strides = array<i32>} : memref<128x64xf32, #tpu.memory_space<vmem>>, vector<1x16xf32>,
      %scan3A_556 = arith.constant 0 : i32
      scf.yield %scan3A_556 : i32
    }
    %scan3A_7 = arith.constant 128 : i32
    %mul3A_8 = arith.constant 640 : i32
    %mul3A_9 = arith.muli %arg1, %mul3A_8 : i32
    %add3A_10 = arith.constant 0 : i32
    %add3A_11 = arith.addi %mul3A_9, %add3A_10 : i32
    "tpu.region"() ({
      %run_scoped3A = tpu.sem_alloc : memref<!tpu.dma_semaphore, #tpu.memory_space<semaphore_mem>>
      %dma_start3A_535 = arith.constant 0 : i32
      %dma_start3A_536 = tpu.memref_slice %arg16[%add3A_11, %dma_start3A_535] : memref<10240x64xf32, #tpu.memory_space<vmem_shared>> -> memref<128x64xf32, #tpu.memory_space<vmem_shared>>
      %dma_start3A_537 = arith.constant 0 : i32
      %dma_start3A_538 = tpu.memref_slice %arg16[%add3A_11, %dma_start3A_537] : memref<10240x64xf32, #tpu.memory_space<vmem_shared>> -> memref<128x64xf32, #tpu.memory_space<vmem_shared>>
      tpu.enqueue_dma source(%arg8 : memref<128x64xf32, #tpu.memory_space<vmem>>) target(%dma_start3A_538 : memref<128x64xf32, #tpu.memory_space<vmem_shared>>) target_semaphore(%run_scoped3A : memref<!tpu.dma_semaphore, #tpu.memory_space<semaphore_mem>>)
      %dma_wait3A_539 = arith.constant 0 : i32
      %dma_wait3A_540 = tpu.memref_slice %arg16[%add3A_11, %dma_wait3A_539] : memref<10240x64xf32, #tpu.memory_space<vmem_shared>> -> memref<128x64xf32, #tpu.memory_space<vmem_shared>>
      %dma_wait3A_541 = arith.constant 0 : i32
      %dma_wait3A_542 = tpu.memref_slice %arg16[%add3A_11, %dma_wait3A_541] : memref<10240x64xf32, #tpu.memory_space<vmem_shared>> -> memref<128x64xf32, #tpu.memory_space<vmem_shared>>
      tpu.wait_dma2 semaphore(%run_scoped3A : memref<!tpu.dma_semaphore, #tpu.memory_space<semaphore_mem>>) src(%arg8 : memref<128x64xf32, #tpu.memory_space<vmem>>) dst(%dma_wait3A_542 : memref<128x64xf32, #tpu.memory_space<vmem_shared>>)
      tpu.yield
    }) : () -> ()
    %mul3A_12 = arith.constant 640 : i32
    %mul3A_13 = arith.muli %arg1, %mul3A_12 : i32
    %add3A_14 = arith.constant 128 : i32
    %add3A_15 = arith.addi %mul3A_13, %add3A_14 : i32
    "tpu.region"() ({
      %run_scoped3A = tpu.sem_alloc : memref<!tpu.dma_semaphore, #tpu.memory_space<semaphore_mem>>
      %dma_start3A_535 = arith.constant 0 : i32
      %dma_start3A_536 = tpu.memref_slice %arg16[%add3A_15, %dma_start3A_535] : memref<10240x64xf32, #tpu.memory_space<vmem_shared>> -> memref<128x64xf32, #tpu.memory_space<vmem_shared>>
      %dma_start3A_537 = arith.constant 0 : i32
      %dma_start3A_538 = tpu.memref_slice %arg16[%add3A_15, %dma_start3A_537] : memref<10240x64xf32, #tpu.memory_space<vmem_shared>> -> memref<128x64xf32, #tpu.memory_space<vmem_shared>>
      tpu.enqueue_dma source(%arg8 : memref<128x64xf32, #tpu.memory_space<vmem>>) target(%dma_start3A_538 : memref<128x64xf32, #tpu.memory_space<vmem_shared>>) target_semaphore(%run_scoped3A : memref<!tpu.dma_semaphore, #tpu.memory_space<semaphore_mem>>)
      %dma_wait3A_539 = arith.constant 0 : i32
      %dma_wait3A_540 = tpu.memref_slice %arg16[%add3A_15, %dma_wait3A_539] : memref<10240x64xf32, #tpu.memory_space<vmem_shared>> -> memref<128x64xf32, #tpu.memory_space<vmem_shared>>
      %dma_wait3A_541 = arith.constant 0 : i32
      %dma_wait3A_542 = tpu.memref_slice %arg16[%add3A_15, %dma_wait3A_541] : memref<10240x64xf32, #tpu.memory_space<vmem_shared>> -> memref<128x64xf32, #tpu.memory_space<vmem_shared>>
      tpu.wait_dma2 semaphore(%run_scoped3A : memref<!tpu.dma_semaphore, #tpu.memory_space<semaphore_mem>>) src(%arg8 : memref<128x64xf32, #tpu.memory_space<vmem>>) dst(%dma_wait3A_542 : memref<128x64xf32, #tpu.memory_space<vmem_shared>>)
      tpu.yield
    }) : () -> ()
    %mul3A_16 = arith.constant 640 : i32
    %mul3A_17 = arith.muli %arg1, %mul3A_16 : i32
    %add3A_18 = arith.constant 256 : i32
    %add3A_19 = arith.addi %mul3A_17, %add3A_18 : i32
    "tpu.region"() ({
      %run_scoped3A = tpu.sem_alloc : memref<!tpu.dma_semaphore, #tpu.memory_space<semaphore_mem>>
      %dma_start3A_535 = arith.constant 0 : i32
      %dma_start3A_536 = tpu.memref_slice %arg16[%add3A_19, %dma_start3A_535] : memref<10240x64xf32, #tpu.memory_space<vmem_shared>> -> memref<128x64xf32, #tpu.memory_space<vmem_shared>>
      %dma_start3A_537 = arith.constant 0 : i32
      %dma_start3A_538 = tpu.memref_slice %arg16[%add3A_19, %dma_start3A_537] : memref<10240x64xf32, #tpu.memory_space<vmem_shared>> -> memref<128x64xf32, #tpu.memory_space<vmem_shared>>
      tpu.enqueue_dma source(%arg8 : memref<128x64xf32, #tpu.memory_space<vmem>>) target(%dma_start3A_538 : memref<128x64xf32, #tpu.memory_space<vmem_shared>>) target_semaphore(%run_scoped3A : memref<!tpu.dma_semaphore, #tpu.memory_space<semaphore_mem>>)
      %dma_wait3A_539 = arith.constant 0 : i32
      %dma_wait3A_540 = tpu.memref_slice %arg16[%add3A_19, %dma_wait3A_539] : memref<10240x64xf32, #tpu.memory_space<vmem_shared>> -> memref<128x64xf32, #tpu.memory_space<vmem_shared>>
      %dma_wait3A_541 = arith.constant 0 : i32
      %dma_wait3A_542 = tpu.memref_slice %arg16[%add3A_19, %dma_wait3A_541] : memref<10240x64xf32, #tpu.memory_space<vmem_shared>> -> memref<128x64xf32, #tpu.memory_space<vmem_shared>>
      tpu.wait_dma2 semaphore(%run_scoped3A : memref<!tpu.dma_semaphore, #tpu.memory_space<semaphore_mem>>) src(%arg8 : memref<128x64xf32, #tpu.memory_space<vmem>>) dst(%dma_wait3A_542 : memref<128x64xf32, #tpu.memory_space<vmem_shared>>)
      tpu.yield
    }) : () -> ()
    %mul3A_20 = arith.constant 640 : i32
    %mul3A_21 = arith.muli %arg1, %mul3A_20 : i32
    %add3A_22 = arith.constant 384 : i32
    %add3A_23 = arith.addi %mul3A_21, %add3A_22 : i32
    "tpu.region"() ({
      %run_scoped3A = tpu.sem_alloc : memref<!tpu.dma_semaphore, #tpu.memory_space<semaphore_mem>>
      %dma_start3A_535 = arith.constant 0 : i32
      %dma_start3A_536 = tpu.memref_slice %arg16[%add3A_23, %dma_start3A_535] : memref<10240x64xf32, #tpu.memory_space<vmem_shared>> -> memref<128x64xf32, #tpu.memory_space<vmem_shared>>
      %dma_start3A_537 = arith.constant 0 : i32
      %dma_start3A_538 = tpu.memref_slice %arg16[%add3A_23, %dma_start3A_537] : memref<10240x64xf32, #tpu.memory_space<vmem_shared>> -> memref<128x64xf32, #tpu.memory_space<vmem_shared>>
      tpu.enqueue_dma source(%arg8 : memref<128x64xf32, #tpu.memory_space<vmem>>) target(%dma_start3A_538 : memref<128x64xf32, #tpu.memory_space<vmem_shared>>) target_semaphore(%run_scoped3A : memref<!tpu.dma_semaphore, #tpu.memory_space<semaphore_mem>>)
      %dma_wait3A_539 = arith.constant 0 : i32
      %dma_wait3A_540 = tpu.memref_slice %arg16[%add3A_23, %dma_wait3A_539] : memref<10240x64xf32, #tpu.memory_space<vmem_shared>> -> memref<128x64xf32, #tpu.memory_space<vmem_shared>>
      %dma_wait3A_541 = arith.constant 0 : i32
      %dma_wait3A_542 = tpu.memref_slice %arg16[%add3A_23, %dma_wait3A_541] : memref<10240x64xf32, #tpu.memory_space<vmem_shared>> -> memref<128x64xf32, #tpu.memory_space<vmem_shared>>
      tpu.wait_dma2 semaphore(%run_scoped3A : memref<!tpu.dma_semaphore, #tpu.memory_space<semaphore_mem>>) src(%arg8 : memref<128x64xf32, #tpu.memory_space<vmem>>) dst(%dma_wait3A_542 : memref<128x64xf32, #tpu.memory_space<vmem_shared>>)
      tpu.yield
    }) : () -> ()
    %mul3A_24 = arith.constant 640 : i32
    %mul3A_25 = arith.muli %arg1, %mul3A_24 : i32
    %add3A_26 = arith.constant 512 : i32
    %add3A_27 = arith.addi %mul3A_25, %add3A_26 : i32
    "tpu.region"() ({
      %run_scoped3A = tpu.sem_alloc : memref<!tpu.dma_semaphore, #tpu.memory_space<semaphore_mem>>
      %dma_start3A_535 = arith.constant 0 : i32
      %dma_start3A_536 = tpu.memref_slice %arg16[%add3A_27, %dma_start3A_535] : memref<10240x64xf32, #tpu.memory_space<vmem_shared>> -> memref<128x64xf32, #tpu.memory_space<vmem_shared>>
      %dma_start3A_537 = arith.constant 0 : i32
      %dma_start3A_538 = tpu.memref_slice %arg16[%add3A_27, %dma_start3A_537] : memref<10240x64xf32, #tpu.memory_space<vmem_shared>> -> memref<128x64xf32, #tpu.memory_space<vmem_shared>>
      tpu.enqueue_dma source(%arg8 : memref<128x64xf32, #tpu.memory_space<vmem>>) target(%dma_start3A_538 : memref<128x64xf32, #tpu.memory_space<vmem_shared>>) target_semaphore(%run_scoped3A : memref<!tpu.dma_semaphore, #tpu.memory_space<semaphore_mem>>)
      %dma_wait3A_539 = arith.constant 0 : i32
      %dma_wait3A_540 = tpu.memref_slice %arg16[%add3A_27, %dma_wait3A_539] : memref<10240x64xf32, #tpu.memory_space<vmem_shared>> -> memref<128x64xf32, #tpu.memory_space<vmem_shared>>
      %dma_wait3A_541 = arith.constant 0 : i32
      %dma_wait3A_542 = tpu.memref_slice %arg16[%add3A_27, %dma_wait3A_541] : memref<10240x64xf32, #tpu.memory_space<vmem_shared>> -> memref<128x64xf32, #tpu.memory_space<vmem_shared>>
      tpu.wait_dma2 semaphore(%run_scoped3A : memref<!tpu.dma_semaphore, #tpu.memory_space<semaphore_mem>>) src(%arg8 : memref<128x64xf32, #tpu.memory_space<vmem>>) dst(%dma_wait3A_542 : memref<128x64xf32, #tpu.memory_space<vmem_shared>>)
      tpu.yield
    }) : () -> ()
    %barrier3A = arith.constant 0 : index
    tpu.barrier barrier_id(%barrier3A)
    %dma_start3A = arith.constant 0 : i32
    %dma_start3A_28 = arith.constant 0 : i32
    %dma_start3A_29 = tpu.memref_slice %arg6[%dma_start3A, %dma_start3A_28] : memref<80x128xi32, #tpu.memory_space<vmem>> -> memref<1x128xi32, #tpu.memory_space<vmem>>
    %dma_start3A_30 = tpu.memref_squeeze %dma_start3A_29 : memref<1x128xi32, #tpu.memory_space<vmem>> -> memref<128xi32, #tpu.memory_space<vmem>>
    %dma_start3A_31 = arith.constant 0 : i32
    %dma_start3A_32 = arith.constant 0 : i32
    %dma_start3A_33 = tpu.memref_slice %arg2[%dma_start3A_31, %dma_start3A_32] : memref<20000x64xf32, #tpu.memory_space<hbm>> -> memref<20000x64xf32, #tpu.memory_space<hbm>>
    tpu.enqueue_indirect_dma source(%dma_start3A_33 : memref<20000x64xf32, #tpu.memory_space<hbm>>) target(%arg8 : memref<128x64xf32, #tpu.memory_space<vmem>>) offsets(%dma_start3A_30 : memref<128xi32, #tpu.memory_space<vmem>>) semaphore(%arg17 : memref<!tpu.dma_semaphore, #tpu.memory_space<semaphore_mem>>)
    %dma_start3A_34 = arith.constant 1 : i32
    %dma_start3A_35 = arith.constant 0 : i32
    %dma_start3A_36 = tpu.memref_slice %arg6[%dma_start3A_34, %dma_start3A_35] : memref<80x128xi32, #tpu.memory_space<vmem>> -> memref<1x128xi32, #tpu.memory_space<vmem>>
    %dma_start3A_37 = tpu.memref_squeeze %dma_start3A_36 : memref<1x128xi32, #tpu.memory_space<vmem>> -> memref<128xi32, #tpu.memory_space<vmem>>
    %dma_start3A_38 = arith.constant 0 : i32
    %dma_start3A_39 = arith.constant 0 : i32
    %dma_start3A_40 = tpu.memref_slice %arg2[%dma_start3A_38, %dma_start3A_39] : memref<20000x64xf32, #tpu.memory_space<hbm>> -> memref<20000x64xf32, #tpu.memory_space<hbm>>
    tpu.enqueue_indirect_dma source(%dma_start3A_40 : memref<20000x64xf32, #tpu.memory_space<hbm>>) target(%arg9 : memref<128x64xf32, #tpu.memory_space<vmem>>) offsets(%dma_start3A_37 : memref<128xi32, #tpu.memory_space<vmem>>) semaphore(%arg18 : memref<!tpu.dma_semaphore, #tpu.memory_space<semaphore_mem>>)
    %dma_start3A_41 = arith.constant 2 : i32
    %dma_start3A_42 = arith.constant 0 : i32
    %dma_start3A_43 = tpu.memref_slice %arg6[%dma_start3A_41, %dma_start3A_42] : memref<80x128xi32, #tpu.memory_space<vmem>> -> memref<1x128xi32, #tpu.memory_space<vmem>>
    %dma_start3A_44 = tpu.memref_squeeze %dma_start3A_43 : memref<1x128xi32, #tpu.memory_space<vmem>> -> memref<128xi32, #tpu.memory_space<vmem>>
    %dma_start3A_45 = arith.constant 0 : i32
    %dma_start3A_46 = arith.constant 0 : i32
    %dma_start3A_47 = tpu.memref_slice %arg2[%dma_start3A_45, %dma_start3A_46] : memref<20000x64xf32, #tpu.memory_space<hbm>> -> memref<20000x64xf32, #tpu.memory_space<hbm>>
    tpu.enqueue_indirect_dma source(%dma_start3A_47 : memref<20000x64xf32, #tpu.memory_space<hbm>>) target(%arg10 : memref<128x64xf32, #tpu.memory_space<vmem>>) offsets(%dma_start3A_44 : memref<128xi32, #tpu.memory_space<vmem>>) semaphore(%arg19 : memref<!tpu.dma_semaphore, #tpu.memory_space<semaphore_mem>>)
    %dma_start3A_48 = arith.constant 3 : i32
    %dma_start3A_49 = arith.constant 0 : i32
    %dma_start3A_50 = tpu.memref_slice %arg6[%dma_start3A_48, %dma_start3A_49] : memref<80x128xi32, #tpu.memory_space<vmem>> -> memref<1x128xi32, #tpu.memory_space<vmem>>
    %dma_start3A_51 = tpu.memref_squeeze %dma_start3A_50 : memref<1x128xi32, #tpu.memory_space<vmem>> -> memref<128xi32, #tpu.memory_space<vmem>>
    %dma_start3A_52 = arith.constant 0 : i32
    %dma_start3A_53 = arith.constant 0 : i32
    %dma_start3A_54 = tpu.memref_slice %arg2[%dma_start3A_52, %dma_start3A_53] : memref<20000x64xf32, #tpu.memory_space<hbm>> -> memref<20000x64xf32, #tpu.memory_space<hbm>>
    tpu.enqueue_indirect_dma source(%dma_start3A_54 : memref<20000x64xf32, #tpu.memory_space<hbm>>) target(%arg11 : memref<128x64xf32, #tpu.memory_space<vmem>>) offsets(%dma_start3A_51 : memref<128xi32, #tpu.memory_space<vmem>>) semaphore(%arg20 : memref<!tpu.dma_semaphore, #tpu.memory_space<semaphore_mem>>)
    %dma_start3A_55 = arith.constant 4 : i32
    %dma_start3A_56 = arith.constant 0 : i32
    %dma_start3A_57 = tpu.memref_slice %arg6[%dma_start3A_55, %dma_start3A_56] : memref<80x128xi32, #tpu.memory_space<vmem>> -> memref<1x128xi32, #tpu.memory_space<vmem>>
    %dma_start3A_58 = tpu.memref_squeeze %dma_start3A_57 : memref<1x128xi32, #tpu.memory_space<vmem>> -> memref<128xi32, #tpu.memory_space<vmem>>
    %dma_start3A_59 = arith.constant 0 : i32
    %dma_start3A_60 = arith.constant 0 : i32
    %dma_start3A_61 = tpu.memref_slice %arg2[%dma_start3A_59, %dma_start3A_60] : memref<20000x64xf32, #tpu.memory_space<hbm>> -> memref<20000x64xf32, #tpu.memory_space<hbm>>
    tpu.enqueue_indirect_dma source(%dma_start3A_61 : memref<20000x64xf32, #tpu.memory_space<hbm>>) target(%arg12 : memref<128x64xf32, #tpu.memory_space<vmem>>) offsets(%dma_start3A_58 : memref<128xi32, #tpu.memory_space<vmem>>) semaphore(%arg21 : memref<!tpu.dma_semaphore, #tpu.memory_space<semaphore_mem>>)
    %dma_start3A_62 = arith.constant 5 : i32
    %dma_start3A_63 = arith.constant 0 : i32
    %dma_start3A_64 = tpu.memref_slice %arg6[%dma_start3A_62, %dma_start3A_63] : memref<80x128xi32, #tpu.memory_space<vmem>> -> memref<1x128xi32, #tpu.memory_space<vmem>>
    %dma_start3A_65 = tpu.memref_squeeze %dma_start3A_64 : memref<1x128xi32, #tpu.memory_space<vmem>> -> memref<128xi32, #tpu.memory_space<vmem>>
    %dma_start3A_66 = arith.constant 0 : i32
    %dma_start3A_67 = arith.constant 0 : i32
    %dma_start3A_68 = tpu.memref_slice %arg2[%dma_start3A_66, %dma_start3A_67] : memref<20000x64xf32, #tpu.memory_space<hbm>> -> memref<20000x64xf32, #tpu.memory_space<hbm>>
    tpu.enqueue_indirect_dma source(%dma_start3A_68 : memref<20000x64xf32, #tpu.memory_space<hbm>>) target(%arg13 : memref<128x64xf32, #tpu.memory_space<vmem>>) offsets(%dma_start3A_65 : memref<128xi32, #tpu.memory_space<vmem>>) semaphore(%arg22 : memref<!tpu.dma_semaphore, #tpu.memory_space<semaphore_mem>>)
    %dma_start3A_69 = arith.constant 6 : i32
    %dma_start3A_70 = arith.constant 0 : i32
    %dma_start3A_71 = tpu.memref_slice %arg6[%dma_start3A_69, %dma_start3A_70] : memref<80x128xi32, #tpu.memory_space<vmem>> -> memref<1x128xi32, #tpu.memory_space<vmem>>
    %dma_start3A_72 = tpu.memref_squeeze %dma_start3A_71 : memref<1x128xi32, #tpu.memory_space<vmem>> -> memref<128xi32, #tpu.memory_space<vmem>>
    %dma_start3A_73 = arith.constant 0 : i32
    %dma_start3A_74 = arith.constant 0 : i32
    %dma_start3A_75 = tpu.memref_slice %arg2[%dma_start3A_73, %dma_start3A_74] : memref<20000x64xf32, #tpu.memory_space<hbm>> -> memref<20000x64xf32, #tpu.memory_space<hbm>>
    tpu.enqueue_indirect_dma source(%dma_start3A_75 : memref<20000x64xf32, #tpu.memory_space<hbm>>) target(%arg14 : memref<128x64xf32, #tpu.memory_space<vmem>>) offsets(%dma_start3A_72 : memref<128xi32, #tpu.memory_space<vmem>>) semaphore(%arg23 : memref<!tpu.dma_semaphore, #tpu.memory_space<semaphore_mem>>)
    %dma_start3A_76 = arith.constant 7 : i32
    %dma_start3A_77 = arith.constant 0 : i32
    %dma_start3A_78 = tpu.memref_slice %arg6[%dma_start3A_76, %dma_start3A_77] : memref<80x128xi32, #tpu.memory_space<vmem>> -> memref<1x128xi32, #tpu.memory_space<vmem>>
    %dma_start3A_79 = tpu.memref_squeeze %dma_start3A_78 : memref<1x128xi32, #tpu.memory_space<vmem>> -> memref<128xi32, #tpu.memory_space<vmem>>
    %dma_start3A_80 = arith.constant 0 : i32
    %dma_start3A_81 = arith.constant 0 : i32
    %dma_start3A_82 = tpu.memref_slice %arg2[%dma_start3A_80, %dma_start3A_81] : memref<20000x64xf32, #tpu.memory_space<hbm>> -> memref<20000x64xf32, #tpu.memory_space<hbm>>
    tpu.enqueue_indirect_dma source(%dma_start3A_82 : memref<20000x64xf32, #tpu.memory_space<hbm>>) target(%arg15 : memref<128x64xf32, #tpu.memory_space<vmem>>) offsets(%dma_start3A_79 : memref<128xi32, #tpu.memory_space<vmem>>) semaphore(%arg24 : memref<!tpu.dma_semaphore, #tpu.memory_space<semaphore_mem>>)
    %scan3A_83 = arith.constant 0 : i32
    %scan3A_84 = arith.constant 0 : i32
    %scan3A_85 = arith.constant 9 : i32
    %scan3A_86 = arith.addi %scan3A_84, %scan3A_85 : i32
    %scan3A_87 = arith.constant 1 : i32
    %scan3A_88 = scf.for %scan3A_535 = %scan3A_84 to %scan3A_86 step %scan3A_87 iter_args(%scan3A_536 = %scan3A_83) -> (i32)  : i32 {
      %mul3A_537 = arith.constant 8 : i32
      %mul3A_538 = arith.muli %scan3A_535, %mul3A_537 : i32
      %add3A_539 = arith.constant 0 : i32
      %add3A_540 = arith.addi %mul3A_538, %add3A_539 : i32
      %dma_wait3A_541 = arith.constant 0 : i32
      %dma_wait3A_542 = tpu.memref_slice %arg6[%add3A_540, %dma_wait3A_541] : memref<80x128xi32, #tpu.memory_space<vmem>> -> memref<1x128xi32, #tpu.memory_space<vmem>>
      %dma_wait3A_543 = tpu.memref_squeeze %dma_wait3A_542 : memref<1x128xi32, #tpu.memory_space<vmem>> -> memref<128xi32, #tpu.memory_space<vmem>>
      %dma_wait3A_544 = arith.constant 0 : i32
      %dma_wait3A_545 = arith.constant 0 : i32
      %dma_wait3A_546 = tpu.memref_slice %arg2[%dma_wait3A_544, %dma_wait3A_545] : memref<20000x64xf32, #tpu.memory_space<hbm>> -> memref<20000x64xf32, #tpu.memory_space<hbm>>
      tpu.wait_indirect_dma semaphore(%arg17 : memref<!tpu.dma_semaphore, #tpu.memory_space<semaphore_mem>>) src(%dma_wait3A_546 : memref<20000x64xf32, #tpu.memory_space<hbm>>) dst(%arg8 : memref<128x64xf32, #tpu.memory_space<vmem>>)
      %dma_start3A_547 = arith.constant 0 : i32
      %dma_start3A_548 = tpu.memref_slice %arg7[%add3A_540, %dma_start3A_547] : memref<80x128xi32, #tpu.memory_space<vmem>> -> memref<1x128xi32, #tpu.memory_space<vmem>>
      %dma_start3A_549 = tpu.memref_squeeze %dma_start3A_548 : memref<1x128xi32, #tpu.memory_space<vmem>> -> memref<128xi32, #tpu.memory_space<vmem>>
      %dma_start3A_550 = arith.constant 0 : i32
      %dma_start3A_551 = arith.constant 0 : i32
      %dma_start3A_552 = tpu.memref_slice %arg16[%dma_start3A_550, %dma_start3A_551] : memref<10240x64xf32, #tpu.memory_space<vmem_shared>> -> memref<10240x64xf32, #tpu.memory_space<vmem_shared>>
      tpu.enqueue_indirect_dma source(%arg8 : memref<128x64xf32, #tpu.memory_space<vmem>>) target(%dma_start3A_552 : memref<10240x64xf32, #tpu.memory_space<vmem_shared>>) offsets(%dma_start3A_549 : memref<128xi32, #tpu.memory_space<vmem>>) semaphore(%arg25 : memref<!tpu.dma_semaphore, #tpu.memory_space<semaphore_mem>>) {add = true}
      %mul3A_553 = arith.constant 8 : i32
      %mul3A_554 = arith.muli %scan3A_535, %mul3A_553 : i32
      %add3A_555 = arith.constant 1 : i32
      %add3A_556 = arith.addi %mul3A_554, %add3A_555 : i32
      %dma_wait3A_557 = arith.constant 0 : i32
      %dma_wait3A_558 = tpu.memref_slice %arg6[%add3A_556, %dma_wait3A_557] : memref<80x128xi32, #tpu.memory_space<vmem>> -> memref<1x128xi32, #tpu.memory_space<vmem>>
      %dma_wait3A_559 = tpu.memref_squeeze %dma_wait3A_558 : memref<1x128xi32, #tpu.memory_space<vmem>> -> memref<128xi32, #tpu.memory_space<vmem>>
      %dma_wait3A_560 = arith.constant 0 : i32
      %dma_wait3A_561 = arith.constant 0 : i32
      %dma_wait3A_562 = tpu.memref_slice %arg2[%dma_wait3A_560, %dma_wait3A_561] : memref<20000x64xf32, #tpu.memory_space<hbm>> -> memref<20000x64xf32, #tpu.memory_space<hbm>>
      tpu.wait_indirect_dma semaphore(%arg18 : memref<!tpu.dma_semaphore, #tpu.memory_space<semaphore_mem>>) src(%dma_wait3A_562 : memref<20000x64xf32, #tpu.memory_space<hbm>>) dst(%arg9 : memref<128x64xf32, #tpu.memory_space<vmem>>)
      %dma_start3A_563 = arith.constant 0 : i32
      %dma_start3A_564 = tpu.memref_slice %arg7[%add3A_556, %dma_start3A_563] : memref<80x128xi32, #tpu.memory_space<vmem>> -> memref<1x128xi32, #tpu.memory_space<vmem>>
      %dma_start3A_565 = tpu.memref_squeeze %dma_start3A_564 : memref<1x128xi32, #tpu.memory_space<vmem>> -> memref<128xi32, #tpu.memory_space<vmem>>
      %dma_start3A_566 = arith.constant 0 : i32
      %dma_start3A_567 = arith.constant 0 : i32
      %dma_start3A_568 = tpu.memref_slice %arg16[%dma_start3A_566, %dma_start3A_567] : memref<10240x64xf32, #tpu.memory_space<vmem_shared>> -> memref<10240x64xf32, #tpu.memory_space<vmem_shared>>
      tpu.enqueue_indirect_dma source(%arg9 : memref<128x64xf32, #tpu.memory_space<vmem>>) target(%dma_start3A_568 : memref<10240x64xf32, #tpu.memory_space<vmem_shared>>) offsets(%dma_start3A_565 : memref<128xi32, #tpu.memory_space<vmem>>) semaphore(%arg26 : memref<!tpu.dma_semaphore, #tpu.memory_space<semaphore_mem>>) {add = true}
      %mul3A_569 = arith.constant 8 : i32
      %mul3A_570 = arith.muli %scan3A_535, %mul3A_569 : i32
      %add3A_571 = arith.constant 2 : i32
      %add3A_572 = arith.addi %mul3A_570, %add3A_571 : i32
      %dma_wait3A_573 = arith.constant 0 : i32
      %dma_wait3A_574 = tpu.memref_slice %arg6[%add3A_572, %dma_wait3A_573] : memref<80x128xi32, #tpu.memory_space<vmem>> -> memref<1x128xi32, #tpu.memory_space<vmem>>
      %dma_wait3A_575 = tpu.memref_squeeze %dma_wait3A_574 : memref<1x128xi32, #tpu.memory_space<vmem>> -> memref<128xi32, #tpu.memory_space<vmem>>
      %dma_wait3A_576 = arith.constant 0 : i32
      %dma_wait3A_577 = arith.constant 0 : i32
      %dma_wait3A_578 = tpu.memref_slice %arg2[%dma_wait3A_576, %dma_wait3A_577] : memref<20000x64xf32, #tpu.memory_space<hbm>> -> memref<20000x64xf32, #tpu.memory_space<hbm>>
      tpu.wait_indirect_dma semaphore(%arg19 : memref<!tpu.dma_semaphore, #tpu.memory_space<semaphore_mem>>) src(%dma_wait3A_578 : memref<20000x64xf32, #tpu.memory_space<hbm>>) dst(%arg10 : memref<128x64xf32, #tpu.memory_space<vmem>>)
      %dma_start3A_579 = arith.constant 0 : i32
      %dma_start3A_580 = tpu.memref_slice %arg7[%add3A_572, %dma_start3A_579] : memref<80x128xi32, #tpu.memory_space<vmem>> -> memref<1x128xi32, #tpu.memory_space<vmem>>
      %dma_start3A_581 = tpu.memref_squeeze %dma_start3A_580 : memref<1x128xi32, #tpu.memory_space<vmem>> -> memref<128xi32, #tpu.memory_space<vmem>>
      %dma_start3A_582 = arith.constant 0 : i32
      %dma_start3A_583 = arith.constant 0 : i32
      %dma_start3A_584 = tpu.memref_slice %arg16[%dma_start3A_582, %dma_start3A_583] : memref<10240x64xf32, #tpu.memory_space<vmem_shared>> -> memref<10240x64xf32, #tpu.memory_space<vmem_shared>>
      tpu.enqueue_indirect_dma source(%arg10 : memref<128x64xf32, #tpu.memory_space<vmem>>) target(%dma_start3A_584 : memref<10240x64xf32, #tpu.memory_space<vmem_shared>>) offsets(%dma_start3A_581 : memref<128xi32, #tpu.memory_space<vmem>>) semaphore(%arg27 : memref<!tpu.dma_semaphore, #tpu.memory_space<semaphore_mem>>) {add = true}
      %mul3A_585 = arith.constant 8 : i32
      %mul3A_586 = arith.muli %scan3A_535, %mul3A_585 : i32
      %add3A_587 = arith.constant 3 : i32
      %add3A_588 = arith.addi %mul3A_586, %add3A_587 : i32
      %dma_wait3A_589 = arith.constant 0 : i32
      %dma_wait3A_590 = tpu.memref_slice %arg6[%add3A_588, %dma_wait3A_589] : memref<80x128xi32, #tpu.memory_space<vmem>> -> memref<1x128xi32, #tpu.memory_space<vmem>>
      %dma_wait3A_591 = tpu.memref_squeeze %dma_wait3A_590 : memref<1x128xi32, #tpu.memory_space<vmem>> -> memref<128xi32, #tpu.memory_space<vmem>>
      %dma_wait3A_592 = arith.constant 0 : i32
      %dma_wait3A_593 = arith.constant 0 : i32
      %dma_wait3A_594 = tpu.memref_slice %arg2[%dma_wait3A_592, %dma_wait3A_593] : memref<20000x64xf32, #tpu.memory_space<hbm>> -> memref<20000x64xf32, #tpu.memory_space<hbm>>
      tpu.wait_indirect_dma semaphore(%arg20 : memref<!tpu.dma_semaphore, #tpu.memory_space<semaphore_mem>>) src(%dma_wait3A_594 : memref<20000x64xf32, #tpu.memory_space<hbm>>) dst(%arg11 : memref<128x64xf32, #tpu.memory_space<vmem>>)
      %dma_start3A_595 = arith.constant 0 : i32
      %dma_start3A_596 = tpu.memref_slice %arg7[%add3A_588, %dma_start3A_595] : memref<80x128xi32, #tpu.memory_space<vmem>> -> memref<1x128xi32, #tpu.memory_space<vmem>>
      %dma_start3A_597 = tpu.memref_squeeze %dma_start3A_596 : memref<1x128xi32, #tpu.memory_space<vmem>> -> memref<128xi32, #tpu.memory_space<vmem>>
      %dma_start3A_598 = arith.constant 0 : i32
      %dma_start3A_599 = arith.constant 0 : i32
      %dma_start3A_600 = tpu.memref_slice %arg16[%dma_start3A_598, %dma_start3A_599] : memref<10240x64xf32, #tpu.memory_space<vmem_shared>> -> memref<10240x64xf32, #tpu.memory_space<vmem_shared>>
      tpu.enqueue_indirect_dma source(%arg11 : memref<128x64xf32, #tpu.memory_space<vmem>>) target(%dma_start3A_600 : memref<10240x64xf32, #tpu.memory_space<vmem_shared>>) offsets(%dma_start3A_597 : memref<128xi32, #tpu.memory_space<vmem>>) semaphore(%arg28 : memref<!tpu.dma_semaphore, #tpu.memory_space<semaphore_mem>>) {add = true}
      %mul3A_601 = arith.constant 8 : i32
      %mul3A_602 = arith.muli %scan3A_535, %mul3A_601 : i32
      %add3A_603 = arith.constant 4 : i32
      %add3A_604 = arith.addi %mul3A_602, %add3A_603 : i32
      %dma_wait3A_605 = arith.constant 0 : i32
      %dma_wait3A_606 = tpu.memref_slice %arg6[%add3A_604, %dma_wait3A_605] : memref<80x128xi32, #tpu.memory_space<vmem>> -> memref<1x128xi32, #tpu.memory_space<vmem>>
      %dma_wait3A_607 = tpu.memref_squeeze %dma_wait3A_606 : memref<1x128xi32, #tpu.memory_space<vmem>> -> memref<128xi32, #tpu.memory_space<vmem>>
      %dma_wait3A_608 = arith.constant 0 : i32
      %dma_wait3A_609 = arith.constant 0 : i32
      %dma_wait3A_610 = tpu.memref_slice %arg2[%dma_wait3A_608, %dma_wait3A_609] : memref<20000x64xf32, #tpu.memory_space<hbm>> -> memref<20000x64xf32, #tpu.memory_space<hbm>>
      tpu.wait_indirect_dma semaphore(%arg21 : memref<!tpu.dma_semaphore, #tpu.memory_space<semaphore_mem>>) src(%dma_wait3A_610 : memref<20000x64xf32, #tpu.memory_space<hbm>>) dst(%arg12 : memref<128x64xf32, #tpu.memory_space<vmem>>)
      %dma_start3A_611 = arith.constant 0 : i32
      %dma_start3A_612 = tpu.memref_slice %arg7[%add3A_604, %dma_start3A_611] : memref<80x128xi32, #tpu.memory_space<vmem>> -> memref<1x128xi32, #tpu.memory_space<vmem>>
      %dma_start3A_613 = tpu.memref_squeeze %dma_start3A_612 : memref<1x128xi32, #tpu.memory_space<vmem>> -> memref<128xi32, #tpu.memory_space<vmem>>
      %dma_start3A_614 = arith.constant 0 : i32
      %dma_start3A_615 = arith.constant 0 : i32
      %dma_start3A_616 = tpu.memref_slice %arg16[%dma_start3A_614, %dma_start3A_615] : memref<10240x64xf32, #tpu.memory_space<vmem_shared>> -> memref<10240x64xf32, #tpu.memory_space<vmem_shared>>
      tpu.enqueue_indirect_dma source(%arg12 : memref<128x64xf32, #tpu.memory_space<vmem>>) target(%dma_start3A_616 : memref<10240x64xf32, #tpu.memory_space<vmem_shared>>) offsets(%dma_start3A_613 : memref<128xi32, #tpu.memory_space<vmem>>) semaphore(%arg29 : memref<!tpu.dma_semaphore, #tpu.memory_space<semaphore_mem>>) {add = true}
      %mul3A_617 = arith.constant 8 : i32
      %mul3A_618 = arith.muli %scan3A_535, %mul3A_617 : i32
      %add3A_619 = arith.constant 5 : i32
      %add3A_620 = arith.addi %mul3A_618, %add3A_619 : i32
      %dma_wait3A_621 = arith.constant 0 : i32
      %dma_wait3A_622 = tpu.memref_slice %arg6[%add3A_620, %dma_wait3A_621] : memref<80x128xi32, #tpu.memory_space<vmem>> -> memref<1x128xi32, #tpu.memory_space<vmem>>
      %dma_wait3A_623 = tpu.memref_squeeze %dma_wait3A_622 : memref<1x128xi32, #tpu.memory_space<vmem>> -> memref<128xi32, #tpu.memory_space<vmem>>
      %dma_wait3A_624 = arith.constant 0 : i32
      %dma_wait3A_625 = arith.constant 0 : i32
      %dma_wait3A_626 = tpu.memref_slice %arg2[%dma_wait3A_624, %dma_wait3A_625] : memref<20000x64xf32, #tpu.memory_space<hbm>> -> memref<20000x64xf32, #tpu.memory_space<hbm>>
      tpu.wait_indirect_dma semaphore(%arg22 : memref<!tpu.dma_semaphore, #tpu.memory_space<semaphore_mem>>) src(%dma_wait3A_626 : memref<20000x64xf32, #tpu.memory_space<hbm>>) dst(%arg13 : memref<128x64xf32, #tpu.memory_space<vmem>>)
      %dma_start3A_627 = arith.constant 0 : i32
      %dma_start3A_628 = tpu.memref_slice %arg7[%add3A_620, %dma_start3A_627] : memref<80x128xi32, #tpu.memory_space<vmem>> -> memref<1x128xi32, #tpu.memory_space<vmem>>
      %dma_start3A_629 = tpu.memref_squeeze %dma_start3A_628 : memref<1x128xi32, #tpu.memory_space<vmem>> -> memref<128xi32, #tpu.memory_space<vmem>>
      %dma_start3A_630 = arith.constant 0 : i32
      %dma_start3A_631 = arith.constant 0 : i32
      %dma_start3A_632 = tpu.memref_slice %arg16[%dma_start3A_630, %dma_start3A_631] : memref<10240x64xf32, #tpu.memory_space<vmem_shared>> -> memref<10240x64xf32, #tpu.memory_space<vmem_shared>>
      tpu.enqueue_indirect_dma source(%arg13 : memref<128x64xf32, #tpu.memory_space<vmem>>) target(%dma_start3A_632 : memref<10240x64xf32, #tpu.memory_space<vmem_shared>>) offsets(%dma_start3A_629 : memref<128xi32, #tpu.memory_space<vmem>>) semaphore(%arg30 : memref<!tpu.dma_semaphore, #tpu.memory_space<semaphore_mem>>) {add = true}
      %mul3A_633 = arith.constant 8 : i32
      %mul3A_634 = arith.muli %scan3A_535, %mul3A_633 : i32
      %add3A_635 = arith.constant 6 : i32
      %add3A_636 = arith.addi %mul3A_634, %add3A_635 : i32
      %dma_wait3A_637 = arith.constant 0 : i32
      %dma_wait3A_638 = tpu.memref_slice %arg6[%add3A_636, %dma_wait3A_637] : memref<80x128xi32, #tpu.memory_space<vmem>> -> memref<1x128xi32, #tpu.memory_space<vmem>>
      %dma_wait3A_639 = tpu.memref_squeeze %dma_wait3A_638 : memref<1x128xi32, #tpu.memory_space<vmem>> -> memref<128xi32, #tpu.memory_space<vmem>>
      %dma_wait3A_640 = arith.constant 0 : i32
      %dma_wait3A_641 = arith.constant 0 : i32
      %dma_wait3A_642 = tpu.memref_slice %arg2[%dma_wait3A_640, %dma_wait3A_641] : memref<20000x64xf32, #tpu.memory_space<hbm>> -> memref<20000x64xf32, #tpu.memory_space<hbm>>
      tpu.wait_indirect_dma semaphore(%arg23 : memref<!tpu.dma_semaphore, #tpu.memory_space<semaphore_mem>>) src(%dma_wait3A_642 : memref<20000x64xf32, #tpu.memory_space<hbm>>) dst(%arg14 : memref<128x64xf32, #tpu.memory_space<vmem>>)
      %dma_start3A_643 = arith.constant 0 : i32
      %dma_start3A_644 = tpu.memref_slice %arg7[%add3A_636, %dma_start3A_643] : memref<80x128xi32, #tpu.memory_space<vmem>> -> memref<1x128xi32, #tpu.memory_space<vmem>>
      %dma_start3A_645 = tpu.memref_squeeze %dma_start3A_644 : memref<1x128xi32, #tpu.memory_space<vmem>> -> memref<128xi32, #tpu.memory_space<vmem>>
      %dma_start3A_646 = arith.constant 0 : i32
      %dma_start3A_647 = arith.constant 0 : i32
      %dma_start3A_648 = tpu.memref_slice %arg16[%dma_start3A_646, %dma_start3A_647] : memref<10240x64xf32, #tpu.memory_space<vmem_shared>> -> memref<10240x64xf32, #tpu.memory_space<vmem_shared>>
      tpu.enqueue_indirect_dma source(%arg14 : memref<128x64xf32, #tpu.memory_space<vmem>>) target(%dma_start3A_648 : memref<10240x64xf32, #tpu.memory_space<vmem_shared>>) offsets(%dma_start3A_645 : memref<128xi32, #tpu.memory_space<vmem>>) semaphore(%arg31 : memref<!tpu.dma_semaphore, #tpu.memory_space<semaphore_mem>>) {add = true}
      %mul3A_649 = arith.constant 8 : i32
      %mul3A_650 = arith.muli %scan3A_535, %mul3A_649 : i32
      %add3A_651 = arith.constant 7 : i32
      %add3A_652 = arith.addi %mul3A_650, %add3A_651 : i32
      %dma_wait3A_653 = arith.constant 0 : i32
      %dma_wait3A_654 = tpu.memref_slice %arg6[%add3A_652, %dma_wait3A_653] : memref<80x128xi32, #tpu.memory_space<vmem>> -> memref<1x128xi32, #tpu.memory_space<vmem>>
      %dma_wait3A_655 = tpu.memref_squeeze %dma_wait3A_654 : memref<1x128xi32, #tpu.memory_space<vmem>> -> memref<128xi32, #tpu.memory_space<vmem>>
      %dma_wait3A_656 = arith.constant 0 : i32
      %dma_wait3A_657 = arith.constant 0 : i32
      %dma_wait3A_658 = tpu.memref_slice %arg2[%dma_wait3A_656, %dma_wait3A_657] : memref<20000x64xf32, #tpu.memory_space<hbm>> -> memref<20000x64xf32, #tpu.memory_space<hbm>>
      tpu.wait_indirect_dma semaphore(%arg24 : memref<!tpu.dma_semaphore, #tpu.memory_space<semaphore_mem>>) src(%dma_wait3A_658 : memref<20000x64xf32, #tpu.memory_space<hbm>>) dst(%arg15 : memref<128x64xf32, #tpu.memory_space<vmem>>)
      %dma_start3A_659 = arith.constant 0 : i32
      %dma_start3A_660 = tpu.memref_slice %arg7[%add3A_652, %dma_start3A_659] : memref<80x128xi32, #tpu.memory_space<vmem>> -> memref<1x128xi32, #tpu.memory_space<vmem>>
      %dma_start3A_661 = tpu.memref_squeeze %dma_start3A_660 : memref<1x128xi32, #tpu.memory_space<vmem>> -> memref<128xi32, #tpu.memory_space<vmem>>
      %dma_start3A_662 = arith.constant 0 : i32
      %dma_start3A_663 = arith.constant 0 : i32
      %dma_start3A_664 = tpu.memref_slice %arg16[%dma_start3A_662, %dma_start3A_663] : memref<10240x64xf32, #tpu.memory_space<vmem_shared>> -> memref<10240x64xf32, #tpu.memory_space<vmem_shared>>
      tpu.enqueue_indirect_dma source(%arg15 : memref<128x64xf32, #tpu.memory_space<vmem>>) target(%dma_start3A_664 : memref<10240x64xf32, #tpu.memory_space<vmem_shared>>) offsets(%dma_start3A_661 : memref<128xi32, #tpu.memory_space<vmem>>) semaphore(%arg32 : memref<!tpu.dma_semaphore, #tpu.memory_space<semaphore_mem>>) {add = true}
      %mul3A_665 = arith.constant 8 : i32
      %mul3A_666 = arith.muli %scan3A_535, %mul3A_665 : i32
      %add3A_667 = arith.constant 0 : i32
      %add3A_668 = arith.addi %mul3A_666, %add3A_667 : i32
      %dma_wait3A_669 = arith.constant 0 : i32
      %dma_wait3A_670 = tpu.memref_slice %arg7[%add3A_668, %dma_wait3A_669] : memref<80x128xi32, #tpu.memory_space<vmem>> -> memref<1x128xi32, #tpu.memory_space<vmem>>
      %dma_wait3A_671 = tpu.memref_squeeze %dma_wait3A_670 : memref<1x128xi32, #tpu.memory_space<vmem>> -> memref<128xi32, #tpu.memory_space<vmem>>
      %dma_wait3A_672 = arith.constant 0 : i32
      %dma_wait3A_673 = arith.constant 0 : i32
      %dma_wait3A_674 = tpu.memref_slice %arg16[%dma_wait3A_672, %dma_wait3A_673] : memref<10240x64xf32, #tpu.memory_space<vmem_shared>> -> memref<10240x64xf32, #tpu.memory_space<vmem_shared>>
      tpu.wait_indirect_dma semaphore(%arg25 : memref<!tpu.dma_semaphore, #tpu.memory_space<semaphore_mem>>) src(%arg8 : memref<128x64xf32, #tpu.memory_space<vmem>>) dst(%dma_wait3A_674 : memref<10240x64xf32, #tpu.memory_space<vmem_shared>>)
      %add3A_675 = arith.constant 8 : i32
      %add3A_676 = arith.addi %add3A_668, %add3A_675 : i32
      %dma_start3A_677 = arith.constant 0 : i32
      %dma_start3A_678 = tpu.memref_slice %arg6[%add3A_676, %dma_start3A_677] : memref<80x128xi32, #tpu.memory_space<vmem>> -> memref<1x128xi32, #tpu.memory_space<vmem>>
      %dma_start3A_679 = tpu.memref_squeeze %dma_start3A_678 : memref<1x128xi32, #tpu.memory_space<vmem>> -> memref<128xi32, #tpu.memory_space<vmem>>
      %dma_start3A_680 = arith.constant 0 : i32
      %dma_start3A_681 = arith.constant 0 : i32
      %dma_start3A_682 = tpu.memref_slice %arg2[%dma_start3A_680, %dma_start3A_681] : memref<20000x64xf32, #tpu.memory_space<hbm>> -> memref<20000x64xf32, #tpu.memory_space<hbm>>
      tpu.enqueue_indirect_dma source(%dma_start3A_682 : memref<20000x64xf32, #tpu.memory_space<hbm>>) target(%arg8 : memref<128x64xf32, #tpu.memory_space<vmem>>) offsets(%dma_start3A_679 : memref<128xi32, #tpu.memory_space<vmem>>) semaphore(%arg17 : memref<!tpu.dma_semaphore, #tpu.memory_space<semaphore_mem>>)
      %mul3A_683 = arith.constant 8 : i32
      %mul3A_684 = arith.muli %scan3A_535, %mul3A_683 : i32
      %add3A_685 = arith.constant 1 : i32
      %add3A_686 = arith.addi %mul3A_684, %add3A_685 : i32
      %dma_wait3A_687 = arith.constant 0 : i32
      %dma_wait3A_688 = tpu.memref_slice %arg7[%add3A_686, %dma_wait3A_687] : memref<80x128xi32, #tpu.memory_space<vmem>> -> memref<1x128xi32, #tpu.memory_space<vmem>>
      %dma_wait3A_689 = tpu.memref_squeeze %dma_wait3A_688 : memref<1x128xi32, #tpu.memory_space<vmem>> -> memref<128xi32, #tpu.memory_space<vmem>>
      %dma_wait3A_690 = arith.constant 0 : i32
      %dma_wait3A_691 = arith.constant 0 : i32
      %dma_wait3A_692 = tpu.memref_slice %arg16[%dma_wait3A_690, %dma_wait3A_691] : memref<10240x64xf32, #tpu.memory_space<vmem_shared>> -> memref<10240x64xf32, #tpu.memory_space<vmem_shared>>
      tpu.wait_indirect_dma semaphore(%arg26 : memref<!tpu.dma_semaphore, #tpu.memory_space<semaphore_mem>>) src(%arg9 : memref<128x64xf32, #tpu.memory_space<vmem>>) dst(%dma_wait3A_692 : memref<10240x64xf32, #tpu.memory_space<vmem_shared>>)
      %add3A_693 = arith.constant 8 : i32
      %add3A_694 = arith.addi %add3A_686, %add3A_693 : i32
      %dma_start3A_695 = arith.constant 0 : i32
      %dma_start3A_696 = tpu.memref_slice %arg6[%add3A_694, %dma_start3A_695] : memref<80x128xi32, #tpu.memory_space<vmem>> -> memref<1x128xi32, #tpu.memory_space<vmem>>
      %dma_start3A_697 = tpu.memref_squeeze %dma_start3A_696 : memref<1x128xi32, #tpu.memory_space<vmem>> -> memref<128xi32, #tpu.memory_space<vmem>>
      %dma_start3A_698 = arith.constant 0 : i32
      %dma_start3A_699 = arith.constant 0 : i32
      %dma_start3A_700 = tpu.memref_slice %arg2[%dma_start3A_698, %dma_start3A_699] : memref<20000x64xf32, #tpu.memory_space<hbm>> -> memref<20000x64xf32, #tpu.memory_space<hbm>>
      tpu.enqueue_indirect_dma source(%dma_start3A_700 : memref<20000x64xf32, #tpu.memory_space<hbm>>) target(%arg9 : memref<128x64xf32, #tpu.memory_space<vmem>>) offsets(%dma_start3A_697 : memref<128xi32, #tpu.memory_space<vmem>>) semaphore(%arg18 : memref<!tpu.dma_semaphore, #tpu.memory_space<semaphore_mem>>)
      %mul3A_701 = arith.constant 8 : i32
      %mul3A_702 = arith.muli %scan3A_535, %mul3A_701 : i32
      %add3A_703 = arith.constant 2 : i32
      %add3A_704 = arith.addi %mul3A_702, %add3A_703 : i32
      %dma_wait3A_705 = arith.constant 0 : i32
      %dma_wait3A_706 = tpu.memref_slice %arg7[%add3A_704, %dma_wait3A_705] : memref<80x128xi32, #tpu.memory_space<vmem>> -> memref<1x128xi32, #tpu.memory_space<vmem>>
      %dma_wait3A_707 = tpu.memref_squeeze %dma_wait3A_706 : memref<1x128xi32, #tpu.memory_space<vmem>> -> memref<128xi32, #tpu.memory_space<vmem>>
      %dma_wait3A_708 = arith.constant 0 : i32
      %dma_wait3A_709 = arith.constant 0 : i32
      %dma_wait3A_710 = tpu.memref_slice %arg16[%dma_wait3A_708, %dma_wait3A_709] : memref<10240x64xf32, #tpu.memory_space<vmem_shared>> -> memref<10240x64xf32, #tpu.memory_space<vmem_shared>>
      tpu.wait_indirect_dma semaphore(%arg27 : memref<!tpu.dma_semaphore, #tpu.memory_space<semaphore_mem>>) src(%arg10 : memref<128x64xf32, #tpu.memory_space<vmem>>) dst(%dma_wait3A_710 : memref<10240x64xf32, #tpu.memory_space<vmem_shared>>)
      %add3A_711 = arith.constant 8 : i32
      %add3A_712 = arith.addi %add3A_704, %add3A_711 : i32
      %dma_start3A_713 = arith.constant 0 : i32
      %dma_start3A_714 = tpu.memref_slice %arg6[%add3A_712, %dma_start3A_713] : memref<80x128xi32, #tpu.memory_space<vmem>> -> memref<1x128xi32, #tpu.memory_space<vmem>>
      %dma_start3A_715 = tpu.memref_squeeze %dma_start3A_714 : memref<1x128xi32, #tpu.memory_space<vmem>> -> memref<128xi32, #tpu.memory_space<vmem>>
      %dma_start3A_716 = arith.constant 0 : i32
      %dma_start3A_717 = arith.constant 0 : i32
      %dma_start3A_718 = tpu.memref_slice %arg2[%dma_start3A_716, %dma_start3A_717] : memref<20000x64xf32, #tpu.memory_space<hbm>> -> memref<20000x64xf32, #tpu.memory_space<hbm>>
      tpu.enqueue_indirect_dma source(%dma_start3A_718 : memref<20000x64xf32, #tpu.memory_space<hbm>>) target(%arg10 : memref<128x64xf32, #tpu.memory_space<vmem>>) offsets(%dma_start3A_715 : memref<128xi32, #tpu.memory_space<vmem>>) semaphore(%arg19 : memref<!tpu.dma_semaphore, #tpu.memory_space<semaphore_mem>>)
      %mul3A_719 = arith.constant 8 : i32
      %mul3A_720 = arith.muli %scan3A_535, %mul3A_719 : i32
      %add3A_721 = arith.constant 3 : i32
      %add3A_722 = arith.addi %mul3A_720, %add3A_721 : i32
      %dma_wait3A_723 = arith.constant 0 : i32
      %dma_wait3A_724 = tpu.memref_slice %arg7[%add3A_722, %dma_wait3A_723] : memref<80x128xi32, #tpu.memory_space<vmem>> -> memref<1x128xi32, #tpu.memory_space<vmem>>
      %dma_wait3A_725 = tpu.memref_squeeze %dma_wait3A_724 : memref<1x128xi32, #tpu.memory_space<vmem>> -> memref<128xi32, #tpu.memory_space<vmem>>
      %dma_wait3A_726 = arith.constant 0 : i32
      %dma_wait3A_727 = arith.constant 0 : i32
      %dma_wait3A_728 = tpu.memref_slice %arg16[%dma_wait3A_726, %dma_wait3A_727] : memref<10240x64xf32, #tpu.memory_space<vmem_shared>> -> memref<10240x64xf32, #tpu.memory_space<vmem_shared>>
      tpu.wait_indirect_dma semaphore(%arg28 : memref<!tpu.dma_semaphore, #tpu.memory_space<semaphore_mem>>) src(%arg11 : memref<128x64xf32, #tpu.memory_space<vmem>>) dst(%dma_wait3A_728 : memref<10240x64xf32, #tpu.memory_space<vmem_shared>>)
      %add3A_729 = arith.constant 8 : i32
      %add3A_730 = arith.addi %add3A_722, %add3A_729 : i32
      %dma_start3A_731 = arith.constant 0 : i32
      %dma_start3A_732 = tpu.memref_slice %arg6[%add3A_730, %dma_start3A_731] : memref<80x128xi32, #tpu.memory_space<vmem>> -> memref<1x128xi32, #tpu.memory_space<vmem>>
      %dma_start3A_733 = tpu.memref_squeeze %dma_start3A_732 : memref<1x128xi32, #tpu.memory_space<vmem>> -> memref<128xi32, #tpu.memory_space<vmem>>
      %dma_start3A_734 = arith.constant 0 : i32
      %dma_start3A_735 = arith.constant 0 : i32
      %dma_start3A_736 = tpu.memref_slice %arg2[%dma_start3A_734, %dma_start3A_735] : memref<20000x64xf32, #tpu.memory_space<hbm>> -> memref<20000x64xf32, #tpu.memory_space<hbm>>
      tpu.enqueue_indirect_dma source(%dma_start3A_736 : memref<20000x64xf32, #tpu.memory_space<hbm>>) target(%arg11 : memref<128x64xf32, #tpu.memory_space<vmem>>) offsets(%dma_start3A_733 : memref<128xi32, #tpu.memory_space<vmem>>) semaphore(%arg20 : memref<!tpu.dma_semaphore, #tpu.memory_space<semaphore_mem>>)
      %mul3A_737 = arith.constant 8 : i32
      %mul3A_738 = arith.muli %scan3A_535, %mul3A_737 : i32
      %add3A_739 = arith.constant 4 : i32
      %add3A_740 = arith.addi %mul3A_738, %add3A_739 : i32
      %dma_wait3A_741 = arith.constant 0 : i32
      %dma_wait3A_742 = tpu.memref_slice %arg7[%add3A_740, %dma_wait3A_741] : memref<80x128xi32, #tpu.memory_space<vmem>> -> memref<1x128xi32, #tpu.memory_space<vmem>>
      %dma_wait3A_743 = tpu.memref_squeeze %dma_wait3A_742 : memref<1x128xi32, #tpu.memory_space<vmem>> -> memref<128xi32, #tpu.memory_space<vmem>>
      %dma_wait3A_744 = arith.constant 0 : i32
      %dma_wait3A_745 = arith.constant 0 : i32
      %dma_wait3A_746 = tpu.memref_slice %arg16[%dma_wait3A_744, %dma_wait3A_745] : memref<10240x64xf32, #tpu.memory_space<vmem_shared>> -> memref<10240x64xf32, #tpu.memory_space<vmem_shared>>
      tpu.wait_indirect_dma semaphore(%arg29 : memref<!tpu.dma_semaphore, #tpu.memory_space<semaphore_mem>>) src(%arg12 : memref<128x64xf32, #tpu.memory_space<vmem>>) dst(%dma_wait3A_746 : memref<10240x64xf32, #tpu.memory_space<vmem_shared>>)
      %add3A_747 = arith.constant 8 : i32
      %add3A_748 = arith.addi %add3A_740, %add3A_747 : i32
      %dma_start3A_749 = arith.constant 0 : i32
      %dma_start3A_750 = tpu.memref_slice %arg6[%add3A_748, %dma_start3A_749] : memref<80x128xi32, #tpu.memory_space<vmem>> -> memref<1x128xi32, #tpu.memory_space<vmem>>
      %dma_start3A_751 = tpu.memref_squeeze %dma_start3A_750 : memref<1x128xi32, #tpu.memory_space<vmem>> -> memref<128xi32, #tpu.memory_space<vmem>>
      %dma_start3A_752 = arith.constant 0 : i32
      %dma_start3A_753 = arith.constant 0 : i32
      %dma_start3A_754 = tpu.memref_slice %arg2[%dma_start3A_752, %dma_start3A_753] : memref<20000x64xf32, #tpu.memory_space<hbm>> -> memref<20000x64xf32, #tpu.memory_space<hbm>>
      tpu.enqueue_indirect_dma source(%dma_start3A_754 : memref<20000x64xf32, #tpu.memory_space<hbm>>) target(%arg12 : memref<128x64xf32, #tpu.memory_space<vmem>>) offsets(%dma_start3A_751 : memref<128xi32, #tpu.memory_space<vmem>>) semaphore(%arg21 : memref<!tpu.dma_semaphore, #tpu.memory_space<semaphore_mem>>)
      %mul3A_755 = arith.constant 8 : i32
      %mul3A_756 = arith.muli %scan3A_535, %mul3A_755 : i32
      %add3A_757 = arith.constant 5 : i32
      %add3A_758 = arith.addi %mul3A_756, %add3A_757 : i32
      %dma_wait3A_759 = arith.constant 0 : i32
      %dma_wait3A_760 = tpu.memref_slice %arg7[%add3A_758, %dma_wait3A_759] : memref<80x128xi32, #tpu.memory_space<vmem>> -> memref<1x128xi32, #tpu.memory_space<vmem>>
      %dma_wait3A_761 = tpu.memref_squeeze %dma_wait3A_760 : memref<1x128xi32, #tpu.memory_space<vmem>> -> memref<128xi32, #tpu.memory_space<vmem>>
      %dma_wait3A_762 = arith.constant 0 : i32
      %dma_wait3A_763 = arith.constant 0 : i32
      %dma_wait3A_764 = tpu.memref_slice %arg16[%dma_wait3A_762, %dma_wait3A_763] : memref<10240x64xf32, #tpu.memory_space<vmem_shared>> -> memref<10240x64xf32, #tpu.memory_space<vmem_shared>>
      tpu.wait_indirect_dma semaphore(%arg30 : memref<!tpu.dma_semaphore, #tpu.memory_space<semaphore_mem>>) src(%arg13 : memref<128x64xf32, #tpu.memory_space<vmem>>) dst(%dma_wait3A_764 : memref<10240x64xf32, #tpu.memory_space<vmem_shared>>)
      %add3A_765 = arith.constant 8 : i32
      %add3A_766 = arith.addi %add3A_758, %add3A_765 : i32
      %dma_start3A_767 = arith.constant 0 : i32
      %dma_start3A_768 = tpu.memref_slice %arg6[%add3A_766, %dma_start3A_767] : memref<80x128xi32, #tpu.memory_space<vmem>> -> memref<1x128xi32, #tpu.memory_space<vmem>>
      %dma_start3A_769 = tpu.memref_squeeze %dma_start3A_768 : memref<1x128xi32, #tpu.memory_space<vmem>> -> memref<128xi32, #tpu.memory_space<vmem>>
      %dma_start3A_770 = arith.constant 0 : i32
      %dma_start3A_771 = arith.constant 0 : i32
      %dma_start3A_772 = tpu.memref_slice %arg2[%dma_start3A_770, %dma_start3A_771] : memref<20000x64xf32, #tpu.memory_space<hbm>> -> memref<20000x64xf32, #tpu.memory_space<hbm>>
      tpu.enqueue_indirect_dma source(%dma_start3A_772 : memref<20000x64xf32, #tpu.memory_space<hbm>>) target(%arg13 : memref<128x64xf32, #tpu.memory_space<vmem>>) offsets(%dma_start3A_769 : memref<128xi32, #tpu.memory_space<vmem>>) semaphore(%arg22 : memref<!tpu.dma_semaphore, #tpu.memory_space<semaphore_mem>>)
      %mul3A_773 = arith.constant 8 : i32
      %mul3A_774 = arith.muli %scan3A_535, %mul3A_773 : i32
      %add3A_775 = arith.constant 6 : i32
      %add3A_776 = arith.addi %mul3A_774, %add3A_775 : i32
      %dma_wait3A_777 = arith.constant 0 : i32
      %dma_wait3A_778 = tpu.memref_slice %arg7[%add3A_776, %dma_wait3A_777] : memref<80x128xi32, #tpu.memory_space<vmem>> -> memref<1x128xi32, #tpu.memory_space<vmem>>
      %dma_wait3A_779 = tpu.memref_squeeze %dma_wait3A_778 : memref<1x128xi32, #tpu.memory_space<vmem>> -> memref<128xi32, #tpu.memory_space<vmem>>
      %dma_wait3A_780 = arith.constant 0 : i32
      %dma_wait3A_781 = arith.constant 0 : i32
      %dma_wait3A_782 = tpu.memref_slice %arg16[%dma_wait3A_780, %dma_wait3A_781] : memref<10240x64xf32, #tpu.memory_space<vmem_shared>> -> memref<10240x64xf32, #tpu.memory_space<vmem_shared>>
      tpu.wait_indirect_dma semaphore(%arg31 : memref<!tpu.dma_semaphore, #tpu.memory_space<semaphore_mem>>) src(%arg14 : memref<128x64xf32, #tpu.memory_space<vmem>>) dst(%dma_wait3A_782 : memref<10240x64xf32, #tpu.memory_space<vmem_shared>>)
      %add3A_783 = arith.constant 8 : i32
      %add3A_784 = arith.addi %add3A_776, %add3A_783 : i32
      %dma_start3A_785 = arith.constant 0 : i32
      %dma_start3A_786 = tpu.memref_slice %arg6[%add3A_784, %dma_start3A_785] : memref<80x128xi32, #tpu.memory_space<vmem>> -> memref<1x128xi32, #tpu.memory_space<vmem>>
      %dma_start3A_787 = tpu.memref_squeeze %dma_start3A_786 : memref<1x128xi32, #tpu.memory_space<vmem>> -> memref<128xi32, #tpu.memory_space<vmem>>
      %dma_start3A_788 = arith.constant 0 : i32
      %dma_start3A_789 = arith.constant 0 : i32
      %dma_start3A_790 = tpu.memref_slice %arg2[%dma_start3A_788, %dma_start3A_789] : memref<20000x64xf32, #tpu.memory_space<hbm>> -> memref<20000x64xf32, #tpu.memory_space<hbm>>
      tpu.enqueue_indirect_dma source(%dma_start3A_790 : memref<20000x64xf32, #tpu.memory_space<hbm>>) target(%arg14 : memref<128x64xf32, #tpu.memory_space<vmem>>) offsets(%dma_start3A_787 : memref<128xi32, #tpu.memory_space<vmem>>) semaphore(%arg23 : memref<!tpu.dma_semaphore, #tpu.memory_space<semaphore_mem>>)
      %mul3A_791 = arith.constant 8 : i32
      %mul3A_792 = arith.muli %scan3A_535, %mul3A_791 : i32
      %add3A_793 = arith.constant 7 : i32
      %add3A_794 = arith.addi %mul3A_792, %add3A_793 : i32
      %dma_wait3A_795 = arith.constant 0 : i32
      %dma_wait3A_796 = tpu.memref_slice %arg7[%add3A_794, %dma_wait3A_795] : memref<80x128xi32, #tpu.memory_space<vmem>> -> memref<1x128xi32, #tpu.memory_space<vmem>>
      %dma_wait3A_797 = tpu.memref_squeeze %dma_wait3A_796 : memref<1x128xi32, #tpu.memory_space<vmem>> -> memref<128xi32, #tpu.memory_space<vmem>>
      %dma_wait3A_798 = arith.constant 0 : i32
      %dma_wait3A_799 = arith.constant 0 : i32
      %dma_wait3A_800 = tpu.memref_slice %arg16[%dma_wait3A_798, %dma_wait3A_799] : memref<10240x64xf32, #tpu.memory_space<vmem_shared>> -> memref<10240x64xf32, #tpu.memory_space<vmem_shared>>
      tpu.wait_indirect_dma semaphore(%arg32 : memref<!tpu.dma_semaphore, #tpu.memory_space<semaphore_mem>>) src(%arg15 : memref<128x64xf32, #tpu.memory_space<vmem>>) dst(%dma_wait3A_800 : memref<10240x64xf32, #tpu.memory_space<vmem_shared>>)
      %add3A_801 = arith.constant 8 : i32
      %add3A_802 = arith.addi %add3A_794, %add3A_801 : i32
      %dma_start3A_803 = arith.constant 0 : i32
      %dma_start3A_804 = tpu.memref_slice %arg6[%add3A_802, %dma_start3A_803] : memref<80x128xi32, #tpu.memory_space<vmem>> -> memref<1x128xi32, #tpu.memory_space<vmem>>
      %dma_start3A_805 = tpu.memref_squeeze %dma_start3A_804 : memref<1x128xi32, #tpu.memory_space<vmem>> -> memref<128xi32, #tpu.memory_space<vmem>>
      %dma_start3A_806 = arith.constant 0 : i32
      %dma_start3A_807 = arith.constant 0 : i32
      %dma_start3A_808 = tpu.memref_slice %arg2[%dma_start3A_806, %dma_start3A_807] : memref<20000x64xf32, #tpu.memory_space<hbm>> -> memref<20000x64xf32, #tpu.memory_space<hbm>>
      tpu.enqueue_indirect_dma source(%dma_start3A_808 : memref<20000x64xf32, #tpu.memory_space<hbm>>) target(%arg15 : memref<128x64xf32, #tpu.memory_space<vmem>>) offsets(%dma_start3A_805 : memref<128xi32, #tpu.memory_space<vmem>>) semaphore(%arg24 : memref<!tpu.dma_semaphore, #tpu.memory_space<semaphore_mem>>)
      %scan3A_809 = arith.constant 0 : i32
      scf.yield %scan3A_809 : i32
    }
    %scan3A_89 = arith.constant 9 : i32
    %dma_wait3A = arith.constant 72 : i32
    %dma_wait3A_90 = arith.constant 0 : i32
    %dma_wait3A_91 = tpu.memref_slice %arg6[%dma_wait3A, %dma_wait3A_90] : memref<80x128xi32, #tpu.memory_space<vmem>> -> memref<1x128xi32, #tpu.memory_space<vmem>>
    %dma_wait3A_92 = tpu.memref_squeeze %dma_wait3A_91 : memref<1x128xi32, #tpu.memory_space<vmem>> -> memref<128xi32, #tpu.memory_space<vmem>>
    %dma_wait3A_93 = arith.constant 0 : i32
    %dma_wait3A_94 = arith.constant 0 : i32
    %dma_wait3A_95 = tpu.memref_slice %arg2[%dma_wait3A_93, %dma_wait3A_94] : memref<20000x64xf32, #tpu.memory_space<hbm>> -> memref<20000x64xf32, #tpu.memory_space<hbm>>
    tpu.wait_indirect_dma semaphore(%arg17 : memref<!tpu.dma_semaphore, #tpu.memory_space<semaphore_mem>>) src(%dma_wait3A_95 : memref<20000x64xf32, #tpu.memory_space<hbm>>) dst(%arg8 : memref<128x64xf32, #tpu.memory_space<vmem>>)
    %dma_start3A_96 = arith.constant 72 : i32
    %dma_start3A_97 = arith.constant 0 : i32
    %dma_start3A_98 = tpu.memref_slice %arg7[%dma_start3A_96, %dma_start3A_97] : memref<80x128xi32, #tpu.memory_space<vmem>> -> memref<1x128xi32, #tpu.memory_space<vmem>>
    %dma_start3A_99 = tpu.memref_squeeze %dma_start3A_98 : memref<1x128xi32, #tpu.memory_space<vmem>> -> memref<128xi32, #tpu.memory_space<vmem>>
    %dma_start3A_100 = arith.constant 0 : i32
    %dma_start3A_101 = arith.constant 0 : i32
    %dma_start3A_102 = tpu.memref_slice %arg16[%dma_start3A_100, %dma_start3A_101] : memref<10240x64xf32, #tpu.memory_space<vmem_shared>> -> memref<10240x64xf32, #tpu.memory_space<vmem_shared>>
    tpu.enqueue_indirect_dma source(%arg8 : memref<128x64xf32, #tpu.memory_space<vmem>>) target(%dma_start3A_102 : memref<10240x64xf32, #tpu.memory_space<vmem_shared>>) offsets(%dma_start3A_99 : memref<128xi32, #tpu.memory_space<vmem>>) semaphore(%arg25 : memref<!tpu.dma_semaphore, #tpu.memory_space<semaphore_mem>>) {add = true}
    %dma_wait3A_103 = arith.constant 73 : i32
    %dma_wait3A_104 = arith.constant 0 : i32
    %dma_wait3A_105 = tpu.memref_slice %arg6[%dma_wait3A_103, %dma_wait3A_104] : memref<80x128xi32, #tpu.memory_space<vmem>> -> memref<1x128xi32, #tpu.memory_space<vmem>>
    %dma_wait3A_106 = tpu.memref_squeeze %dma_wait3A_105 : memref<1x128xi32, #tpu.memory_space<vmem>> -> memref<128xi32, #tpu.memory_space<vmem>>
    %dma_wait3A_107 = arith.constant 0 : i32
    %dma_wait3A_108 = arith.constant 0 : i32
    %dma_wait3A_109 = tpu.memref_slice %arg2[%dma_wait3A_107, %dma_wait3A_108] : memref<20000x64xf32, #tpu.memory_space<hbm>> -> memref<20000x64xf32, #tpu.memory_space<hbm>>
    tpu.wait_indirect_dma semaphore(%arg18 : memref<!tpu.dma_semaphore, #tpu.memory_space<semaphore_mem>>) src(%dma_wait3A_109 : memref<20000x64xf32, #tpu.memory_space<hbm>>) dst(%arg9 : memref<128x64xf32, #tpu.memory_space<vmem>>)
    %dma_start3A_110 = arith.constant 73 : i32
    %dma_start3A_111 = arith.constant 0 : i32
    %dma_start3A_112 = tpu.memref_slice %arg7[%dma_start3A_110, %dma_start3A_111] : memref<80x128xi32, #tpu.memory_space<vmem>> -> memref<1x128xi32, #tpu.memory_space<vmem>>
    %dma_start3A_113 = tpu.memref_squeeze %dma_start3A_112 : memref<1x128xi32, #tpu.memory_space<vmem>> -> memref<128xi32, #tpu.memory_space<vmem>>
    %dma_start3A_114 = arith.constant 0 : i32
    %dma_start3A_115 = arith.constant 0 : i32
    %dma_start3A_116 = tpu.memref_slice %arg16[%dma_start3A_114, %dma_start3A_115] : memref<10240x64xf32, #tpu.memory_space<vmem_shared>> -> memref<10240x64xf32, #tpu.memory_space<vmem_shared>>
    tpu.enqueue_indirect_dma source(%arg9 : memref<128x64xf32, #tpu.memory_space<vmem>>) target(%dma_start3A_116 : memref<10240x64xf32, #tpu.memory_space<vmem_shared>>) offsets(%dma_start3A_113 : memref<128xi32, #tpu.memory_space<vmem>>) semaphore(%arg26 : memref<!tpu.dma_semaphore, #tpu.memory_space<semaphore_mem>>) {add = true}
    %dma_wait3A_117 = arith.constant 74 : i32
    %dma_wait3A_118 = arith.constant 0 : i32
    %dma_wait3A_119 = tpu.memref_slice %arg6[%dma_wait3A_117, %dma_wait3A_118] : memref<80x128xi32, #tpu.memory_space<vmem>> -> memref<1x128xi32, #tpu.memory_space<vmem>>
    %dma_wait3A_120 = tpu.memref_squeeze %dma_wait3A_119 : memref<1x128xi32, #tpu.memory_space<vmem>> -> memref<128xi32, #tpu.memory_space<vmem>>
    %dma_wait3A_121 = arith.constant 0 : i32
    %dma_wait3A_122 = arith.constant 0 : i32
    %dma_wait3A_123 = tpu.memref_slice %arg2[%dma_wait3A_121, %dma_wait3A_122] : memref<20000x64xf32, #tpu.memory_space<hbm>> -> memref<20000x64xf32, #tpu.memory_space<hbm>>
    tpu.wait_indirect_dma semaphore(%arg19 : memref<!tpu.dma_semaphore, #tpu.memory_space<semaphore_mem>>) src(%dma_wait3A_123 : memref<20000x64xf32, #tpu.memory_space<hbm>>) dst(%arg10 : memref<128x64xf32, #tpu.memory_space<vmem>>)
    %dma_start3A_124 = arith.constant 74 : i32
    %dma_start3A_125 = arith.constant 0 : i32
    %dma_start3A_126 = tpu.memref_slice %arg7[%dma_start3A_124, %dma_start3A_125] : memref<80x128xi32, #tpu.memory_space<vmem>> -> memref<1x128xi32, #tpu.memory_space<vmem>>
    %dma_start3A_127 = tpu.memref_squeeze %dma_start3A_126 : memref<1x128xi32, #tpu.memory_space<vmem>> -> memref<128xi32, #tpu.memory_space<vmem>>
    %dma_start3A_128 = arith.constant 0 : i32
    %dma_start3A_129 = arith.constant 0 : i32
    %dma_start3A_130 = tpu.memref_slice %arg16[%dma_start3A_128, %dma_start3A_129] : memref<10240x64xf32, #tpu.memory_space<vmem_shared>> -> memref<10240x64xf32, #tpu.memory_space<vmem_shared>>
    tpu.enqueue_indirect_dma source(%arg10 : memref<128x64xf32, #tpu.memory_space<vmem>>) target(%dma_start3A_130 : memref<10240x64xf32, #tpu.memory_space<vmem_shared>>) offsets(%dma_start3A_127 : memref<128xi32, #tpu.memory_space<vmem>>) semaphore(%arg27 : memref<!tpu.dma_semaphore, #tpu.memory_space<semaphore_mem>>) {add = true}
    %dma_wait3A_131 = arith.constant 75 : i32
    %dma_wait3A_132 = arith.constant 0 : i32
    %dma_wait3A_133 = tpu.memref_slice %arg6[%dma_wait3A_131, %dma_wait3A_132] : memref<80x128xi32, #tpu.memory_space<vmem>> -> memref<1x128xi32, #tpu.memory_space<vmem>>
    %dma_wait3A_134 = tpu.memref_squeeze %dma_wait3A_133 : memref<1x128xi32, #tpu.memory_space<vmem>> -> memref<128xi32, #tpu.memory_space<vmem>>
    %dma_wait3A_135 = arith.constant 0 : i32
    %dma_wait3A_136 = arith.constant 0 : i32
    %dma_wait3A_137 = tpu.memref_slice %arg2[%dma_wait3A_135, %dma_wait3A_136] : memref<20000x64xf32, #tpu.memory_space<hbm>> -> memref<20000x64xf32, #tpu.memory_space<hbm>>
    tpu.wait_indirect_dma semaphore(%arg20 : memref<!tpu.dma_semaphore, #tpu.memory_space<semaphore_mem>>) src(%dma_wait3A_137 : memref<20000x64xf32, #tpu.memory_space<hbm>>) dst(%arg11 : memref<128x64xf32, #tpu.memory_space<vmem>>)
    %dma_start3A_138 = arith.constant 75 : i32
    %dma_start3A_139 = arith.constant 0 : i32
    %dma_start3A_140 = tpu.memref_slice %arg7[%dma_start3A_138, %dma_start3A_139] : memref<80x128xi32, #tpu.memory_space<vmem>> -> memref<1x128xi32, #tpu.memory_space<vmem>>
    %dma_start3A_141 = tpu.memref_squeeze %dma_start3A_140 : memref<1x128xi32, #tpu.memory_space<vmem>> -> memref<128xi32, #tpu.memory_space<vmem>>
    %dma_start3A_142 = arith.constant 0 : i32
    %dma_start3A_143 = arith.constant 0 : i32
    %dma_start3A_144 = tpu.memref_slice %arg16[%dma_start3A_142, %dma_start3A_143] : memref<10240x64xf32, #tpu.memory_space<vmem_shared>> -> memref<10240x64xf32, #tpu.memory_space<vmem_shared>>
    tpu.enqueue_indirect_dma source(%arg11 : memref<128x64xf32, #tpu.memory_space<vmem>>) target(%dma_start3A_144 : memref<10240x64xf32, #tpu.memory_space<vmem_shared>>) offsets(%dma_start3A_141 : memref<128xi32, #tpu.memory_space<vmem>>) semaphore(%arg28 : memref<!tpu.dma_semaphore, #tpu.memory_space<semaphore_mem>>) {add = true}
    %dma_wait3A_145 = arith.constant 76 : i32
    %dma_wait3A_146 = arith.constant 0 : i32
    %dma_wait3A_147 = tpu.memref_slice %arg6[%dma_wait3A_145, %dma_wait3A_146] : memref<80x128xi32, #tpu.memory_space<vmem>> -> memref<1x128xi32, #tpu.memory_space<vmem>>
    %dma_wait3A_148 = tpu.memref_squeeze %dma_wait3A_147 : memref<1x128xi32, #tpu.memory_space<vmem>> -> memref<128xi32, #tpu.memory_space<vmem>>
    %dma_wait3A_149 = arith.constant 0 : i32
    %dma_wait3A_150 = arith.constant 0 : i32
    %dma_wait3A_151 = tpu.memref_slice %arg2[%dma_wait3A_149, %dma_wait3A_150] : memref<20000x64xf32, #tpu.memory_space<hbm>> -> memref<20000x64xf32, #tpu.memory_space<hbm>>
    tpu.wait_indirect_dma semaphore(%arg21 : memref<!tpu.dma_semaphore, #tpu.memory_space<semaphore_mem>>) src(%dma_wait3A_151 : memref<20000x64xf32, #tpu.memory_space<hbm>>) dst(%arg12 : memref<128x64xf32, #tpu.memory_space<vmem>>)
    %dma_start3A_152 = arith.constant 76 : i32
    %dma_start3A_153 = arith.constant 0 : i32
    %dma_start3A_154 = tpu.memref_slice %arg7[%dma_start3A_152, %dma_start3A_153] : memref<80x128xi32, #tpu.memory_space<vmem>> -> memref<1x128xi32, #tpu.memory_space<vmem>>
    %dma_start3A_155 = tpu.memref_squeeze %dma_start3A_154 : memref<1x128xi32, #tpu.memory_space<vmem>> -> memref<128xi32, #tpu.memory_space<vmem>>
    %dma_start3A_156 = arith.constant 0 : i32
    %dma_start3A_157 = arith.constant 0 : i32
    %dma_start3A_158 = tpu.memref_slice %arg16[%dma_start3A_156, %dma_start3A_157] : memref<10240x64xf32, #tpu.memory_space<vmem_shared>> -> memref<10240x64xf32, #tpu.memory_space<vmem_shared>>
    tpu.enqueue_indirect_dma source(%arg12 : memref<128x64xf32, #tpu.memory_space<vmem>>) target(%dma_start3A_158 : memref<10240x64xf32, #tpu.memory_space<vmem_shared>>) offsets(%dma_start3A_155 : memref<128xi32, #tpu.memory_space<vmem>>) semaphore(%arg29 : memref<!tpu.dma_semaphore, #tpu.memory_space<semaphore_mem>>) {add = true}
    %dma_wait3A_159 = arith.constant 77 : i32
    %dma_wait3A_160 = arith.constant 0 : i32
    %dma_wait3A_161 = tpu.memref_slice %arg6[%dma_wait3A_159, %dma_wait3A_160] : memref<80x128xi32, #tpu.memory_space<vmem>> -> memref<1x128xi32, #tpu.memory_space<vmem>>
    %dma_wait3A_162 = tpu.memref_squeeze %dma_wait3A_161 : memref<1x128xi32, #tpu.memory_space<vmem>> -> memref<128xi32, #tpu.memory_space<vmem>>
    %dma_wait3A_163 = arith.constant 0 : i32
    %dma_wait3A_164 = arith.constant 0 : i32
    %dma_wait3A_165 = tpu.memref_slice %arg2[%dma_wait3A_163, %dma_wait3A_164] : memref<20000x64xf32, #tpu.memory_space<hbm>> -> memref<20000x64xf32, #tpu.memory_space<hbm>>
    tpu.wait_indirect_dma semaphore(%arg22 : memref<!tpu.dma_semaphore, #tpu.memory_space<semaphore_mem>>) src(%dma_wait3A_165 : memref<20000x64xf32, #tpu.memory_space<hbm>>) dst(%arg13 : memref<128x64xf32, #tpu.memory_space<vmem>>)
    %dma_start3A_166 = arith.constant 77 : i32
    %dma_start3A_167 = arith.constant 0 : i32
    %dma_start3A_168 = tpu.memref_slice %arg7[%dma_start3A_166, %dma_start3A_167] : memref<80x128xi32, #tpu.memory_space<vmem>> -> memref<1x128xi32, #tpu.memory_space<vmem>>
    %dma_start3A_169 = tpu.memref_squeeze %dma_start3A_168 : memref<1x128xi32, #tpu.memory_space<vmem>> -> memref<128xi32, #tpu.memory_space<vmem>>
    %dma_start3A_170 = arith.constant 0 : i32
    %dma_start3A_171 = arith.constant 0 : i32
    %dma_start3A_172 = tpu.memref_slice %arg16[%dma_start3A_170, %dma_start3A_171] : memref<10240x64xf32, #tpu.memory_space<vmem_shared>> -> memref<10240x64xf32, #tpu.memory_space<vmem_shared>>
    tpu.enqueue_indirect_dma source(%arg13 : memref<128x64xf32, #tpu.memory_space<vmem>>) target(%dma_start3A_172 : memref<10240x64xf32, #tpu.memory_space<vmem_shared>>) offsets(%dma_start3A_169 : memref<128xi32, #tpu.memory_space<vmem>>) semaphore(%arg30 : memref<!tpu.dma_semaphore, #tpu.memory_space<semaphore_mem>>) {add = true}
    %dma_wait3A_173 = arith.constant 78 : i32
    %dma_wait3A_174 = arith.constant 0 : i32
    %dma_wait3A_175 = tpu.memref_slice %arg6[%dma_wait3A_173, %dma_wait3A_174] : memref<80x128xi32, #tpu.memory_space<vmem>> -> memref<1x128xi32, #tpu.memory_space<vmem>>
    %dma_wait3A_176 = tpu.memref_squeeze %dma_wait3A_175 : memref<1x128xi32, #tpu.memory_space<vmem>> -> memref<128xi32, #tpu.memory_space<vmem>>
    %dma_wait3A_177 = arith.constant 0 : i32
    %dma_wait3A_178 = arith.constant 0 : i32
    %dma_wait3A_179 = tpu.memref_slice %arg2[%dma_wait3A_177, %dma_wait3A_178] : memref<20000x64xf32, #tpu.memory_space<hbm>> -> memref<20000x64xf32, #tpu.memory_space<hbm>>
    tpu.wait_indirect_dma semaphore(%arg23 : memref<!tpu.dma_semaphore, #tpu.memory_space<semaphore_mem>>) src(%dma_wait3A_179 : memref<20000x64xf32, #tpu.memory_space<hbm>>) dst(%arg14 : memref<128x64xf32, #tpu.memory_space<vmem>>)
    %dma_start3A_180 = arith.constant 78 : i32
    %dma_start3A_181 = arith.constant 0 : i32
    %dma_start3A_182 = tpu.memref_slice %arg7[%dma_start3A_180, %dma_start3A_181] : memref<80x128xi32, #tpu.memory_space<vmem>> -> memref<1x128xi32, #tpu.memory_space<vmem>>
    %dma_start3A_183 = tpu.memref_squeeze %dma_start3A_182 : memref<1x128xi32, #tpu.memory_space<vmem>> -> memref<128xi32, #tpu.memory_space<vmem>>
    %dma_start3A_184 = arith.constant 0 : i32
    %dma_start3A_185 = arith.constant 0 : i32
    %dma_start3A_186 = tpu.memref_slice %arg16[%dma_start3A_184, %dma_start3A_185] : memref<10240x64xf32, #tpu.memory_space<vmem_shared>> -> memref<10240x64xf32, #tpu.memory_space<vmem_shared>>
    tpu.enqueue_indirect_dma source(%arg14 : memref<128x64xf32, #tpu.memory_space<vmem>>) target(%dma_start3A_186 : memref<10240x64xf32, #tpu.memory_space<vmem_shared>>) offsets(%dma_start3A_183 : memref<128xi32, #tpu.memory_space<vmem>>) semaphore(%arg31 : memref<!tpu.dma_semaphore, #tpu.memory_space<semaphore_mem>>) {add = true}
    %dma_wait3A_187 = arith.constant 79 : i32
    %dma_wait3A_188 = arith.constant 0 : i32
    %dma_wait3A_189 = tpu.memref_slice %arg6[%dma_wait3A_187, %dma_wait3A_188] : memref<80x128xi32, #tpu.memory_space<vmem>> -> memref<1x128xi32, #tpu.memory_space<vmem>>
    %dma_wait3A_190 = tpu.memref_squeeze %dma_wait3A_189 : memref<1x128xi32, #tpu.memory_space<vmem>> -> memref<128xi32, #tpu.memory_space<vmem>>
    %dma_wait3A_191 = arith.constant 0 : i32
    %dma_wait3A_192 = arith.constant 0 : i32
    %dma_wait3A_193 = tpu.memref_slice %arg2[%dma_wait3A_191, %dma_wait3A_192] : memref<20000x64xf32, #tpu.memory_space<hbm>> -> memref<20000x64xf32, #tpu.memory_space<hbm>>
    tpu.wait_indirect_dma semaphore(%arg24 : memref<!tpu.dma_semaphore, #tpu.memory_space<semaphore_mem>>) src(%dma_wait3A_193 : memref<20000x64xf32, #tpu.memory_space<hbm>>) dst(%arg15 : memref<128x64xf32, #tpu.memory_space<vmem>>)
    %dma_start3A_194 = arith.constant 79 : i32
    %dma_start3A_195 = arith.constant 0 : i32
    %dma_start3A_196 = tpu.memref_slice %arg7[%dma_start3A_194, %dma_start3A_195] : memref<80x128xi32, #tpu.memory_space<vmem>> -> memref<1x128xi32, #tpu.memory_space<vmem>>
    %dma_start3A_197 = tpu.memref_squeeze %dma_start3A_196 : memref<1x128xi32, #tpu.memory_space<vmem>> -> memref<128xi32, #tpu.memory_space<vmem>>
    %dma_start3A_198 = arith.constant 0 : i32
    %dma_start3A_199 = arith.constant 0 : i32
    %dma_start3A_200 = tpu.memref_slice %arg16[%dma_start3A_198, %dma_start3A_199] : memref<10240x64xf32, #tpu.memory_space<vmem_shared>> -> memref<10240x64xf32, #tpu.memory_space<vmem_shared>>
    tpu.enqueue_indirect_dma source(%arg15 : memref<128x64xf32, #tpu.memory_space<vmem>>) target(%dma_start3A_200 : memref<10240x64xf32, #tpu.memory_space<vmem_shared>>) offsets(%dma_start3A_197 : memref<128xi32, #tpu.memory_space<vmem>>) semaphore(%arg32 : memref<!tpu.dma_semaphore, #tpu.memory_space<semaphore_mem>>) {add = true}
    %dma_wait3A_201 = arith.constant 72 : i32
    %dma_wait3A_202 = arith.constant 0 : i32
    %dma_wait3A_203 = tpu.memref_slice %arg7[%dma_wait3A_201, %dma_wait3A_202] : memref<80x128xi32, #tpu.memory_space<vmem>> -> memref<1x128xi32, #tpu.memory_space<vmem>>
    %dma_wait3A_204 = tpu.memref_squeeze %dma_wait3A_203 : memref<1x128xi32, #tpu.memory_space<vmem>> -> memref<128xi32, #tpu.memory_space<vmem>>
    %dma_wait3A_205 = arith.constant 0 : i32
    %dma_wait3A_206 = arith.constant 0 : i32
    %dma_wait3A_207 = tpu.memref_slice %arg16[%dma_wait3A_205, %dma_wait3A_206] : memref<10240x64xf32, #tpu.memory_space<vmem_shared>> -> memref<10240x64xf32, #tpu.memory_space<vmem_shared>>
    tpu.wait_indirect_dma semaphore(%arg25 : memref<!tpu.dma_semaphore, #tpu.memory_space<semaphore_mem>>) src(%arg8 : memref<128x64xf32, #tpu.memory_space<vmem>>) dst(%dma_wait3A_207 : memref<10240x64xf32, #tpu.memory_space<vmem_shared>>)
    %dma_wait3A_208 = arith.constant 73 : i32
    %dma_wait3A_209 = arith.constant 0 : i32
    %dma_wait3A_210 = tpu.memref_slice %arg7[%dma_wait3A_208, %dma_wait3A_209] : memref<80x128xi32, #tpu.memory_space<vmem>> -> memref<1x128xi32, #tpu.memory_space<vmem>>
    %dma_wait3A_211 = tpu.memref_squeeze %dma_wait3A_210 : memref<1x128xi32, #tpu.memory_space<vmem>> -> memref<128xi32, #tpu.memory_space<vmem>>
    %dma_wait3A_212 = arith.constant 0 : i32
    %dma_wait3A_213 = arith.constant 0 : i32
    %dma_wait3A_214 = tpu.memref_slice %arg16[%dma_wait3A_212, %dma_wait3A_213] : memref<10240x64xf32, #tpu.memory_space<vmem_shared>> -> memref<10240x64xf32, #tpu.memory_space<vmem_shared>>
    tpu.wait_indirect_dma semaphore(%arg26 : memref<!tpu.dma_semaphore, #tpu.memory_space<semaphore_mem>>) src(%arg9 : memref<128x64xf32, #tpu.memory_space<vmem>>) dst(%dma_wait3A_214 : memref<10240x64xf32, #tpu.memory_space<vmem_shared>>)
    %dma_wait3A_215 = arith.constant 74 : i32
    %dma_wait3A_216 = arith.constant 0 : i32
    %dma_wait3A_217 = tpu.memref_slice %arg7[%dma_wait3A_215, %dma_wait3A_216] : memref<80x128xi32, #tpu.memory_space<vmem>> -> memref<1x128xi32, #tpu.memory_space<vmem>>
    %dma_wait3A_218 = tpu.memref_squeeze %dma_wait3A_217 : memref<1x128xi32, #tpu.memory_space<vmem>> -> memref<128xi32, #tpu.memory_space<vmem>>
    %dma_wait3A_219 = arith.constant 0 : i32
    %dma_wait3A_220 = arith.constant 0 : i32
    %dma_wait3A_221 = tpu.memref_slice %arg16[%dma_wait3A_219, %dma_wait3A_220] : memref<10240x64xf32, #tpu.memory_space<vmem_shared>> -> memref<10240x64xf32, #tpu.memory_space<vmem_shared>>
    tpu.wait_indirect_dma semaphore(%arg27 : memref<!tpu.dma_semaphore, #tpu.memory_space<semaphore_mem>>) src(%arg10 : memref<128x64xf32, #tpu.memory_space<vmem>>) dst(%dma_wait3A_221 : memref<10240x64xf32, #tpu.memory_space<vmem_shared>>)
    %dma_wait3A_222 = arith.constant 75 : i32
    %dma_wait3A_223 = arith.constant 0 : i32
    %dma_wait3A_224 = tpu.memref_slice %arg7[%dma_wait3A_222, %dma_wait3A_223] : memref<80x128xi32, #tpu.memory_space<vmem>> -> memref<1x128xi32, #tpu.memory_space<vmem>>
    %dma_wait3A_225 = tpu.memref_squeeze %dma_wait3A_224 : memref<1x128xi32, #tpu.memory_space<vmem>> -> memref<128xi32, #tpu.memory_space<vmem>>
    %dma_wait3A_226 = arith.constant 0 : i32
    %dma_wait3A_227 = arith.constant 0 : i32
    %dma_wait3A_228 = tpu.memref_slice %arg16[%dma_wait3A_226, %dma_wait3A_227] : memref<10240x64xf32, #tpu.memory_space<vmem_shared>> -> memref<10240x64xf32, #tpu.memory_space<vmem_shared>>
    tpu.wait_indirect_dma semaphore(%arg28 : memref<!tpu.dma_semaphore, #tpu.memory_space<semaphore_mem>>) src(%arg11 : memref<128x64xf32, #tpu.memory_space<vmem>>) dst(%dma_wait3A_228 : memref<10240x64xf32, #tpu.memory_space<vmem_shared>>)
    %dma_wait3A_229 = arith.constant 76 : i32
    %dma_wait3A_230 = arith.constant 0 : i32
    %dma_wait3A_231 = tpu.memref_slice %arg7[%dma_wait3A_229, %dma_wait3A_230] : memref<80x128xi32, #tpu.memory_space<vmem>> -> memref<1x128xi32, #tpu.memory_space<vmem>>
    %dma_wait3A_232 = tpu.memref_squeeze %dma_wait3A_231 : memref<1x128xi32, #tpu.memory_space<vmem>> -> memref<128xi32, #tpu.memory_space<vmem>>
    %dma_wait3A_233 = arith.constant 0 : i32
    %dma_wait3A_234 = arith.constant 0 : i32
    %dma_wait3A_235 = tpu.memref_slice %arg16[%dma_wait3A_233, %dma_wait3A_234] : memref<10240x64xf32, #tpu.memory_space<vmem_shared>> -> memref<10240x64xf32, #tpu.memory_space<vmem_shared>>
    tpu.wait_indirect_dma semaphore(%arg29 : memref<!tpu.dma_semaphore, #tpu.memory_space<semaphore_mem>>) src(%arg12 : memref<128x64xf32, #tpu.memory_space<vmem>>) dst(%dma_wait3A_235 : memref<10240x64xf32, #tpu.memory_space<vmem_shared>>)
    %dma_wait3A_236 = arith.constant 77 : i32
    %dma_wait3A_237 = arith.constant 0 : i32
    %dma_wait3A_238 = tpu.memref_slice %arg7[%dma_wait3A_236, %dma_wait3A_237] : memref<80x128xi32, #tpu.memory_space<vmem>> -> memref<1x128xi32, #tpu.memory_space<vmem>>
    %dma_wait3A_239 = tpu.memref_squeeze %dma_wait3A_238 : memref<1x128xi32, #tpu.memory_space<vmem>> -> memref<128xi32, #tpu.memory_space<vmem>>
    %dma_wait3A_240 = arith.constant 0 : i32
    %dma_wait3A_241 = arith.constant 0 : i32
    %dma_wait3A_242 = tpu.memref_slice %arg16[%dma_wait3A_240, %dma_wait3A_241] : memref<10240x64xf32, #tpu.memory_space<vmem_shared>> -> memref<10240x64xf32, #tpu.memory_space<vmem_shared>>
    tpu.wait_indirect_dma semaphore(%arg30 : memref<!tpu.dma_semaphore, #tpu.memory_space<semaphore_mem>>) src(%arg13 : memref<128x64xf32, #tpu.memory_space<vmem>>) dst(%dma_wait3A_242 : memref<10240x64xf32, #tpu.memory_space<vmem_shared>>)
    %dma_wait3A_243 = arith.constant 78 : i32
    %dma_wait3A_244 = arith.constant 0 : i32
    %dma_wait3A_245 = tpu.memref_slice %arg7[%dma_wait3A_243, %dma_wait3A_244] : memref<80x128xi32, #tpu.memory_space<vmem>> -> memref<1x128xi32, #tpu.memory_space<vmem>>
    %dma_wait3A_246 = tpu.memref_squeeze %dma_wait3A_245 : memref<1x128xi32, #tpu.memory_space<vmem>> -> memref<128xi32, #tpu.memory_space<vmem>>
    %dma_wait3A_247 = arith.constant 0 : i32
    %dma_wait3A_248 = arith.constant 0 : i32
    %dma_wait3A_249 = tpu.memref_slice %arg16[%dma_wait3A_247, %dma_wait3A_248] : memref<10240x64xf32, #tpu.memory_space<vmem_shared>> -> memref<10240x64xf32, #tpu.memory_space<vmem_shared>>
    tpu.wait_indirect_dma semaphore(%arg31 : memref<!tpu.dma_semaphore, #tpu.memory_space<semaphore_mem>>) src(%arg14 : memref<128x64xf32, #tpu.memory_space<vmem>>) dst(%dma_wait3A_249 : memref<10240x64xf32, #tpu.memory_space<vmem_shared>>)
    %dma_wait3A_250 = arith.constant 79 : i32
    %dma_wait3A_251 = arith.constant 0 : i32
    %dma_wait3A_252 = tpu.memref_slice %arg7[%dma_wait3A_250, %dma_wait3A_251] : memref<80x128xi32, #tpu.memory_space<vmem>> -> memref<1x128xi32, #tpu.memory_space<vmem>>
    %dma_wait3A_253 = tpu.memref_squeeze %dma_wait3A_252 : memref<1x128xi32, #tpu.memory_space<vmem>> -> memref<128xi32, #tpu.memory_space<vmem>>
    %dma_wait3A_254 = arith.constant 0 : i32
    %dma_wait3A_255 = arith.constant 0 : i32
    %dma_wait3A_256 = tpu.memref_slice %arg16[%dma_wait3A_254, %dma_wait3A_255] : memref<10240x64xf32, #tpu.memory_space<vmem_shared>> -> memref<10240x64xf32, #tpu.memory_space<vmem_shared>>
    tpu.wait_indirect_dma semaphore(%arg32 : memref<!tpu.dma_semaphore, #tpu.memory_space<semaphore_mem>>) src(%arg15 : memref<128x64xf32, #tpu.memory_space<vmem>>) dst(%dma_wait3A_256 : memref<10240x64xf32, #tpu.memory_space<vmem_shared>>)
    %barrier3A_257 = arith.constant 0 : index
    tpu.barrier barrier_id(%barrier3A_257)
    %mul3A_258 = arith.constant 640 : i32
    %mul3A_259 = arith.muli %arg1, %mul3A_258 : i32
    %mul3A_260 = arith.constant 640 : i32
    %mul3A_261 = arith.muli %arg1, %mul3A_260 : i32
    "tpu.region"() ({
      %run_scoped3A = tpu.sem_alloc : memref<!tpu.dma_semaphore, #tpu.memory_space<semaphore_mem>>
      %dma_start3A_535 = arith.constant 0 : i32
      %dma_start3A_536 = tpu.memref_slice %arg5[%arg0, %mul3A_261, %dma_start3A_535] : memref<2x10240x128xf32, #tpu.memory_space<hbm>> -> memref<1x640x64xf32, #tpu.memory_space<hbm>>
      %dma_start3A_537 = tpu.memref_squeeze %dma_start3A_536 : memref<1x640x64xf32, #tpu.memory_space<hbm>> -> memref<640x64xf32, #tpu.memory_space<hbm>>
      %dma_start3A_538 = arith.constant 0 : i32
      %dma_start3A_539 = tpu.memref_slice %arg16[%mul3A_259, %dma_start3A_538] : memref<10240x64xf32, #tpu.memory_space<vmem_shared>> -> memref<640x64xf32, #tpu.memory_space<vmem_shared>>
      tpu.enqueue_dma source(%dma_start3A_539 : memref<640x64xf32, #tpu.memory_space<vmem_shared>>) target(%dma_start3A_537 : memref<640x64xf32, #tpu.memory_space<hbm>>) target_semaphore(%run_scoped3A : memref<!tpu.dma_semaphore, #tpu.memory_space<semaphore_mem>>)
      %dma_wait3A_540 = arith.constant 0 : i32
      %dma_wait3A_541 = tpu.memref_slice %arg5[%arg0, %mul3A_261, %dma_wait3A_540] : memref<2x10240x128xf32, #tpu.memory_space<hbm>> -> memref<1x640x64xf32, #tpu.memory_space<hbm>>
      %dma_wait3A_542 = tpu.memref_squeeze %dma_wait3A_541 : memref<1x640x64xf32, #tpu.memory_space<hbm>> -> memref<640x64xf32, #tpu.memory_space<hbm>>
      %dma_wait3A_543 = arith.constant 0 : i32
      %dma_wait3A_544 = tpu.memref_slice %arg16[%mul3A_259, %dma_wait3A_543] : memref<10240x64xf32, #tpu.memory_space<vmem_shared>> -> memref<640x64xf32, #tpu.memory_space<vmem_shared>>
      tpu.wait_dma2 semaphore(%run_scoped3A : memref<!tpu.dma_semaphore, #tpu.memory_space<semaphore_mem>>) src(%dma_wait3A_544 : memref<640x64xf32, #tpu.memory_space<vmem_shared>>) dst(%dma_wait3A_542 : memref<640x64xf32, #tpu.memory_space<hbm>>)
      tpu.yield
    }) : () -> ()
    %broadcast_in_dim3A_262 = arith.constant 1 : i32
    %broadcast_in_dim3A_263 = vector.broadcast %broadcast_in_dim3A_262 : i32 to vector<16xi32>
    %scan3A_264 = arith.constant 0 : i32
    %scan3A_265 = arith.constant 0 : i32
    %scan3A_266 = arith.constant 80 : i32
    %scan3A_267 = arith.addi %scan3A_265, %scan3A_266 : i32
    %scan3A_268 = arith.constant 1 : i32
    %scan3A_269 = scf.for %scan3A_535 = %scan3A_265 to %scan3A_267 step %scan3A_268 iter_args(%scan3A_536 = %scan3A_264) -> (i32)  : i32 {
      %get3A = arith.index_cast %scan3A_535 : i32 to index
      %get3A_537 = arith.constant 0 : index
      %get3A_538 = tpu.vector_load %arg6[%get3A, %get3A_537] {strides = array<i32>} : memref<80x128xi32, #tpu.memory_space<vmem>>, vector<1x16xi32>,
      %get3A_539 = vector.shape_cast %get3A_538 : vector<1x16xi32> to vector<16xi32>
      %add3A_540 = arith.addi %get3A_539, %broadcast_in_dim3A_263 : vector<16xi32>
      %swap3A = arith.index_cast %scan3A_535 : i32 to index
      %swap3A_541 = arith.constant 0 : index
      %swap3A_542 = tpu.vector_load %arg6[%swap3A, %swap3A_541] {strides = array<i32>} : memref<80x128xi32, #tpu.memory_space<vmem>>, vector<1x16xi32>,
      %swap3A_543 = vector.shape_cast %swap3A_542 : vector<1x16xi32> to vector<16xi32>
      %swap3A_544 = vector.shape_cast %add3A_540 : vector<16xi32> to vector<1x16xi32>
      tpu.vector_store %arg6[%swap3A, %swap3A_541], %swap3A_544 {strides = array<i32>} : memref<80x128xi32, #tpu.memory_space<vmem>>, vector<1x16xi32>,
      %get3A_545 = arith.index_cast %scan3A_535 : i32 to index
      %get3A_546 = arith.constant 16 : index
      %get3A_547 = tpu.vector_load %arg6[%get3A_545, %get3A_546] {strides = array<i32>} : memref<80x128xi32, #tpu.memory_space<vmem>>, vector<1x16xi32>,
      %get3A_548 = vector.shape_cast %get3A_547 : vector<1x16xi32> to vector<16xi32>
      %add3A_549 = arith.addi %get3A_548, %broadcast_in_dim3A_263 : vector<16xi32>
      %swap3A_550 = arith.index_cast %scan3A_535 : i32 to index
      %swap3A_551 = arith.constant 16 : index
      %swap3A_552 = tpu.vector_load %arg6[%swap3A_550, %swap3A_551] {strides = array<i32>} : memref<80x128xi32, #tpu.memory_space<vmem>>, vector<1x16xi32>,
      %swap3A_553 = vector.shape_cast %swap3A_552 : vector<1x16xi32> to vector<16xi32>
      %swap3A_554 = vector.shape_cast %add3A_549 : vector<16xi32> to vector<1x16xi32>
      tpu.vector_store %arg6[%swap3A_550, %swap3A_551], %swap3A_554 {strides = array<i32>} : memref<80x128xi32, #tpu.memory_space<vmem>>, vector<1x16xi32>,
      %get3A_555 = arith.index_cast %scan3A_535 : i32 to index
      %get3A_556 = arith.constant 32 : index
      %get3A_557 = tpu.vector_load %arg6[%get3A_555, %get3A_556] {strides = array<i32>} : memref<80x128xi32, #tpu.memory_space<vmem>>, vector<1x16xi32>,
      %get3A_558 = vector.shape_cast %get3A_557 : vector<1x16xi32> to vector<16xi32>
      %add3A_559 = arith.addi %get3A_558, %broadcast_in_dim3A_263 : vector<16xi32>
      %swap3A_560 = arith.index_cast %scan3A_535 : i32 to index
      %swap3A_561 = arith.constant 32 : index
      %swap3A_562 = tpu.vector_load %arg6[%swap3A_560, %swap3A_561] {strides = array<i32>} : memref<80x128xi32, #tpu.memory_space<vmem>>, vector<1x16xi32>,
      %swap3A_563 = vector.shape_cast %swap3A_562 : vector<1x16xi32> to vector<16xi32>
      %swap3A_564 = vector.shape_cast %add3A_559 : vector<16xi32> to vector<1x16xi32>
      tpu.vector_store %arg6[%swap3A_560, %swap3A_561], %swap3A_564 {strides = array<i32>} : memref<80x128xi32, #tpu.memory_space<vmem>>, vector<1x16xi32>,
      %get3A_565 = arith.index_cast %scan3A_535 : i32 to index
      %get3A_566 = arith.constant 48 : index
      %get3A_567 = tpu.vector_load %arg6[%get3A_565, %get3A_566] {strides = array<i32>} : memref<80x128xi32, #tpu.memory_space<vmem>>, vector<1x16xi32>,
      %get3A_568 = vector.shape_cast %get3A_567 : vector<1x16xi32> to vector<16xi32>
      %add3A_569 = arith.addi %get3A_568, %broadcast_in_dim3A_263 : vector<16xi32>
      %swap3A_570 = arith.index_cast %scan3A_535 : i32 to index
      %swap3A_571 = arith.constant 48 : index
      %swap3A_572 = tpu.vector_load %arg6[%swap3A_570, %swap3A_571] {strides = array<i32>} : memref<80x128xi32, #tpu.memory_space<vmem>>, vector<1x16xi32>,
      %swap3A_573 = vector.shape_cast %swap3A_572 : vector<1x16xi32> to vector<16xi32>
      %swap3A_574 = vector.shape_cast %add3A_569 : vector<16xi32> to vector<1x16xi32>
      tpu.vector_store %arg6[%swap3A_570, %swap3A_571], %swap3A_574 {strides = array<i32>} : memref<80x128xi32, #tpu.memory_space<vmem>>, vector<1x16xi32>,
      %get3A_575 = arith.index_cast %scan3A_535 : i32 to index
      %get3A_576 = arith.constant 64 : index
      %get3A_577 = tpu.vector_load %arg6[%get3A_575, %get3A_576] {strides = array<i32>} : memref<80x128xi32, #tpu.memory_space<vmem>>, vector<1x16xi32>,
      %get3A_578 = vector.shape_cast %get3A_577 : vector<1x16xi32> to vector<16xi32>
      %add3A_579 = arith.addi %get3A_578, %broadcast_in_dim3A_263 : vector<16xi32>
      %swap3A_580 = arith.index_cast %scan3A_535 : i32 to index
      %swap3A_581 = arith.constant 64 : index
      %swap3A_582 = tpu.vector_load %arg6[%swap3A_580, %swap3A_581] {strides = array<i32>} : memref<80x128xi32, #tpu.memory_space<vmem>>, vector<1x16xi32>,
      %swap3A_583 = vector.shape_cast %swap3A_582 : vector<1x16xi32> to vector<16xi32>
      %swap3A_584 = vector.shape_cast %add3A_579 : vector<16xi32> to vector<1x16xi32>
      tpu.vector_store %arg6[%swap3A_580, %swap3A_581], %swap3A_584 {strides = array<i32>} : memref<80x128xi32, #tpu.memory_space<vmem>>, vector<1x16xi32>,
      %get3A_585 = arith.index_cast %scan3A_535 : i32 to index
      %get3A_586 = arith.constant 80 : index
      %get3A_587 = tpu.vector_load %arg6[%get3A_585, %get3A_586] {strides = array<i32>} : memref<80x128xi32, #tpu.memory_space<vmem>>, vector<1x16xi32>,
      %get3A_588 = vector.shape_cast %get3A_587 : vector<1x16xi32> to vector<16xi32>
      %add3A_589 = arith.addi %get3A_588, %broadcast_in_dim3A_263 : vector<16xi32>
      %swap3A_590 = arith.index_cast %scan3A_535 : i32 to index
      %swap3A_591 = arith.constant 80 : index
      %swap3A_592 = tpu.vector_load %arg6[%swap3A_590, %swap3A_591] {strides = array<i32>} : memref<80x128xi32, #tpu.memory_space<vmem>>, vector<1x16xi32>,
      %swap3A_593 = vector.shape_cast %swap3A_592 : vector<1x16xi32> to vector<16xi32>
      %swap3A_594 = vector.shape_cast %add3A_589 : vector<16xi32> to vector<1x16xi32>
      tpu.vector_store %arg6[%swap3A_590, %swap3A_591], %swap3A_594 {strides = array<i32>} : memref<80x128xi32, #tpu.memory_space<vmem>>, vector<1x16xi32>,
      %get3A_595 = arith.index_cast %scan3A_535 : i32 to index
      %get3A_596 = arith.constant 96 : index
      %get3A_597 = tpu.vector_load %arg6[%get3A_595, %get3A_596] {strides = array<i32>} : memref<80x128xi32, #tpu.memory_space<vmem>>, vector<1x16xi32>,
      %get3A_598 = vector.shape_cast %get3A_597 : vector<1x16xi32> to vector<16xi32>
      %add3A_599 = arith.addi %get3A_598, %broadcast_in_dim3A_263 : vector<16xi32>
      %swap3A_600 = arith.index_cast %scan3A_535 : i32 to index
      %swap3A_601 = arith.constant 96 : index
      %swap3A_602 = tpu.vector_load %arg6[%swap3A_600, %swap3A_601] {strides = array<i32>} : memref<80x128xi32, #tpu.memory_space<vmem>>, vector<1x16xi32>,
      %swap3A_603 = vector.shape_cast %swap3A_602 : vector<1x16xi32> to vector<16xi32>
      %swap3A_604 = vector.shape_cast %add3A_599 : vector<16xi32> to vector<1x16xi32>
      tpu.vector_store %arg6[%swap3A_600, %swap3A_601], %swap3A_604 {strides = array<i32>} : memref<80x128xi32, #tpu.memory_space<vmem>>, vector<1x16xi32>,
      %get3A_605 = arith.index_cast %scan3A_535 : i32 to index
      %get3A_606 = arith.constant 112 : index
      %get3A_607 = tpu.vector_load %arg6[%get3A_605, %get3A_606] {strides = array<i32>} : memref<80x128xi32, #tpu.memory_space<vmem>>, vector<1x16xi32>,
      %get3A_608 = vector.shape_cast %get3A_607 : vector<1x16xi32> to vector<16xi32>
      %add3A_609 = arith.addi %get3A_608, %broadcast_in_dim3A_263 : vector<16xi32>
      %swap3A_610 = arith.index_cast %scan3A_535 : i32 to index
      %swap3A_611 = arith.constant 112 : index
      %swap3A_612 = tpu.vector_load %arg6[%swap3A_610, %swap3A_611] {strides = array<i32>} : memref<80x128xi32, #tpu.memory_space<vmem>>, vector<1x16xi32>,
      %swap3A_613 = vector.shape_cast %swap3A_612 : vector<1x16xi32> to vector<16xi32>
      %swap3A_614 = vector.shape_cast %add3A_609 : vector<16xi32> to vector<1x16xi32>
      tpu.vector_store %arg6[%swap3A_610, %swap3A_611], %swap3A_614 {strides = array<i32>} : memref<80x128xi32, #tpu.memory_space<vmem>>, vector<1x16xi32>,
      %scan3A_615 = arith.constant 0 : i32
      scf.yield %scan3A_615 : i32
    }
    %scan3A_270 = arith.constant 80 : i32
    %scan3A_271 = arith.constant 0 : i32
    %scan3A_272 = arith.constant 0 : i32
    %scan3A_273 = arith.constant 128 : i32
    %scan3A_274 = arith.addi %scan3A_272, %scan3A_273 : i32
    %scan3A_275 = arith.constant 1 : i32
    %scan3A_276 = scf.for %scan3A_535 = %scan3A_272 to %scan3A_274 step %scan3A_275 iter_args(%scan3A_536 = %scan3A_271) -> (i32)  : i32 {
      %swap3A = arith.index_cast %scan3A_535 : i32 to index
      %swap3A_537 = arith.constant 0 : index
      %swap3A_538 = tpu.vector_load %arg8[%swap3A, %swap3A_537] {strides = array<i32>} : memref<128x64xf32, #tpu.memory_space<vmem>>, vector<1x16xf32>,
      %swap3A_539 = vector.shape_cast %swap3A_538 : vector<1x16xf32> to vector<16xf32>
      %swap3A_540 = vector.shape_cast %broadcast_in_dim3A_1 : vector<16xf32> to vector<1x16xf32>
      tpu.vector_store %arg8[%swap3A, %swap3A_537], %swap3A_540 {strides = array<i32>} : memref<128x64xf32, #tpu.memory_space<vmem>>, vector<1x16xf32>,
      %swap3A_541 = arith.index_cast %scan3A_535 : i32 to index
      %swap3A_542 = arith.constant 16 : index
      %swap3A_543 = tpu.vector_load %arg8[%swap3A_541, %swap3A_542] {strides = array<i32>} : memref<128x64xf32, #tpu.memory_space<vmem>>, vector<1x16xf32>,
      %swap3A_544 = vector.shape_cast %swap3A_543 : vector<1x16xf32> to vector<16xf32>
      %swap3A_545 = vector.shape_cast %broadcast_in_dim3A_1 : vector<16xf32> to vector<1x16xf32>
      tpu.vector_store %arg8[%swap3A_541, %swap3A_542], %swap3A_545 {strides = array<i32>} : memref<128x64xf32, #tpu.memory_space<vmem>>, vector<1x16xf32>,
      %swap3A_546 = arith.index_cast %scan3A_535 : i32 to index
      %swap3A_547 = arith.constant 32 : index
      %swap3A_548 = tpu.vector_load %arg8[%swap3A_546, %swap3A_547] {strides = array<i32>} : memref<128x64xf32, #tpu.memory_space<vmem>>, vector<1x16xf32>,
      %swap3A_549 = vector.shape_cast %swap3A_548 : vector<1x16xf32> to vector<16xf32>
      %swap3A_550 = vector.shape_cast %broadcast_in_dim3A_1 : vector<16xf32> to vector<1x16xf32>
      tpu.vector_store %arg8[%swap3A_546, %swap3A_547], %swap3A_550 {strides = array<i32>} : memref<128x64xf32, #tpu.memory_space<vmem>>, vector<1x16xf32>,
      %swap3A_551 = arith.index_cast %scan3A_535 : i32 to index
      %swap3A_552 = arith.constant 48 : index
      %swap3A_553 = tpu.vector_load %arg8[%swap3A_551, %swap3A_552] {strides = array<i32>} : memref<128x64xf32, #tpu.memory_space<vmem>>, vector<1x16xf32>,
      %swap3A_554 = vector.shape_cast %swap3A_553 : vector<1x16xf32> to vector<16xf32>
      %swap3A_555 = vector.shape_cast %broadcast_in_dim3A_1 : vector<16xf32> to vector<1x16xf32>
      tpu.vector_store %arg8[%swap3A_551, %swap3A_552], %swap3A_555 {strides = array<i32>} : memref<128x64xf32, #tpu.memory_space<vmem>>, vector<1x16xf32>,
      %scan3A_556 = arith.constant 0 : i32
      scf.yield %scan3A_556 : i32
    }
    %scan3A_277 = arith.constant 128 : i32
    %mul3A_278 = arith.constant 640 : i32
    %mul3A_279 = arith.muli %arg1, %mul3A_278 : i32
    %add3A_280 = arith.constant 0 : i32
    %add3A_281 = arith.addi %mul3A_279, %add3A_280 : i32
    "tpu.region"() ({
      %run_scoped3A = tpu.sem_alloc : memref<!tpu.dma_semaphore, #tpu.memory_space<semaphore_mem>>
      %dma_start3A_535 = arith.constant 0 : i32
      %dma_start3A_536 = tpu.memref_slice %arg16[%add3A_281, %dma_start3A_535] : memref<10240x64xf32, #tpu.memory_space<vmem_shared>> -> memref<128x64xf32, #tpu.memory_space<vmem_shared>>
      %dma_start3A_537 = arith.constant 0 : i32
      %dma_start3A_538 = tpu.memref_slice %arg16[%add3A_281, %dma_start3A_537] : memref<10240x64xf32, #tpu.memory_space<vmem_shared>> -> memref<128x64xf32, #tpu.memory_space<vmem_shared>>
      tpu.enqueue_dma source(%arg8 : memref<128x64xf32, #tpu.memory_space<vmem>>) target(%dma_start3A_538 : memref<128x64xf32, #tpu.memory_space<vmem_shared>>) target_semaphore(%run_scoped3A : memref<!tpu.dma_semaphore, #tpu.memory_space<semaphore_mem>>)
      %dma_wait3A_539 = arith.constant 0 : i32
      %dma_wait3A_540 = tpu.memref_slice %arg16[%add3A_281, %dma_wait3A_539] : memref<10240x64xf32, #tpu.memory_space<vmem_shared>> -> memref<128x64xf32, #tpu.memory_space<vmem_shared>>
      %dma_wait3A_541 = arith.constant 0 : i32
      %dma_wait3A_542 = tpu.memref_slice %arg16[%add3A_281, %dma_wait3A_541] : memref<10240x64xf32, #tpu.memory_space<vmem_shared>> -> memref<128x64xf32, #tpu.memory_space<vmem_shared>>
      tpu.wait_dma2 semaphore(%run_scoped3A : memref<!tpu.dma_semaphore, #tpu.memory_space<semaphore_mem>>) src(%arg8 : memref<128x64xf32, #tpu.memory_space<vmem>>) dst(%dma_wait3A_542 : memref<128x64xf32, #tpu.memory_space<vmem_shared>>)
      tpu.yield
    }) : () -> ()
    %mul3A_282 = arith.constant 640 : i32
    %mul3A_283 = arith.muli %arg1, %mul3A_282 : i32
    %add3A_284 = arith.constant 128 : i32
    %add3A_285 = arith.addi %mul3A_283, %add3A_284 : i32
    "tpu.region"() ({
      %run_scoped3A = tpu.sem_alloc : memref<!tpu.dma_semaphore, #tpu.memory_space<semaphore_mem>>
      %dma_start3A_535 = arith.constant 0 : i32
      %dma_start3A_536 = tpu.memref_slice %arg16[%add3A_285, %dma_start3A_535] : memref<10240x64xf32, #tpu.memory_space<vmem_shared>> -> memref<128x64xf32, #tpu.memory_space<vmem_shared>>
      %dma_start3A_537 = arith.constant 0 : i32
      %dma_start3A_538 = tpu.memref_slice %arg16[%add3A_285, %dma_start3A_537] : memref<10240x64xf32, #tpu.memory_space<vmem_shared>> -> memref<128x64xf32, #tpu.memory_space<vmem_shared>>
      tpu.enqueue_dma source(%arg8 : memref<128x64xf32, #tpu.memory_space<vmem>>) target(%dma_start3A_538 : memref<128x64xf32, #tpu.memory_space<vmem_shared>>) target_semaphore(%run_scoped3A : memref<!tpu.dma_semaphore, #tpu.memory_space<semaphore_mem>>)
      %dma_wait3A_539 = arith.constant 0 : i32
      %dma_wait3A_540 = tpu.memref_slice %arg16[%add3A_285, %dma_wait3A_539] : memref<10240x64xf32, #tpu.memory_space<vmem_shared>> -> memref<128x64xf32, #tpu.memory_space<vmem_shared>>
      %dma_wait3A_541 = arith.constant 0 : i32
      %dma_wait3A_542 = tpu.memref_slice %arg16[%add3A_285, %dma_wait3A_541] : memref<10240x64xf32, #tpu.memory_space<vmem_shared>> -> memref<128x64xf32, #tpu.memory_space<vmem_shared>>
      tpu.wait_dma2 semaphore(%run_scoped3A : memref<!tpu.dma_semaphore, #tpu.memory_space<semaphore_mem>>) src(%arg8 : memref<128x64xf32, #tpu.memory_space<vmem>>) dst(%dma_wait3A_542 : memref<128x64xf32, #tpu.memory_space<vmem_shared>>)
      tpu.yield
    }) : () -> ()
    %mul3A_286 = arith.constant 640 : i32
    %mul3A_287 = arith.muli %arg1, %mul3A_286 : i32
    %add3A_288 = arith.constant 256 : i32
    %add3A_289 = arith.addi %mul3A_287, %add3A_288 : i32
    "tpu.region"() ({
      %run_scoped3A = tpu.sem_alloc : memref<!tpu.dma_semaphore, #tpu.memory_space<semaphore_mem>>
      %dma_start3A_535 = arith.constant 0 : i32
      %dma_start3A_536 = tpu.memref_slice %arg16[%add3A_289, %dma_start3A_535] : memref<10240x64xf32, #tpu.memory_space<vmem_shared>> -> memref<128x64xf32, #tpu.memory_space<vmem_shared>>
      %dma_start3A_537 = arith.constant 0 : i32
      %dma_start3A_538 = tpu.memref_slice %arg16[%add3A_289, %dma_start3A_537] : memref<10240x64xf32, #tpu.memory_space<vmem_shared>> -> memref<128x64xf32, #tpu.memory_space<vmem_shared>>
      tpu.enqueue_dma source(%arg8 : memref<128x64xf32, #tpu.memory_space<vmem>>) target(%dma_start3A_538 : memref<128x64xf32, #tpu.memory_space<vmem_shared>>) target_semaphore(%run_scoped3A : memref<!tpu.dma_semaphore, #tpu.memory_space<semaphore_mem>>)
      %dma_wait3A_539 = arith.constant 0 : i32
      %dma_wait3A_540 = tpu.memref_slice %arg16[%add3A_289, %dma_wait3A_539] : memref<10240x64xf32, #tpu.memory_space<vmem_shared>> -> memref<128x64xf32, #tpu.memory_space<vmem_shared>>
      %dma_wait3A_541 = arith.constant 0 : i32
      %dma_wait3A_542 = tpu.memref_slice %arg16[%add3A_289, %dma_wait3A_541] : memref<10240x64xf32, #tpu.memory_space<vmem_shared>> -> memref<128x64xf32, #tpu.memory_space<vmem_shared>>
      tpu.wait_dma2 semaphore(%run_scoped3A : memref<!tpu.dma_semaphore, #tpu.memory_space<semaphore_mem>>) src(%arg8 : memref<128x64xf32, #tpu.memory_space<vmem>>) dst(%dma_wait3A_542 : memref<128x64xf32, #tpu.memory_space<vmem_shared>>)
      tpu.yield
    }) : () -> ()
    %mul3A_290 = arith.constant 640 : i32
    %mul3A_291 = arith.muli %arg1, %mul3A_290 : i32
    %add3A_292 = arith.constant 384 : i32
    %add3A_293 = arith.addi %mul3A_291, %add3A_292 : i32
    "tpu.region"() ({
      %run_scoped3A = tpu.sem_alloc : memref<!tpu.dma_semaphore, #tpu.memory_space<semaphore_mem>>
      %dma_start3A_535 = arith.constant 0 : i32
      %dma_start3A_536 = tpu.memref_slice %arg16[%add3A_293, %dma_start3A_535] : memref<10240x64xf32, #tpu.memory_space<vmem_shared>> -> memref<128x64xf32, #tpu.memory_space<vmem_shared>>
      %dma_start3A_537 = arith.constant 0 : i32
      %dma_start3A_538 = tpu.memref_slice %arg16[%add3A_293, %dma_start3A_537] : memref<10240x64xf32, #tpu.memory_space<vmem_shared>> -> memref<128x64xf32, #tpu.memory_space<vmem_shared>>
      tpu.enqueue_dma source(%arg8 : memref<128x64xf32, #tpu.memory_space<vmem>>) target(%dma_start3A_538 : memref<128x64xf32, #tpu.memory_space<vmem_shared>>) target_semaphore(%run_scoped3A : memref<!tpu.dma_semaphore, #tpu.memory_space<semaphore_mem>>)
      %dma_wait3A_539 = arith.constant 0 : i32
      %dma_wait3A_540 = tpu.memref_slice %arg16[%add3A_293, %dma_wait3A_539] : memref<10240x64xf32, #tpu.memory_space<vmem_shared>> -> memref<128x64xf32, #tpu.memory_space<vmem_shared>>
      %dma_wait3A_541 = arith.constant 0 : i32
      %dma_wait3A_542 = tpu.memref_slice %arg16[%add3A_293, %dma_wait3A_541] : memref<10240x64xf32, #tpu.memory_space<vmem_shared>> -> memref<128x64xf32, #tpu.memory_space<vmem_shared>>
      tpu.wait_dma2 semaphore(%run_scoped3A : memref<!tpu.dma_semaphore, #tpu.memory_space<semaphore_mem>>) src(%arg8 : memref<128x64xf32, #tpu.memory_space<vmem>>) dst(%dma_wait3A_542 : memref<128x64xf32, #tpu.memory_space<vmem_shared>>)
      tpu.yield
    }) : () -> ()
    %mul3A_294 = arith.constant 640 : i32
    %mul3A_295 = arith.muli %arg1, %mul3A_294 : i32
    %add3A_296 = arith.constant 512 : i32
    %add3A_297 = arith.addi %mul3A_295, %add3A_296 : i32
    "tpu.region"() ({
      %run_scoped3A = tpu.sem_alloc : memref<!tpu.dma_semaphore, #tpu.memory_space<semaphore_mem>>
      %dma_start3A_535 = arith.constant 0 : i32
      %dma_start3A_536 = tpu.memref_slice %arg16[%add3A_297, %dma_start3A_535] : memref<10240x64xf32, #tpu.memory_space<vmem_shared>> -> memref<128x64xf32, #tpu.memory_space<vmem_shared>>
      %dma_start3A_537 = arith.constant 0 : i32
      %dma_start3A_538 = tpu.memref_slice %arg16[%add3A_297, %dma_start3A_537] : memref<10240x64xf32, #tpu.memory_space<vmem_shared>> -> memref<128x64xf32, #tpu.memory_space<vmem_shared>>
      tpu.enqueue_dma source(%arg8 : memref<128x64xf32, #tpu.memory_space<vmem>>) target(%dma_start3A_538 : memref<128x64xf32, #tpu.memory_space<vmem_shared>>) target_semaphore(%run_scoped3A : memref<!tpu.dma_semaphore, #tpu.memory_space<semaphore_mem>>)
      %dma_wait3A_539 = arith.constant 0 : i32
      %dma_wait3A_540 = tpu.memref_slice %arg16[%add3A_297, %dma_wait3A_539] : memref<10240x64xf32, #tpu.memory_space<vmem_shared>> -> memref<128x64xf32, #tpu.memory_space<vmem_shared>>
      %dma_wait3A_541 = arith.constant 0 : i32
      %dma_wait3A_542 = tpu.memref_slice %arg16[%add3A_297, %dma_wait3A_541] : memref<10240x64xf32, #tpu.memory_space<vmem_shared>> -> memref<128x64xf32, #tpu.memory_space<vmem_shared>>
      tpu.wait_dma2 semaphore(%run_scoped3A : memref<!tpu.dma_semaphore, #tpu.memory_space<semaphore_mem>>) src(%arg8 : memref<128x64xf32, #tpu.memory_space<vmem>>) dst(%dma_wait3A_542 : memref<128x64xf32, #tpu.memory_space<vmem_shared>>)
      tpu.yield
    }) : () -> ()
    %barrier3A_298 = arith.constant 0 : index
    tpu.barrier barrier_id(%barrier3A_298)
    %dma_start3A_299 = arith.constant 0 : i32
    %dma_start3A_300 = arith.constant 0 : i32
    %dma_start3A_301 = tpu.memref_slice %arg6[%dma_start3A_299, %dma_start3A_300] : memref<80x128xi32, #tpu.memory_space<vmem>> -> memref<1x128xi32, #tpu.memory_space<vmem>>
    %dma_start3A_302 = tpu.memref_squeeze %dma_start3A_301 : memref<1x128xi32, #tpu.memory_space<vmem>> -> memref<128xi32, #tpu.memory_space<vmem>>
    %dma_start3A_303 = arith.constant 0 : i32
    %dma_start3A_304 = arith.constant 0 : i32
    %dma_start3A_305 = tpu.memref_slice %arg2[%dma_start3A_303, %dma_start3A_304] : memref<20000x64xf32, #tpu.memory_space<hbm>> -> memref<20000x64xf32, #tpu.memory_space<hbm>>
    tpu.enqueue_indirect_dma source(%dma_start3A_305 : memref<20000x64xf32, #tpu.memory_space<hbm>>) target(%arg8 : memref<128x64xf32, #tpu.memory_space<vmem>>) offsets(%dma_start3A_302 : memref<128xi32, #tpu.memory_space<vmem>>) semaphore(%arg17 : memref<!tpu.dma_semaphore, #tpu.memory_space<semaphore_mem>>)
    %dma_start3A_306 = arith.constant 1 : i32
    %dma_start3A_307 = arith.constant 0 : i32
    %dma_start3A_308 = tpu.memref_slice %arg6[%dma_start3A_306, %dma_start3A_307] : memref<80x128xi32, #tpu.memory_space<vmem>> -> memref<1x128xi32, #tpu.memory_space<vmem>>
    %dma_start3A_309 = tpu.memref_squeeze %dma_start3A_308 : memref<1x128xi32, #tpu.memory_space<vmem>> -> memref<128xi32, #tpu.memory_space<vmem>>
    %dma_start3A_310 = arith.constant 0 : i32
    %dma_start3A_311 = arith.constant 0 : i32
    %dma_start3A_312 = tpu.memref_slice %arg2[%dma_start3A_310, %dma_start3A_311] : memref<20000x64xf32, #tpu.memory_space<hbm>> -> memref<20000x64xf32, #tpu.memory_space<hbm>>
    tpu.enqueue_indirect_dma source(%dma_start3A_312 : memref<20000x64xf32, #tpu.memory_space<hbm>>) target(%arg9 : memref<128x64xf32, #tpu.memory_space<vmem>>) offsets(%dma_start3A_309 : memref<128xi32, #tpu.memory_space<vmem>>) semaphore(%arg18 : memref<!tpu.dma_semaphore, #tpu.memory_space<semaphore_mem>>)
    %dma_start3A_313 = arith.constant 2 : i32
    %dma_start3A_314 = arith.constant 0 : i32
    %dma_start3A_315 = tpu.memref_slice %arg6[%dma_start3A_313, %dma_start3A_314] : memref<80x128xi32, #tpu.memory_space<vmem>> -> memref<1x128xi32, #tpu.memory_space<vmem>>
    %dma_start3A_316 = tpu.memref_squeeze %dma_start3A_315 : memref<1x128xi32, #tpu.memory_space<vmem>> -> memref<128xi32, #tpu.memory_space<vmem>>
    %dma_start3A_317 = arith.constant 0 : i32
    %dma_start3A_318 = arith.constant 0 : i32
    %dma_start3A_319 = tpu.memref_slice %arg2[%dma_start3A_317, %dma_start3A_318] : memref<20000x64xf32, #tpu.memory_space<hbm>> -> memref<20000x64xf32, #tpu.memory_space<hbm>>
    tpu.enqueue_indirect_dma source(%dma_start3A_319 : memref<20000x64xf32, #tpu.memory_space<hbm>>) target(%arg10 : memref<128x64xf32, #tpu.memory_space<vmem>>) offsets(%dma_start3A_316 : memref<128xi32, #tpu.memory_space<vmem>>) semaphore(%arg19 : memref<!tpu.dma_semaphore, #tpu.memory_space<semaphore_mem>>)
    %dma_start3A_320 = arith.constant 3 : i32
    %dma_start3A_321 = arith.constant 0 : i32
    %dma_start3A_322 = tpu.memref_slice %arg6[%dma_start3A_320, %dma_start3A_321] : memref<80x128xi32, #tpu.memory_space<vmem>> -> memref<1x128xi32, #tpu.memory_space<vmem>>
    %dma_start3A_323 = tpu.memref_squeeze %dma_start3A_322 : memref<1x128xi32, #tpu.memory_space<vmem>> -> memref<128xi32, #tpu.memory_space<vmem>>
    %dma_start3A_324 = arith.constant 0 : i32
    %dma_start3A_325 = arith.constant 0 : i32
    %dma_start3A_326 = tpu.memref_slice %arg2[%dma_start3A_324, %dma_start3A_325] : memref<20000x64xf32, #tpu.memory_space<hbm>> -> memref<20000x64xf32, #tpu.memory_space<hbm>>
    tpu.enqueue_indirect_dma source(%dma_start3A_326 : memref<20000x64xf32, #tpu.memory_space<hbm>>) target(%arg11 : memref<128x64xf32, #tpu.memory_space<vmem>>) offsets(%dma_start3A_323 : memref<128xi32, #tpu.memory_space<vmem>>) semaphore(%arg20 : memref<!tpu.dma_semaphore, #tpu.memory_space<semaphore_mem>>)
    %dma_start3A_327 = arith.constant 4 : i32
    %dma_start3A_328 = arith.constant 0 : i32
    %dma_start3A_329 = tpu.memref_slice %arg6[%dma_start3A_327, %dma_start3A_328] : memref<80x128xi32, #tpu.memory_space<vmem>> -> memref<1x128xi32, #tpu.memory_space<vmem>>
    %dma_start3A_330 = tpu.memref_squeeze %dma_start3A_329 : memref<1x128xi32, #tpu.memory_space<vmem>> -> memref<128xi32, #tpu.memory_space<vmem>>
    %dma_start3A_331 = arith.constant 0 : i32
    %dma_start3A_332 = arith.constant 0 : i32
    %dma_start3A_333 = tpu.memref_slice %arg2[%dma_start3A_331, %dma_start3A_332] : memref<20000x64xf32, #tpu.memory_space<hbm>> -> memref<20000x64xf32, #tpu.memory_space<hbm>>
    tpu.enqueue_indirect_dma source(%dma_start3A_333 : memref<20000x64xf32, #tpu.memory_space<hbm>>) target(%arg12 : memref<128x64xf32, #tpu.memory_space<vmem>>) offsets(%dma_start3A_330 : memref<128xi32, #tpu.memory_space<vmem>>) semaphore(%arg21 : memref<!tpu.dma_semaphore, #tpu.memory_space<semaphore_mem>>)
    %dma_start3A_334 = arith.constant 5 : i32
    %dma_start3A_335 = arith.constant 0 : i32
    %dma_start3A_336 = tpu.memref_slice %arg6[%dma_start3A_334, %dma_start3A_335] : memref<80x128xi32, #tpu.memory_space<vmem>> -> memref<1x128xi32, #tpu.memory_space<vmem>>
    %dma_start3A_337 = tpu.memref_squeeze %dma_start3A_336 : memref<1x128xi32, #tpu.memory_space<vmem>> -> memref<128xi32, #tpu.memory_space<vmem>>
    %dma_start3A_338 = arith.constant 0 : i32
    %dma_start3A_339 = arith.constant 0 : i32
    %dma_start3A_340 = tpu.memref_slice %arg2[%dma_start3A_338, %dma_start3A_339] : memref<20000x64xf32, #tpu.memory_space<hbm>> -> memref<20000x64xf32, #tpu.memory_space<hbm>>
    tpu.enqueue_indirect_dma source(%dma_start3A_340 : memref<20000x64xf32, #tpu.memory_space<hbm>>) target(%arg13 : memref<128x64xf32, #tpu.memory_space<vmem>>) offsets(%dma_start3A_337 : memref<128xi32, #tpu.memory_space<vmem>>) semaphore(%arg22 : memref<!tpu.dma_semaphore, #tpu.memory_space<semaphore_mem>>)
    %dma_start3A_341 = arith.constant 6 : i32
    %dma_start3A_342 = arith.constant 0 : i32
    %dma_start3A_343 = tpu.memref_slice %arg6[%dma_start3A_341, %dma_start3A_342] : memref<80x128xi32, #tpu.memory_space<vmem>> -> memref<1x128xi32, #tpu.memory_space<vmem>>
    %dma_start3A_344 = tpu.memref_squeeze %dma_start3A_343 : memref<1x128xi32, #tpu.memory_space<vmem>> -> memref<128xi32, #tpu.memory_space<vmem>>
    %dma_start3A_345 = arith.constant 0 : i32
    %dma_start3A_346 = arith.constant 0 : i32
    %dma_start3A_347 = tpu.memref_slice %arg2[%dma_start3A_345, %dma_start3A_346] : memref<20000x64xf32, #tpu.memory_space<hbm>> -> memref<20000x64xf32, #tpu.memory_space<hbm>>
    tpu.enqueue_indirect_dma source(%dma_start3A_347 : memref<20000x64xf32, #tpu.memory_space<hbm>>) target(%arg14 : memref<128x64xf32, #tpu.memory_space<vmem>>) offsets(%dma_start3A_344 : memref<128xi32, #tpu.memory_space<vmem>>) semaphore(%arg23 : memref<!tpu.dma_semaphore, #tpu.memory_space<semaphore_mem>>)
    %dma_start3A_348 = arith.constant 7 : i32
    %dma_start3A_349 = arith.constant 0 : i32
    %dma_start3A_350 = tpu.memref_slice %arg6[%dma_start3A_348, %dma_start3A_349] : memref<80x128xi32, #tpu.memory_space<vmem>> -> memref<1x128xi32, #tpu.memory_space<vmem>>
    %dma_start3A_351 = tpu.memref_squeeze %dma_start3A_350 : memref<1x128xi32, #tpu.memory_space<vmem>> -> memref<128xi32, #tpu.memory_space<vmem>>
    %dma_start3A_352 = arith.constant 0 : i32
    %dma_start3A_353 = arith.constant 0 : i32
    %dma_start3A_354 = tpu.memref_slice %arg2[%dma_start3A_352, %dma_start3A_353] : memref<20000x64xf32, #tpu.memory_space<hbm>> -> memref<20000x64xf32, #tpu.memory_space<hbm>>
    tpu.enqueue_indirect_dma source(%dma_start3A_354 : memref<20000x64xf32, #tpu.memory_space<hbm>>) target(%arg15 : memref<128x64xf32, #tpu.memory_space<vmem>>) offsets(%dma_start3A_351 : memref<128xi32, #tpu.memory_space<vmem>>) semaphore(%arg24 : memref<!tpu.dma_semaphore, #tpu.memory_space<semaphore_mem>>)
    %scan3A_355 = arith.constant 0 : i32
    %scan3A_356 = arith.constant 0 : i32
    %scan3A_357 = arith.constant 9 : i32
    %scan3A_358 = arith.addi %scan3A_356, %scan3A_357 : i32
    %scan3A_359 = arith.constant 1 : i32
    %scan3A_360 = scf.for %scan3A_535 = %scan3A_356 to %scan3A_358 step %scan3A_359 iter_args(%scan3A_536 = %scan3A_355) -> (i32)  : i32 {
      %mul3A_537 = arith.constant 8 : i32
      %mul3A_538 = arith.muli %scan3A_535, %mul3A_537 : i32
      %add3A_539 = arith.constant 0 : i32
      %add3A_540 = arith.addi %mul3A_538, %add3A_539 : i32
      %dma_wait3A_541 = arith.constant 0 : i32
      %dma_wait3A_542 = tpu.memref_slice %arg6[%add3A_540, %dma_wait3A_541] : memref<80x128xi32, #tpu.memory_space<vmem>> -> memref<1x128xi32, #tpu.memory_space<vmem>>
      %dma_wait3A_543 = tpu.memref_squeeze %dma_wait3A_542 : memref<1x128xi32, #tpu.memory_space<vmem>> -> memref<128xi32, #tpu.memory_space<vmem>>
      %dma_wait3A_544 = arith.constant 0 : i32
      %dma_wait3A_545 = arith.constant 0 : i32
      %dma_wait3A_546 = tpu.memref_slice %arg2[%dma_wait3A_544, %dma_wait3A_545] : memref<20000x64xf32, #tpu.memory_space<hbm>> -> memref<20000x64xf32, #tpu.memory_space<hbm>>
      tpu.wait_indirect_dma semaphore(%arg17 : memref<!tpu.dma_semaphore, #tpu.memory_space<semaphore_mem>>) src(%dma_wait3A_546 : memref<20000x64xf32, #tpu.memory_space<hbm>>) dst(%arg8 : memref<128x64xf32, #tpu.memory_space<vmem>>)
      %dma_start3A_547 = arith.constant 0 : i32
      %dma_start3A_548 = tpu.memref_slice %arg7[%add3A_540, %dma_start3A_547] : memref<80x128xi32, #tpu.memory_space<vmem>> -> memref<1x128xi32, #tpu.memory_space<vmem>>
      %dma_start3A_549 = tpu.memref_squeeze %dma_start3A_548 : memref<1x128xi32, #tpu.memory_space<vmem>> -> memref<128xi32, #tpu.memory_space<vmem>>
      %dma_start3A_550 = arith.constant 0 : i32
      %dma_start3A_551 = arith.constant 0 : i32
      %dma_start3A_552 = tpu.memref_slice %arg16[%dma_start3A_550, %dma_start3A_551] : memref<10240x64xf32, #tpu.memory_space<vmem_shared>> -> memref<10240x64xf32, #tpu.memory_space<vmem_shared>>
      tpu.enqueue_indirect_dma source(%arg8 : memref<128x64xf32, #tpu.memory_space<vmem>>) target(%dma_start3A_552 : memref<10240x64xf32, #tpu.memory_space<vmem_shared>>) offsets(%dma_start3A_549 : memref<128xi32, #tpu.memory_space<vmem>>) semaphore(%arg25 : memref<!tpu.dma_semaphore, #tpu.memory_space<semaphore_mem>>) {add = true}
      %mul3A_553 = arith.constant 8 : i32
      %mul3A_554 = arith.muli %scan3A_535, %mul3A_553 : i32
      %add3A_555 = arith.constant 1 : i32
      %add3A_556 = arith.addi %mul3A_554, %add3A_555 : i32
      %dma_wait3A_557 = arith.constant 0 : i32
      %dma_wait3A_558 = tpu.memref_slice %arg6[%add3A_556, %dma_wait3A_557] : memref<80x128xi32, #tpu.memory_space<vmem>> -> memref<1x128xi32, #tpu.memory_space<vmem>>
      %dma_wait3A_559 = tpu.memref_squeeze %dma_wait3A_558 : memref<1x128xi32, #tpu.memory_space<vmem>> -> memref<128xi32, #tpu.memory_space<vmem>>
      %dma_wait3A_560 = arith.constant 0 : i32
      %dma_wait3A_561 = arith.constant 0 : i32
      %dma_wait3A_562 = tpu.memref_slice %arg2[%dma_wait3A_560, %dma_wait3A_561] : memref<20000x64xf32, #tpu.memory_space<hbm>> -> memref<20000x64xf32, #tpu.memory_space<hbm>>
      tpu.wait_indirect_dma semaphore(%arg18 : memref<!tpu.dma_semaphore, #tpu.memory_space<semaphore_mem>>) src(%dma_wait3A_562 : memref<20000x64xf32, #tpu.memory_space<hbm>>) dst(%arg9 : memref<128x64xf32, #tpu.memory_space<vmem>>)
      %dma_start3A_563 = arith.constant 0 : i32
      %dma_start3A_564 = tpu.memref_slice %arg7[%add3A_556, %dma_start3A_563] : memref<80x128xi32, #tpu.memory_space<vmem>> -> memref<1x128xi32, #tpu.memory_space<vmem>>
      %dma_start3A_565 = tpu.memref_squeeze %dma_start3A_564 : memref<1x128xi32, #tpu.memory_space<vmem>> -> memref<128xi32, #tpu.memory_space<vmem>>
      %dma_start3A_566 = arith.constant 0 : i32
      %dma_start3A_567 = arith.constant 0 : i32
      %dma_start3A_568 = tpu.memref_slice %arg16[%dma_start3A_566, %dma_start3A_567] : memref<10240x64xf32, #tpu.memory_space<vmem_shared>> -> memref<10240x64xf32, #tpu.memory_space<vmem_shared>>
      tpu.enqueue_indirect_dma source(%arg9 : memref<128x64xf32, #tpu.memory_space<vmem>>) target(%dma_start3A_568 : memref<10240x64xf32, #tpu.memory_space<vmem_shared>>) offsets(%dma_start3A_565 : memref<128xi32, #tpu.memory_space<vmem>>) semaphore(%arg26 : memref<!tpu.dma_semaphore, #tpu.memory_space<semaphore_mem>>) {add = true}
      %mul3A_569 = arith.constant 8 : i32
      %mul3A_570 = arith.muli %scan3A_535, %mul3A_569 : i32
      %add3A_571 = arith.constant 2 : i32
      %add3A_572 = arith.addi %mul3A_570, %add3A_571 : i32
      %dma_wait3A_573 = arith.constant 0 : i32
      %dma_wait3A_574 = tpu.memref_slice %arg6[%add3A_572, %dma_wait3A_573] : memref<80x128xi32, #tpu.memory_space<vmem>> -> memref<1x128xi32, #tpu.memory_space<vmem>>
      %dma_wait3A_575 = tpu.memref_squeeze %dma_wait3A_574 : memref<1x128xi32, #tpu.memory_space<vmem>> -> memref<128xi32, #tpu.memory_space<vmem>>
      %dma_wait3A_576 = arith.constant 0 : i32
      %dma_wait3A_577 = arith.constant 0 : i32
      %dma_wait3A_578 = tpu.memref_slice %arg2[%dma_wait3A_576, %dma_wait3A_577] : memref<20000x64xf32, #tpu.memory_space<hbm>> -> memref<20000x64xf32, #tpu.memory_space<hbm>>
      tpu.wait_indirect_dma semaphore(%arg19 : memref<!tpu.dma_semaphore, #tpu.memory_space<semaphore_mem>>) src(%dma_wait3A_578 : memref<20000x64xf32, #tpu.memory_space<hbm>>) dst(%arg10 : memref<128x64xf32, #tpu.memory_space<vmem>>)
      %dma_start3A_579 = arith.constant 0 : i32
      %dma_start3A_580 = tpu.memref_slice %arg7[%add3A_572, %dma_start3A_579] : memref<80x128xi32, #tpu.memory_space<vmem>> -> memref<1x128xi32, #tpu.memory_space<vmem>>
      %dma_start3A_581 = tpu.memref_squeeze %dma_start3A_580 : memref<1x128xi32, #tpu.memory_space<vmem>> -> memref<128xi32, #tpu.memory_space<vmem>>
      %dma_start3A_582 = arith.constant 0 : i32
      %dma_start3A_583 = arith.constant 0 : i32
      %dma_start3A_584 = tpu.memref_slice %arg16[%dma_start3A_582, %dma_start3A_583] : memref<10240x64xf32, #tpu.memory_space<vmem_shared>> -> memref<10240x64xf32, #tpu.memory_space<vmem_shared>>
      tpu.enqueue_indirect_dma source(%arg10 : memref<128x64xf32, #tpu.memory_space<vmem>>) target(%dma_start3A_584 : memref<10240x64xf32, #tpu.memory_space<vmem_shared>>) offsets(%dma_start3A_581 : memref<128xi32, #tpu.memory_space<vmem>>) semaphore(%arg27 : memref<!tpu.dma_semaphore, #tpu.memory_space<semaphore_mem>>) {add = true}
      %mul3A_585 = arith.constant 8 : i32
      %mul3A_586 = arith.muli %scan3A_535, %mul3A_585 : i32
      %add3A_587 = arith.constant 3 : i32
      %add3A_588 = arith.addi %mul3A_586, %add3A_587 : i32
      %dma_wait3A_589 = arith.constant 0 : i32
      %dma_wait3A_590 = tpu.memref_slice %arg6[%add3A_588, %dma_wait3A_589] : memref<80x128xi32, #tpu.memory_space<vmem>> -> memref<1x128xi32, #tpu.memory_space<vmem>>
      %dma_wait3A_591 = tpu.memref_squeeze %dma_wait3A_590 : memref<1x128xi32, #tpu.memory_space<vmem>> -> memref<128xi32, #tpu.memory_space<vmem>>
      %dma_wait3A_592 = arith.constant 0 : i32
      %dma_wait3A_593 = arith.constant 0 : i32
      %dma_wait3A_594 = tpu.memref_slice %arg2[%dma_wait3A_592, %dma_wait3A_593] : memref<20000x64xf32, #tpu.memory_space<hbm>> -> memref<20000x64xf32, #tpu.memory_space<hbm>>
      tpu.wait_indirect_dma semaphore(%arg20 : memref<!tpu.dma_semaphore, #tpu.memory_space<semaphore_mem>>) src(%dma_wait3A_594 : memref<20000x64xf32, #tpu.memory_space<hbm>>) dst(%arg11 : memref<128x64xf32, #tpu.memory_space<vmem>>)
      %dma_start3A_595 = arith.constant 0 : i32
      %dma_start3A_596 = tpu.memref_slice %arg7[%add3A_588, %dma_start3A_595] : memref<80x128xi32, #tpu.memory_space<vmem>> -> memref<1x128xi32, #tpu.memory_space<vmem>>
      %dma_start3A_597 = tpu.memref_squeeze %dma_start3A_596 : memref<1x128xi32, #tpu.memory_space<vmem>> -> memref<128xi32, #tpu.memory_space<vmem>>
      %dma_start3A_598 = arith.constant 0 : i32
      %dma_start3A_599 = arith.constant 0 : i32
      %dma_start3A_600 = tpu.memref_slice %arg16[%dma_start3A_598, %dma_start3A_599] : memref<10240x64xf32, #tpu.memory_space<vmem_shared>> -> memref<10240x64xf32, #tpu.memory_space<vmem_shared>>
      tpu.enqueue_indirect_dma source(%arg11 : memref<128x64xf32, #tpu.memory_space<vmem>>) target(%dma_start3A_600 : memref<10240x64xf32, #tpu.memory_space<vmem_shared>>) offsets(%dma_start3A_597 : memref<128xi32, #tpu.memory_space<vmem>>) semaphore(%arg28 : memref<!tpu.dma_semaphore, #tpu.memory_space<semaphore_mem>>) {add = true}
      %mul3A_601 = arith.constant 8 : i32
      %mul3A_602 = arith.muli %scan3A_535, %mul3A_601 : i32
      %add3A_603 = arith.constant 4 : i32
      %add3A_604 = arith.addi %mul3A_602, %add3A_603 : i32
      %dma_wait3A_605 = arith.constant 0 : i32
      %dma_wait3A_606 = tpu.memref_slice %arg6[%add3A_604, %dma_wait3A_605] : memref<80x128xi32, #tpu.memory_space<vmem>> -> memref<1x128xi32, #tpu.memory_space<vmem>>
      %dma_wait3A_607 = tpu.memref_squeeze %dma_wait3A_606 : memref<1x128xi32, #tpu.memory_space<vmem>> -> memref<128xi32, #tpu.memory_space<vmem>>
      %dma_wait3A_608 = arith.constant 0 : i32
      %dma_wait3A_609 = arith.constant 0 : i32
      %dma_wait3A_610 = tpu.memref_slice %arg2[%dma_wait3A_608, %dma_wait3A_609] : memref<20000x64xf32, #tpu.memory_space<hbm>> -> memref<20000x64xf32, #tpu.memory_space<hbm>>
      tpu.wait_indirect_dma semaphore(%arg21 : memref<!tpu.dma_semaphore, #tpu.memory_space<semaphore_mem>>) src(%dma_wait3A_610 : memref<20000x64xf32, #tpu.memory_space<hbm>>) dst(%arg12 : memref<128x64xf32, #tpu.memory_space<vmem>>)
      %dma_start3A_611 = arith.constant 0 : i32
      %dma_start3A_612 = tpu.memref_slice %arg7[%add3A_604, %dma_start3A_611] : memref<80x128xi32, #tpu.memory_space<vmem>> -> memref<1x128xi32, #tpu.memory_space<vmem>>
      %dma_start3A_613 = tpu.memref_squeeze %dma_start3A_612 : memref<1x128xi32, #tpu.memory_space<vmem>> -> memref<128xi32, #tpu.memory_space<vmem>>
      %dma_start3A_614 = arith.constant 0 : i32
      %dma_start3A_615 = arith.constant 0 : i32
      %dma_start3A_616 = tpu.memref_slice %arg16[%dma_start3A_614, %dma_start3A_615] : memref<10240x64xf32, #tpu.memory_space<vmem_shared>> -> memref<10240x64xf32, #tpu.memory_space<vmem_shared>>
      tpu.enqueue_indirect_dma source(%arg12 : memref<128x64xf32, #tpu.memory_space<vmem>>) target(%dma_start3A_616 : memref<10240x64xf32, #tpu.memory_space<vmem_shared>>) offsets(%dma_start3A_613 : memref<128xi32, #tpu.memory_space<vmem>>) semaphore(%arg29 : memref<!tpu.dma_semaphore, #tpu.memory_space<semaphore_mem>>) {add = true}
      %mul3A_617 = arith.constant 8 : i32
      %mul3A_618 = arith.muli %scan3A_535, %mul3A_617 : i32
      %add3A_619 = arith.constant 5 : i32
      %add3A_620 = arith.addi %mul3A_618, %add3A_619 : i32
      %dma_wait3A_621 = arith.constant 0 : i32
      %dma_wait3A_622 = tpu.memref_slice %arg6[%add3A_620, %dma_wait3A_621] : memref<80x128xi32, #tpu.memory_space<vmem>> -> memref<1x128xi32, #tpu.memory_space<vmem>>
      %dma_wait3A_623 = tpu.memref_squeeze %dma_wait3A_622 : memref<1x128xi32, #tpu.memory_space<vmem>> -> memref<128xi32, #tpu.memory_space<vmem>>
      %dma_wait3A_624 = arith.constant 0 : i32
      %dma_wait3A_625 = arith.constant 0 : i32
      %dma_wait3A_626 = tpu.memref_slice %arg2[%dma_wait3A_624, %dma_wait3A_625] : memref<20000x64xf32, #tpu.memory_space<hbm>> -> memref<20000x64xf32, #tpu.memory_space<hbm>>
      tpu.wait_indirect_dma semaphore(%arg22 : memref<!tpu.dma_semaphore, #tpu.memory_space<semaphore_mem>>) src(%dma_wait3A_626 : memref<20000x64xf32, #tpu.memory_space<hbm>>) dst(%arg13 : memref<128x64xf32, #tpu.memory_space<vmem>>)
      %dma_start3A_627 = arith.constant 0 : i32
      %dma_start3A_628 = tpu.memref_slice %arg7[%add3A_620, %dma_start3A_627] : memref<80x128xi32, #tpu.memory_space<vmem>> -> memref<1x128xi32, #tpu.memory_space<vmem>>
      %dma_start3A_629 = tpu.memref_squeeze %dma_start3A_628 : memref<1x128xi32, #tpu.memory_space<vmem>> -> memref<128xi32, #tpu.memory_space<vmem>>
      %dma_start3A_630 = arith.constant 0 : i32
      %dma_start3A_631 = arith.constant 0 : i32
      %dma_start3A_632 = tpu.memref_slice %arg16[%dma_start3A_630, %dma_start3A_631] : memref<10240x64xf32, #tpu.memory_space<vmem_shared>> -> memref<10240x64xf32, #tpu.memory_space<vmem_shared>>
      tpu.enqueue_indirect_dma source(%arg13 : memref<128x64xf32, #tpu.memory_space<vmem>>) target(%dma_start3A_632 : memref<10240x64xf32, #tpu.memory_space<vmem_shared>>) offsets(%dma_start3A_629 : memref<128xi32, #tpu.memory_space<vmem>>) semaphore(%arg30 : memref<!tpu.dma_semaphore, #tpu.memory_space<semaphore_mem>>) {add = true}
      %mul3A_633 = arith.constant 8 : i32
      %mul3A_634 = arith.muli %scan3A_535, %mul3A_633 : i32
      %add3A_635 = arith.constant 6 : i32
      %add3A_636 = arith.addi %mul3A_634, %add3A_635 : i32
      %dma_wait3A_637 = arith.constant 0 : i32
      %dma_wait3A_638 = tpu.memref_slice %arg6[%add3A_636, %dma_wait3A_637] : memref<80x128xi32, #tpu.memory_space<vmem>> -> memref<1x128xi32, #tpu.memory_space<vmem>>
      %dma_wait3A_639 = tpu.memref_squeeze %dma_wait3A_638 : memref<1x128xi32, #tpu.memory_space<vmem>> -> memref<128xi32, #tpu.memory_space<vmem>>
      %dma_wait3A_640 = arith.constant 0 : i32
      %dma_wait3A_641 = arith.constant 0 : i32
      %dma_wait3A_642 = tpu.memref_slice %arg2[%dma_wait3A_640, %dma_wait3A_641] : memref<20000x64xf32, #tpu.memory_space<hbm>> -> memref<20000x64xf32, #tpu.memory_space<hbm>>
      tpu.wait_indirect_dma semaphore(%arg23 : memref<!tpu.dma_semaphore, #tpu.memory_space<semaphore_mem>>) src(%dma_wait3A_642 : memref<20000x64xf32, #tpu.memory_space<hbm>>) dst(%arg14 : memref<128x64xf32, #tpu.memory_space<vmem>>)
      %dma_start3A_643 = arith.constant 0 : i32
      %dma_start3A_644 = tpu.memref_slice %arg7[%add3A_636, %dma_start3A_643] : memref<80x128xi32, #tpu.memory_space<vmem>> -> memref<1x128xi32, #tpu.memory_space<vmem>>
      %dma_start3A_645 = tpu.memref_squeeze %dma_start3A_644 : memref<1x128xi32, #tpu.memory_space<vmem>> -> memref<128xi32, #tpu.memory_space<vmem>>
      %dma_start3A_646 = arith.constant 0 : i32
      %dma_start3A_647 = arith.constant 0 : i32
      %dma_start3A_648 = tpu.memref_slice %arg16[%dma_start3A_646, %dma_start3A_647] : memref<10240x64xf32, #tpu.memory_space<vmem_shared>> -> memref<10240x64xf32, #tpu.memory_space<vmem_shared>>
      tpu.enqueue_indirect_dma source(%arg14 : memref<128x64xf32, #tpu.memory_space<vmem>>) target(%dma_start3A_648 : memref<10240x64xf32, #tpu.memory_space<vmem_shared>>) offsets(%dma_start3A_645 : memref<128xi32, #tpu.memory_space<vmem>>) semaphore(%arg31 : memref<!tpu.dma_semaphore, #tpu.memory_space<semaphore_mem>>) {add = true}
      %mul3A_649 = arith.constant 8 : i32
      %mul3A_650 = arith.muli %scan3A_535, %mul3A_649 : i32
      %add3A_651 = arith.constant 7 : i32
      %add3A_652 = arith.addi %mul3A_650, %add3A_651 : i32
      %dma_wait3A_653 = arith.constant 0 : i32
      %dma_wait3A_654 = tpu.memref_slice %arg6[%add3A_652, %dma_wait3A_653] : memref<80x128xi32, #tpu.memory_space<vmem>> -> memref<1x128xi32, #tpu.memory_space<vmem>>
      %dma_wait3A_655 = tpu.memref_squeeze %dma_wait3A_654 : memref<1x128xi32, #tpu.memory_space<vmem>> -> memref<128xi32, #tpu.memory_space<vmem>>
      %dma_wait3A_656 = arith.constant 0 : i32
      %dma_wait3A_657 = arith.constant 0 : i32
      %dma_wait3A_658 = tpu.memref_slice %arg2[%dma_wait3A_656, %dma_wait3A_657] : memref<20000x64xf32, #tpu.memory_space<hbm>> -> memref<20000x64xf32, #tpu.memory_space<hbm>>
      tpu.wait_indirect_dma semaphore(%arg24 : memref<!tpu.dma_semaphore, #tpu.memory_space<semaphore_mem>>) src(%dma_wait3A_658 : memref<20000x64xf32, #tpu.memory_space<hbm>>) dst(%arg15 : memref<128x64xf32, #tpu.memory_space<vmem>>)
      %dma_start3A_659 = arith.constant 0 : i32
      %dma_start3A_660 = tpu.memref_slice %arg7[%add3A_652, %dma_start3A_659] : memref<80x128xi32, #tpu.memory_space<vmem>> -> memref<1x128xi32, #tpu.memory_space<vmem>>
      %dma_start3A_661 = tpu.memref_squeeze %dma_start3A_660 : memref<1x128xi32, #tpu.memory_space<vmem>> -> memref<128xi32, #tpu.memory_space<vmem>>
      %dma_start3A_662 = arith.constant 0 : i32
      %dma_start3A_663 = arith.constant 0 : i32
      %dma_start3A_664 = tpu.memref_slice %arg16[%dma_start3A_662, %dma_start3A_663] : memref<10240x64xf32, #tpu.memory_space<vmem_shared>> -> memref<10240x64xf32, #tpu.memory_space<vmem_shared>>
      tpu.enqueue_indirect_dma source(%arg15 : memref<128x64xf32, #tpu.memory_space<vmem>>) target(%dma_start3A_664 : memref<10240x64xf32, #tpu.memory_space<vmem_shared>>) offsets(%dma_start3A_661 : memref<128xi32, #tpu.memory_space<vmem>>) semaphore(%arg32 : memref<!tpu.dma_semaphore, #tpu.memory_space<semaphore_mem>>) {add = true}
      %mul3A_665 = arith.constant 8 : i32
      %mul3A_666 = arith.muli %scan3A_535, %mul3A_665 : i32
      %add3A_667 = arith.constant 0 : i32
      %add3A_668 = arith.addi %mul3A_666, %add3A_667 : i32
      %dma_wait3A_669 = arith.constant 0 : i32
      %dma_wait3A_670 = tpu.memref_slice %arg7[%add3A_668, %dma_wait3A_669] : memref<80x128xi32, #tpu.memory_space<vmem>> -> memref<1x128xi32, #tpu.memory_space<vmem>>
      %dma_wait3A_671 = tpu.memref_squeeze %dma_wait3A_670 : memref<1x128xi32, #tpu.memory_space<vmem>> -> memref<128xi32, #tpu.memory_space<vmem>>
      %dma_wait3A_672 = arith.constant 0 : i32
      %dma_wait3A_673 = arith.constant 0 : i32
      %dma_wait3A_674 = tpu.memref_slice %arg16[%dma_wait3A_672, %dma_wait3A_673] : memref<10240x64xf32, #tpu.memory_space<vmem_shared>> -> memref<10240x64xf32, #tpu.memory_space<vmem_shared>>
      tpu.wait_indirect_dma semaphore(%arg25 : memref<!tpu.dma_semaphore, #tpu.memory_space<semaphore_mem>>) src(%arg8 : memref<128x64xf32, #tpu.memory_space<vmem>>) dst(%dma_wait3A_674 : memref<10240x64xf32, #tpu.memory_space<vmem_shared>>)
      %add3A_675 = arith.constant 8 : i32
      %add3A_676 = arith.addi %add3A_668, %add3A_675 : i32
      %dma_start3A_677 = arith.constant 0 : i32
      %dma_start3A_678 = tpu.memref_slice %arg6[%add3A_676, %dma_start3A_677] : memref<80x128xi32, #tpu.memory_space<vmem>> -> memref<1x128xi32, #tpu.memory_space<vmem>>
      %dma_start3A_679 = tpu.memref_squeeze %dma_start3A_678 : memref<1x128xi32, #tpu.memory_space<vmem>> -> memref<128xi32, #tpu.memory_space<vmem>>
      %dma_start3A_680 = arith.constant 0 : i32
      %dma_start3A_681 = arith.constant 0 : i32
      %dma_start3A_682 = tpu.memref_slice %arg2[%dma_start3A_680, %dma_start3A_681] : memref<20000x64xf32, #tpu.memory_space<hbm>> -> memref<20000x64xf32, #tpu.memory_space<hbm>>
      tpu.enqueue_indirect_dma source(%dma_start3A_682 : memref<20000x64xf32, #tpu.memory_space<hbm>>) target(%arg8 : memref<128x64xf32, #tpu.memory_space<vmem>>) offsets(%dma_start3A_679 : memref<128xi32, #tpu.memory_space<vmem>>) semaphore(%arg17 : memref<!tpu.dma_semaphore, #tpu.memory_space<semaphore_mem>>)
      %mul3A_683 = arith.constant 8 : i32
      %mul3A_684 = arith.muli %scan3A_535, %mul3A_683 : i32
      %add3A_685 = arith.constant 1 : i32
      %add3A_686 = arith.addi %mul3A_684, %add3A_685 : i32
      %dma_wait3A_687 = arith.constant 0 : i32
      %dma_wait3A_688 = tpu.memref_slice %arg7[%add3A_686, %dma_wait3A_687] : memref<80x128xi32, #tpu.memory_space<vmem>> -> memref<1x128xi32, #tpu.memory_space<vmem>>
      %dma_wait3A_689 = tpu.memref_squeeze %dma_wait3A_688 : memref<1x128xi32, #tpu.memory_space<vmem>> -> memref<128xi32, #tpu.memory_space<vmem>>
      %dma_wait3A_690 = arith.constant 0 : i32
      %dma_wait3A_691 = arith.constant 0 : i32
      %dma_wait3A_692 = tpu.memref_slice %arg16[%dma_wait3A_690, %dma_wait3A_691] : memref<10240x64xf32, #tpu.memory_space<vmem_shared>> -> memref<10240x64xf32, #tpu.memory_space<vmem_shared>>
      tpu.wait_indirect_dma semaphore(%arg26 : memref<!tpu.dma_semaphore, #tpu.memory_space<semaphore_mem>>) src(%arg9 : memref<128x64xf32, #tpu.memory_space<vmem>>) dst(%dma_wait3A_692 : memref<10240x64xf32, #tpu.memory_space<vmem_shared>>)
      %add3A_693 = arith.constant 8 : i32
      %add3A_694 = arith.addi %add3A_686, %add3A_693 : i32
      %dma_start3A_695 = arith.constant 0 : i32
      %dma_start3A_696 = tpu.memref_slice %arg6[%add3A_694, %dma_start3A_695] : memref<80x128xi32, #tpu.memory_space<vmem>> -> memref<1x128xi32, #tpu.memory_space<vmem>>
      %dma_start3A_697 = tpu.memref_squeeze %dma_start3A_696 : memref<1x128xi32, #tpu.memory_space<vmem>> -> memref<128xi32, #tpu.memory_space<vmem>>
      %dma_start3A_698 = arith.constant 0 : i32
      %dma_start3A_699 = arith.constant 0 : i32
      %dma_start3A_700 = tpu.memref_slice %arg2[%dma_start3A_698, %dma_start3A_699] : memref<20000x64xf32, #tpu.memory_space<hbm>> -> memref<20000x64xf32, #tpu.memory_space<hbm>>
      tpu.enqueue_indirect_dma source(%dma_start3A_700 : memref<20000x64xf32, #tpu.memory_space<hbm>>) target(%arg9 : memref<128x64xf32, #tpu.memory_space<vmem>>) offsets(%dma_start3A_697 : memref<128xi32, #tpu.memory_space<vmem>>) semaphore(%arg18 : memref<!tpu.dma_semaphore, #tpu.memory_space<semaphore_mem>>)
      %mul3A_701 = arith.constant 8 : i32
      %mul3A_702 = arith.muli %scan3A_535, %mul3A_701 : i32
      %add3A_703 = arith.constant 2 : i32
      %add3A_704 = arith.addi %mul3A_702, %add3A_703 : i32
      %dma_wait3A_705 = arith.constant 0 : i32
      %dma_wait3A_706 = tpu.memref_slice %arg7[%add3A_704, %dma_wait3A_705] : memref<80x128xi32, #tpu.memory_space<vmem>> -> memref<1x128xi32, #tpu.memory_space<vmem>>
      %dma_wait3A_707 = tpu.memref_squeeze %dma_wait3A_706 : memref<1x128xi32, #tpu.memory_space<vmem>> -> memref<128xi32, #tpu.memory_space<vmem>>
      %dma_wait3A_708 = arith.constant 0 : i32
      %dma_wait3A_709 = arith.constant 0 : i32
      %dma_wait3A_710 = tpu.memref_slice %arg16[%dma_wait3A_708, %dma_wait3A_709] : memref<10240x64xf32, #tpu.memory_space<vmem_shared>> -> memref<10240x64xf32, #tpu.memory_space<vmem_shared>>
      tpu.wait_indirect_dma semaphore(%arg27 : memref<!tpu.dma_semaphore, #tpu.memory_space<semaphore_mem>>) src(%arg10 : memref<128x64xf32, #tpu.memory_space<vmem>>) dst(%dma_wait3A_710 : memref<10240x64xf32, #tpu.memory_space<vmem_shared>>)
      %add3A_711 = arith.constant 8 : i32
      %add3A_712 = arith.addi %add3A_704, %add3A_711 : i32
      %dma_start3A_713 = arith.constant 0 : i32
      %dma_start3A_714 = tpu.memref_slice %arg6[%add3A_712, %dma_start3A_713] : memref<80x128xi32, #tpu.memory_space<vmem>> -> memref<1x128xi32, #tpu.memory_space<vmem>>
      %dma_start3A_715 = tpu.memref_squeeze %dma_start3A_714 : memref<1x128xi32, #tpu.memory_space<vmem>> -> memref<128xi32, #tpu.memory_space<vmem>>
      %dma_start3A_716 = arith.constant 0 : i32
      %dma_start3A_717 = arith.constant 0 : i32
      %dma_start3A_718 = tpu.memref_slice %arg2[%dma_start3A_716, %dma_start3A_717] : memref<20000x64xf32, #tpu.memory_space<hbm>> -> memref<20000x64xf32, #tpu.memory_space<hbm>>
      tpu.enqueue_indirect_dma source(%dma_start3A_718 : memref<20000x64xf32, #tpu.memory_space<hbm>>) target(%arg10 : memref<128x64xf32, #tpu.memory_space<vmem>>) offsets(%dma_start3A_715 : memref<128xi32, #tpu.memory_space<vmem>>) semaphore(%arg19 : memref<!tpu.dma_semaphore, #tpu.memory_space<semaphore_mem>>)
      %mul3A_719 = arith.constant 8 : i32
      %mul3A_720 = arith.muli %scan3A_535, %mul3A_719 : i32
      %add3A_721 = arith.constant 3 : i32
      %add3A_722 = arith.addi %mul3A_720, %add3A_721 : i32
      %dma_wait3A_723 = arith.constant 0 : i32
      %dma_wait3A_724 = tpu.memref_slice %arg7[%add3A_722, %dma_wait3A_723] : memref<80x128xi32, #tpu.memory_space<vmem>> -> memref<1x128xi32, #tpu.memory_space<vmem>>
      %dma_wait3A_725 = tpu.memref_squeeze %dma_wait3A_724 : memref<1x128xi32, #tpu.memory_space<vmem>> -> memref<128xi32, #tpu.memory_space<vmem>>
      %dma_wait3A_726 = arith.constant 0 : i32
      %dma_wait3A_727 = arith.constant 0 : i32
      %dma_wait3A_728 = tpu.memref_slice %arg16[%dma_wait3A_726, %dma_wait3A_727] : memref<10240x64xf32, #tpu.memory_space<vmem_shared>> -> memref<10240x64xf32, #tpu.memory_space<vmem_shared>>
      tpu.wait_indirect_dma semaphore(%arg28 : memref<!tpu.dma_semaphore, #tpu.memory_space<semaphore_mem>>) src(%arg11 : memref<128x64xf32, #tpu.memory_space<vmem>>) dst(%dma_wait3A_728 : memref<10240x64xf32, #tpu.memory_space<vmem_shared>>)
      %add3A_729 = arith.constant 8 : i32
      %add3A_730 = arith.addi %add3A_722, %add3A_729 : i32
      %dma_start3A_731 = arith.constant 0 : i32
      %dma_start3A_732 = tpu.memref_slice %arg6[%add3A_730, %dma_start3A_731] : memref<80x128xi32, #tpu.memory_space<vmem>> -> memref<1x128xi32, #tpu.memory_space<vmem>>
      %dma_start3A_733 = tpu.memref_squeeze %dma_start3A_732 : memref<1x128xi32, #tpu.memory_space<vmem>> -> memref<128xi32, #tpu.memory_space<vmem>>
      %dma_start3A_734 = arith.constant 0 : i32
      %dma_start3A_735 = arith.constant 0 : i32
      %dma_start3A_736 = tpu.memref_slice %arg2[%dma_start3A_734, %dma_start3A_735] : memref<20000x64xf32, #tpu.memory_space<hbm>> -> memref<20000x64xf32, #tpu.memory_space<hbm>>
      tpu.enqueue_indirect_dma source(%dma_start3A_736 : memref<20000x64xf32, #tpu.memory_space<hbm>>) target(%arg11 : memref<128x64xf32, #tpu.memory_space<vmem>>) offsets(%dma_start3A_733 : memref<128xi32, #tpu.memory_space<vmem>>) semaphore(%arg20 : memref<!tpu.dma_semaphore, #tpu.memory_space<semaphore_mem>>)
      %mul3A_737 = arith.constant 8 : i32
      %mul3A_738 = arith.muli %scan3A_535, %mul3A_737 : i32
      %add3A_739 = arith.constant 4 : i32
      %add3A_740 = arith.addi %mul3A_738, %add3A_739 : i32
      %dma_wait3A_741 = arith.constant 0 : i32
      %dma_wait3A_742 = tpu.memref_slice %arg7[%add3A_740, %dma_wait3A_741] : memref<80x128xi32, #tpu.memory_space<vmem>> -> memref<1x128xi32, #tpu.memory_space<vmem>>
      %dma_wait3A_743 = tpu.memref_squeeze %dma_wait3A_742 : memref<1x128xi32, #tpu.memory_space<vmem>> -> memref<128xi32, #tpu.memory_space<vmem>>
      %dma_wait3A_744 = arith.constant 0 : i32
      %dma_wait3A_745 = arith.constant 0 : i32
      %dma_wait3A_746 = tpu.memref_slice %arg16[%dma_wait3A_744, %dma_wait3A_745] : memref<10240x64xf32, #tpu.memory_space<vmem_shared>> -> memref<10240x64xf32, #tpu.memory_space<vmem_shared>>
      tpu.wait_indirect_dma semaphore(%arg29 : memref<!tpu.dma_semaphore, #tpu.memory_space<semaphore_mem>>) src(%arg12 : memref<128x64xf32, #tpu.memory_space<vmem>>) dst(%dma_wait3A_746 : memref<10240x64xf32, #tpu.memory_space<vmem_shared>>)
      %add3A_747 = arith.constant 8 : i32
      %add3A_748 = arith.addi %add3A_740, %add3A_747 : i32
      %dma_start3A_749 = arith.constant 0 : i32
      %dma_start3A_750 = tpu.memref_slice %arg6[%add3A_748, %dma_start3A_749] : memref<80x128xi32, #tpu.memory_space<vmem>> -> memref<1x128xi32, #tpu.memory_space<vmem>>
      %dma_start3A_751 = tpu.memref_squeeze %dma_start3A_750 : memref<1x128xi32, #tpu.memory_space<vmem>> -> memref<128xi32, #tpu.memory_space<vmem>>
      %dma_start3A_752 = arith.constant 0 : i32
      %dma_start3A_753 = arith.constant 0 : i32
      %dma_start3A_754 = tpu.memref_slice %arg2[%dma_start3A_752, %dma_start3A_753] : memref<20000x64xf32, #tpu.memory_space<hbm>> -> memref<20000x64xf32, #tpu.memory_space<hbm>>
      tpu.enqueue_indirect_dma source(%dma_start3A_754 : memref<20000x64xf32, #tpu.memory_space<hbm>>) target(%arg12 : memref<128x64xf32, #tpu.memory_space<vmem>>) offsets(%dma_start3A_751 : memref<128xi32, #tpu.memory_space<vmem>>) semaphore(%arg21 : memref<!tpu.dma_semaphore, #tpu.memory_space<semaphore_mem>>)
      %mul3A_755 = arith.constant 8 : i32
      %mul3A_756 = arith.muli %scan3A_535, %mul3A_755 : i32
      %add3A_757 = arith.constant 5 : i32
      %add3A_758 = arith.addi %mul3A_756, %add3A_757 : i32
      %dma_wait3A_759 = arith.constant 0 : i32
      %dma_wait3A_760 = tpu.memref_slice %arg7[%add3A_758, %dma_wait3A_759] : memref<80x128xi32, #tpu.memory_space<vmem>> -> memref<1x128xi32, #tpu.memory_space<vmem>>
      %dma_wait3A_761 = tpu.memref_squeeze %dma_wait3A_760 : memref<1x128xi32, #tpu.memory_space<vmem>> -> memref<128xi32, #tpu.memory_space<vmem>>
      %dma_wait3A_762 = arith.constant 0 : i32
      %dma_wait3A_763 = arith.constant 0 : i32
      %dma_wait3A_764 = tpu.memref_slice %arg16[%dma_wait3A_762, %dma_wait3A_763] : memref<10240x64xf32, #tpu.memory_space<vmem_shared>> -> memref<10240x64xf32, #tpu.memory_space<vmem_shared>>
      tpu.wait_indirect_dma semaphore(%arg30 : memref<!tpu.dma_semaphore, #tpu.memory_space<semaphore_mem>>) src(%arg13 : memref<128x64xf32, #tpu.memory_space<vmem>>) dst(%dma_wait3A_764 : memref<10240x64xf32, #tpu.memory_space<vmem_shared>>)
      %add3A_765 = arith.constant 8 : i32
      %add3A_766 = arith.addi %add3A_758, %add3A_765 : i32
      %dma_start3A_767 = arith.constant 0 : i32
      %dma_start3A_768 = tpu.memref_slice %arg6[%add3A_766, %dma_start3A_767] : memref<80x128xi32, #tpu.memory_space<vmem>> -> memref<1x128xi32, #tpu.memory_space<vmem>>
      %dma_start3A_769 = tpu.memref_squeeze %dma_start3A_768 : memref<1x128xi32, #tpu.memory_space<vmem>> -> memref<128xi32, #tpu.memory_space<vmem>>
      %dma_start3A_770 = arith.constant 0 : i32
      %dma_start3A_771 = arith.constant 0 : i32
      %dma_start3A_772 = tpu.memref_slice %arg2[%dma_start3A_770, %dma_start3A_771] : memref<20000x64xf32, #tpu.memory_space<hbm>> -> memref<20000x64xf32, #tpu.memory_space<hbm>>
      tpu.enqueue_indirect_dma source(%dma_start3A_772 : memref<20000x64xf32, #tpu.memory_space<hbm>>) target(%arg13 : memref<128x64xf32, #tpu.memory_space<vmem>>) offsets(%dma_start3A_769 : memref<128xi32, #tpu.memory_space<vmem>>) semaphore(%arg22 : memref<!tpu.dma_semaphore, #tpu.memory_space<semaphore_mem>>)
      %mul3A_773 = arith.constant 8 : i32
      %mul3A_774 = arith.muli %scan3A_535, %mul3A_773 : i32
      %add3A_775 = arith.constant 6 : i32
      %add3A_776 = arith.addi %mul3A_774, %add3A_775 : i32
      %dma_wait3A_777 = arith.constant 0 : i32
      %dma_wait3A_778 = tpu.memref_slice %arg7[%add3A_776, %dma_wait3A_777] : memref<80x128xi32, #tpu.memory_space<vmem>> -> memref<1x128xi32, #tpu.memory_space<vmem>>
      %dma_wait3A_779 = tpu.memref_squeeze %dma_wait3A_778 : memref<1x128xi32, #tpu.memory_space<vmem>> -> memref<128xi32, #tpu.memory_space<vmem>>
      %dma_wait3A_780 = arith.constant 0 : i32
      %dma_wait3A_781 = arith.constant 0 : i32
      %dma_wait3A_782 = tpu.memref_slice %arg16[%dma_wait3A_780, %dma_wait3A_781] : memref<10240x64xf32, #tpu.memory_space<vmem_shared>> -> memref<10240x64xf32, #tpu.memory_space<vmem_shared>>
      tpu.wait_indirect_dma semaphore(%arg31 : memref<!tpu.dma_semaphore, #tpu.memory_space<semaphore_mem>>) src(%arg14 : memref<128x64xf32, #tpu.memory_space<vmem>>) dst(%dma_wait3A_782 : memref<10240x64xf32, #tpu.memory_space<vmem_shared>>)
      %add3A_783 = arith.constant 8 : i32
      %add3A_784 = arith.addi %add3A_776, %add3A_783 : i32
      %dma_start3A_785 = arith.constant 0 : i32
      %dma_start3A_786 = tpu.memref_slice %arg6[%add3A_784, %dma_start3A_785] : memref<80x128xi32, #tpu.memory_space<vmem>> -> memref<1x128xi32, #tpu.memory_space<vmem>>
      %dma_start3A_787 = tpu.memref_squeeze %dma_start3A_786 : memref<1x128xi32, #tpu.memory_space<vmem>> -> memref<128xi32, #tpu.memory_space<vmem>>
      %dma_start3A_788 = arith.constant 0 : i32
      %dma_start3A_789 = arith.constant 0 : i32
      %dma_start3A_790 = tpu.memref_slice %arg2[%dma_start3A_788, %dma_start3A_789] : memref<20000x64xf32, #tpu.memory_space<hbm>> -> memref<20000x64xf32, #tpu.memory_space<hbm>>
      tpu.enqueue_indirect_dma source(%dma_start3A_790 : memref<20000x64xf32, #tpu.memory_space<hbm>>) target(%arg14 : memref<128x64xf32, #tpu.memory_space<vmem>>) offsets(%dma_start3A_787 : memref<128xi32, #tpu.memory_space<vmem>>) semaphore(%arg23 : memref<!tpu.dma_semaphore, #tpu.memory_space<semaphore_mem>>)
      %mul3A_791 = arith.constant 8 : i32
      %mul3A_792 = arith.muli %scan3A_535, %mul3A_791 : i32
      %add3A_793 = arith.constant 7 : i32
      %add3A_794 = arith.addi %mul3A_792, %add3A_793 : i32
      %dma_wait3A_795 = arith.constant 0 : i32
      %dma_wait3A_796 = tpu.memref_slice %arg7[%add3A_794, %dma_wait3A_795] : memref<80x128xi32, #tpu.memory_space<vmem>> -> memref<1x128xi32, #tpu.memory_space<vmem>>
      %dma_wait3A_797 = tpu.memref_squeeze %dma_wait3A_796 : memref<1x128xi32, #tpu.memory_space<vmem>> -> memref<128xi32, #tpu.memory_space<vmem>>
      %dma_wait3A_798 = arith.constant 0 : i32
      %dma_wait3A_799 = arith.constant 0 : i32
      %dma_wait3A_800 = tpu.memref_slice %arg16[%dma_wait3A_798, %dma_wait3A_799] : memref<10240x64xf32, #tpu.memory_space<vmem_shared>> -> memref<10240x64xf32, #tpu.memory_space<vmem_shared>>
      tpu.wait_indirect_dma semaphore(%arg32 : memref<!tpu.dma_semaphore, #tpu.memory_space<semaphore_mem>>) src(%arg15 : memref<128x64xf32, #tpu.memory_space<vmem>>) dst(%dma_wait3A_800 : memref<10240x64xf32, #tpu.memory_space<vmem_shared>>)
      %add3A_801 = arith.constant 8 : i32
      %add3A_802 = arith.addi %add3A_794, %add3A_801 : i32
      %dma_start3A_803 = arith.constant 0 : i32
      %dma_start3A_804 = tpu.memref_slice %arg6[%add3A_802, %dma_start3A_803] : memref<80x128xi32, #tpu.memory_space<vmem>> -> memref<1x128xi32, #tpu.memory_space<vmem>>
      %dma_start3A_805 = tpu.memref_squeeze %dma_start3A_804 : memref<1x128xi32, #tpu.memory_space<vmem>> -> memref<128xi32, #tpu.memory_space<vmem>>
      %dma_start3A_806 = arith.constant 0 : i32
      %dma_start3A_807 = arith.constant 0 : i32
      %dma_start3A_808 = tpu.memref_slice %arg2[%dma_start3A_806, %dma_start3A_807] : memref<20000x64xf32, #tpu.memory_space<hbm>> -> memref<20000x64xf32, #tpu.memory_space<hbm>>
      tpu.enqueue_indirect_dma source(%dma_start3A_808 : memref<20000x64xf32, #tpu.memory_space<hbm>>) target(%arg15 : memref<128x64xf32, #tpu.memory_space<vmem>>) offsets(%dma_start3A_805 : memref<128xi32, #tpu.memory_space<vmem>>) semaphore(%arg24 : memref<!tpu.dma_semaphore, #tpu.memory_space<semaphore_mem>>)
      %scan3A_809 = arith.constant 0 : i32
      scf.yield %scan3A_809 : i32
    }
    %scan3A_361 = arith.constant 9 : i32
    %dma_wait3A_362 = arith.constant 72 : i32
    %dma_wait3A_363 = arith.constant 0 : i32
    %dma_wait3A_364 = tpu.memref_slice %arg6[%dma_wait3A_362, %dma_wait3A_363] : memref<80x128xi32, #tpu.memory_space<vmem>> -> memref<1x128xi32, #tpu.memory_space<vmem>>
    %dma_wait3A_365 = tpu.memref_squeeze %dma_wait3A_364 : memref<1x128xi32, #tpu.memory_space<vmem>> -> memref<128xi32, #tpu.memory_space<vmem>>
    %dma_wait3A_366 = arith.constant 0 : i32
    %dma_wait3A_367 = arith.constant 0 : i32
    %dma_wait3A_368 = tpu.memref_slice %arg2[%dma_wait3A_366, %dma_wait3A_367] : memref<20000x64xf32, #tpu.memory_space<hbm>> -> memref<20000x64xf32, #tpu.memory_space<hbm>>
    tpu.wait_indirect_dma semaphore(%arg17 : memref<!tpu.dma_semaphore, #tpu.memory_space<semaphore_mem>>) src(%dma_wait3A_368 : memref<20000x64xf32, #tpu.memory_space<hbm>>) dst(%arg8 : memref<128x64xf32, #tpu.memory_space<vmem>>)
    %dma_start3A_369 = arith.constant 72 : i32
    %dma_start3A_370 = arith.constant 0 : i32
    %dma_start3A_371 = tpu.memref_slice %arg7[%dma_start3A_369, %dma_start3A_370] : memref<80x128xi32, #tpu.memory_space<vmem>> -> memref<1x128xi32, #tpu.memory_space<vmem>>
    %dma_start3A_372 = tpu.memref_squeeze %dma_start3A_371 : memref<1x128xi32, #tpu.memory_space<vmem>> -> memref<128xi32, #tpu.memory_space<vmem>>
    %dma_start3A_373 = arith.constant 0 : i32
    %dma_start3A_374 = arith.constant 0 : i32
    %dma_start3A_375 = tpu.memref_slice %arg16[%dma_start3A_373, %dma_start3A_374] : memref<10240x64xf32, #tpu.memory_space<vmem_shared>> -> memref<10240x64xf32, #tpu.memory_space<vmem_shared>>
    tpu.enqueue_indirect_dma source(%arg8 : memref<128x64xf32, #tpu.memory_space<vmem>>) target(%dma_start3A_375 : memref<10240x64xf32, #tpu.memory_space<vmem_shared>>) offsets(%dma_start3A_372 : memref<128xi32, #tpu.memory_space<vmem>>) semaphore(%arg25 : memref<!tpu.dma_semaphore, #tpu.memory_space<semaphore_mem>>) {add = true}
    %dma_wait3A_376 = arith.constant 73 : i32
    %dma_wait3A_377 = arith.constant 0 : i32
    %dma_wait3A_378 = tpu.memref_slice %arg6[%dma_wait3A_376, %dma_wait3A_377] : memref<80x128xi32, #tpu.memory_space<vmem>> -> memref<1x128xi32, #tpu.memory_space<vmem>>
    %dma_wait3A_379 = tpu.memref_squeeze %dma_wait3A_378 : memref<1x128xi32, #tpu.memory_space<vmem>> -> memref<128xi32, #tpu.memory_space<vmem>>
    %dma_wait3A_380 = arith.constant 0 : i32
    %dma_wait3A_381 = arith.constant 0 : i32
    %dma_wait3A_382 = tpu.memref_slice %arg2[%dma_wait3A_380, %dma_wait3A_381] : memref<20000x64xf32, #tpu.memory_space<hbm>> -> memref<20000x64xf32, #tpu.memory_space<hbm>>
    tpu.wait_indirect_dma semaphore(%arg18 : memref<!tpu.dma_semaphore, #tpu.memory_space<semaphore_mem>>) src(%dma_wait3A_382 : memref<20000x64xf32, #tpu.memory_space<hbm>>) dst(%arg9 : memref<128x64xf32, #tpu.memory_space<vmem>>)
    %dma_start3A_383 = arith.constant 73 : i32
    %dma_start3A_384 = arith.constant 0 : i32
    %dma_start3A_385 = tpu.memref_slice %arg7[%dma_start3A_383, %dma_start3A_384] : memref<80x128xi32, #tpu.memory_space<vmem>> -> memref<1x128xi32, #tpu.memory_space<vmem>>
    %dma_start3A_386 = tpu.memref_squeeze %dma_start3A_385 : memref<1x128xi32, #tpu.memory_space<vmem>> -> memref<128xi32, #tpu.memory_space<vmem>>
    %dma_start3A_387 = arith.constant 0 : i32
    %dma_start3A_388 = arith.constant 0 : i32
    %dma_start3A_389 = tpu.memref_slice %arg16[%dma_start3A_387, %dma_start3A_388] : memref<10240x64xf32, #tpu.memory_space<vmem_shared>> -> memref<10240x64xf32, #tpu.memory_space<vmem_shared>>
    tpu.enqueue_indirect_dma source(%arg9 : memref<128x64xf32, #tpu.memory_space<vmem>>) target(%dma_start3A_389 : memref<10240x64xf32, #tpu.memory_space<vmem_shared>>) offsets(%dma_start3A_386 : memref<128xi32, #tpu.memory_space<vmem>>) semaphore(%arg26 : memref<!tpu.dma_semaphore, #tpu.memory_space<semaphore_mem>>) {add = true}
    %dma_wait3A_390 = arith.constant 74 : i32
    %dma_wait3A_391 = arith.constant 0 : i32
    %dma_wait3A_392 = tpu.memref_slice %arg6[%dma_wait3A_390, %dma_wait3A_391] : memref<80x128xi32, #tpu.memory_space<vmem>> -> memref<1x128xi32, #tpu.memory_space<vmem>>
    %dma_wait3A_393 = tpu.memref_squeeze %dma_wait3A_392 : memref<1x128xi32, #tpu.memory_space<vmem>> -> memref<128xi32, #tpu.memory_space<vmem>>
    %dma_wait3A_394 = arith.constant 0 : i32
    %dma_wait3A_395 = arith.constant 0 : i32
    %dma_wait3A_396 = tpu.memref_slice %arg2[%dma_wait3A_394, %dma_wait3A_395] : memref<20000x64xf32, #tpu.memory_space<hbm>> -> memref<20000x64xf32, #tpu.memory_space<hbm>>
    tpu.wait_indirect_dma semaphore(%arg19 : memref<!tpu.dma_semaphore, #tpu.memory_space<semaphore_mem>>) src(%dma_wait3A_396 : memref<20000x64xf32, #tpu.memory_space<hbm>>) dst(%arg10 : memref<128x64xf32, #tpu.memory_space<vmem>>)
    %dma_start3A_397 = arith.constant 74 : i32
    %dma_start3A_398 = arith.constant 0 : i32
    %dma_start3A_399 = tpu.memref_slice %arg7[%dma_start3A_397, %dma_start3A_398] : memref<80x128xi32, #tpu.memory_space<vmem>> -> memref<1x128xi32, #tpu.memory_space<vmem>>
    %dma_start3A_400 = tpu.memref_squeeze %dma_start3A_399 : memref<1x128xi32, #tpu.memory_space<vmem>> -> memref<128xi32, #tpu.memory_space<vmem>>
    %dma_start3A_401 = arith.constant 0 : i32
    %dma_start3A_402 = arith.constant 0 : i32
    %dma_start3A_403 = tpu.memref_slice %arg16[%dma_start3A_401, %dma_start3A_402] : memref<10240x64xf32, #tpu.memory_space<vmem_shared>> -> memref<10240x64xf32, #tpu.memory_space<vmem_shared>>
    tpu.enqueue_indirect_dma source(%arg10 : memref<128x64xf32, #tpu.memory_space<vmem>>) target(%dma_start3A_403 : memref<10240x64xf32, #tpu.memory_space<vmem_shared>>) offsets(%dma_start3A_400 : memref<128xi32, #tpu.memory_space<vmem>>) semaphore(%arg27 : memref<!tpu.dma_semaphore, #tpu.memory_space<semaphore_mem>>) {add = true}
    %dma_wait3A_404 = arith.constant 75 : i32
    %dma_wait3A_405 = arith.constant 0 : i32
    %dma_wait3A_406 = tpu.memref_slice %arg6[%dma_wait3A_404, %dma_wait3A_405] : memref<80x128xi32, #tpu.memory_space<vmem>> -> memref<1x128xi32, #tpu.memory_space<vmem>>
    %dma_wait3A_407 = tpu.memref_squeeze %dma_wait3A_406 : memref<1x128xi32, #tpu.memory_space<vmem>> -> memref<128xi32, #tpu.memory_space<vmem>>
    %dma_wait3A_408 = arith.constant 0 : i32
    %dma_wait3A_409 = arith.constant 0 : i32
    %dma_wait3A_410 = tpu.memref_slice %arg2[%dma_wait3A_408, %dma_wait3A_409] : memref<20000x64xf32, #tpu.memory_space<hbm>> -> memref<20000x64xf32, #tpu.memory_space<hbm>>
    tpu.wait_indirect_dma semaphore(%arg20 : memref<!tpu.dma_semaphore, #tpu.memory_space<semaphore_mem>>) src(%dma_wait3A_410 : memref<20000x64xf32, #tpu.memory_space<hbm>>) dst(%arg11 : memref<128x64xf32, #tpu.memory_space<vmem>>)
    %dma_start3A_411 = arith.constant 75 : i32
    %dma_start3A_412 = arith.constant 0 : i32
    %dma_start3A_413 = tpu.memref_slice %arg7[%dma_start3A_411, %dma_start3A_412] : memref<80x128xi32, #tpu.memory_space<vmem>> -> memref<1x128xi32, #tpu.memory_space<vmem>>
    %dma_start3A_414 = tpu.memref_squeeze %dma_start3A_413 : memref<1x128xi32, #tpu.memory_space<vmem>> -> memref<128xi32, #tpu.memory_space<vmem>>
    %dma_start3A_415 = arith.constant 0 : i32
    %dma_start3A_416 = arith.constant 0 : i32
    %dma_start3A_417 = tpu.memref_slice %arg16[%dma_start3A_415, %dma_start3A_416] : memref<10240x64xf32, #tpu.memory_space<vmem_shared>> -> memref<10240x64xf32, #tpu.memory_space<vmem_shared>>
    tpu.enqueue_indirect_dma source(%arg11 : memref<128x64xf32, #tpu.memory_space<vmem>>) target(%dma_start3A_417 : memref<10240x64xf32, #tpu.memory_space<vmem_shared>>) offsets(%dma_start3A_414 : memref<128xi32, #tpu.memory_space<vmem>>) semaphore(%arg28 : memref<!tpu.dma_semaphore, #tpu.memory_space<semaphore_mem>>) {add = true}
    %dma_wait3A_418 = arith.constant 76 : i32
    %dma_wait3A_419 = arith.constant 0 : i32
    %dma_wait3A_420 = tpu.memref_slice %arg6[%dma_wait3A_418, %dma_wait3A_419] : memref<80x128xi32, #tpu.memory_space<vmem>> -> memref<1x128xi32, #tpu.memory_space<vmem>>
    %dma_wait3A_421 = tpu.memref_squeeze %dma_wait3A_420 : memref<1x128xi32, #tpu.memory_space<vmem>> -> memref<128xi32, #tpu.memory_space<vmem>>
    %dma_wait3A_422 = arith.constant 0 : i32
    %dma_wait3A_423 = arith.constant 0 : i32
    %dma_wait3A_424 = tpu.memref_slice %arg2[%dma_wait3A_422, %dma_wait3A_423] : memref<20000x64xf32, #tpu.memory_space<hbm>> -> memref<20000x64xf32, #tpu.memory_space<hbm>>
    tpu.wait_indirect_dma semaphore(%arg21 : memref<!tpu.dma_semaphore, #tpu.memory_space<semaphore_mem>>) src(%dma_wait3A_424 : memref<20000x64xf32, #tpu.memory_space<hbm>>) dst(%arg12 : memref<128x64xf32, #tpu.memory_space<vmem>>)
    %dma_start3A_425 = arith.constant 76 : i32
    %dma_start3A_426 = arith.constant 0 : i32
    %dma_start3A_427 = tpu.memref_slice %arg7[%dma_start3A_425, %dma_start3A_426] : memref<80x128xi32, #tpu.memory_space<vmem>> -> memref<1x128xi32, #tpu.memory_space<vmem>>
    %dma_start3A_428 = tpu.memref_squeeze %dma_start3A_427 : memref<1x128xi32, #tpu.memory_space<vmem>> -> memref<128xi32, #tpu.memory_space<vmem>>
    %dma_start3A_429 = arith.constant 0 : i32
    %dma_start3A_430 = arith.constant 0 : i32
    %dma_start3A_431 = tpu.memref_slice %arg16[%dma_start3A_429, %dma_start3A_430] : memref<10240x64xf32, #tpu.memory_space<vmem_shared>> -> memref<10240x64xf32, #tpu.memory_space<vmem_shared>>
    tpu.enqueue_indirect_dma source(%arg12 : memref<128x64xf32, #tpu.memory_space<vmem>>) target(%dma_start3A_431 : memref<10240x64xf32, #tpu.memory_space<vmem_shared>>) offsets(%dma_start3A_428 : memref<128xi32, #tpu.memory_space<vmem>>) semaphore(%arg29 : memref<!tpu.dma_semaphore, #tpu.memory_space<semaphore_mem>>) {add = true}
    %dma_wait3A_432 = arith.constant 77 : i32
    %dma_wait3A_433 = arith.constant 0 : i32
    %dma_wait3A_434 = tpu.memref_slice %arg6[%dma_wait3A_432, %dma_wait3A_433] : memref<80x128xi32, #tpu.memory_space<vmem>> -> memref<1x128xi32, #tpu.memory_space<vmem>>
    %dma_wait3A_435 = tpu.memref_squeeze %dma_wait3A_434 : memref<1x128xi32, #tpu.memory_space<vmem>> -> memref<128xi32, #tpu.memory_space<vmem>>
    %dma_wait3A_436 = arith.constant 0 : i32
    %dma_wait3A_437 = arith.constant 0 : i32
    %dma_wait3A_438 = tpu.memref_slice %arg2[%dma_wait3A_436, %dma_wait3A_437] : memref<20000x64xf32, #tpu.memory_space<hbm>> -> memref<20000x64xf32, #tpu.memory_space<hbm>>
    tpu.wait_indirect_dma semaphore(%arg22 : memref<!tpu.dma_semaphore, #tpu.memory_space<semaphore_mem>>) src(%dma_wait3A_438 : memref<20000x64xf32, #tpu.memory_space<hbm>>) dst(%arg13 : memref<128x64xf32, #tpu.memory_space<vmem>>)
    %dma_start3A_439 = arith.constant 77 : i32
    %dma_start3A_440 = arith.constant 0 : i32
    %dma_start3A_441 = tpu.memref_slice %arg7[%dma_start3A_439, %dma_start3A_440] : memref<80x128xi32, #tpu.memory_space<vmem>> -> memref<1x128xi32, #tpu.memory_space<vmem>>
    %dma_start3A_442 = tpu.memref_squeeze %dma_start3A_441 : memref<1x128xi32, #tpu.memory_space<vmem>> -> memref<128xi32, #tpu.memory_space<vmem>>
    %dma_start3A_443 = arith.constant 0 : i32
    %dma_start3A_444 = arith.constant 0 : i32
    %dma_start3A_445 = tpu.memref_slice %arg16[%dma_start3A_443, %dma_start3A_444] : memref<10240x64xf32, #tpu.memory_space<vmem_shared>> -> memref<10240x64xf32, #tpu.memory_space<vmem_shared>>
    tpu.enqueue_indirect_dma source(%arg13 : memref<128x64xf32, #tpu.memory_space<vmem>>) target(%dma_start3A_445 : memref<10240x64xf32, #tpu.memory_space<vmem_shared>>) offsets(%dma_start3A_442 : memref<128xi32, #tpu.memory_space<vmem>>) semaphore(%arg30 : memref<!tpu.dma_semaphore, #tpu.memory_space<semaphore_mem>>) {add = true}
    %dma_wait3A_446 = arith.constant 78 : i32
    %dma_wait3A_447 = arith.constant 0 : i32
    %dma_wait3A_448 = tpu.memref_slice %arg6[%dma_wait3A_446, %dma_wait3A_447] : memref<80x128xi32, #tpu.memory_space<vmem>> -> memref<1x128xi32, #tpu.memory_space<vmem>>
    %dma_wait3A_449 = tpu.memref_squeeze %dma_wait3A_448 : memref<1x128xi32, #tpu.memory_space<vmem>> -> memref<128xi32, #tpu.memory_space<vmem>>
    %dma_wait3A_450 = arith.constant 0 : i32
    %dma_wait3A_451 = arith.constant 0 : i32
    %dma_wait3A_452 = tpu.memref_slice %arg2[%dma_wait3A_450, %dma_wait3A_451] : memref<20000x64xf32, #tpu.memory_space<hbm>> -> memref<20000x64xf32, #tpu.memory_space<hbm>>
    tpu.wait_indirect_dma semaphore(%arg23 : memref<!tpu.dma_semaphore, #tpu.memory_space<semaphore_mem>>) src(%dma_wait3A_452 : memref<20000x64xf32, #tpu.memory_space<hbm>>) dst(%arg14 : memref<128x64xf32, #tpu.memory_space<vmem>>)
    %dma_start3A_453 = arith.constant 78 : i32
    %dma_start3A_454 = arith.constant 0 : i32
    %dma_start3A_455 = tpu.memref_slice %arg7[%dma_start3A_453, %dma_start3A_454] : memref<80x128xi32, #tpu.memory_space<vmem>> -> memref<1x128xi32, #tpu.memory_space<vmem>>
    %dma_start3A_456 = tpu.memref_squeeze %dma_start3A_455 : memref<1x128xi32, #tpu.memory_space<vmem>> -> memref<128xi32, #tpu.memory_space<vmem>>
    %dma_start3A_457 = arith.constant 0 : i32
    %dma_start3A_458 = arith.constant 0 : i32
    %dma_start3A_459 = tpu.memref_slice %arg16[%dma_start3A_457, %dma_start3A_458] : memref<10240x64xf32, #tpu.memory_space<vmem_shared>> -> memref<10240x64xf32, #tpu.memory_space<vmem_shared>>
    tpu.enqueue_indirect_dma source(%arg14 : memref<128x64xf32, #tpu.memory_space<vmem>>) target(%dma_start3A_459 : memref<10240x64xf32, #tpu.memory_space<vmem_shared>>) offsets(%dma_start3A_456 : memref<128xi32, #tpu.memory_space<vmem>>) semaphore(%arg31 : memref<!tpu.dma_semaphore, #tpu.memory_space<semaphore_mem>>) {add = true}
    %dma_wait3A_460 = arith.constant 79 : i32
    %dma_wait3A_461 = arith.constant 0 : i32
    %dma_wait3A_462 = tpu.memref_slice %arg6[%dma_wait3A_460, %dma_wait3A_461] : memref<80x128xi32, #tpu.memory_space<vmem>> -> memref<1x128xi32, #tpu.memory_space<vmem>>
    %dma_wait3A_463 = tpu.memref_squeeze %dma_wait3A_462 : memref<1x128xi32, #tpu.memory_space<vmem>> -> memref<128xi32, #tpu.memory_space<vmem>>
    %dma_wait3A_464 = arith.constant 0 : i32
    %dma_wait3A_465 = arith.constant 0 : i32
    %dma_wait3A_466 = tpu.memref_slice %arg2[%dma_wait3A_464, %dma_wait3A_465] : memref<20000x64xf32, #tpu.memory_space<hbm>> -> memref<20000x64xf32, #tpu.memory_space<hbm>>
    tpu.wait_indirect_dma semaphore(%arg24 : memref<!tpu.dma_semaphore, #tpu.memory_space<semaphore_mem>>) src(%dma_wait3A_466 : memref<20000x64xf32, #tpu.memory_space<hbm>>) dst(%arg15 : memref<128x64xf32, #tpu.memory_space<vmem>>)
    %dma_start3A_467 = arith.constant 79 : i32
    %dma_start3A_468 = arith.constant 0 : i32
    %dma_start3A_469 = tpu.memref_slice %arg7[%dma_start3A_467, %dma_start3A_468] : memref<80x128xi32, #tpu.memory_space<vmem>> -> memref<1x128xi32, #tpu.memory_space<vmem>>
    %dma_start3A_470 = tpu.memref_squeeze %dma_start3A_469 : memref<1x128xi32, #tpu.memory_space<vmem>> -> memref<128xi32, #tpu.memory_space<vmem>>
    %dma_start3A_471 = arith.constant 0 : i32
    %dma_start3A_472 = arith.constant 0 : i32
    %dma_start3A_473 = tpu.memref_slice %arg16[%dma_start3A_471, %dma_start3A_472] : memref<10240x64xf32, #tpu.memory_space<vmem_shared>> -> memref<10240x64xf32, #tpu.memory_space<vmem_shared>>
    tpu.enqueue_indirect_dma source(%arg15 : memref<128x64xf32, #tpu.memory_space<vmem>>) target(%dma_start3A_473 : memref<10240x64xf32, #tpu.memory_space<vmem_shared>>) offsets(%dma_start3A_470 : memref<128xi32, #tpu.memory_space<vmem>>) semaphore(%arg32 : memref<!tpu.dma_semaphore, #tpu.memory_space<semaphore_mem>>) {add = true}
    %dma_wait3A_474 = arith.constant 72 : i32
    %dma_wait3A_475 = arith.constant 0 : i32
    %dma_wait3A_476 = tpu.memref_slice %arg7[%dma_wait3A_474, %dma_wait3A_475] : memref<80x128xi32, #tpu.memory_space<vmem>> -> memref<1x128xi32, #tpu.memory_space<vmem>>
    %dma_wait3A_477 = tpu.memref_squeeze %dma_wait3A_476 : memref<1x128xi32, #tpu.memory_space<vmem>> -> memref<128xi32, #tpu.memory_space<vmem>>
    %dma_wait3A_478 = arith.constant 0 : i32
    %dma_wait3A_479 = arith.constant 0 : i32
    %dma_wait3A_480 = tpu.memref_slice %arg16[%dma_wait3A_478, %dma_wait3A_479] : memref<10240x64xf32, #tpu.memory_space<vmem_shared>> -> memref<10240x64xf32, #tpu.memory_space<vmem_shared>>
    tpu.wait_indirect_dma semaphore(%arg25 : memref<!tpu.dma_semaphore, #tpu.memory_space<semaphore_mem>>) src(%arg8 : memref<128x64xf32, #tpu.memory_space<vmem>>) dst(%dma_wait3A_480 : memref<10240x64xf32, #tpu.memory_space<vmem_shared>>)
    %dma_wait3A_481 = arith.constant 73 : i32
    %dma_wait3A_482 = arith.constant 0 : i32
    %dma_wait3A_483 = tpu.memref_slice %arg7[%dma_wait3A_481, %dma_wait3A_482] : memref<80x128xi32, #tpu.memory_space<vmem>> -> memref<1x128xi32, #tpu.memory_space<vmem>>
    %dma_wait3A_484 = tpu.memref_squeeze %dma_wait3A_483 : memref<1x128xi32, #tpu.memory_space<vmem>> -> memref<128xi32, #tpu.memory_space<vmem>>
    %dma_wait3A_485 = arith.constant 0 : i32
    %dma_wait3A_486 = arith.constant 0 : i32
    %dma_wait3A_487 = tpu.memref_slice %arg16[%dma_wait3A_485, %dma_wait3A_486] : memref<10240x64xf32, #tpu.memory_space<vmem_shared>> -> memref<10240x64xf32, #tpu.memory_space<vmem_shared>>
    tpu.wait_indirect_dma semaphore(%arg26 : memref<!tpu.dma_semaphore, #tpu.memory_space<semaphore_mem>>) src(%arg9 : memref<128x64xf32, #tpu.memory_space<vmem>>) dst(%dma_wait3A_487 : memref<10240x64xf32, #tpu.memory_space<vmem_shared>>)
    %dma_wait3A_488 = arith.constant 74 : i32
    %dma_wait3A_489 = arith.constant 0 : i32
    %dma_wait3A_490 = tpu.memref_slice %arg7[%dma_wait3A_488, %dma_wait3A_489] : memref<80x128xi32, #tpu.memory_space<vmem>> -> memref<1x128xi32, #tpu.memory_space<vmem>>
    %dma_wait3A_491 = tpu.memref_squeeze %dma_wait3A_490 : memref<1x128xi32, #tpu.memory_space<vmem>> -> memref<128xi32, #tpu.memory_space<vmem>>
    %dma_wait3A_492 = arith.constant 0 : i32
    %dma_wait3A_493 = arith.constant 0 : i32
    %dma_wait3A_494 = tpu.memref_slice %arg16[%dma_wait3A_492, %dma_wait3A_493] : memref<10240x64xf32, #tpu.memory_space<vmem_shared>> -> memref<10240x64xf32, #tpu.memory_space<vmem_shared>>
    tpu.wait_indirect_dma semaphore(%arg27 : memref<!tpu.dma_semaphore, #tpu.memory_space<semaphore_mem>>) src(%arg10 : memref<128x64xf32, #tpu.memory_space<vmem>>) dst(%dma_wait3A_494 : memref<10240x64xf32, #tpu.memory_space<vmem_shared>>)
    %dma_wait3A_495 = arith.constant 75 : i32
    %dma_wait3A_496 = arith.constant 0 : i32
    %dma_wait3A_497 = tpu.memref_slice %arg7[%dma_wait3A_495, %dma_wait3A_496] : memref<80x128xi32, #tpu.memory_space<vmem>> -> memref<1x128xi32, #tpu.memory_space<vmem>>
    %dma_wait3A_498 = tpu.memref_squeeze %dma_wait3A_497 : memref<1x128xi32, #tpu.memory_space<vmem>> -> memref<128xi32, #tpu.memory_space<vmem>>
    %dma_wait3A_499 = arith.constant 0 : i32
    %dma_wait3A_500 = arith.constant 0 : i32
    %dma_wait3A_501 = tpu.memref_slice %arg16[%dma_wait3A_499, %dma_wait3A_500] : memref<10240x64xf32, #tpu.memory_space<vmem_shared>> -> memref<10240x64xf32, #tpu.memory_space<vmem_shared>>
    tpu.wait_indirect_dma semaphore(%arg28 : memref<!tpu.dma_semaphore, #tpu.memory_space<semaphore_mem>>) src(%arg11 : memref<128x64xf32, #tpu.memory_space<vmem>>) dst(%dma_wait3A_501 : memref<10240x64xf32, #tpu.memory_space<vmem_shared>>)
    %dma_wait3A_502 = arith.constant 76 : i32
    %dma_wait3A_503 = arith.constant 0 : i32
    %dma_wait3A_504 = tpu.memref_slice %arg7[%dma_wait3A_502, %dma_wait3A_503] : memref<80x128xi32, #tpu.memory_space<vmem>> -> memref<1x128xi32, #tpu.memory_space<vmem>>
    %dma_wait3A_505 = tpu.memref_squeeze %dma_wait3A_504 : memref<1x128xi32, #tpu.memory_space<vmem>> -> memref<128xi32, #tpu.memory_space<vmem>>
    %dma_wait3A_506 = arith.constant 0 : i32
    %dma_wait3A_507 = arith.constant 0 : i32
    %dma_wait3A_508 = tpu.memref_slice %arg16[%dma_wait3A_506, %dma_wait3A_507] : memref<10240x64xf32, #tpu.memory_space<vmem_shared>> -> memref<10240x64xf32, #tpu.memory_space<vmem_shared>>
    tpu.wait_indirect_dma semaphore(%arg29 : memref<!tpu.dma_semaphore, #tpu.memory_space<semaphore_mem>>) src(%arg12 : memref<128x64xf32, #tpu.memory_space<vmem>>) dst(%dma_wait3A_508 : memref<10240x64xf32, #tpu.memory_space<vmem_shared>>)
    %dma_wait3A_509 = arith.constant 77 : i32
    %dma_wait3A_510 = arith.constant 0 : i32
    %dma_wait3A_511 = tpu.memref_slice %arg7[%dma_wait3A_509, %dma_wait3A_510] : memref<80x128xi32, #tpu.memory_space<vmem>> -> memref<1x128xi32, #tpu.memory_space<vmem>>
    %dma_wait3A_512 = tpu.memref_squeeze %dma_wait3A_511 : memref<1x128xi32, #tpu.memory_space<vmem>> -> memref<128xi32, #tpu.memory_space<vmem>>
    %dma_wait3A_513 = arith.constant 0 : i32
    %dma_wait3A_514 = arith.constant 0 : i32
    %dma_wait3A_515 = tpu.memref_slice %arg16[%dma_wait3A_513, %dma_wait3A_514] : memref<10240x64xf32, #tpu.memory_space<vmem_shared>> -> memref<10240x64xf32, #tpu.memory_space<vmem_shared>>
    tpu.wait_indirect_dma semaphore(%arg30 : memref<!tpu.dma_semaphore, #tpu.memory_space<semaphore_mem>>) src(%arg13 : memref<128x64xf32, #tpu.memory_space<vmem>>) dst(%dma_wait3A_515 : memref<10240x64xf32, #tpu.memory_space<vmem_shared>>)
    %dma_wait3A_516 = arith.constant 78 : i32
    %dma_wait3A_517 = arith.constant 0 : i32
    %dma_wait3A_518 = tpu.memref_slice %arg7[%dma_wait3A_516, %dma_wait3A_517] : memref<80x128xi32, #tpu.memory_space<vmem>> -> memref<1x128xi32, #tpu.memory_space<vmem>>
    %dma_wait3A_519 = tpu.memref_squeeze %dma_wait3A_518 : memref<1x128xi32, #tpu.memory_space<vmem>> -> memref<128xi32, #tpu.memory_space<vmem>>
    %dma_wait3A_520 = arith.constant 0 : i32
    %dma_wait3A_521 = arith.constant 0 : i32
    %dma_wait3A_522 = tpu.memref_slice %arg16[%dma_wait3A_520, %dma_wait3A_521] : memref<10240x64xf32, #tpu.memory_space<vmem_shared>> -> memref<10240x64xf32, #tpu.memory_space<vmem_shared>>
    tpu.wait_indirect_dma semaphore(%arg31 : memref<!tpu.dma_semaphore, #tpu.memory_space<semaphore_mem>>) src(%arg14 : memref<128x64xf32, #tpu.memory_space<vmem>>) dst(%dma_wait3A_522 : memref<10240x64xf32, #tpu.memory_space<vmem_shared>>)
    %dma_wait3A_523 = arith.constant 79 : i32
    %dma_wait3A_524 = arith.constant 0 : i32
    %dma_wait3A_525 = tpu.memref_slice %arg7[%dma_wait3A_523, %dma_wait3A_524] : memref<80x128xi32, #tpu.memory_space<vmem>> -> memref<1x128xi32, #tpu.memory_space<vmem>>
    %dma_wait3A_526 = tpu.memref_squeeze %dma_wait3A_525 : memref<1x128xi32, #tpu.memory_space<vmem>> -> memref<128xi32, #tpu.memory_space<vmem>>
    %dma_wait3A_527 = arith.constant 0 : i32
    %dma_wait3A_528 = arith.constant 0 : i32
    %dma_wait3A_529 = tpu.memref_slice %arg16[%dma_wait3A_527, %dma_wait3A_528] : memref<10240x64xf32, #tpu.memory_space<vmem_shared>> -> memref<10240x64xf32, #tpu.memory_space<vmem_shared>>
    tpu.wait_indirect_dma semaphore(%arg32 : memref<!tpu.dma_semaphore, #tpu.memory_space<semaphore_mem>>) src(%arg15 : memref<128x64xf32, #tpu.memory_space<vmem>>) dst(%dma_wait3A_529 : memref<10240x64xf32, #tpu.memory_space<vmem_shared>>)
    %barrier3A_530 = arith.constant 0 : index
    tpu.barrier barrier_id(%barrier3A_530)
    %mul3A_531 = arith.constant 640 : i32
    %mul3A_532 = arith.muli %arg1, %mul3A_531 : i32
    %mul3A_533 = arith.constant 640 : i32
    %mul3A_534 = arith.muli %arg1, %mul3A_533 : i32
    "tpu.region"() ({
      %run_scoped3A = tpu.sem_alloc : memref<!tpu.dma_semaphore, #tpu.memory_space<semaphore_mem>>
      %dma_start3A_535 = arith.constant 64 : i32
      %dma_start3A_536 = tpu.memref_slice %arg5[%arg0, %mul3A_534, %dma_start3A_535] : memref<2x10240x128xf32, #tpu.memory_space<hbm>> -> memref<1x640x64xf32, #tpu.memory_space<hbm>>
      %dma_start3A_537 = tpu.memref_squeeze %dma_start3A_536 : memref<1x640x64xf32, #tpu.memory_space<hbm>> -> memref<640x64xf32, #tpu.memory_space<hbm>>
      %dma_start3A_538 = arith.constant 0 : i32
      %dma_start3A_539 = tpu.memref_slice %arg16[%mul3A_532, %dma_start3A_538] : memref<10240x64xf32, #tpu.memory_space<vmem_shared>> -> memref<640x64xf32, #tpu.memory_space<vmem_shared>>
      tpu.enqueue_dma source(%dma_start3A_539 : memref<640x64xf32, #tpu.memory_space<vmem_shared>>) target(%dma_start3A_537 : memref<640x64xf32, #tpu.memory_space<hbm>>) target_semaphore(%run_scoped3A : memref<!tpu.dma_semaphore, #tpu.memory_space<semaphore_mem>>)
      %dma_wait3A_540 = arith.constant 64 : i32
      %dma_wait3A_541 = tpu.memref_slice %arg5[%arg0, %mul3A_534, %dma_wait3A_540] : memref<2x10240x128xf32, #tpu.memory_space<hbm>> -> memref<1x640x64xf32, #tpu.memory_space<hbm>>
      %dma_wait3A_542 = tpu.memref_squeeze %dma_wait3A_541 : memref<1x640x64xf32, #tpu.memory_space<hbm>> -> memref<640x64xf32, #tpu.memory_space<hbm>>
      %dma_wait3A_543 = arith.constant 0 : i32
      %dma_wait3A_544 = tpu.memref_slice %arg16[%mul3A_532, %dma_wait3A_543] : memref<10240x64xf32, #tpu.memory_space<vmem_shared>> -> memref<640x64xf32, #tpu.memory_space<vmem_shared>>
      tpu.wait_dma2 semaphore(%run_scoped3A : memref<!tpu.dma_semaphore, #tpu.memory_space<semaphore_mem>>) src(%dma_wait3A_544 : memref<640x64xf32, #tpu.memory_space<vmem_shared>>) dst(%dma_wait3A_542 : memref<640x64xf32, #tpu.memory_space<hbm>>)
      tpu.yield
    }) : () -> ()
    return
  }
}

#map = affine_map<(d0, d1) -> (0, 0)>
#map1 = affine_map<(d0, d1) -> (0, 0, 0)>
module attributes {stable_mosaic.version = 14 : i64} {
  func.func @_sc_body(%arg0: i32, %arg1: i32, %arg2: memref<20000x64xf32, #tpu.memory_space<hbm>>, %arg3: memref<32x80x128xi32, #tpu.memory_space<hbm>>, %arg4: memref<32x80x128xi32, #tpu.memory_space<hbm>>, %arg5: memref<2x10240x128xf32, #tpu.memory_space<hbm>>, %arg6: memref<2x10240x16xf32, #tpu.memory_space<hbm>>, %arg7: memref<80x128xi32, #tpu.memory_space<vmem>>, %arg8: memref<80x128xi32, #tpu.memory_space<vmem>>, %arg9: memref<128x64xf32, #tpu.memory_space<vmem>>, %arg10: memref<128x64xf32, #tpu.memory_space<vmem>>, %arg11: memref<128x64xf32, #tpu.memory_space<vmem>>, %arg12: memref<128x64xf32, #tpu.memory_space<vmem>>, %arg13: memref<128x16xf32, #tpu.memory_space<vmem>>, %arg14: memref<128x16xf32, #tpu.memory_space<vmem>>, %arg15: memref<10240x64xf32, #tpu.memory_space<vmem_shared>>, %arg16: memref<10240x16xf32, #tpu.memory_space<vmem_shared>>, %arg17: memref<!tpu.dma_semaphore, #tpu.memory_space<semaphore_mem>>, %arg18: memref<!tpu.dma_semaphore, #tpu.memory_space<semaphore_mem>>, %arg19: memref<!tpu.dma_semaphore, #tpu.memory_space<semaphore_mem>>, %arg20: memref<!tpu.dma_semaphore, #tpu.memory_space<semaphore_mem>>, %arg21: memref<!tpu.dma_semaphore, #tpu.memory_space<semaphore_mem>>, %arg22: memref<!tpu.dma_semaphore, #tpu.memory_space<semaphore_mem>>, %arg23: memref<!tpu.dma_semaphore, #tpu.memory_space<semaphore_mem>>, %arg24: memref<!tpu.dma_semaphore, #tpu.memory_space<semaphore_mem>>, %arg25: memref<!tpu.dma_semaphore, #tpu.memory_space<semaphore_mem>>, %arg26: memref<!tpu.dma_semaphore, #tpu.memory_space<semaphore_mem>>, %arg27: memref<!tpu.dma_semaphore, #tpu.memory_space<semaphore_mem>>, %arg28: memref<!tpu.dma_semaphore, #tpu.memory_space<semaphore_mem>>) attributes {dimension_semantics = [#tpu.dimension_semantics<core_parallel>, #tpu.dimension_semantics<subcore_parallel>], iteration_bounds = array<i64: 2, 16>, scalar_prefetch = 0 : i64, scratch_operands = 22 : i64, tpu.core_type = #tpu.core_type<sc_vector_subcore>, window_params = [{transform_indices = #map}, {transform_indices = #map1}, {transform_indices = #map1}, {transform_indices = #map1}, {transform_indices = #map1}]} {
    %mul3A = arith.constant 2 : i32
    %mul3A_0 = arith.muli %arg1, %mul3A : i32
    %add3A = arith.addi %mul3A_0, %arg0 : i32
    "tpu.region"() ({
      %run_scoped3A = tpu.sem_alloc : memref<!tpu.dma_semaphore, #tpu.memory_space<semaphore_mem>>
      %dma_start3A_400 = arith.constant 0 : i32
      %dma_start3A_401 = arith.constant 0 : i32
      %dma_start3A_402 = tpu.memref_slice %arg3[%add3A, %dma_start3A_400, %dma_start3A_401] : memref<32x80x128xi32, #tpu.memory_space<hbm>> -> memref<1x80x128xi32, #tpu.memory_space<hbm>>
      %dma_start3A_403 = tpu.memref_squeeze %dma_start3A_402 : memref<1x80x128xi32, #tpu.memory_space<hbm>> -> memref<80x128xi32, #tpu.memory_space<hbm>>
      %dma_start3A_404 = arith.constant 0 : i32
      %dma_start3A_405 = arith.constant 0 : i32
      %dma_start3A_406 = tpu.memref_slice %arg3[%add3A, %dma_start3A_404, %dma_start3A_405] : memref<32x80x128xi32, #tpu.memory_space<hbm>> -> memref<1x80x128xi32, #tpu.memory_space<hbm>>
      %dma_start3A_407 = tpu.memref_squeeze %dma_start3A_406 : memref<1x80x128xi32, #tpu.memory_space<hbm>> -> memref<80x128xi32, #tpu.memory_space<hbm>>
      tpu.enqueue_dma source(%dma_start3A_407 : memref<80x128xi32, #tpu.memory_space<hbm>>) target(%arg7 : memref<80x128xi32, #tpu.memory_space<vmem>>) target_semaphore(%run_scoped3A : memref<!tpu.dma_semaphore, #tpu.memory_space<semaphore_mem>>)
      %dma_wait3A_408 = arith.constant 0 : i32
      %dma_wait3A_409 = arith.constant 0 : i32
      %dma_wait3A_410 = tpu.memref_slice %arg3[%add3A, %dma_wait3A_408, %dma_wait3A_409] : memref<32x80x128xi32, #tpu.memory_space<hbm>> -> memref<1x80x128xi32, #tpu.memory_space<hbm>>
      %dma_wait3A_411 = tpu.memref_squeeze %dma_wait3A_410 : memref<1x80x128xi32, #tpu.memory_space<hbm>> -> memref<80x128xi32, #tpu.memory_space<hbm>>
      %dma_wait3A_412 = arith.constant 0 : i32
      %dma_wait3A_413 = arith.constant 0 : i32
      %dma_wait3A_414 = tpu.memref_slice %arg3[%add3A, %dma_wait3A_412, %dma_wait3A_413] : memref<32x80x128xi32, #tpu.memory_space<hbm>> -> memref<1x80x128xi32, #tpu.memory_space<hbm>>
      %dma_wait3A_415 = tpu.memref_squeeze %dma_wait3A_414 : memref<1x80x128xi32, #tpu.memory_space<hbm>> -> memref<80x128xi32, #tpu.memory_space<hbm>>
      tpu.wait_dma2 semaphore(%run_scoped3A : memref<!tpu.dma_semaphore, #tpu.memory_space<semaphore_mem>>) src(%dma_wait3A_415 : memref<80x128xi32, #tpu.memory_space<hbm>>) dst(%arg7 : memref<80x128xi32, #tpu.memory_space<vmem>>)
      tpu.yield
    }) : () -> ()
    "tpu.region"() ({
      %run_scoped3A = tpu.sem_alloc : memref<!tpu.dma_semaphore, #tpu.memory_space<semaphore_mem>>
      %dma_start3A_400 = arith.constant 0 : i32
      %dma_start3A_401 = arith.constant 0 : i32
      %dma_start3A_402 = tpu.memref_slice %arg4[%add3A, %dma_start3A_400, %dma_start3A_401] : memref<32x80x128xi32, #tpu.memory_space<hbm>> -> memref<1x80x128xi32, #tpu.memory_space<hbm>>
      %dma_start3A_403 = tpu.memref_squeeze %dma_start3A_402 : memref<1x80x128xi32, #tpu.memory_space<hbm>> -> memref<80x128xi32, #tpu.memory_space<hbm>>
      %dma_start3A_404 = arith.constant 0 : i32
      %dma_start3A_405 = arith.constant 0 : i32
      %dma_start3A_406 = tpu.memref_slice %arg4[%add3A, %dma_start3A_404, %dma_start3A_405] : memref<32x80x128xi32, #tpu.memory_space<hbm>> -> memref<1x80x128xi32, #tpu.memory_space<hbm>>
      %dma_start3A_407 = tpu.memref_squeeze %dma_start3A_406 : memref<1x80x128xi32, #tpu.memory_space<hbm>> -> memref<80x128xi32, #tpu.memory_space<hbm>>
      tpu.enqueue_dma source(%dma_start3A_407 : memref<80x128xi32, #tpu.memory_space<hbm>>) target(%arg8 : memref<80x128xi32, #tpu.memory_space<vmem>>) target_semaphore(%run_scoped3A : memref<!tpu.dma_semaphore, #tpu.memory_space<semaphore_mem>>)
      %dma_wait3A_408 = arith.constant 0 : i32
      %dma_wait3A_409 = arith.constant 0 : i32
      %dma_wait3A_410 = tpu.memref_slice %arg4[%add3A, %dma_wait3A_408, %dma_wait3A_409] : memref<32x80x128xi32, #tpu.memory_space<hbm>> -> memref<1x80x128xi32, #tpu.memory_space<hbm>>
      %dma_wait3A_411 = tpu.memref_squeeze %dma_wait3A_410 : memref<1x80x128xi32, #tpu.memory_space<hbm>> -> memref<80x128xi32, #tpu.memory_space<hbm>>
      %dma_wait3A_412 = arith.constant 0 : i32
      %dma_wait3A_413 = arith.constant 0 : i32
      %dma_wait3A_414 = tpu.memref_slice %arg4[%add3A, %dma_wait3A_412, %dma_wait3A_413] : memref<32x80x128xi32, #tpu.memory_space<hbm>> -> memref<1x80x128xi32, #tpu.memory_space<hbm>>
      %dma_wait3A_415 = tpu.memref_squeeze %dma_wait3A_414 : memref<1x80x128xi32, #tpu.memory_space<hbm>> -> memref<80x128xi32, #tpu.memory_space<hbm>>
      tpu.wait_dma2 semaphore(%run_scoped3A : memref<!tpu.dma_semaphore, #tpu.memory_space<semaphore_mem>>) src(%dma_wait3A_415 : memref<80x128xi32, #tpu.memory_space<hbm>>) dst(%arg8 : memref<80x128xi32, #tpu.memory_space<vmem>>)
      tpu.yield
    }) : () -> ()
    %broadcast_in_dim3A = arith.constant 0.000000e+00 : f32
    %broadcast_in_dim3A_1 = vector.broadcast %broadcast_in_dim3A : f32 to vector<16xf32>
    %broadcast_in_dim3A_2 = arith.constant 1.000000e+00 : f32
    %broadcast_in_dim3A_3 = vector.broadcast %broadcast_in_dim3A_2 : f32 to vector<16xf32>
    %scan3A = arith.constant 0 : i32
    %scan3A_4 = arith.constant 0 : i32
    %scan3A_5 = arith.constant 128 : i32
    %scan3A_6 = arith.addi %scan3A_4, %scan3A_5 : i32
    %scan3A_7 = arith.constant 1 : i32
    %scan3A_8 = scf.for %scan3A_400 = %scan3A_4 to %scan3A_6 step %scan3A_7 iter_args(%scan3A_401 = %scan3A) -> (i32)  : i32 {
      %swap3A = arith.index_cast %scan3A_400 : i32 to index
      %swap3A_402 = arith.constant 0 : index
      %swap3A_403 = tpu.vector_load %arg13[%swap3A, %swap3A_402] {strides = array<i32>} : memref<128x16xf32, #tpu.memory_space<vmem>>, vector<1x16xf32>,
      %swap3A_404 = vector.shape_cast %swap3A_403 : vector<1x16xf32> to vector<16xf32>
      %swap3A_405 = vector.shape_cast %broadcast_in_dim3A_3 : vector<16xf32> to vector<1x16xf32>
      tpu.vector_store %arg13[%swap3A, %swap3A_402], %swap3A_405 {strides = array<i32>} : memref<128x16xf32, #tpu.memory_space<vmem>>, vector<1x16xf32>,
      %swap3A_406 = arith.index_cast %scan3A_400 : i32 to index
      %swap3A_407 = arith.constant 0 : index
      %swap3A_408 = tpu.vector_load %arg14[%swap3A_406, %swap3A_407] {strides = array<i32>} : memref<128x16xf32, #tpu.memory_space<vmem>>, vector<1x16xf32>,
      %swap3A_409 = vector.shape_cast %swap3A_408 : vector<1x16xf32> to vector<16xf32>
      %swap3A_410 = vector.shape_cast %broadcast_in_dim3A_1 : vector<16xf32> to vector<1x16xf32>
      tpu.vector_store %arg14[%swap3A_406, %swap3A_407], %swap3A_410 {strides = array<i32>} : memref<128x16xf32, #tpu.memory_space<vmem>>, vector<1x16xf32>,
      %scan3A_411 = arith.constant 0 : i32
      scf.yield %scan3A_411 : i32
    }
    %scan3A_9 = arith.constant 128 : i32
    %scan3A_10 = arith.constant 0 : i32
    %scan3A_11 = arith.constant 0 : i32
    %scan3A_12 = arith.constant 128 : i32
    %scan3A_13 = arith.addi %scan3A_11, %scan3A_12 : i32
    %scan3A_14 = arith.constant 1 : i32
    %scan3A_15 = scf.for %scan3A_400 = %scan3A_11 to %scan3A_13 step %scan3A_14 iter_args(%scan3A_401 = %scan3A_10) -> (i32)  : i32 {
      %swap3A = arith.index_cast %scan3A_400 : i32 to index
      %swap3A_402 = arith.constant 0 : index
      %swap3A_403 = tpu.vector_load %arg9[%swap3A, %swap3A_402] {strides = array<i32>} : memref<128x64xf32, #tpu.memory_space<vmem>>, vector<1x16xf32>,
      %swap3A_404 = vector.shape_cast %swap3A_403 : vector<1x16xf32> to vector<16xf32>
      %swap3A_405 = vector.shape_cast %broadcast_in_dim3A_1 : vector<16xf32> to vector<1x16xf32>
      tpu.vector_store %arg9[%swap3A, %swap3A_402], %swap3A_405 {strides = array<i32>} : memref<128x64xf32, #tpu.memory_space<vmem>>, vector<1x16xf32>,
      %swap3A_406 = arith.index_cast %scan3A_400 : i32 to index
      %swap3A_407 = arith.constant 16 : index
      %swap3A_408 = tpu.vector_load %arg9[%swap3A_406, %swap3A_407] {strides = array<i32>} : memref<128x64xf32, #tpu.memory_space<vmem>>, vector<1x16xf32>,
      %swap3A_409 = vector.shape_cast %swap3A_408 : vector<1x16xf32> to vector<16xf32>
      %swap3A_410 = vector.shape_cast %broadcast_in_dim3A_1 : vector<16xf32> to vector<1x16xf32>
      tpu.vector_store %arg9[%swap3A_406, %swap3A_407], %swap3A_410 {strides = array<i32>} : memref<128x64xf32, #tpu.memory_space<vmem>>, vector<1x16xf32>,
      %swap3A_411 = arith.index_cast %scan3A_400 : i32 to index
      %swap3A_412 = arith.constant 32 : index
      %swap3A_413 = tpu.vector_load %arg9[%swap3A_411, %swap3A_412] {strides = array<i32>} : memref<128x64xf32, #tpu.memory_space<vmem>>, vector<1x16xf32>,
      %swap3A_414 = vector.shape_cast %swap3A_413 : vector<1x16xf32> to vector<16xf32>
      %swap3A_415 = vector.shape_cast %broadcast_in_dim3A_1 : vector<16xf32> to vector<1x16xf32>
      tpu.vector_store %arg9[%swap3A_411, %swap3A_412], %swap3A_415 {strides = array<i32>} : memref<128x64xf32, #tpu.memory_space<vmem>>, vector<1x16xf32>,
      %swap3A_416 = arith.index_cast %scan3A_400 : i32 to index
      %swap3A_417 = arith.constant 48 : index
      %swap3A_418 = tpu.vector_load %arg9[%swap3A_416, %swap3A_417] {strides = array<i32>} : memref<128x64xf32, #tpu.memory_space<vmem>>, vector<1x16xf32>,
      %swap3A_419 = vector.shape_cast %swap3A_418 : vector<1x16xf32> to vector<16xf32>
      %swap3A_420 = vector.shape_cast %broadcast_in_dim3A_1 : vector<16xf32> to vector<1x16xf32>
      tpu.vector_store %arg9[%swap3A_416, %swap3A_417], %swap3A_420 {strides = array<i32>} : memref<128x64xf32, #tpu.memory_space<vmem>>, vector<1x16xf32>,
      %scan3A_421 = arith.constant 0 : i32
      scf.yield %scan3A_421 : i32
    }
    %scan3A_16 = arith.constant 128 : i32
    %mul3A_17 = arith.constant 640 : i32
    %mul3A_18 = arith.muli %arg1, %mul3A_17 : i32
    %add3A_19 = arith.constant 0 : i32
    %add3A_20 = arith.addi %mul3A_18, %add3A_19 : i32
    "tpu.region"() ({
      %run_scoped3A = tpu.sem_alloc : memref<!tpu.dma_semaphore, #tpu.memory_space<semaphore_mem>>
      %dma_start3A_400 = arith.constant 0 : i32
      %dma_start3A_401 = tpu.memref_slice %arg15[%add3A_20, %dma_start3A_400] : memref<10240x64xf32, #tpu.memory_space<vmem_shared>> -> memref<128x64xf32, #tpu.memory_space<vmem_shared>>
      %dma_start3A_402 = arith.constant 0 : i32
      %dma_start3A_403 = tpu.memref_slice %arg15[%add3A_20, %dma_start3A_402] : memref<10240x64xf32, #tpu.memory_space<vmem_shared>> -> memref<128x64xf32, #tpu.memory_space<vmem_shared>>
      tpu.enqueue_dma source(%arg9 : memref<128x64xf32, #tpu.memory_space<vmem>>) target(%dma_start3A_403 : memref<128x64xf32, #tpu.memory_space<vmem_shared>>) target_semaphore(%run_scoped3A : memref<!tpu.dma_semaphore, #tpu.memory_space<semaphore_mem>>)
      %dma_wait3A_404 = arith.constant 0 : i32
      %dma_wait3A_405 = tpu.memref_slice %arg15[%add3A_20, %dma_wait3A_404] : memref<10240x64xf32, #tpu.memory_space<vmem_shared>> -> memref<128x64xf32, #tpu.memory_space<vmem_shared>>
      %dma_wait3A_406 = arith.constant 0 : i32
      %dma_wait3A_407 = tpu.memref_slice %arg15[%add3A_20, %dma_wait3A_406] : memref<10240x64xf32, #tpu.memory_space<vmem_shared>> -> memref<128x64xf32, #tpu.memory_space<vmem_shared>>
      tpu.wait_dma2 semaphore(%run_scoped3A : memref<!tpu.dma_semaphore, #tpu.memory_space<semaphore_mem>>) src(%arg9 : memref<128x64xf32, #tpu.memory_space<vmem>>) dst(%dma_wait3A_407 : memref<128x64xf32, #tpu.memory_space<vmem_shared>>)
      tpu.yield
    }) : () -> ()
    %mul3A_21 = arith.constant 640 : i32
    %mul3A_22 = arith.muli %arg1, %mul3A_21 : i32
    %add3A_23 = arith.constant 0 : i32
    %add3A_24 = arith.addi %mul3A_22, %add3A_23 : i32
    "tpu.region"() ({
      %run_scoped3A = tpu.sem_alloc : memref<!tpu.dma_semaphore, #tpu.memory_space<semaphore_mem>>
      %dma_start3A_400 = arith.constant 0 : i32
      %dma_start3A_401 = tpu.memref_slice %arg16[%add3A_24, %dma_start3A_400] : memref<10240x16xf32, #tpu.memory_space<vmem_shared>> -> memref<128x16xf32, #tpu.memory_space<vmem_shared>>
      %dma_start3A_402 = arith.constant 0 : i32
      %dma_start3A_403 = tpu.memref_slice %arg16[%add3A_24, %dma_start3A_402] : memref<10240x16xf32, #tpu.memory_space<vmem_shared>> -> memref<128x16xf32, #tpu.memory_space<vmem_shared>>
      tpu.enqueue_dma source(%arg14 : memref<128x16xf32, #tpu.memory_space<vmem>>) target(%dma_start3A_403 : memref<128x16xf32, #tpu.memory_space<vmem_shared>>) target_semaphore(%run_scoped3A : memref<!tpu.dma_semaphore, #tpu.memory_space<semaphore_mem>>)
      %dma_wait3A_404 = arith.constant 0 : i32
      %dma_wait3A_405 = tpu.memref_slice %arg16[%add3A_24, %dma_wait3A_404] : memref<10240x16xf32, #tpu.memory_space<vmem_shared>> -> memref<128x16xf32, #tpu.memory_space<vmem_shared>>
      %dma_wait3A_406 = arith.constant 0 : i32
      %dma_wait3A_407 = tpu.memref_slice %arg16[%add3A_24, %dma_wait3A_406] : memref<10240x16xf32, #tpu.memory_space<vmem_shared>> -> memref<128x16xf32, #tpu.memory_space<vmem_shared>>
      tpu.wait_dma2 semaphore(%run_scoped3A : memref<!tpu.dma_semaphore, #tpu.memory_space<semaphore_mem>>) src(%arg14 : memref<128x16xf32, #tpu.memory_space<vmem>>) dst(%dma_wait3A_407 : memref<128x16xf32, #tpu.memory_space<vmem_shared>>)
      tpu.yield
    }) : () -> ()
    %mul3A_25 = arith.constant 640 : i32
    %mul3A_26 = arith.muli %arg1, %mul3A_25 : i32
    %add3A_27 = arith.constant 128 : i32
    %add3A_28 = arith.addi %mul3A_26, %add3A_27 : i32
    "tpu.region"() ({
      %run_scoped3A = tpu.sem_alloc : memref<!tpu.dma_semaphore, #tpu.memory_space<semaphore_mem>>
      %dma_start3A_400 = arith.constant 0 : i32
      %dma_start3A_401 = tpu.memref_slice %arg15[%add3A_28, %dma_start3A_400] : memref<10240x64xf32, #tpu.memory_space<vmem_shared>> -> memref<128x64xf32, #tpu.memory_space<vmem_shared>>
      %dma_start3A_402 = arith.constant 0 : i32
      %dma_start3A_403 = tpu.memref_slice %arg15[%add3A_28, %dma_start3A_402] : memref<10240x64xf32, #tpu.memory_space<vmem_shared>> -> memref<128x64xf32, #tpu.memory_space<vmem_shared>>
      tpu.enqueue_dma source(%arg9 : memref<128x64xf32, #tpu.memory_space<vmem>>) target(%dma_start3A_403 : memref<128x64xf32, #tpu.memory_space<vmem_shared>>) target_semaphore(%run_scoped3A : memref<!tpu.dma_semaphore, #tpu.memory_space<semaphore_mem>>)
      %dma_wait3A_404 = arith.constant 0 : i32
      %dma_wait3A_405 = tpu.memref_slice %arg15[%add3A_28, %dma_wait3A_404] : memref<10240x64xf32, #tpu.memory_space<vmem_shared>> -> memref<128x64xf32, #tpu.memory_space<vmem_shared>>
      %dma_wait3A_406 = arith.constant 0 : i32
      %dma_wait3A_407 = tpu.memref_slice %arg15[%add3A_28, %dma_wait3A_406] : memref<10240x64xf32, #tpu.memory_space<vmem_shared>> -> memref<128x64xf32, #tpu.memory_space<vmem_shared>>
      tpu.wait_dma2 semaphore(%run_scoped3A : memref<!tpu.dma_semaphore, #tpu.memory_space<semaphore_mem>>) src(%arg9 : memref<128x64xf32, #tpu.memory_space<vmem>>) dst(%dma_wait3A_407 : memref<128x64xf32, #tpu.memory_space<vmem_shared>>)
      tpu.yield
    }) : () -> ()
    %mul3A_29 = arith.constant 640 : i32
    %mul3A_30 = arith.muli %arg1, %mul3A_29 : i32
    %add3A_31 = arith.constant 128 : i32
    %add3A_32 = arith.addi %mul3A_30, %add3A_31 : i32
    "tpu.region"() ({
      %run_scoped3A = tpu.sem_alloc : memref<!tpu.dma_semaphore, #tpu.memory_space<semaphore_mem>>
      %dma_start3A_400 = arith.constant 0 : i32
      %dma_start3A_401 = tpu.memref_slice %arg16[%add3A_32, %dma_start3A_400] : memref<10240x16xf32, #tpu.memory_space<vmem_shared>> -> memref<128x16xf32, #tpu.memory_space<vmem_shared>>
      %dma_start3A_402 = arith.constant 0 : i32
      %dma_start3A_403 = tpu.memref_slice %arg16[%add3A_32, %dma_start3A_402] : memref<10240x16xf32, #tpu.memory_space<vmem_shared>> -> memref<128x16xf32, #tpu.memory_space<vmem_shared>>
      tpu.enqueue_dma source(%arg14 : memref<128x16xf32, #tpu.memory_space<vmem>>) target(%dma_start3A_403 : memref<128x16xf32, #tpu.memory_space<vmem_shared>>) target_semaphore(%run_scoped3A : memref<!tpu.dma_semaphore, #tpu.memory_space<semaphore_mem>>)
      %dma_wait3A_404 = arith.constant 0 : i32
      %dma_wait3A_405 = tpu.memref_slice %arg16[%add3A_32, %dma_wait3A_404] : memref<10240x16xf32, #tpu.memory_space<vmem_shared>> -> memref<128x16xf32, #tpu.memory_space<vmem_shared>>
      %dma_wait3A_406 = arith.constant 0 : i32
      %dma_wait3A_407 = tpu.memref_slice %arg16[%add3A_32, %dma_wait3A_406] : memref<10240x16xf32, #tpu.memory_space<vmem_shared>> -> memref<128x16xf32, #tpu.memory_space<vmem_shared>>
      tpu.wait_dma2 semaphore(%run_scoped3A : memref<!tpu.dma_semaphore, #tpu.memory_space<semaphore_mem>>) src(%arg14 : memref<128x16xf32, #tpu.memory_space<vmem>>) dst(%dma_wait3A_407 : memref<128x16xf32, #tpu.memory_space<vmem_shared>>)
      tpu.yield
    }) : () -> ()
    %mul3A_33 = arith.constant 640 : i32
    %mul3A_34 = arith.muli %arg1, %mul3A_33 : i32
    %add3A_35 = arith.constant 256 : i32
    %add3A_36 = arith.addi %mul3A_34, %add3A_35 : i32
    "tpu.region"() ({
      %run_scoped3A = tpu.sem_alloc : memref<!tpu.dma_semaphore, #tpu.memory_space<semaphore_mem>>
      %dma_start3A_400 = arith.constant 0 : i32
      %dma_start3A_401 = tpu.memref_slice %arg15[%add3A_36, %dma_start3A_400] : memref<10240x64xf32, #tpu.memory_space<vmem_shared>> -> memref<128x64xf32, #tpu.memory_space<vmem_shared>>
      %dma_start3A_402 = arith.constant 0 : i32
      %dma_start3A_403 = tpu.memref_slice %arg15[%add3A_36, %dma_start3A_402] : memref<10240x64xf32, #tpu.memory_space<vmem_shared>> -> memref<128x64xf32, #tpu.memory_space<vmem_shared>>
      tpu.enqueue_dma source(%arg9 : memref<128x64xf32, #tpu.memory_space<vmem>>) target(%dma_start3A_403 : memref<128x64xf32, #tpu.memory_space<vmem_shared>>) target_semaphore(%run_scoped3A : memref<!tpu.dma_semaphore, #tpu.memory_space<semaphore_mem>>)
      %dma_wait3A_404 = arith.constant 0 : i32
      %dma_wait3A_405 = tpu.memref_slice %arg15[%add3A_36, %dma_wait3A_404] : memref<10240x64xf32, #tpu.memory_space<vmem_shared>> -> memref<128x64xf32, #tpu.memory_space<vmem_shared>>
      %dma_wait3A_406 = arith.constant 0 : i32
      %dma_wait3A_407 = tpu.memref_slice %arg15[%add3A_36, %dma_wait3A_406] : memref<10240x64xf32, #tpu.memory_space<vmem_shared>> -> memref<128x64xf32, #tpu.memory_space<vmem_shared>>
      tpu.wait_dma2 semaphore(%run_scoped3A : memref<!tpu.dma_semaphore, #tpu.memory_space<semaphore_mem>>) src(%arg9 : memref<128x64xf32, #tpu.memory_space<vmem>>) dst(%dma_wait3A_407 : memref<128x64xf32, #tpu.memory_space<vmem_shared>>)
      tpu.yield
    }) : () -> ()
    %mul3A_37 = arith.constant 640 : i32
    %mul3A_38 = arith.muli %arg1, %mul3A_37 : i32
    %add3A_39 = arith.constant 256 : i32
    %add3A_40 = arith.addi %mul3A_38, %add3A_39 : i32
    "tpu.region"() ({
      %run_scoped3A = tpu.sem_alloc : memref<!tpu.dma_semaphore, #tpu.memory_space<semaphore_mem>>
      %dma_start3A_400 = arith.constant 0 : i32
      %dma_start3A_401 = tpu.memref_slice %arg16[%add3A_40, %dma_start3A_400] : memref<10240x16xf32, #tpu.memory_space<vmem_shared>> -> memref<128x16xf32, #tpu.memory_space<vmem_shared>>
      %dma_start3A_402 = arith.constant 0 : i32
      %dma_start3A_403 = tpu.memref_slice %arg16[%add3A_40, %dma_start3A_402] : memref<10240x16xf32, #tpu.memory_space<vmem_shared>> -> memref<128x16xf32, #tpu.memory_space<vmem_shared>>
      tpu.enqueue_dma source(%arg14 : memref<128x16xf32, #tpu.memory_space<vmem>>) target(%dma_start3A_403 : memref<128x16xf32, #tpu.memory_space<vmem_shared>>) target_semaphore(%run_scoped3A : memref<!tpu.dma_semaphore, #tpu.memory_space<semaphore_mem>>)
      %dma_wait3A_404 = arith.constant 0 : i32
      %dma_wait3A_405 = tpu.memref_slice %arg16[%add3A_40, %dma_wait3A_404] : memref<10240x16xf32, #tpu.memory_space<vmem_shared>> -> memref<128x16xf32, #tpu.memory_space<vmem_shared>>
      %dma_wait3A_406 = arith.constant 0 : i32
      %dma_wait3A_407 = tpu.memref_slice %arg16[%add3A_40, %dma_wait3A_406] : memref<10240x16xf32, #tpu.memory_space<vmem_shared>> -> memref<128x16xf32, #tpu.memory_space<vmem_shared>>
      tpu.wait_dma2 semaphore(%run_scoped3A : memref<!tpu.dma_semaphore, #tpu.memory_space<semaphore_mem>>) src(%arg14 : memref<128x16xf32, #tpu.memory_space<vmem>>) dst(%dma_wait3A_407 : memref<128x16xf32, #tpu.memory_space<vmem_shared>>)
      tpu.yield
    }) : () -> ()
    %mul3A_41 = arith.constant 640 : i32
    %mul3A_42 = arith.muli %arg1, %mul3A_41 : i32
    %add3A_43 = arith.constant 384 : i32
    %add3A_44 = arith.addi %mul3A_42, %add3A_43 : i32
    "tpu.region"() ({
      %run_scoped3A = tpu.sem_alloc : memref<!tpu.dma_semaphore, #tpu.memory_space<semaphore_mem>>
      %dma_start3A_400 = arith.constant 0 : i32
      %dma_start3A_401 = tpu.memref_slice %arg15[%add3A_44, %dma_start3A_400] : memref<10240x64xf32, #tpu.memory_space<vmem_shared>> -> memref<128x64xf32, #tpu.memory_space<vmem_shared>>
      %dma_start3A_402 = arith.constant 0 : i32
      %dma_start3A_403 = tpu.memref_slice %arg15[%add3A_44, %dma_start3A_402] : memref<10240x64xf32, #tpu.memory_space<vmem_shared>> -> memref<128x64xf32, #tpu.memory_space<vmem_shared>>
      tpu.enqueue_dma source(%arg9 : memref<128x64xf32, #tpu.memory_space<vmem>>) target(%dma_start3A_403 : memref<128x64xf32, #tpu.memory_space<vmem_shared>>) target_semaphore(%run_scoped3A : memref<!tpu.dma_semaphore, #tpu.memory_space<semaphore_mem>>)
      %dma_wait3A_404 = arith.constant 0 : i32
      %dma_wait3A_405 = tpu.memref_slice %arg15[%add3A_44, %dma_wait3A_404] : memref<10240x64xf32, #tpu.memory_space<vmem_shared>> -> memref<128x64xf32, #tpu.memory_space<vmem_shared>>
      %dma_wait3A_406 = arith.constant 0 : i32
      %dma_wait3A_407 = tpu.memref_slice %arg15[%add3A_44, %dma_wait3A_406] : memref<10240x64xf32, #tpu.memory_space<vmem_shared>> -> memref<128x64xf32, #tpu.memory_space<vmem_shared>>
      tpu.wait_dma2 semaphore(%run_scoped3A : memref<!tpu.dma_semaphore, #tpu.memory_space<semaphore_mem>>) src(%arg9 : memref<128x64xf32, #tpu.memory_space<vmem>>) dst(%dma_wait3A_407 : memref<128x64xf32, #tpu.memory_space<vmem_shared>>)
      tpu.yield
    }) : () -> ()
    %mul3A_45 = arith.constant 640 : i32
    %mul3A_46 = arith.muli %arg1, %mul3A_45 : i32
    %add3A_47 = arith.constant 384 : i32
    %add3A_48 = arith.addi %mul3A_46, %add3A_47 : i32
    "tpu.region"() ({
      %run_scoped3A = tpu.sem_alloc : memref<!tpu.dma_semaphore, #tpu.memory_space<semaphore_mem>>
      %dma_start3A_400 = arith.constant 0 : i32
      %dma_start3A_401 = tpu.memref_slice %arg16[%add3A_48, %dma_start3A_400] : memref<10240x16xf32, #tpu.memory_space<vmem_shared>> -> memref<128x16xf32, #tpu.memory_space<vmem_shared>>
      %dma_start3A_402 = arith.constant 0 : i32
      %dma_start3A_403 = tpu.memref_slice %arg16[%add3A_48, %dma_start3A_402] : memref<10240x16xf32, #tpu.memory_space<vmem_shared>> -> memref<128x16xf32, #tpu.memory_space<vmem_shared>>
      tpu.enqueue_dma source(%arg14 : memref<128x16xf32, #tpu.memory_space<vmem>>) target(%dma_start3A_403 : memref<128x16xf32, #tpu.memory_space<vmem_shared>>) target_semaphore(%run_scoped3A : memref<!tpu.dma_semaphore, #tpu.memory_space<semaphore_mem>>)
      %dma_wait3A_404 = arith.constant 0 : i32
      %dma_wait3A_405 = tpu.memref_slice %arg16[%add3A_48, %dma_wait3A_404] : memref<10240x16xf32, #tpu.memory_space<vmem_shared>> -> memref<128x16xf32, #tpu.memory_space<vmem_shared>>
      %dma_wait3A_406 = arith.constant 0 : i32
      %dma_wait3A_407 = tpu.memref_slice %arg16[%add3A_48, %dma_wait3A_406] : memref<10240x16xf32, #tpu.memory_space<vmem_shared>> -> memref<128x16xf32, #tpu.memory_space<vmem_shared>>
      tpu.wait_dma2 semaphore(%run_scoped3A : memref<!tpu.dma_semaphore, #tpu.memory_space<semaphore_mem>>) src(%arg14 : memref<128x16xf32, #tpu.memory_space<vmem>>) dst(%dma_wait3A_407 : memref<128x16xf32, #tpu.memory_space<vmem_shared>>)
      tpu.yield
    }) : () -> ()
    %mul3A_49 = arith.constant 640 : i32
    %mul3A_50 = arith.muli %arg1, %mul3A_49 : i32
    %add3A_51 = arith.constant 512 : i32
    %add3A_52 = arith.addi %mul3A_50, %add3A_51 : i32
    "tpu.region"() ({
      %run_scoped3A = tpu.sem_alloc : memref<!tpu.dma_semaphore, #tpu.memory_space<semaphore_mem>>
      %dma_start3A_400 = arith.constant 0 : i32
      %dma_start3A_401 = tpu.memref_slice %arg15[%add3A_52, %dma_start3A_400] : memref<10240x64xf32, #tpu.memory_space<vmem_shared>> -> memref<128x64xf32, #tpu.memory_space<vmem_shared>>
      %dma_start3A_402 = arith.constant 0 : i32
      %dma_start3A_403 = tpu.memref_slice %arg15[%add3A_52, %dma_start3A_402] : memref<10240x64xf32, #tpu.memory_space<vmem_shared>> -> memref<128x64xf32, #tpu.memory_space<vmem_shared>>
      tpu.enqueue_dma source(%arg9 : memref<128x64xf32, #tpu.memory_space<vmem>>) target(%dma_start3A_403 : memref<128x64xf32, #tpu.memory_space<vmem_shared>>) target_semaphore(%run_scoped3A : memref<!tpu.dma_semaphore, #tpu.memory_space<semaphore_mem>>)
      %dma_wait3A_404 = arith.constant 0 : i32
      %dma_wait3A_405 = tpu.memref_slice %arg15[%add3A_52, %dma_wait3A_404] : memref<10240x64xf32, #tpu.memory_space<vmem_shared>> -> memref<128x64xf32, #tpu.memory_space<vmem_shared>>
      %dma_wait3A_406 = arith.constant 0 : i32
      %dma_wait3A_407 = tpu.memref_slice %arg15[%add3A_52, %dma_wait3A_406] : memref<10240x64xf32, #tpu.memory_space<vmem_shared>> -> memref<128x64xf32, #tpu.memory_space<vmem_shared>>
      tpu.wait_dma2 semaphore(%run_scoped3A : memref<!tpu.dma_semaphore, #tpu.memory_space<semaphore_mem>>) src(%arg9 : memref<128x64xf32, #tpu.memory_space<vmem>>) dst(%dma_wait3A_407 : memref<128x64xf32, #tpu.memory_space<vmem_shared>>)
      tpu.yield
    }) : () -> ()
    %mul3A_53 = arith.constant 640 : i32
    %mul3A_54 = arith.muli %arg1, %mul3A_53 : i32
    %add3A_55 = arith.constant 512 : i32
    %add3A_56 = arith.addi %mul3A_54, %add3A_55 : i32
    "tpu.region"() ({
      %run_scoped3A = tpu.sem_alloc : memref<!tpu.dma_semaphore, #tpu.memory_space<semaphore_mem>>
      %dma_start3A_400 = arith.constant 0 : i32
      %dma_start3A_401 = tpu.memref_slice %arg16[%add3A_56, %dma_start3A_400] : memref<10240x16xf32, #tpu.memory_space<vmem_shared>> -> memref<128x16xf32, #tpu.memory_space<vmem_shared>>
      %dma_start3A_402 = arith.constant 0 : i32
      %dma_start3A_403 = tpu.memref_slice %arg16[%add3A_56, %dma_start3A_402] : memref<10240x16xf32, #tpu.memory_space<vmem_shared>> -> memref<128x16xf32, #tpu.memory_space<vmem_shared>>
      tpu.enqueue_dma source(%arg14 : memref<128x16xf32, #tpu.memory_space<vmem>>) target(%dma_start3A_403 : memref<128x16xf32, #tpu.memory_space<vmem_shared>>) target_semaphore(%run_scoped3A : memref<!tpu.dma_semaphore, #tpu.memory_space<semaphore_mem>>)
      %dma_wait3A_404 = arith.constant 0 : i32
      %dma_wait3A_405 = tpu.memref_slice %arg16[%add3A_56, %dma_wait3A_404] : memref<10240x16xf32, #tpu.memory_space<vmem_shared>> -> memref<128x16xf32, #tpu.memory_space<vmem_shared>>
      %dma_wait3A_406 = arith.constant 0 : i32
      %dma_wait3A_407 = tpu.memref_slice %arg16[%add3A_56, %dma_wait3A_406] : memref<10240x16xf32, #tpu.memory_space<vmem_shared>> -> memref<128x16xf32, #tpu.memory_space<vmem_shared>>
      tpu.wait_dma2 semaphore(%run_scoped3A : memref<!tpu.dma_semaphore, #tpu.memory_space<semaphore_mem>>) src(%arg14 : memref<128x16xf32, #tpu.memory_space<vmem>>) dst(%dma_wait3A_407 : memref<128x16xf32, #tpu.memory_space<vmem_shared>>)
      tpu.yield
    }) : () -> ()
    %barrier3A = arith.constant 0 : index
    tpu.barrier barrier_id(%barrier3A)
    %dma_start3A = arith.constant 0 : i32
    %dma_start3A_57 = arith.constant 0 : i32
    %dma_start3A_58 = tpu.memref_slice %arg7[%dma_start3A, %dma_start3A_57] : memref<80x128xi32, #tpu.memory_space<vmem>> -> memref<1x128xi32, #tpu.memory_space<vmem>>
    %dma_start3A_59 = tpu.memref_squeeze %dma_start3A_58 : memref<1x128xi32, #tpu.memory_space<vmem>> -> memref<128xi32, #tpu.memory_space<vmem>>
    %dma_start3A_60 = arith.constant 0 : i32
    %dma_start3A_61 = arith.constant 0 : i32
    %dma_start3A_62 = tpu.memref_slice %arg2[%dma_start3A_60, %dma_start3A_61] : memref<20000x64xf32, #tpu.memory_space<hbm>> -> memref<20000x64xf32, #tpu.memory_space<hbm>>
    tpu.enqueue_indirect_dma source(%dma_start3A_62 : memref<20000x64xf32, #tpu.memory_space<hbm>>) target(%arg9 : memref<128x64xf32, #tpu.memory_space<vmem>>) offsets(%dma_start3A_59 : memref<128xi32, #tpu.memory_space<vmem>>) semaphore(%arg17 : memref<!tpu.dma_semaphore, #tpu.memory_space<semaphore_mem>>)
    %dma_start3A_63 = arith.constant 1 : i32
    %dma_start3A_64 = arith.constant 0 : i32
    %dma_start3A_65 = tpu.memref_slice %arg7[%dma_start3A_63, %dma_start3A_64] : memref<80x128xi32, #tpu.memory_space<vmem>> -> memref<1x128xi32, #tpu.memory_space<vmem>>
    %dma_start3A_66 = tpu.memref_squeeze %dma_start3A_65 : memref<1x128xi32, #tpu.memory_space<vmem>> -> memref<128xi32, #tpu.memory_space<vmem>>
    %dma_start3A_67 = arith.constant 0 : i32
    %dma_start3A_68 = arith.constant 0 : i32
    %dma_start3A_69 = tpu.memref_slice %arg2[%dma_start3A_67, %dma_start3A_68] : memref<20000x64xf32, #tpu.memory_space<hbm>> -> memref<20000x64xf32, #tpu.memory_space<hbm>>
    tpu.enqueue_indirect_dma source(%dma_start3A_69 : memref<20000x64xf32, #tpu.memory_space<hbm>>) target(%arg10 : memref<128x64xf32, #tpu.memory_space<vmem>>) offsets(%dma_start3A_66 : memref<128xi32, #tpu.memory_space<vmem>>) semaphore(%arg18 : memref<!tpu.dma_semaphore, #tpu.memory_space<semaphore_mem>>)
    %dma_start3A_70 = arith.constant 2 : i32
    %dma_start3A_71 = arith.constant 0 : i32
    %dma_start3A_72 = tpu.memref_slice %arg7[%dma_start3A_70, %dma_start3A_71] : memref<80x128xi32, #tpu.memory_space<vmem>> -> memref<1x128xi32, #tpu.memory_space<vmem>>
    %dma_start3A_73 = tpu.memref_squeeze %dma_start3A_72 : memref<1x128xi32, #tpu.memory_space<vmem>> -> memref<128xi32, #tpu.memory_space<vmem>>
    %dma_start3A_74 = arith.constant 0 : i32
    %dma_start3A_75 = arith.constant 0 : i32
    %dma_start3A_76 = tpu.memref_slice %arg2[%dma_start3A_74, %dma_start3A_75] : memref<20000x64xf32, #tpu.memory_space<hbm>> -> memref<20000x64xf32, #tpu.memory_space<hbm>>
    tpu.enqueue_indirect_dma source(%dma_start3A_76 : memref<20000x64xf32, #tpu.memory_space<hbm>>) target(%arg11 : memref<128x64xf32, #tpu.memory_space<vmem>>) offsets(%dma_start3A_73 : memref<128xi32, #tpu.memory_space<vmem>>) semaphore(%arg19 : memref<!tpu.dma_semaphore, #tpu.memory_space<semaphore_mem>>)
    %dma_start3A_77 = arith.constant 3 : i32
    %dma_start3A_78 = arith.constant 0 : i32
    %dma_start3A_79 = tpu.memref_slice %arg7[%dma_start3A_77, %dma_start3A_78] : memref<80x128xi32, #tpu.memory_space<vmem>> -> memref<1x128xi32, #tpu.memory_space<vmem>>
    %dma_start3A_80 = tpu.memref_squeeze %dma_start3A_79 : memref<1x128xi32, #tpu.memory_space<vmem>> -> memref<128xi32, #tpu.memory_space<vmem>>
    %dma_start3A_81 = arith.constant 0 : i32
    %dma_start3A_82 = arith.constant 0 : i32
    %dma_start3A_83 = tpu.memref_slice %arg2[%dma_start3A_81, %dma_start3A_82] : memref<20000x64xf32, #tpu.memory_space<hbm>> -> memref<20000x64xf32, #tpu.memory_space<hbm>>
    tpu.enqueue_indirect_dma source(%dma_start3A_83 : memref<20000x64xf32, #tpu.memory_space<hbm>>) target(%arg12 : memref<128x64xf32, #tpu.memory_space<vmem>>) offsets(%dma_start3A_80 : memref<128xi32, #tpu.memory_space<vmem>>) semaphore(%arg20 : memref<!tpu.dma_semaphore, #tpu.memory_space<semaphore_mem>>)
    %scan3A_84 = arith.constant 0 : i32
    %scan3A_85 = arith.constant 0 : i32
    %scan3A_86 = arith.constant 19 : i32
    %scan3A_87 = arith.addi %scan3A_85, %scan3A_86 : i32
    %scan3A_88 = arith.constant 1 : i32
    %scan3A_89 = scf.for %scan3A_400 = %scan3A_85 to %scan3A_87 step %scan3A_88 iter_args(%scan3A_401 = %scan3A_84) -> (i32)  : i32 {
      %mul3A_402 = arith.constant 4 : i32
      %mul3A_403 = arith.muli %scan3A_400, %mul3A_402 : i32
      %add3A_404 = arith.constant 0 : i32
      %add3A_405 = arith.addi %mul3A_403, %add3A_404 : i32
      %dma_wait3A_406 = arith.constant 0 : i32
      %dma_wait3A_407 = tpu.memref_slice %arg7[%add3A_405, %dma_wait3A_406] : memref<80x128xi32, #tpu.memory_space<vmem>> -> memref<1x128xi32, #tpu.memory_space<vmem>>
      %dma_wait3A_408 = tpu.memref_squeeze %dma_wait3A_407 : memref<1x128xi32, #tpu.memory_space<vmem>> -> memref<128xi32, #tpu.memory_space<vmem>>
      %dma_wait3A_409 = arith.constant 0 : i32
      %dma_wait3A_410 = arith.constant 0 : i32
      %dma_wait3A_411 = tpu.memref_slice %arg2[%dma_wait3A_409, %dma_wait3A_410] : memref<20000x64xf32, #tpu.memory_space<hbm>> -> memref<20000x64xf32, #tpu.memory_space<hbm>>
      tpu.wait_indirect_dma semaphore(%arg17 : memref<!tpu.dma_semaphore, #tpu.memory_space<semaphore_mem>>) src(%dma_wait3A_411 : memref<20000x64xf32, #tpu.memory_space<hbm>>) dst(%arg9 : memref<128x64xf32, #tpu.memory_space<vmem>>)
      %dma_start3A_412 = arith.constant 0 : i32
      %dma_start3A_413 = tpu.memref_slice %arg8[%add3A_405, %dma_start3A_412] : memref<80x128xi32, #tpu.memory_space<vmem>> -> memref<1x128xi32, #tpu.memory_space<vmem>>
      %dma_start3A_414 = tpu.memref_squeeze %dma_start3A_413 : memref<1x128xi32, #tpu.memory_space<vmem>> -> memref<128xi32, #tpu.memory_space<vmem>>
      %dma_start3A_415 = arith.constant 0 : i32
      %dma_start3A_416 = arith.constant 0 : i32
      %dma_start3A_417 = tpu.memref_slice %arg15[%dma_start3A_415, %dma_start3A_416] : memref<10240x64xf32, #tpu.memory_space<vmem_shared>> -> memref<10240x64xf32, #tpu.memory_space<vmem_shared>>
      tpu.enqueue_indirect_dma source(%arg9 : memref<128x64xf32, #tpu.memory_space<vmem>>) target(%dma_start3A_417 : memref<10240x64xf32, #tpu.memory_space<vmem_shared>>) offsets(%dma_start3A_414 : memref<128xi32, #tpu.memory_space<vmem>>) semaphore(%arg21 : memref<!tpu.dma_semaphore, #tpu.memory_space<semaphore_mem>>) {add = true}
      %dma_start3A_418 = arith.constant 0 : i32
      %dma_start3A_419 = tpu.memref_slice %arg8[%add3A_405, %dma_start3A_418] : memref<80x128xi32, #tpu.memory_space<vmem>> -> memref<1x128xi32, #tpu.memory_space<vmem>>
      %dma_start3A_420 = tpu.memref_squeeze %dma_start3A_419 : memref<1x128xi32, #tpu.memory_space<vmem>> -> memref<128xi32, #tpu.memory_space<vmem>>
      %dma_start3A_421 = arith.constant 0 : i32
      %dma_start3A_422 = arith.constant 0 : i32
      %dma_start3A_423 = tpu.memref_slice %arg16[%dma_start3A_421, %dma_start3A_422] : memref<10240x16xf32, #tpu.memory_space<vmem_shared>> -> memref<10240x16xf32, #tpu.memory_space<vmem_shared>>
      tpu.enqueue_indirect_dma source(%arg13 : memref<128x16xf32, #tpu.memory_space<vmem>>) target(%dma_start3A_423 : memref<10240x16xf32, #tpu.memory_space<vmem_shared>>) offsets(%dma_start3A_420 : memref<128xi32, #tpu.memory_space<vmem>>) semaphore(%arg25 : memref<!tpu.dma_semaphore, #tpu.memory_space<semaphore_mem>>) {add = true}
      %mul3A_424 = arith.constant 4 : i32
      %mul3A_425 = arith.muli %scan3A_400, %mul3A_424 : i32
      %add3A_426 = arith.constant 1 : i32
      %add3A_427 = arith.addi %mul3A_425, %add3A_426 : i32
      %dma_wait3A_428 = arith.constant 0 : i32
      %dma_wait3A_429 = tpu.memref_slice %arg7[%add3A_427, %dma_wait3A_428] : memref<80x128xi32, #tpu.memory_space<vmem>> -> memref<1x128xi32, #tpu.memory_space<vmem>>
      %dma_wait3A_430 = tpu.memref_squeeze %dma_wait3A_429 : memref<1x128xi32, #tpu.memory_space<vmem>> -> memref<128xi32, #tpu.memory_space<vmem>>
      %dma_wait3A_431 = arith.constant 0 : i32
      %dma_wait3A_432 = arith.constant 0 : i32
      %dma_wait3A_433 = tpu.memref_slice %arg2[%dma_wait3A_431, %dma_wait3A_432] : memref<20000x64xf32, #tpu.memory_space<hbm>> -> memref<20000x64xf32, #tpu.memory_space<hbm>>
      tpu.wait_indirect_dma semaphore(%arg18 : memref<!tpu.dma_semaphore, #tpu.memory_space<semaphore_mem>>) src(%dma_wait3A_433 : memref<20000x64xf32, #tpu.memory_space<hbm>>) dst(%arg10 : memref<128x64xf32, #tpu.memory_space<vmem>>)
      %dma_start3A_434 = arith.constant 0 : i32
      %dma_start3A_435 = tpu.memref_slice %arg8[%add3A_427, %dma_start3A_434] : memref<80x128xi32, #tpu.memory_space<vmem>> -> memref<1x128xi32, #tpu.memory_space<vmem>>
      %dma_start3A_436 = tpu.memref_squeeze %dma_start3A_435 : memref<1x128xi32, #tpu.memory_space<vmem>> -> memref<128xi32, #tpu.memory_space<vmem>>
      %dma_start3A_437 = arith.constant 0 : i32
      %dma_start3A_438 = arith.constant 0 : i32
      %dma_start3A_439 = tpu.memref_slice %arg15[%dma_start3A_437, %dma_start3A_438] : memref<10240x64xf32, #tpu.memory_space<vmem_shared>> -> memref<10240x64xf32, #tpu.memory_space<vmem_shared>>
      tpu.enqueue_indirect_dma source(%arg10 : memref<128x64xf32, #tpu.memory_space<vmem>>) target(%dma_start3A_439 : memref<10240x64xf32, #tpu.memory_space<vmem_shared>>) offsets(%dma_start3A_436 : memref<128xi32, #tpu.memory_space<vmem>>) semaphore(%arg22 : memref<!tpu.dma_semaphore, #tpu.memory_space<semaphore_mem>>) {add = true}
      %dma_start3A_440 = arith.constant 0 : i32
      %dma_start3A_441 = tpu.memref_slice %arg8[%add3A_427, %dma_start3A_440] : memref<80x128xi32, #tpu.memory_space<vmem>> -> memref<1x128xi32, #tpu.memory_space<vmem>>
      %dma_start3A_442 = tpu.memref_squeeze %dma_start3A_441 : memref<1x128xi32, #tpu.memory_space<vmem>> -> memref<128xi32, #tpu.memory_space<vmem>>
      %dma_start3A_443 = arith.constant 0 : i32
      %dma_start3A_444 = arith.constant 0 : i32
      %dma_start3A_445 = tpu.memref_slice %arg16[%dma_start3A_443, %dma_start3A_444] : memref<10240x16xf32, #tpu.memory_space<vmem_shared>> -> memref<10240x16xf32, #tpu.memory_space<vmem_shared>>
      tpu.enqueue_indirect_dma source(%arg13 : memref<128x16xf32, #tpu.memory_space<vmem>>) target(%dma_start3A_445 : memref<10240x16xf32, #tpu.memory_space<vmem_shared>>) offsets(%dma_start3A_442 : memref<128xi32, #tpu.memory_space<vmem>>) semaphore(%arg26 : memref<!tpu.dma_semaphore, #tpu.memory_space<semaphore_mem>>) {add = true}
      %mul3A_446 = arith.constant 4 : i32
      %mul3A_447 = arith.muli %scan3A_400, %mul3A_446 : i32
      %add3A_448 = arith.constant 2 : i32
      %add3A_449 = arith.addi %mul3A_447, %add3A_448 : i32
      %dma_wait3A_450 = arith.constant 0 : i32
      %dma_wait3A_451 = tpu.memref_slice %arg7[%add3A_449, %dma_wait3A_450] : memref<80x128xi32, #tpu.memory_space<vmem>> -> memref<1x128xi32, #tpu.memory_space<vmem>>
      %dma_wait3A_452 = tpu.memref_squeeze %dma_wait3A_451 : memref<1x128xi32, #tpu.memory_space<vmem>> -> memref<128xi32, #tpu.memory_space<vmem>>
      %dma_wait3A_453 = arith.constant 0 : i32
      %dma_wait3A_454 = arith.constant 0 : i32
      %dma_wait3A_455 = tpu.memref_slice %arg2[%dma_wait3A_453, %dma_wait3A_454] : memref<20000x64xf32, #tpu.memory_space<hbm>> -> memref<20000x64xf32, #tpu.memory_space<hbm>>
      tpu.wait_indirect_dma semaphore(%arg19 : memref<!tpu.dma_semaphore, #tpu.memory_space<semaphore_mem>>) src(%dma_wait3A_455 : memref<20000x64xf32, #tpu.memory_space<hbm>>) dst(%arg11 : memref<128x64xf32, #tpu.memory_space<vmem>>)
      %dma_start3A_456 = arith.constant 0 : i32
      %dma_start3A_457 = tpu.memref_slice %arg8[%add3A_449, %dma_start3A_456] : memref<80x128xi32, #tpu.memory_space<vmem>> -> memref<1x128xi32, #tpu.memory_space<vmem>>
      %dma_start3A_458 = tpu.memref_squeeze %dma_start3A_457 : memref<1x128xi32, #tpu.memory_space<vmem>> -> memref<128xi32, #tpu.memory_space<vmem>>
      %dma_start3A_459 = arith.constant 0 : i32
      %dma_start3A_460 = arith.constant 0 : i32
      %dma_start3A_461 = tpu.memref_slice %arg15[%dma_start3A_459, %dma_start3A_460] : memref<10240x64xf32, #tpu.memory_space<vmem_shared>> -> memref<10240x64xf32, #tpu.memory_space<vmem_shared>>
      tpu.enqueue_indirect_dma source(%arg11 : memref<128x64xf32, #tpu.memory_space<vmem>>) target(%dma_start3A_461 : memref<10240x64xf32, #tpu.memory_space<vmem_shared>>) offsets(%dma_start3A_458 : memref<128xi32, #tpu.memory_space<vmem>>) semaphore(%arg23 : memref<!tpu.dma_semaphore, #tpu.memory_space<semaphore_mem>>) {add = true}
      %dma_start3A_462 = arith.constant 0 : i32
      %dma_start3A_463 = tpu.memref_slice %arg8[%add3A_449, %dma_start3A_462] : memref<80x128xi32, #tpu.memory_space<vmem>> -> memref<1x128xi32, #tpu.memory_space<vmem>>
      %dma_start3A_464 = tpu.memref_squeeze %dma_start3A_463 : memref<1x128xi32, #tpu.memory_space<vmem>> -> memref<128xi32, #tpu.memory_space<vmem>>
      %dma_start3A_465 = arith.constant 0 : i32
      %dma_start3A_466 = arith.constant 0 : i32
      %dma_start3A_467 = tpu.memref_slice %arg16[%dma_start3A_465, %dma_start3A_466] : memref<10240x16xf32, #tpu.memory_space<vmem_shared>> -> memref<10240x16xf32, #tpu.memory_space<vmem_shared>>
      tpu.enqueue_indirect_dma source(%arg13 : memref<128x16xf32, #tpu.memory_space<vmem>>) target(%dma_start3A_467 : memref<10240x16xf32, #tpu.memory_space<vmem_shared>>) offsets(%dma_start3A_464 : memref<128xi32, #tpu.memory_space<vmem>>) semaphore(%arg27 : memref<!tpu.dma_semaphore, #tpu.memory_space<semaphore_mem>>) {add = true}
      %mul3A_468 = arith.constant 4 : i32
      %mul3A_469 = arith.muli %scan3A_400, %mul3A_468 : i32
      %add3A_470 = arith.constant 3 : i32
      %add3A_471 = arith.addi %mul3A_469, %add3A_470 : i32
      %dma_wait3A_472 = arith.constant 0 : i32
      %dma_wait3A_473 = tpu.memref_slice %arg7[%add3A_471, %dma_wait3A_472] : memref<80x128xi32, #tpu.memory_space<vmem>> -> memref<1x128xi32, #tpu.memory_space<vmem>>
      %dma_wait3A_474 = tpu.memref_squeeze %dma_wait3A_473 : memref<1x128xi32, #tpu.memory_space<vmem>> -> memref<128xi32, #tpu.memory_space<vmem>>
      %dma_wait3A_475 = arith.constant 0 : i32
      %dma_wait3A_476 = arith.constant 0 : i32
      %dma_wait3A_477 = tpu.memref_slice %arg2[%dma_wait3A_475, %dma_wait3A_476] : memref<20000x64xf32, #tpu.memory_space<hbm>> -> memref<20000x64xf32, #tpu.memory_space<hbm>>
      tpu.wait_indirect_dma semaphore(%arg20 : memref<!tpu.dma_semaphore, #tpu.memory_space<semaphore_mem>>) src(%dma_wait3A_477 : memref<20000x64xf32, #tpu.memory_space<hbm>>) dst(%arg12 : memref<128x64xf32, #tpu.memory_space<vmem>>)
      %dma_start3A_478 = arith.constant 0 : i32
      %dma_start3A_479 = tpu.memref_slice %arg8[%add3A_471, %dma_start3A_478] : memref<80x128xi32, #tpu.memory_space<vmem>> -> memref<1x128xi32, #tpu.memory_space<vmem>>
      %dma_start3A_480 = tpu.memref_squeeze %dma_start3A_479 : memref<1x128xi32, #tpu.memory_space<vmem>> -> memref<128xi32, #tpu.memory_space<vmem>>
      %dma_start3A_481 = arith.constant 0 : i32
      %dma_start3A_482 = arith.constant 0 : i32
      %dma_start3A_483 = tpu.memref_slice %arg15[%dma_start3A_481, %dma_start3A_482] : memref<10240x64xf32, #tpu.memory_space<vmem_shared>> -> memref<10240x64xf32, #tpu.memory_space<vmem_shared>>
      tpu.enqueue_indirect_dma source(%arg12 : memref<128x64xf32, #tpu.memory_space<vmem>>) target(%dma_start3A_483 : memref<10240x64xf32, #tpu.memory_space<vmem_shared>>) offsets(%dma_start3A_480 : memref<128xi32, #tpu.memory_space<vmem>>) semaphore(%arg24 : memref<!tpu.dma_semaphore, #tpu.memory_space<semaphore_mem>>) {add = true}
      %dma_start3A_484 = arith.constant 0 : i32
      %dma_start3A_485 = tpu.memref_slice %arg8[%add3A_471, %dma_start3A_484] : memref<80x128xi32, #tpu.memory_space<vmem>> -> memref<1x128xi32, #tpu.memory_space<vmem>>
      %dma_start3A_486 = tpu.memref_squeeze %dma_start3A_485 : memref<1x128xi32, #tpu.memory_space<vmem>> -> memref<128xi32, #tpu.memory_space<vmem>>
      %dma_start3A_487 = arith.constant 0 : i32
      %dma_start3A_488 = arith.constant 0 : i32
      %dma_start3A_489 = tpu.memref_slice %arg16[%dma_start3A_487, %dma_start3A_488] : memref<10240x16xf32, #tpu.memory_space<vmem_shared>> -> memref<10240x16xf32, #tpu.memory_space<vmem_shared>>
      tpu.enqueue_indirect_dma source(%arg13 : memref<128x16xf32, #tpu.memory_space<vmem>>) target(%dma_start3A_489 : memref<10240x16xf32, #tpu.memory_space<vmem_shared>>) offsets(%dma_start3A_486 : memref<128xi32, #tpu.memory_space<vmem>>) semaphore(%arg28 : memref<!tpu.dma_semaphore, #tpu.memory_space<semaphore_mem>>) {add = true}
      %mul3A_490 = arith.constant 4 : i32
      %mul3A_491 = arith.muli %scan3A_400, %mul3A_490 : i32
      %add3A_492 = arith.constant 0 : i32
      %add3A_493 = arith.addi %mul3A_491, %add3A_492 : i32
      %dma_wait3A_494 = arith.constant 0 : i32
      %dma_wait3A_495 = tpu.memref_slice %arg8[%add3A_493, %dma_wait3A_494] : memref<80x128xi32, #tpu.memory_space<vmem>> -> memref<1x128xi32, #tpu.memory_space<vmem>>
      %dma_wait3A_496 = tpu.memref_squeeze %dma_wait3A_495 : memref<1x128xi32, #tpu.memory_space<vmem>> -> memref<128xi32, #tpu.memory_space<vmem>>
      %dma_wait3A_497 = arith.constant 0 : i32
      %dma_wait3A_498 = arith.constant 0 : i32
      %dma_wait3A_499 = tpu.memref_slice %arg15[%dma_wait3A_497, %dma_wait3A_498] : memref<10240x64xf32, #tpu.memory_space<vmem_shared>> -> memref<10240x64xf32, #tpu.memory_space<vmem_shared>>
      tpu.wait_indirect_dma semaphore(%arg21 : memref<!tpu.dma_semaphore, #tpu.memory_space<semaphore_mem>>) src(%arg9 : memref<128x64xf32, #tpu.memory_space<vmem>>) dst(%dma_wait3A_499 : memref<10240x64xf32, #tpu.memory_space<vmem_shared>>)
      %dma_wait3A_500 = arith.constant 0 : i32
      %dma_wait3A_501 = tpu.memref_slice %arg8[%add3A_493, %dma_wait3A_500] : memref<80x128xi32, #tpu.memory_space<vmem>> -> memref<1x128xi32, #tpu.memory_space<vmem>>
      %dma_wait3A_502 = tpu.memref_squeeze %dma_wait3A_501 : memref<1x128xi32, #tpu.memory_space<vmem>> -> memref<128xi32, #tpu.memory_space<vmem>>
      %dma_wait3A_503 = arith.constant 0 : i32
      %dma_wait3A_504 = arith.constant 0 : i32
      %dma_wait3A_505 = tpu.memref_slice %arg16[%dma_wait3A_503, %dma_wait3A_504] : memref<10240x16xf32, #tpu.memory_space<vmem_shared>> -> memref<10240x16xf32, #tpu.memory_space<vmem_shared>>
      tpu.wait_indirect_dma semaphore(%arg25 : memref<!tpu.dma_semaphore, #tpu.memory_space<semaphore_mem>>) src(%arg13 : memref<128x16xf32, #tpu.memory_space<vmem>>) dst(%dma_wait3A_505 : memref<10240x16xf32, #tpu.memory_space<vmem_shared>>)
      %add3A_506 = arith.constant 4 : i32
      %add3A_507 = arith.addi %add3A_493, %add3A_506 : i32
      %dma_start3A_508 = arith.constant 0 : i32
      %dma_start3A_509 = tpu.memref_slice %arg7[%add3A_507, %dma_start3A_508] : memref<80x128xi32, #tpu.memory_space<vmem>> -> memref<1x128xi32, #tpu.memory_space<vmem>>
      %dma_start3A_510 = tpu.memref_squeeze %dma_start3A_509 : memref<1x128xi32, #tpu.memory_space<vmem>> -> memref<128xi32, #tpu.memory_space<vmem>>
      %dma_start3A_511 = arith.constant 0 : i32
      %dma_start3A_512 = arith.constant 0 : i32
      %dma_start3A_513 = tpu.memref_slice %arg2[%dma_start3A_511, %dma_start3A_512] : memref<20000x64xf32, #tpu.memory_space<hbm>> -> memref<20000x64xf32, #tpu.memory_space<hbm>>
      tpu.enqueue_indirect_dma source(%dma_start3A_513 : memref<20000x64xf32, #tpu.memory_space<hbm>>) target(%arg9 : memref<128x64xf32, #tpu.memory_space<vmem>>) offsets(%dma_start3A_510 : memref<128xi32, #tpu.memory_space<vmem>>) semaphore(%arg17 : memref<!tpu.dma_semaphore, #tpu.memory_space<semaphore_mem>>)
      %mul3A_514 = arith.constant 4 : i32
      %mul3A_515 = arith.muli %scan3A_400, %mul3A_514 : i32
      %add3A_516 = arith.constant 1 : i32
      %add3A_517 = arith.addi %mul3A_515, %add3A_516 : i32
      %dma_wait3A_518 = arith.constant 0 : i32
      %dma_wait3A_519 = tpu.memref_slice %arg8[%add3A_517, %dma_wait3A_518] : memref<80x128xi32, #tpu.memory_space<vmem>> -> memref<1x128xi32, #tpu.memory_space<vmem>>
      %dma_wait3A_520 = tpu.memref_squeeze %dma_wait3A_519 : memref<1x128xi32, #tpu.memory_space<vmem>> -> memref<128xi32, #tpu.memory_space<vmem>>
      %dma_wait3A_521 = arith.constant 0 : i32
      %dma_wait3A_522 = arith.constant 0 : i32
      %dma_wait3A_523 = tpu.memref_slice %arg15[%dma_wait3A_521, %dma_wait3A_522] : memref<10240x64xf32, #tpu.memory_space<vmem_shared>> -> memref<10240x64xf32, #tpu.memory_space<vmem_shared>>
      tpu.wait_indirect_dma semaphore(%arg22 : memref<!tpu.dma_semaphore, #tpu.memory_space<semaphore_mem>>) src(%arg10 : memref<128x64xf32, #tpu.memory_space<vmem>>) dst(%dma_wait3A_523 : memref<10240x64xf32, #tpu.memory_space<vmem_shared>>)
      %dma_wait3A_524 = arith.constant 0 : i32
      %dma_wait3A_525 = tpu.memref_slice %arg8[%add3A_517, %dma_wait3A_524] : memref<80x128xi32, #tpu.memory_space<vmem>> -> memref<1x128xi32, #tpu.memory_space<vmem>>
      %dma_wait3A_526 = tpu.memref_squeeze %dma_wait3A_525 : memref<1x128xi32, #tpu.memory_space<vmem>> -> memref<128xi32, #tpu.memory_space<vmem>>
      %dma_wait3A_527 = arith.constant 0 : i32
      %dma_wait3A_528 = arith.constant 0 : i32
      %dma_wait3A_529 = tpu.memref_slice %arg16[%dma_wait3A_527, %dma_wait3A_528] : memref<10240x16xf32, #tpu.memory_space<vmem_shared>> -> memref<10240x16xf32, #tpu.memory_space<vmem_shared>>
      tpu.wait_indirect_dma semaphore(%arg26 : memref<!tpu.dma_semaphore, #tpu.memory_space<semaphore_mem>>) src(%arg13 : memref<128x16xf32, #tpu.memory_space<vmem>>) dst(%dma_wait3A_529 : memref<10240x16xf32, #tpu.memory_space<vmem_shared>>)
      %add3A_530 = arith.constant 4 : i32
      %add3A_531 = arith.addi %add3A_517, %add3A_530 : i32
      %dma_start3A_532 = arith.constant 0 : i32
      %dma_start3A_533 = tpu.memref_slice %arg7[%add3A_531, %dma_start3A_532] : memref<80x128xi32, #tpu.memory_space<vmem>> -> memref<1x128xi32, #tpu.memory_space<vmem>>
      %dma_start3A_534 = tpu.memref_squeeze %dma_start3A_533 : memref<1x128xi32, #tpu.memory_space<vmem>> -> memref<128xi32, #tpu.memory_space<vmem>>
      %dma_start3A_535 = arith.constant 0 : i32
      %dma_start3A_536 = arith.constant 0 : i32
      %dma_start3A_537 = tpu.memref_slice %arg2[%dma_start3A_535, %dma_start3A_536] : memref<20000x64xf32, #tpu.memory_space<hbm>> -> memref<20000x64xf32, #tpu.memory_space<hbm>>
      tpu.enqueue_indirect_dma source(%dma_start3A_537 : memref<20000x64xf32, #tpu.memory_space<hbm>>) target(%arg10 : memref<128x64xf32, #tpu.memory_space<vmem>>) offsets(%dma_start3A_534 : memref<128xi32, #tpu.memory_space<vmem>>) semaphore(%arg18 : memref<!tpu.dma_semaphore, #tpu.memory_space<semaphore_mem>>)
      %mul3A_538 = arith.constant 4 : i32
      %mul3A_539 = arith.muli %scan3A_400, %mul3A_538 : i32
      %add3A_540 = arith.constant 2 : i32
      %add3A_541 = arith.addi %mul3A_539, %add3A_540 : i32
      %dma_wait3A_542 = arith.constant 0 : i32
      %dma_wait3A_543 = tpu.memref_slice %arg8[%add3A_541, %dma_wait3A_542] : memref<80x128xi32, #tpu.memory_space<vmem>> -> memref<1x128xi32, #tpu.memory_space<vmem>>
      %dma_wait3A_544 = tpu.memref_squeeze %dma_wait3A_543 : memref<1x128xi32, #tpu.memory_space<vmem>> -> memref<128xi32, #tpu.memory_space<vmem>>
      %dma_wait3A_545 = arith.constant 0 : i32
      %dma_wait3A_546 = arith.constant 0 : i32
      %dma_wait3A_547 = tpu.memref_slice %arg15[%dma_wait3A_545, %dma_wait3A_546] : memref<10240x64xf32, #tpu.memory_space<vmem_shared>> -> memref<10240x64xf32, #tpu.memory_space<vmem_shared>>
      tpu.wait_indirect_dma semaphore(%arg23 : memref<!tpu.dma_semaphore, #tpu.memory_space<semaphore_mem>>) src(%arg11 : memref<128x64xf32, #tpu.memory_space<vmem>>) dst(%dma_wait3A_547 : memref<10240x64xf32, #tpu.memory_space<vmem_shared>>)
      %dma_wait3A_548 = arith.constant 0 : i32
      %dma_wait3A_549 = tpu.memref_slice %arg8[%add3A_541, %dma_wait3A_548] : memref<80x128xi32, #tpu.memory_space<vmem>> -> memref<1x128xi32, #tpu.memory_space<vmem>>
      %dma_wait3A_550 = tpu.memref_squeeze %dma_wait3A_549 : memref<1x128xi32, #tpu.memory_space<vmem>> -> memref<128xi32, #tpu.memory_space<vmem>>
      %dma_wait3A_551 = arith.constant 0 : i32
      %dma_wait3A_552 = arith.constant 0 : i32
      %dma_wait3A_553 = tpu.memref_slice %arg16[%dma_wait3A_551, %dma_wait3A_552] : memref<10240x16xf32, #tpu.memory_space<vmem_shared>> -> memref<10240x16xf32, #tpu.memory_space<vmem_shared>>
      tpu.wait_indirect_dma semaphore(%arg27 : memref<!tpu.dma_semaphore, #tpu.memory_space<semaphore_mem>>) src(%arg13 : memref<128x16xf32, #tpu.memory_space<vmem>>) dst(%dma_wait3A_553 : memref<10240x16xf32, #tpu.memory_space<vmem_shared>>)
      %add3A_554 = arith.constant 4 : i32
      %add3A_555 = arith.addi %add3A_541, %add3A_554 : i32
      %dma_start3A_556 = arith.constant 0 : i32
      %dma_start3A_557 = tpu.memref_slice %arg7[%add3A_555, %dma_start3A_556] : memref<80x128xi32, #tpu.memory_space<vmem>> -> memref<1x128xi32, #tpu.memory_space<vmem>>
      %dma_start3A_558 = tpu.memref_squeeze %dma_start3A_557 : memref<1x128xi32, #tpu.memory_space<vmem>> -> memref<128xi32, #tpu.memory_space<vmem>>
      %dma_start3A_559 = arith.constant 0 : i32
      %dma_start3A_560 = arith.constant 0 : i32
      %dma_start3A_561 = tpu.memref_slice %arg2[%dma_start3A_559, %dma_start3A_560] : memref<20000x64xf32, #tpu.memory_space<hbm>> -> memref<20000x64xf32, #tpu.memory_space<hbm>>
      tpu.enqueue_indirect_dma source(%dma_start3A_561 : memref<20000x64xf32, #tpu.memory_space<hbm>>) target(%arg11 : memref<128x64xf32, #tpu.memory_space<vmem>>) offsets(%dma_start3A_558 : memref<128xi32, #tpu.memory_space<vmem>>) semaphore(%arg19 : memref<!tpu.dma_semaphore, #tpu.memory_space<semaphore_mem>>)
      %mul3A_562 = arith.constant 4 : i32
      %mul3A_563 = arith.muli %scan3A_400, %mul3A_562 : i32
      %add3A_564 = arith.constant 3 : i32
      %add3A_565 = arith.addi %mul3A_563, %add3A_564 : i32
      %dma_wait3A_566 = arith.constant 0 : i32
      %dma_wait3A_567 = tpu.memref_slice %arg8[%add3A_565, %dma_wait3A_566] : memref<80x128xi32, #tpu.memory_space<vmem>> -> memref<1x128xi32, #tpu.memory_space<vmem>>
      %dma_wait3A_568 = tpu.memref_squeeze %dma_wait3A_567 : memref<1x128xi32, #tpu.memory_space<vmem>> -> memref<128xi32, #tpu.memory_space<vmem>>
      %dma_wait3A_569 = arith.constant 0 : i32
      %dma_wait3A_570 = arith.constant 0 : i32
      %dma_wait3A_571 = tpu.memref_slice %arg15[%dma_wait3A_569, %dma_wait3A_570] : memref<10240x64xf32, #tpu.memory_space<vmem_shared>> -> memref<10240x64xf32, #tpu.memory_space<vmem_shared>>
      tpu.wait_indirect_dma semaphore(%arg24 : memref<!tpu.dma_semaphore, #tpu.memory_space<semaphore_mem>>) src(%arg12 : memref<128x64xf32, #tpu.memory_space<vmem>>) dst(%dma_wait3A_571 : memref<10240x64xf32, #tpu.memory_space<vmem_shared>>)
      %dma_wait3A_572 = arith.constant 0 : i32
      %dma_wait3A_573 = tpu.memref_slice %arg8[%add3A_565, %dma_wait3A_572] : memref<80x128xi32, #tpu.memory_space<vmem>> -> memref<1x128xi32, #tpu.memory_space<vmem>>
      %dma_wait3A_574 = tpu.memref_squeeze %dma_wait3A_573 : memref<1x128xi32, #tpu.memory_space<vmem>> -> memref<128xi32, #tpu.memory_space<vmem>>
      %dma_wait3A_575 = arith.constant 0 : i32
      %dma_wait3A_576 = arith.constant 0 : i32
      %dma_wait3A_577 = tpu.memref_slice %arg16[%dma_wait3A_575, %dma_wait3A_576] : memref<10240x16xf32, #tpu.memory_space<vmem_shared>> -> memref<10240x16xf32, #tpu.memory_space<vmem_shared>>
      tpu.wait_indirect_dma semaphore(%arg28 : memref<!tpu.dma_semaphore, #tpu.memory_space<semaphore_mem>>) src(%arg13 : memref<128x16xf32, #tpu.memory_space<vmem>>) dst(%dma_wait3A_577 : memref<10240x16xf32, #tpu.memory_space<vmem_shared>>)
      %add3A_578 = arith.constant 4 : i32
      %add3A_579 = arith.addi %add3A_565, %add3A_578 : i32
      %dma_start3A_580 = arith.constant 0 : i32
      %dma_start3A_581 = tpu.memref_slice %arg7[%add3A_579, %dma_start3A_580] : memref<80x128xi32, #tpu.memory_space<vmem>> -> memref<1x128xi32, #tpu.memory_space<vmem>>
      %dma_start3A_582 = tpu.memref_squeeze %dma_start3A_581 : memref<1x128xi32, #tpu.memory_space<vmem>> -> memref<128xi32, #tpu.memory_space<vmem>>
      %dma_start3A_583 = arith.constant 0 : i32
      %dma_start3A_584 = arith.constant 0 : i32
      %dma_start3A_585 = tpu.memref_slice %arg2[%dma_start3A_583, %dma_start3A_584] : memref<20000x64xf32, #tpu.memory_space<hbm>> -> memref<20000x64xf32, #tpu.memory_space<hbm>>
      tpu.enqueue_indirect_dma source(%dma_start3A_585 : memref<20000x64xf32, #tpu.memory_space<hbm>>) target(%arg12 : memref<128x64xf32, #tpu.memory_space<vmem>>) offsets(%dma_start3A_582 : memref<128xi32, #tpu.memory_space<vmem>>) semaphore(%arg20 : memref<!tpu.dma_semaphore, #tpu.memory_space<semaphore_mem>>)
      %scan3A_586 = arith.constant 0 : i32
      scf.yield %scan3A_586 : i32
    }
    %scan3A_90 = arith.constant 19 : i32
    %dma_wait3A = arith.constant 76 : i32
    %dma_wait3A_91 = arith.constant 0 : i32
    %dma_wait3A_92 = tpu.memref_slice %arg7[%dma_wait3A, %dma_wait3A_91] : memref<80x128xi32, #tpu.memory_space<vmem>> -> memref<1x128xi32, #tpu.memory_space<vmem>>
    %dma_wait3A_93 = tpu.memref_squeeze %dma_wait3A_92 : memref<1x128xi32, #tpu.memory_space<vmem>> -> memref<128xi32, #tpu.memory_space<vmem>>
    %dma_wait3A_94 = arith.constant 0 : i32
    %dma_wait3A_95 = arith.constant 0 : i32
    %dma_wait3A_96 = tpu.memref_slice %arg2[%dma_wait3A_94, %dma_wait3A_95] : memref<20000x64xf32, #tpu.memory_space<hbm>> -> memref<20000x64xf32, #tpu.memory_space<hbm>>
    tpu.wait_indirect_dma semaphore(%arg17 : memref<!tpu.dma_semaphore, #tpu.memory_space<semaphore_mem>>) src(%dma_wait3A_96 : memref<20000x64xf32, #tpu.memory_space<hbm>>) dst(%arg9 : memref<128x64xf32, #tpu.memory_space<vmem>>)
    %dma_start3A_97 = arith.constant 76 : i32
    %dma_start3A_98 = arith.constant 0 : i32
    %dma_start3A_99 = tpu.memref_slice %arg8[%dma_start3A_97, %dma_start3A_98] : memref<80x128xi32, #tpu.memory_space<vmem>> -> memref<1x128xi32, #tpu.memory_space<vmem>>
    %dma_start3A_100 = tpu.memref_squeeze %dma_start3A_99 : memref<1x128xi32, #tpu.memory_space<vmem>> -> memref<128xi32, #tpu.memory_space<vmem>>
    %dma_start3A_101 = arith.constant 0 : i32
    %dma_start3A_102 = arith.constant 0 : i32
    %dma_start3A_103 = tpu.memref_slice %arg15[%dma_start3A_101, %dma_start3A_102] : memref<10240x64xf32, #tpu.memory_space<vmem_shared>> -> memref<10240x64xf32, #tpu.memory_space<vmem_shared>>
    tpu.enqueue_indirect_dma source(%arg9 : memref<128x64xf32, #tpu.memory_space<vmem>>) target(%dma_start3A_103 : memref<10240x64xf32, #tpu.memory_space<vmem_shared>>) offsets(%dma_start3A_100 : memref<128xi32, #tpu.memory_space<vmem>>) semaphore(%arg21 : memref<!tpu.dma_semaphore, #tpu.memory_space<semaphore_mem>>) {add = true}
    %dma_start3A_104 = arith.constant 76 : i32
    %dma_start3A_105 = arith.constant 0 : i32
    %dma_start3A_106 = tpu.memref_slice %arg8[%dma_start3A_104, %dma_start3A_105] : memref<80x128xi32, #tpu.memory_space<vmem>> -> memref<1x128xi32, #tpu.memory_space<vmem>>
    %dma_start3A_107 = tpu.memref_squeeze %dma_start3A_106 : memref<1x128xi32, #tpu.memory_space<vmem>> -> memref<128xi32, #tpu.memory_space<vmem>>
    %dma_start3A_108 = arith.constant 0 : i32
    %dma_start3A_109 = arith.constant 0 : i32
    %dma_start3A_110 = tpu.memref_slice %arg16[%dma_start3A_108, %dma_start3A_109] : memref<10240x16xf32, #tpu.memory_space<vmem_shared>> -> memref<10240x16xf32, #tpu.memory_space<vmem_shared>>
    tpu.enqueue_indirect_dma source(%arg13 : memref<128x16xf32, #tpu.memory_space<vmem>>) target(%dma_start3A_110 : memref<10240x16xf32, #tpu.memory_space<vmem_shared>>) offsets(%dma_start3A_107 : memref<128xi32, #tpu.memory_space<vmem>>) semaphore(%arg25 : memref<!tpu.dma_semaphore, #tpu.memory_space<semaphore_mem>>) {add = true}
    %dma_wait3A_111 = arith.constant 77 : i32
    %dma_wait3A_112 = arith.constant 0 : i32
    %dma_wait3A_113 = tpu.memref_slice %arg7[%dma_wait3A_111, %dma_wait3A_112] : memref<80x128xi32, #tpu.memory_space<vmem>> -> memref<1x128xi32, #tpu.memory_space<vmem>>
    %dma_wait3A_114 = tpu.memref_squeeze %dma_wait3A_113 : memref<1x128xi32, #tpu.memory_space<vmem>> -> memref<128xi32, #tpu.memory_space<vmem>>
    %dma_wait3A_115 = arith.constant 0 : i32
    %dma_wait3A_116 = arith.constant 0 : i32
    %dma_wait3A_117 = tpu.memref_slice %arg2[%dma_wait3A_115, %dma_wait3A_116] : memref<20000x64xf32, #tpu.memory_space<hbm>> -> memref<20000x64xf32, #tpu.memory_space<hbm>>
    tpu.wait_indirect_dma semaphore(%arg18 : memref<!tpu.dma_semaphore, #tpu.memory_space<semaphore_mem>>) src(%dma_wait3A_117 : memref<20000x64xf32, #tpu.memory_space<hbm>>) dst(%arg10 : memref<128x64xf32, #tpu.memory_space<vmem>>)
    %dma_start3A_118 = arith.constant 77 : i32
    %dma_start3A_119 = arith.constant 0 : i32
    %dma_start3A_120 = tpu.memref_slice %arg8[%dma_start3A_118, %dma_start3A_119] : memref<80x128xi32, #tpu.memory_space<vmem>> -> memref<1x128xi32, #tpu.memory_space<vmem>>
    %dma_start3A_121 = tpu.memref_squeeze %dma_start3A_120 : memref<1x128xi32, #tpu.memory_space<vmem>> -> memref<128xi32, #tpu.memory_space<vmem>>
    %dma_start3A_122 = arith.constant 0 : i32
    %dma_start3A_123 = arith.constant 0 : i32
    %dma_start3A_124 = tpu.memref_slice %arg15[%dma_start3A_122, %dma_start3A_123] : memref<10240x64xf32, #tpu.memory_space<vmem_shared>> -> memref<10240x64xf32, #tpu.memory_space<vmem_shared>>
    tpu.enqueue_indirect_dma source(%arg10 : memref<128x64xf32, #tpu.memory_space<vmem>>) target(%dma_start3A_124 : memref<10240x64xf32, #tpu.memory_space<vmem_shared>>) offsets(%dma_start3A_121 : memref<128xi32, #tpu.memory_space<vmem>>) semaphore(%arg22 : memref<!tpu.dma_semaphore, #tpu.memory_space<semaphore_mem>>) {add = true}
    %dma_start3A_125 = arith.constant 77 : i32
    %dma_start3A_126 = arith.constant 0 : i32
    %dma_start3A_127 = tpu.memref_slice %arg8[%dma_start3A_125, %dma_start3A_126] : memref<80x128xi32, #tpu.memory_space<vmem>> -> memref<1x128xi32, #tpu.memory_space<vmem>>
    %dma_start3A_128 = tpu.memref_squeeze %dma_start3A_127 : memref<1x128xi32, #tpu.memory_space<vmem>> -> memref<128xi32, #tpu.memory_space<vmem>>
    %dma_start3A_129 = arith.constant 0 : i32
    %dma_start3A_130 = arith.constant 0 : i32
    %dma_start3A_131 = tpu.memref_slice %arg16[%dma_start3A_129, %dma_start3A_130] : memref<10240x16xf32, #tpu.memory_space<vmem_shared>> -> memref<10240x16xf32, #tpu.memory_space<vmem_shared>>
    tpu.enqueue_indirect_dma source(%arg13 : memref<128x16xf32, #tpu.memory_space<vmem>>) target(%dma_start3A_131 : memref<10240x16xf32, #tpu.memory_space<vmem_shared>>) offsets(%dma_start3A_128 : memref<128xi32, #tpu.memory_space<vmem>>) semaphore(%arg26 : memref<!tpu.dma_semaphore, #tpu.memory_space<semaphore_mem>>) {add = true}
    %dma_wait3A_132 = arith.constant 78 : i32
    %dma_wait3A_133 = arith.constant 0 : i32
    %dma_wait3A_134 = tpu.memref_slice %arg7[%dma_wait3A_132, %dma_wait3A_133] : memref<80x128xi32, #tpu.memory_space<vmem>> -> memref<1x128xi32, #tpu.memory_space<vmem>>
    %dma_wait3A_135 = tpu.memref_squeeze %dma_wait3A_134 : memref<1x128xi32, #tpu.memory_space<vmem>> -> memref<128xi32, #tpu.memory_space<vmem>>
    %dma_wait3A_136 = arith.constant 0 : i32
    %dma_wait3A_137 = arith.constant 0 : i32
    %dma_wait3A_138 = tpu.memref_slice %arg2[%dma_wait3A_136, %dma_wait3A_137] : memref<20000x64xf32, #tpu.memory_space<hbm>> -> memref<20000x64xf32, #tpu.memory_space<hbm>>
    tpu.wait_indirect_dma semaphore(%arg19 : memref<!tpu.dma_semaphore, #tpu.memory_space<semaphore_mem>>) src(%dma_wait3A_138 : memref<20000x64xf32, #tpu.memory_space<hbm>>) dst(%arg11 : memref<128x64xf32, #tpu.memory_space<vmem>>)
    %dma_start3A_139 = arith.constant 78 : i32
    %dma_start3A_140 = arith.constant 0 : i32
    %dma_start3A_141 = tpu.memref_slice %arg8[%dma_start3A_139, %dma_start3A_140] : memref<80x128xi32, #tpu.memory_space<vmem>> -> memref<1x128xi32, #tpu.memory_space<vmem>>
    %dma_start3A_142 = tpu.memref_squeeze %dma_start3A_141 : memref<1x128xi32, #tpu.memory_space<vmem>> -> memref<128xi32, #tpu.memory_space<vmem>>
    %dma_start3A_143 = arith.constant 0 : i32
    %dma_start3A_144 = arith.constant 0 : i32
    %dma_start3A_145 = tpu.memref_slice %arg15[%dma_start3A_143, %dma_start3A_144] : memref<10240x64xf32, #tpu.memory_space<vmem_shared>> -> memref<10240x64xf32, #tpu.memory_space<vmem_shared>>
    tpu.enqueue_indirect_dma source(%arg11 : memref<128x64xf32, #tpu.memory_space<vmem>>) target(%dma_start3A_145 : memref<10240x64xf32, #tpu.memory_space<vmem_shared>>) offsets(%dma_start3A_142 : memref<128xi32, #tpu.memory_space<vmem>>) semaphore(%arg23 : memref<!tpu.dma_semaphore, #tpu.memory_space<semaphore_mem>>) {add = true}
    %dma_start3A_146 = arith.constant 78 : i32
    %dma_start3A_147 = arith.constant 0 : i32
    %dma_start3A_148 = tpu.memref_slice %arg8[%dma_start3A_146, %dma_start3A_147] : memref<80x128xi32, #tpu.memory_space<vmem>> -> memref<1x128xi32, #tpu.memory_space<vmem>>
    %dma_start3A_149 = tpu.memref_squeeze %dma_start3A_148 : memref<1x128xi32, #tpu.memory_space<vmem>> -> memref<128xi32, #tpu.memory_space<vmem>>
    %dma_start3A_150 = arith.constant 0 : i32
    %dma_start3A_151 = arith.constant 0 : i32
    %dma_start3A_152 = tpu.memref_slice %arg16[%dma_start3A_150, %dma_start3A_151] : memref<10240x16xf32, #tpu.memory_space<vmem_shared>> -> memref<10240x16xf32, #tpu.memory_space<vmem_shared>>
    tpu.enqueue_indirect_dma source(%arg13 : memref<128x16xf32, #tpu.memory_space<vmem>>) target(%dma_start3A_152 : memref<10240x16xf32, #tpu.memory_space<vmem_shared>>) offsets(%dma_start3A_149 : memref<128xi32, #tpu.memory_space<vmem>>) semaphore(%arg27 : memref<!tpu.dma_semaphore, #tpu.memory_space<semaphore_mem>>) {add = true}
    %dma_wait3A_153 = arith.constant 79 : i32
    %dma_wait3A_154 = arith.constant 0 : i32
    %dma_wait3A_155 = tpu.memref_slice %arg7[%dma_wait3A_153, %dma_wait3A_154] : memref<80x128xi32, #tpu.memory_space<vmem>> -> memref<1x128xi32, #tpu.memory_space<vmem>>
    %dma_wait3A_156 = tpu.memref_squeeze %dma_wait3A_155 : memref<1x128xi32, #tpu.memory_space<vmem>> -> memref<128xi32, #tpu.memory_space<vmem>>
    %dma_wait3A_157 = arith.constant 0 : i32
    %dma_wait3A_158 = arith.constant 0 : i32
    %dma_wait3A_159 = tpu.memref_slice %arg2[%dma_wait3A_157, %dma_wait3A_158] : memref<20000x64xf32, #tpu.memory_space<hbm>> -> memref<20000x64xf32, #tpu.memory_space<hbm>>
    tpu.wait_indirect_dma semaphore(%arg20 : memref<!tpu.dma_semaphore, #tpu.memory_space<semaphore_mem>>) src(%dma_wait3A_159 : memref<20000x64xf32, #tpu.memory_space<hbm>>) dst(%arg12 : memref<128x64xf32, #tpu.memory_space<vmem>>)
    %dma_start3A_160 = arith.constant 79 : i32
    %dma_start3A_161 = arith.constant 0 : i32
    %dma_start3A_162 = tpu.memref_slice %arg8[%dma_start3A_160, %dma_start3A_161] : memref<80x128xi32, #tpu.memory_space<vmem>> -> memref<1x128xi32, #tpu.memory_space<vmem>>
    %dma_start3A_163 = tpu.memref_squeeze %dma_start3A_162 : memref<1x128xi32, #tpu.memory_space<vmem>> -> memref<128xi32, #tpu.memory_space<vmem>>
    %dma_start3A_164 = arith.constant 0 : i32
    %dma_start3A_165 = arith.constant 0 : i32
    %dma_start3A_166 = tpu.memref_slice %arg15[%dma_start3A_164, %dma_start3A_165] : memref<10240x64xf32, #tpu.memory_space<vmem_shared>> -> memref<10240x64xf32, #tpu.memory_space<vmem_shared>>
    tpu.enqueue_indirect_dma source(%arg12 : memref<128x64xf32, #tpu.memory_space<vmem>>) target(%dma_start3A_166 : memref<10240x64xf32, #tpu.memory_space<vmem_shared>>) offsets(%dma_start3A_163 : memref<128xi32, #tpu.memory_space<vmem>>) semaphore(%arg24 : memref<!tpu.dma_semaphore, #tpu.memory_space<semaphore_mem>>) {add = true}
    %dma_start3A_167 = arith.constant 79 : i32
    %dma_start3A_168 = arith.constant 0 : i32
    %dma_start3A_169 = tpu.memref_slice %arg8[%dma_start3A_167, %dma_start3A_168] : memref<80x128xi32, #tpu.memory_space<vmem>> -> memref<1x128xi32, #tpu.memory_space<vmem>>
    %dma_start3A_170 = tpu.memref_squeeze %dma_start3A_169 : memref<1x128xi32, #tpu.memory_space<vmem>> -> memref<128xi32, #tpu.memory_space<vmem>>
    %dma_start3A_171 = arith.constant 0 : i32
    %dma_start3A_172 = arith.constant 0 : i32
    %dma_start3A_173 = tpu.memref_slice %arg16[%dma_start3A_171, %dma_start3A_172] : memref<10240x16xf32, #tpu.memory_space<vmem_shared>> -> memref<10240x16xf32, #tpu.memory_space<vmem_shared>>
    tpu.enqueue_indirect_dma source(%arg13 : memref<128x16xf32, #tpu.memory_space<vmem>>) target(%dma_start3A_173 : memref<10240x16xf32, #tpu.memory_space<vmem_shared>>) offsets(%dma_start3A_170 : memref<128xi32, #tpu.memory_space<vmem>>) semaphore(%arg28 : memref<!tpu.dma_semaphore, #tpu.memory_space<semaphore_mem>>) {add = true}
    %dma_wait3A_174 = arith.constant 76 : i32
    %dma_wait3A_175 = arith.constant 0 : i32
    %dma_wait3A_176 = tpu.memref_slice %arg8[%dma_wait3A_174, %dma_wait3A_175] : memref<80x128xi32, #tpu.memory_space<vmem>> -> memref<1x128xi32, #tpu.memory_space<vmem>>
    %dma_wait3A_177 = tpu.memref_squeeze %dma_wait3A_176 : memref<1x128xi32, #tpu.memory_space<vmem>> -> memref<128xi32, #tpu.memory_space<vmem>>
    %dma_wait3A_178 = arith.constant 0 : i32
    %dma_wait3A_179 = arith.constant 0 : i32
    %dma_wait3A_180 = tpu.memref_slice %arg15[%dma_wait3A_178, %dma_wait3A_179] : memref<10240x64xf32, #tpu.memory_space<vmem_shared>> -> memref<10240x64xf32, #tpu.memory_space<vmem_shared>>
    tpu.wait_indirect_dma semaphore(%arg21 : memref<!tpu.dma_semaphore, #tpu.memory_space<semaphore_mem>>) src(%arg9 : memref<128x64xf32, #tpu.memory_space<vmem>>) dst(%dma_wait3A_180 : memref<10240x64xf32, #tpu.memory_space<vmem_shared>>)
    %dma_wait3A_181 = arith.constant 76 : i32
    %dma_wait3A_182 = arith.constant 0 : i32
    %dma_wait3A_183 = tpu.memref_slice %arg8[%dma_wait3A_181, %dma_wait3A_182] : memref<80x128xi32, #tpu.memory_space<vmem>> -> memref<1x128xi32, #tpu.memory_space<vmem>>
    %dma_wait3A_184 = tpu.memref_squeeze %dma_wait3A_183 : memref<1x128xi32, #tpu.memory_space<vmem>> -> memref<128xi32, #tpu.memory_space<vmem>>
    %dma_wait3A_185 = arith.constant 0 : i32
    %dma_wait3A_186 = arith.constant 0 : i32
    %dma_wait3A_187 = tpu.memref_slice %arg16[%dma_wait3A_185, %dma_wait3A_186] : memref<10240x16xf32, #tpu.memory_space<vmem_shared>> -> memref<10240x16xf32, #tpu.memory_space<vmem_shared>>
    tpu.wait_indirect_dma semaphore(%arg25 : memref<!tpu.dma_semaphore, #tpu.memory_space<semaphore_mem>>) src(%arg13 : memref<128x16xf32, #tpu.memory_space<vmem>>) dst(%dma_wait3A_187 : memref<10240x16xf32, #tpu.memory_space<vmem_shared>>)
    %dma_wait3A_188 = arith.constant 77 : i32
    %dma_wait3A_189 = arith.constant 0 : i32
    %dma_wait3A_190 = tpu.memref_slice %arg8[%dma_wait3A_188, %dma_wait3A_189] : memref<80x128xi32, #tpu.memory_space<vmem>> -> memref<1x128xi32, #tpu.memory_space<vmem>>
    %dma_wait3A_191 = tpu.memref_squeeze %dma_wait3A_190 : memref<1x128xi32, #tpu.memory_space<vmem>> -> memref<128xi32, #tpu.memory_space<vmem>>
    %dma_wait3A_192 = arith.constant 0 : i32
    %dma_wait3A_193 = arith.constant 0 : i32
    %dma_wait3A_194 = tpu.memref_slice %arg15[%dma_wait3A_192, %dma_wait3A_193] : memref<10240x64xf32, #tpu.memory_space<vmem_shared>> -> memref<10240x64xf32, #tpu.memory_space<vmem_shared>>
    tpu.wait_indirect_dma semaphore(%arg22 : memref<!tpu.dma_semaphore, #tpu.memory_space<semaphore_mem>>) src(%arg10 : memref<128x64xf32, #tpu.memory_space<vmem>>) dst(%dma_wait3A_194 : memref<10240x64xf32, #tpu.memory_space<vmem_shared>>)
    %dma_wait3A_195 = arith.constant 77 : i32
    %dma_wait3A_196 = arith.constant 0 : i32
    %dma_wait3A_197 = tpu.memref_slice %arg8[%dma_wait3A_195, %dma_wait3A_196] : memref<80x128xi32, #tpu.memory_space<vmem>> -> memref<1x128xi32, #tpu.memory_space<vmem>>
    %dma_wait3A_198 = tpu.memref_squeeze %dma_wait3A_197 : memref<1x128xi32, #tpu.memory_space<vmem>> -> memref<128xi32, #tpu.memory_space<vmem>>
    %dma_wait3A_199 = arith.constant 0 : i32
    %dma_wait3A_200 = arith.constant 0 : i32
    %dma_wait3A_201 = tpu.memref_slice %arg16[%dma_wait3A_199, %dma_wait3A_200] : memref<10240x16xf32, #tpu.memory_space<vmem_shared>> -> memref<10240x16xf32, #tpu.memory_space<vmem_shared>>
    tpu.wait_indirect_dma semaphore(%arg26 : memref<!tpu.dma_semaphore, #tpu.memory_space<semaphore_mem>>) src(%arg13 : memref<128x16xf32, #tpu.memory_space<vmem>>) dst(%dma_wait3A_201 : memref<10240x16xf32, #tpu.memory_space<vmem_shared>>)
    %dma_wait3A_202 = arith.constant 78 : i32
    %dma_wait3A_203 = arith.constant 0 : i32
    %dma_wait3A_204 = tpu.memref_slice %arg8[%dma_wait3A_202, %dma_wait3A_203] : memref<80x128xi32, #tpu.memory_space<vmem>> -> memref<1x128xi32, #tpu.memory_space<vmem>>
    %dma_wait3A_205 = tpu.memref_squeeze %dma_wait3A_204 : memref<1x128xi32, #tpu.memory_space<vmem>> -> memref<128xi32, #tpu.memory_space<vmem>>
    %dma_wait3A_206 = arith.constant 0 : i32
    %dma_wait3A_207 = arith.constant 0 : i32
    %dma_wait3A_208 = tpu.memref_slice %arg15[%dma_wait3A_206, %dma_wait3A_207] : memref<10240x64xf32, #tpu.memory_space<vmem_shared>> -> memref<10240x64xf32, #tpu.memory_space<vmem_shared>>
    tpu.wait_indirect_dma semaphore(%arg23 : memref<!tpu.dma_semaphore, #tpu.memory_space<semaphore_mem>>) src(%arg11 : memref<128x64xf32, #tpu.memory_space<vmem>>) dst(%dma_wait3A_208 : memref<10240x64xf32, #tpu.memory_space<vmem_shared>>)
    %dma_wait3A_209 = arith.constant 78 : i32
    %dma_wait3A_210 = arith.constant 0 : i32
    %dma_wait3A_211 = tpu.memref_slice %arg8[%dma_wait3A_209, %dma_wait3A_210] : memref<80x128xi32, #tpu.memory_space<vmem>> -> memref<1x128xi32, #tpu.memory_space<vmem>>
    %dma_wait3A_212 = tpu.memref_squeeze %dma_wait3A_211 : memref<1x128xi32, #tpu.memory_space<vmem>> -> memref<128xi32, #tpu.memory_space<vmem>>
    %dma_wait3A_213 = arith.constant 0 : i32
    %dma_wait3A_214 = arith.constant 0 : i32
    %dma_wait3A_215 = tpu.memref_slice %arg16[%dma_wait3A_213, %dma_wait3A_214] : memref<10240x16xf32, #tpu.memory_space<vmem_shared>> -> memref<10240x16xf32, #tpu.memory_space<vmem_shared>>
    tpu.wait_indirect_dma semaphore(%arg27 : memref<!tpu.dma_semaphore, #tpu.memory_space<semaphore_mem>>) src(%arg13 : memref<128x16xf32, #tpu.memory_space<vmem>>) dst(%dma_wait3A_215 : memref<10240x16xf32, #tpu.memory_space<vmem_shared>>)
    %dma_wait3A_216 = arith.constant 79 : i32
    %dma_wait3A_217 = arith.constant 0 : i32
    %dma_wait3A_218 = tpu.memref_slice %arg8[%dma_wait3A_216, %dma_wait3A_217] : memref<80x128xi32, #tpu.memory_space<vmem>> -> memref<1x128xi32, #tpu.memory_space<vmem>>
    %dma_wait3A_219 = tpu.memref_squeeze %dma_wait3A_218 : memref<1x128xi32, #tpu.memory_space<vmem>> -> memref<128xi32, #tpu.memory_space<vmem>>
    %dma_wait3A_220 = arith.constant 0 : i32
    %dma_wait3A_221 = arith.constant 0 : i32
    %dma_wait3A_222 = tpu.memref_slice %arg15[%dma_wait3A_220, %dma_wait3A_221] : memref<10240x64xf32, #tpu.memory_space<vmem_shared>> -> memref<10240x64xf32, #tpu.memory_space<vmem_shared>>
    tpu.wait_indirect_dma semaphore(%arg24 : memref<!tpu.dma_semaphore, #tpu.memory_space<semaphore_mem>>) src(%arg12 : memref<128x64xf32, #tpu.memory_space<vmem>>) dst(%dma_wait3A_222 : memref<10240x64xf32, #tpu.memory_space<vmem_shared>>)
    %dma_wait3A_223 = arith.constant 79 : i32
    %dma_wait3A_224 = arith.constant 0 : i32
    %dma_wait3A_225 = tpu.memref_slice %arg8[%dma_wait3A_223, %dma_wait3A_224] : memref<80x128xi32, #tpu.memory_space<vmem>> -> memref<1x128xi32, #tpu.memory_space<vmem>>
    %dma_wait3A_226 = tpu.memref_squeeze %dma_wait3A_225 : memref<1x128xi32, #tpu.memory_space<vmem>> -> memref<128xi32, #tpu.memory_space<vmem>>
    %dma_wait3A_227 = arith.constant 0 : i32
    %dma_wait3A_228 = arith.constant 0 : i32
    %dma_wait3A_229 = tpu.memref_slice %arg16[%dma_wait3A_227, %dma_wait3A_228] : memref<10240x16xf32, #tpu.memory_space<vmem_shared>> -> memref<10240x16xf32, #tpu.memory_space<vmem_shared>>
    tpu.wait_indirect_dma semaphore(%arg28 : memref<!tpu.dma_semaphore, #tpu.memory_space<semaphore_mem>>) src(%arg13 : memref<128x16xf32, #tpu.memory_space<vmem>>) dst(%dma_wait3A_229 : memref<10240x16xf32, #tpu.memory_space<vmem_shared>>)
    %barrier3A_230 = arith.constant 0 : index
    tpu.barrier barrier_id(%barrier3A_230)
    %mul3A_231 = arith.constant 640 : i32
    %mul3A_232 = arith.muli %arg1, %mul3A_231 : i32
    %mul3A_233 = arith.constant 640 : i32
    %mul3A_234 = arith.muli %arg1, %mul3A_233 : i32
    "tpu.region"() ({
      %run_scoped3A = tpu.sem_alloc : memref<!tpu.dma_semaphore, #tpu.memory_space<semaphore_mem>>
      %dma_start3A_400 = arith.constant 0 : i32
      %dma_start3A_401 = tpu.memref_slice %arg5[%arg0, %mul3A_234, %dma_start3A_400] : memref<2x10240x128xf32, #tpu.memory_space<hbm>> -> memref<1x640x64xf32, #tpu.memory_space<hbm>>
      %dma_start3A_402 = tpu.memref_squeeze %dma_start3A_401 : memref<1x640x64xf32, #tpu.memory_space<hbm>> -> memref<640x64xf32, #tpu.memory_space<hbm>>
      %dma_start3A_403 = arith.constant 0 : i32
      %dma_start3A_404 = tpu.memref_slice %arg15[%mul3A_232, %dma_start3A_403] : memref<10240x64xf32, #tpu.memory_space<vmem_shared>> -> memref<640x64xf32, #tpu.memory_space<vmem_shared>>
      tpu.enqueue_dma source(%dma_start3A_404 : memref<640x64xf32, #tpu.memory_space<vmem_shared>>) target(%dma_start3A_402 : memref<640x64xf32, #tpu.memory_space<hbm>>) target_semaphore(%run_scoped3A : memref<!tpu.dma_semaphore, #tpu.memory_space<semaphore_mem>>)
      %dma_wait3A_405 = arith.constant 0 : i32
      %dma_wait3A_406 = tpu.memref_slice %arg5[%arg0, %mul3A_234, %dma_wait3A_405] : memref<2x10240x128xf32, #tpu.memory_space<hbm>> -> memref<1x640x64xf32, #tpu.memory_space<hbm>>
      %dma_wait3A_407 = tpu.memref_squeeze %dma_wait3A_406 : memref<1x640x64xf32, #tpu.memory_space<hbm>> -> memref<640x64xf32, #tpu.memory_space<hbm>>
      %dma_wait3A_408 = arith.constant 0 : i32
      %dma_wait3A_409 = tpu.memref_slice %arg15[%mul3A_232, %dma_wait3A_408] : memref<10240x64xf32, #tpu.memory_space<vmem_shared>> -> memref<640x64xf32, #tpu.memory_space<vmem_shared>>
      tpu.wait_dma2 semaphore(%run_scoped3A : memref<!tpu.dma_semaphore, #tpu.memory_space<semaphore_mem>>) src(%dma_wait3A_409 : memref<640x64xf32, #tpu.memory_space<vmem_shared>>) dst(%dma_wait3A_407 : memref<640x64xf32, #tpu.memory_space<hbm>>)
      tpu.yield
    }) : () -> ()
    %mul3A_235 = arith.constant 640 : i32
    %mul3A_236 = arith.muli %arg1, %mul3A_235 : i32
    %mul3A_237 = arith.constant 640 : i32
    %mul3A_238 = arith.muli %arg1, %mul3A_237 : i32
    "tpu.region"() ({
      %run_scoped3A = tpu.sem_alloc : memref<!tpu.dma_semaphore, #tpu.memory_space<semaphore_mem>>
      %dma_start3A_400 = arith.constant 0 : i32
      %dma_start3A_401 = tpu.memref_slice %arg6[%arg0, %mul3A_238, %dma_start3A_400] : memref<2x10240x16xf32, #tpu.memory_space<hbm>> -> memref<1x640x16xf32, #tpu.memory_space<hbm>>
      %dma_start3A_402 = tpu.memref_squeeze %dma_start3A_401 : memref<1x640x16xf32, #tpu.memory_space<hbm>> -> memref<640x16xf32, #tpu.memory_space<hbm>>
      %dma_start3A_403 = arith.constant 0 : i32
      %dma_start3A_404 = tpu.memref_slice %arg16[%mul3A_236, %dma_start3A_403] : memref<10240x16xf32, #tpu.memory_space<vmem_shared>> -> memref<640x16xf32, #tpu.memory_space<vmem_shared>>
      tpu.enqueue_dma source(%dma_start3A_404 : memref<640x16xf32, #tpu.memory_space<vmem_shared>>) target(%dma_start3A_402 : memref<640x16xf32, #tpu.memory_space<hbm>>) target_semaphore(%run_scoped3A : memref<!tpu.dma_semaphore, #tpu.memory_space<semaphore_mem>>)
      %dma_wait3A_405 = arith.constant 0 : i32
      %dma_wait3A_406 = tpu.memref_slice %arg6[%arg0, %mul3A_238, %dma_wait3A_405] : memref<2x10240x16xf32, #tpu.memory_space<hbm>> -> memref<1x640x16xf32, #tpu.memory_space<hbm>>
      %dma_wait3A_407 = tpu.memref_squeeze %dma_wait3A_406 : memref<1x640x16xf32, #tpu.memory_space<hbm>> -> memref<640x16xf32, #tpu.memory_space<hbm>>
      %dma_wait3A_408 = arith.constant 0 : i32
      %dma_wait3A_409 = tpu.memref_slice %arg16[%mul3A_236, %dma_wait3A_408] : memref<10240x16xf32, #tpu.memory_space<vmem_shared>> -> memref<640x16xf32, #tpu.memory_space<vmem_shared>>
      tpu.wait_dma2 semaphore(%run_scoped3A : memref<!tpu.dma_semaphore, #tpu.memory_space<semaphore_mem>>) src(%dma_wait3A_409 : memref<640x16xf32, #tpu.memory_space<vmem_shared>>) dst(%dma_wait3A_407 : memref<640x16xf32, #tpu.memory_space<hbm>>)
      tpu.yield
    }) : () -> ()
    %broadcast_in_dim3A_239 = arith.constant 1 : i32
    %broadcast_in_dim3A_240 = vector.broadcast %broadcast_in_dim3A_239 : i32 to vector<16xi32>
    %scan3A_241 = arith.constant 0 : i32
    %scan3A_242 = arith.constant 0 : i32
    %scan3A_243 = arith.constant 80 : i32
    %scan3A_244 = arith.addi %scan3A_242, %scan3A_243 : i32
    %scan3A_245 = arith.constant 1 : i32
    %scan3A_246 = scf.for %scan3A_400 = %scan3A_242 to %scan3A_244 step %scan3A_245 iter_args(%scan3A_401 = %scan3A_241) -> (i32)  : i32 {
      %get3A = arith.index_cast %scan3A_400 : i32 to index
      %get3A_402 = arith.constant 0 : index
      %get3A_403 = tpu.vector_load %arg7[%get3A, %get3A_402] {strides = array<i32>} : memref<80x128xi32, #tpu.memory_space<vmem>>, vector<1x16xi32>,
      %get3A_404 = vector.shape_cast %get3A_403 : vector<1x16xi32> to vector<16xi32>
      %add3A_405 = arith.addi %get3A_404, %broadcast_in_dim3A_240 : vector<16xi32>
      %swap3A = arith.index_cast %scan3A_400 : i32 to index
      %swap3A_406 = arith.constant 0 : index
      %swap3A_407 = tpu.vector_load %arg7[%swap3A, %swap3A_406] {strides = array<i32>} : memref<80x128xi32, #tpu.memory_space<vmem>>, vector<1x16xi32>,
      %swap3A_408 = vector.shape_cast %swap3A_407 : vector<1x16xi32> to vector<16xi32>
      %swap3A_409 = vector.shape_cast %add3A_405 : vector<16xi32> to vector<1x16xi32>
      tpu.vector_store %arg7[%swap3A, %swap3A_406], %swap3A_409 {strides = array<i32>} : memref<80x128xi32, #tpu.memory_space<vmem>>, vector<1x16xi32>,
      %get3A_410 = arith.index_cast %scan3A_400 : i32 to index
      %get3A_411 = arith.constant 16 : index
      %get3A_412 = tpu.vector_load %arg7[%get3A_410, %get3A_411] {strides = array<i32>} : memref<80x128xi32, #tpu.memory_space<vmem>>, vector<1x16xi32>,
      %get3A_413 = vector.shape_cast %get3A_412 : vector<1x16xi32> to vector<16xi32>
      %add3A_414 = arith.addi %get3A_413, %broadcast_in_dim3A_240 : vector<16xi32>
      %swap3A_415 = arith.index_cast %scan3A_400 : i32 to index
      %swap3A_416 = arith.constant 16 : index
      %swap3A_417 = tpu.vector_load %arg7[%swap3A_415, %swap3A_416] {strides = array<i32>} : memref<80x128xi32, #tpu.memory_space<vmem>>, vector<1x16xi32>,
      %swap3A_418 = vector.shape_cast %swap3A_417 : vector<1x16xi32> to vector<16xi32>
      %swap3A_419 = vector.shape_cast %add3A_414 : vector<16xi32> to vector<1x16xi32>
      tpu.vector_store %arg7[%swap3A_415, %swap3A_416], %swap3A_419 {strides = array<i32>} : memref<80x128xi32, #tpu.memory_space<vmem>>, vector<1x16xi32>,
      %get3A_420 = arith.index_cast %scan3A_400 : i32 to index
      %get3A_421 = arith.constant 32 : index
      %get3A_422 = tpu.vector_load %arg7[%get3A_420, %get3A_421] {strides = array<i32>} : memref<80x128xi32, #tpu.memory_space<vmem>>, vector<1x16xi32>,
      %get3A_423 = vector.shape_cast %get3A_422 : vector<1x16xi32> to vector<16xi32>
      %add3A_424 = arith.addi %get3A_423, %broadcast_in_dim3A_240 : vector<16xi32>
      %swap3A_425 = arith.index_cast %scan3A_400 : i32 to index
      %swap3A_426 = arith.constant 32 : index
      %swap3A_427 = tpu.vector_load %arg7[%swap3A_425, %swap3A_426] {strides = array<i32>} : memref<80x128xi32, #tpu.memory_space<vmem>>, vector<1x16xi32>,
      %swap3A_428 = vector.shape_cast %swap3A_427 : vector<1x16xi32> to vector<16xi32>
      %swap3A_429 = vector.shape_cast %add3A_424 : vector<16xi32> to vector<1x16xi32>
      tpu.vector_store %arg7[%swap3A_425, %swap3A_426], %swap3A_429 {strides = array<i32>} : memref<80x128xi32, #tpu.memory_space<vmem>>, vector<1x16xi32>,
      %get3A_430 = arith.index_cast %scan3A_400 : i32 to index
      %get3A_431 = arith.constant 48 : index
      %get3A_432 = tpu.vector_load %arg7[%get3A_430, %get3A_431] {strides = array<i32>} : memref<80x128xi32, #tpu.memory_space<vmem>>, vector<1x16xi32>,
      %get3A_433 = vector.shape_cast %get3A_432 : vector<1x16xi32> to vector<16xi32>
      %add3A_434 = arith.addi %get3A_433, %broadcast_in_dim3A_240 : vector<16xi32>
      %swap3A_435 = arith.index_cast %scan3A_400 : i32 to index
      %swap3A_436 = arith.constant 48 : index
      %swap3A_437 = tpu.vector_load %arg7[%swap3A_435, %swap3A_436] {strides = array<i32>} : memref<80x128xi32, #tpu.memory_space<vmem>>, vector<1x16xi32>,
      %swap3A_438 = vector.shape_cast %swap3A_437 : vector<1x16xi32> to vector<16xi32>
      %swap3A_439 = vector.shape_cast %add3A_434 : vector<16xi32> to vector<1x16xi32>
      tpu.vector_store %arg7[%swap3A_435, %swap3A_436], %swap3A_439 {strides = array<i32>} : memref<80x128xi32, #tpu.memory_space<vmem>>, vector<1x16xi32>,
      %get3A_440 = arith.index_cast %scan3A_400 : i32 to index
      %get3A_441 = arith.constant 64 : index
      %get3A_442 = tpu.vector_load %arg7[%get3A_440, %get3A_441] {strides = array<i32>} : memref<80x128xi32, #tpu.memory_space<vmem>>, vector<1x16xi32>,
      %get3A_443 = vector.shape_cast %get3A_442 : vector<1x16xi32> to vector<16xi32>
      %add3A_444 = arith.addi %get3A_443, %broadcast_in_dim3A_240 : vector<16xi32>
      %swap3A_445 = arith.index_cast %scan3A_400 : i32 to index
      %swap3A_446 = arith.constant 64 : index
      %swap3A_447 = tpu.vector_load %arg7[%swap3A_445, %swap3A_446] {strides = array<i32>} : memref<80x128xi32, #tpu.memory_space<vmem>>, vector<1x16xi32>,
      %swap3A_448 = vector.shape_cast %swap3A_447 : vector<1x16xi32> to vector<16xi32>
      %swap3A_449 = vector.shape_cast %add3A_444 : vector<16xi32> to vector<1x16xi32>
      tpu.vector_store %arg7[%swap3A_445, %swap3A_446], %swap3A_449 {strides = array<i32>} : memref<80x128xi32, #tpu.memory_space<vmem>>, vector<1x16xi32>,
      %get3A_450 = arith.index_cast %scan3A_400 : i32 to index
      %get3A_451 = arith.constant 80 : index
      %get3A_452 = tpu.vector_load %arg7[%get3A_450, %get3A_451] {strides = array<i32>} : memref<80x128xi32, #tpu.memory_space<vmem>>, vector<1x16xi32>,
      %get3A_453 = vector.shape_cast %get3A_452 : vector<1x16xi32> to vector<16xi32>
      %add3A_454 = arith.addi %get3A_453, %broadcast_in_dim3A_240 : vector<16xi32>
      %swap3A_455 = arith.index_cast %scan3A_400 : i32 to index
      %swap3A_456 = arith.constant 80 : index
      %swap3A_457 = tpu.vector_load %arg7[%swap3A_455, %swap3A_456] {strides = array<i32>} : memref<80x128xi32, #tpu.memory_space<vmem>>, vector<1x16xi32>,
      %swap3A_458 = vector.shape_cast %swap3A_457 : vector<1x16xi32> to vector<16xi32>
      %swap3A_459 = vector.shape_cast %add3A_454 : vector<16xi32> to vector<1x16xi32>
      tpu.vector_store %arg7[%swap3A_455, %swap3A_456], %swap3A_459 {strides = array<i32>} : memref<80x128xi32, #tpu.memory_space<vmem>>, vector<1x16xi32>,
      %get3A_460 = arith.index_cast %scan3A_400 : i32 to index
      %get3A_461 = arith.constant 96 : index
      %get3A_462 = tpu.vector_load %arg7[%get3A_460, %get3A_461] {strides = array<i32>} : memref<80x128xi32, #tpu.memory_space<vmem>>, vector<1x16xi32>,
      %get3A_463 = vector.shape_cast %get3A_462 : vector<1x16xi32> to vector<16xi32>
      %add3A_464 = arith.addi %get3A_463, %broadcast_in_dim3A_240 : vector<16xi32>
      %swap3A_465 = arith.index_cast %scan3A_400 : i32 to index
      %swap3A_466 = arith.constant 96 : index
      %swap3A_467 = tpu.vector_load %arg7[%swap3A_465, %swap3A_466] {strides = array<i32>} : memref<80x128xi32, #tpu.memory_space<vmem>>, vector<1x16xi32>,
      %swap3A_468 = vector.shape_cast %swap3A_467 : vector<1x16xi32> to vector<16xi32>
      %swap3A_469 = vector.shape_cast %add3A_464 : vector<16xi32> to vector<1x16xi32>
      tpu.vector_store %arg7[%swap3A_465, %swap3A_466], %swap3A_469 {strides = array<i32>} : memref<80x128xi32, #tpu.memory_space<vmem>>, vector<1x16xi32>,
      %get3A_470 = arith.index_cast %scan3A_400 : i32 to index
      %get3A_471 = arith.constant 112 : index
      %get3A_472 = tpu.vector_load %arg7[%get3A_470, %get3A_471] {strides = array<i32>} : memref<80x128xi32, #tpu.memory_space<vmem>>, vector<1x16xi32>,
      %get3A_473 = vector.shape_cast %get3A_472 : vector<1x16xi32> to vector<16xi32>
      %add3A_474 = arith.addi %get3A_473, %broadcast_in_dim3A_240 : vector<16xi32>
      %swap3A_475 = arith.index_cast %scan3A_400 : i32 to index
      %swap3A_476 = arith.constant 112 : index
      %swap3A_477 = tpu.vector_load %arg7[%swap3A_475, %swap3A_476] {strides = array<i32>} : memref<80x128xi32, #tpu.memory_space<vmem>>, vector<1x16xi32>,
      %swap3A_478 = vector.shape_cast %swap3A_477 : vector<1x16xi32> to vector<16xi32>
      %swap3A_479 = vector.shape_cast %add3A_474 : vector<16xi32> to vector<1x16xi32>
      tpu.vector_store %arg7[%swap3A_475, %swap3A_476], %swap3A_479 {strides = array<i32>} : memref<80x128xi32, #tpu.memory_space<vmem>>, vector<1x16xi32>,
      %scan3A_480 = arith.constant 0 : i32
      scf.yield %scan3A_480 : i32
    }
    %scan3A_247 = arith.constant 80 : i32
    %scan3A_248 = arith.constant 0 : i32
    %scan3A_249 = arith.constant 0 : i32
    %scan3A_250 = arith.constant 128 : i32
    %scan3A_251 = arith.addi %scan3A_249, %scan3A_250 : i32
    %scan3A_252 = arith.constant 1 : i32
    %scan3A_253 = scf.for %scan3A_400 = %scan3A_249 to %scan3A_251 step %scan3A_252 iter_args(%scan3A_401 = %scan3A_248) -> (i32)  : i32 {
      %swap3A = arith.index_cast %scan3A_400 : i32 to index
      %swap3A_402 = arith.constant 0 : index
      %swap3A_403 = tpu.vector_load %arg9[%swap3A, %swap3A_402] {strides = array<i32>} : memref<128x64xf32, #tpu.memory_space<vmem>>, vector<1x16xf32>,
      %swap3A_404 = vector.shape_cast %swap3A_403 : vector<1x16xf32> to vector<16xf32>
      %swap3A_405 = vector.shape_cast %broadcast_in_dim3A_1 : vector<16xf32> to vector<1x16xf32>
      tpu.vector_store %arg9[%swap3A, %swap3A_402], %swap3A_405 {strides = array<i32>} : memref<128x64xf32, #tpu.memory_space<vmem>>, vector<1x16xf32>,
      %swap3A_406 = arith.index_cast %scan3A_400 : i32 to index
      %swap3A_407 = arith.constant 16 : index
      %swap3A_408 = tpu.vector_load %arg9[%swap3A_406, %swap3A_407] {strides = array<i32>} : memref<128x64xf32, #tpu.memory_space<vmem>>, vector<1x16xf32>,
      %swap3A_409 = vector.shape_cast %swap3A_408 : vector<1x16xf32> to vector<16xf32>
      %swap3A_410 = vector.shape_cast %broadcast_in_dim3A_1 : vector<16xf32> to vector<1x16xf32>
      tpu.vector_store %arg9[%swap3A_406, %swap3A_407], %swap3A_410 {strides = array<i32>} : memref<128x64xf32, #tpu.memory_space<vmem>>, vector<1x16xf32>,
      %swap3A_411 = arith.index_cast %scan3A_400 : i32 to index
      %swap3A_412 = arith.constant 32 : index
      %swap3A_413 = tpu.vector_load %arg9[%swap3A_411, %swap3A_412] {strides = array<i32>} : memref<128x64xf32, #tpu.memory_space<vmem>>, vector<1x16xf32>,
      %swap3A_414 = vector.shape_cast %swap3A_413 : vector<1x16xf32> to vector<16xf32>
      %swap3A_415 = vector.shape_cast %broadcast_in_dim3A_1 : vector<16xf32> to vector<1x16xf32>
      tpu.vector_store %arg9[%swap3A_411, %swap3A_412], %swap3A_415 {strides = array<i32>} : memref<128x64xf32, #tpu.memory_space<vmem>>, vector<1x16xf32>,
      %swap3A_416 = arith.index_cast %scan3A_400 : i32 to index
      %swap3A_417 = arith.constant 48 : index
      %swap3A_418 = tpu.vector_load %arg9[%swap3A_416, %swap3A_417] {strides = array<i32>} : memref<128x64xf32, #tpu.memory_space<vmem>>, vector<1x16xf32>,
      %swap3A_419 = vector.shape_cast %swap3A_418 : vector<1x16xf32> to vector<16xf32>
      %swap3A_420 = vector.shape_cast %broadcast_in_dim3A_1 : vector<16xf32> to vector<1x16xf32>
      tpu.vector_store %arg9[%swap3A_416, %swap3A_417], %swap3A_420 {strides = array<i32>} : memref<128x64xf32, #tpu.memory_space<vmem>>, vector<1x16xf32>,
      %scan3A_421 = arith.constant 0 : i32
      scf.yield %scan3A_421 : i32
    }
    %scan3A_254 = arith.constant 128 : i32
    %mul3A_255 = arith.constant 640 : i32
    %mul3A_256 = arith.muli %arg1, %mul3A_255 : i32
    %add3A_257 = arith.constant 0 : i32
    %add3A_258 = arith.addi %mul3A_256, %add3A_257 : i32
    "tpu.region"() ({
      %run_scoped3A = tpu.sem_alloc : memref<!tpu.dma_semaphore, #tpu.memory_space<semaphore_mem>>
      %dma_start3A_400 = arith.constant 0 : i32
      %dma_start3A_401 = tpu.memref_slice %arg15[%add3A_258, %dma_start3A_400] : memref<10240x64xf32, #tpu.memory_space<vmem_shared>> -> memref<128x64xf32, #tpu.memory_space<vmem_shared>>
      %dma_start3A_402 = arith.constant 0 : i32
      %dma_start3A_403 = tpu.memref_slice %arg15[%add3A_258, %dma_start3A_402] : memref<10240x64xf32, #tpu.memory_space<vmem_shared>> -> memref<128x64xf32, #tpu.memory_space<vmem_shared>>
      tpu.enqueue_dma source(%arg9 : memref<128x64xf32, #tpu.memory_space<vmem>>) target(%dma_start3A_403 : memref<128x64xf32, #tpu.memory_space<vmem_shared>>) target_semaphore(%run_scoped3A : memref<!tpu.dma_semaphore, #tpu.memory_space<semaphore_mem>>)
      %dma_wait3A_404 = arith.constant 0 : i32
      %dma_wait3A_405 = tpu.memref_slice %arg15[%add3A_258, %dma_wait3A_404] : memref<10240x64xf32, #tpu.memory_space<vmem_shared>> -> memref<128x64xf32, #tpu.memory_space<vmem_shared>>
      %dma_wait3A_406 = arith.constant 0 : i32
      %dma_wait3A_407 = tpu.memref_slice %arg15[%add3A_258, %dma_wait3A_406] : memref<10240x64xf32, #tpu.memory_space<vmem_shared>> -> memref<128x64xf32, #tpu.memory_space<vmem_shared>>
      tpu.wait_dma2 semaphore(%run_scoped3A : memref<!tpu.dma_semaphore, #tpu.memory_space<semaphore_mem>>) src(%arg9 : memref<128x64xf32, #tpu.memory_space<vmem>>) dst(%dma_wait3A_407 : memref<128x64xf32, #tpu.memory_space<vmem_shared>>)
      tpu.yield
    }) : () -> ()
    %mul3A_259 = arith.constant 640 : i32
    %mul3A_260 = arith.muli %arg1, %mul3A_259 : i32
    %add3A_261 = arith.constant 128 : i32
    %add3A_262 = arith.addi %mul3A_260, %add3A_261 : i32
    "tpu.region"() ({
      %run_scoped3A = tpu.sem_alloc : memref<!tpu.dma_semaphore, #tpu.memory_space<semaphore_mem>>
      %dma_start3A_400 = arith.constant 0 : i32
      %dma_start3A_401 = tpu.memref_slice %arg15[%add3A_262, %dma_start3A_400] : memref<10240x64xf32, #tpu.memory_space<vmem_shared>> -> memref<128x64xf32, #tpu.memory_space<vmem_shared>>
      %dma_start3A_402 = arith.constant 0 : i32
      %dma_start3A_403 = tpu.memref_slice %arg15[%add3A_262, %dma_start3A_402] : memref<10240x64xf32, #tpu.memory_space<vmem_shared>> -> memref<128x64xf32, #tpu.memory_space<vmem_shared>>
      tpu.enqueue_dma source(%arg9 : memref<128x64xf32, #tpu.memory_space<vmem>>) target(%dma_start3A_403 : memref<128x64xf32, #tpu.memory_space<vmem_shared>>) target_semaphore(%run_scoped3A : memref<!tpu.dma_semaphore, #tpu.memory_space<semaphore_mem>>)
      %dma_wait3A_404 = arith.constant 0 : i32
      %dma_wait3A_405 = tpu.memref_slice %arg15[%add3A_262, %dma_wait3A_404] : memref<10240x64xf32, #tpu.memory_space<vmem_shared>> -> memref<128x64xf32, #tpu.memory_space<vmem_shared>>
      %dma_wait3A_406 = arith.constant 0 : i32
      %dma_wait3A_407 = tpu.memref_slice %arg15[%add3A_262, %dma_wait3A_406] : memref<10240x64xf32, #tpu.memory_space<vmem_shared>> -> memref<128x64xf32, #tpu.memory_space<vmem_shared>>
      tpu.wait_dma2 semaphore(%run_scoped3A : memref<!tpu.dma_semaphore, #tpu.memory_space<semaphore_mem>>) src(%arg9 : memref<128x64xf32, #tpu.memory_space<vmem>>) dst(%dma_wait3A_407 : memref<128x64xf32, #tpu.memory_space<vmem_shared>>)
      tpu.yield
    }) : () -> ()
    %mul3A_263 = arith.constant 640 : i32
    %mul3A_264 = arith.muli %arg1, %mul3A_263 : i32
    %add3A_265 = arith.constant 256 : i32
    %add3A_266 = arith.addi %mul3A_264, %add3A_265 : i32
    "tpu.region"() ({
      %run_scoped3A = tpu.sem_alloc : memref<!tpu.dma_semaphore, #tpu.memory_space<semaphore_mem>>
      %dma_start3A_400 = arith.constant 0 : i32
      %dma_start3A_401 = tpu.memref_slice %arg15[%add3A_266, %dma_start3A_400] : memref<10240x64xf32, #tpu.memory_space<vmem_shared>> -> memref<128x64xf32, #tpu.memory_space<vmem_shared>>
      %dma_start3A_402 = arith.constant 0 : i32
      %dma_start3A_403 = tpu.memref_slice %arg15[%add3A_266, %dma_start3A_402] : memref<10240x64xf32, #tpu.memory_space<vmem_shared>> -> memref<128x64xf32, #tpu.memory_space<vmem_shared>>
      tpu.enqueue_dma source(%arg9 : memref<128x64xf32, #tpu.memory_space<vmem>>) target(%dma_start3A_403 : memref<128x64xf32, #tpu.memory_space<vmem_shared>>) target_semaphore(%run_scoped3A : memref<!tpu.dma_semaphore, #tpu.memory_space<semaphore_mem>>)
      %dma_wait3A_404 = arith.constant 0 : i32
      %dma_wait3A_405 = tpu.memref_slice %arg15[%add3A_266, %dma_wait3A_404] : memref<10240x64xf32, #tpu.memory_space<vmem_shared>> -> memref<128x64xf32, #tpu.memory_space<vmem_shared>>
      %dma_wait3A_406 = arith.constant 0 : i32
      %dma_wait3A_407 = tpu.memref_slice %arg15[%add3A_266, %dma_wait3A_406] : memref<10240x64xf32, #tpu.memory_space<vmem_shared>> -> memref<128x64xf32, #tpu.memory_space<vmem_shared>>
      tpu.wait_dma2 semaphore(%run_scoped3A : memref<!tpu.dma_semaphore, #tpu.memory_space<semaphore_mem>>) src(%arg9 : memref<128x64xf32, #tpu.memory_space<vmem>>) dst(%dma_wait3A_407 : memref<128x64xf32, #tpu.memory_space<vmem_shared>>)
      tpu.yield
    }) : () -> ()
    %mul3A_267 = arith.constant 640 : i32
    %mul3A_268 = arith.muli %arg1, %mul3A_267 : i32
    %add3A_269 = arith.constant 384 : i32
    %add3A_270 = arith.addi %mul3A_268, %add3A_269 : i32
    "tpu.region"() ({
      %run_scoped3A = tpu.sem_alloc : memref<!tpu.dma_semaphore, #tpu.memory_space<semaphore_mem>>
      %dma_start3A_400 = arith.constant 0 : i32
      %dma_start3A_401 = tpu.memref_slice %arg15[%add3A_270, %dma_start3A_400] : memref<10240x64xf32, #tpu.memory_space<vmem_shared>> -> memref<128x64xf32, #tpu.memory_space<vmem_shared>>
      %dma_start3A_402 = arith.constant 0 : i32
      %dma_start3A_403 = tpu.memref_slice %arg15[%add3A_270, %dma_start3A_402] : memref<10240x64xf32, #tpu.memory_space<vmem_shared>> -> memref<128x64xf32, #tpu.memory_space<vmem_shared>>
      tpu.enqueue_dma source(%arg9 : memref<128x64xf32, #tpu.memory_space<vmem>>) target(%dma_start3A_403 : memref<128x64xf32, #tpu.memory_space<vmem_shared>>) target_semaphore(%run_scoped3A : memref<!tpu.dma_semaphore, #tpu.memory_space<semaphore_mem>>)
      %dma_wait3A_404 = arith.constant 0 : i32
      %dma_wait3A_405 = tpu.memref_slice %arg15[%add3A_270, %dma_wait3A_404] : memref<10240x64xf32, #tpu.memory_space<vmem_shared>> -> memref<128x64xf32, #tpu.memory_space<vmem_shared>>
      %dma_wait3A_406 = arith.constant 0 : i32
      %dma_wait3A_407 = tpu.memref_slice %arg15[%add3A_270, %dma_wait3A_406] : memref<10240x64xf32, #tpu.memory_space<vmem_shared>> -> memref<128x64xf32, #tpu.memory_space<vmem_shared>>
      tpu.wait_dma2 semaphore(%run_scoped3A : memref<!tpu.dma_semaphore, #tpu.memory_space<semaphore_mem>>) src(%arg9 : memref<128x64xf32, #tpu.memory_space<vmem>>) dst(%dma_wait3A_407 : memref<128x64xf32, #tpu.memory_space<vmem_shared>>)
      tpu.yield
    }) : () -> ()
    %mul3A_271 = arith.constant 640 : i32
    %mul3A_272 = arith.muli %arg1, %mul3A_271 : i32
    %add3A_273 = arith.constant 512 : i32
    %add3A_274 = arith.addi %mul3A_272, %add3A_273 : i32
    "tpu.region"() ({
      %run_scoped3A = tpu.sem_alloc : memref<!tpu.dma_semaphore, #tpu.memory_space<semaphore_mem>>
      %dma_start3A_400 = arith.constant 0 : i32
      %dma_start3A_401 = tpu.memref_slice %arg15[%add3A_274, %dma_start3A_400] : memref<10240x64xf32, #tpu.memory_space<vmem_shared>> -> memref<128x64xf32, #tpu.memory_space<vmem_shared>>
      %dma_start3A_402 = arith.constant 0 : i32
      %dma_start3A_403 = tpu.memref_slice %arg15[%add3A_274, %dma_start3A_402] : memref<10240x64xf32, #tpu.memory_space<vmem_shared>> -> memref<128x64xf32, #tpu.memory_space<vmem_shared>>
      tpu.enqueue_dma source(%arg9 : memref<128x64xf32, #tpu.memory_space<vmem>>) target(%dma_start3A_403 : memref<128x64xf32, #tpu.memory_space<vmem_shared>>) target_semaphore(%run_scoped3A : memref<!tpu.dma_semaphore, #tpu.memory_space<semaphore_mem>>)
      %dma_wait3A_404 = arith.constant 0 : i32
      %dma_wait3A_405 = tpu.memref_slice %arg15[%add3A_274, %dma_wait3A_404] : memref<10240x64xf32, #tpu.memory_space<vmem_shared>> -> memref<128x64xf32, #tpu.memory_space<vmem_shared>>
      %dma_wait3A_406 = arith.constant 0 : i32
      %dma_wait3A_407 = tpu.memref_slice %arg15[%add3A_274, %dma_wait3A_406] : memref<10240x64xf32, #tpu.memory_space<vmem_shared>> -> memref<128x64xf32, #tpu.memory_space<vmem_shared>>
      tpu.wait_dma2 semaphore(%run_scoped3A : memref<!tpu.dma_semaphore, #tpu.memory_space<semaphore_mem>>) src(%arg9 : memref<128x64xf32, #tpu.memory_space<vmem>>) dst(%dma_wait3A_407 : memref<128x64xf32, #tpu.memory_space<vmem_shared>>)
      tpu.yield
    }) : () -> ()
    %barrier3A_275 = arith.constant 0 : index
    tpu.barrier barrier_id(%barrier3A_275)
    %dma_start3A_276 = arith.constant 0 : i32
    %dma_start3A_277 = arith.constant 0 : i32
    %dma_start3A_278 = tpu.memref_slice %arg7[%dma_start3A_276, %dma_start3A_277] : memref<80x128xi32, #tpu.memory_space<vmem>> -> memref<1x128xi32, #tpu.memory_space<vmem>>
    %dma_start3A_279 = tpu.memref_squeeze %dma_start3A_278 : memref<1x128xi32, #tpu.memory_space<vmem>> -> memref<128xi32, #tpu.memory_space<vmem>>
    %dma_start3A_280 = arith.constant 0 : i32
    %dma_start3A_281 = arith.constant 0 : i32
    %dma_start3A_282 = tpu.memref_slice %arg2[%dma_start3A_280, %dma_start3A_281] : memref<20000x64xf32, #tpu.memory_space<hbm>> -> memref<20000x64xf32, #tpu.memory_space<hbm>>
    tpu.enqueue_indirect_dma source(%dma_start3A_282 : memref<20000x64xf32, #tpu.memory_space<hbm>>) target(%arg9 : memref<128x64xf32, #tpu.memory_space<vmem>>) offsets(%dma_start3A_279 : memref<128xi32, #tpu.memory_space<vmem>>) semaphore(%arg17 : memref<!tpu.dma_semaphore, #tpu.memory_space<semaphore_mem>>)
    %dma_start3A_283 = arith.constant 1 : i32
    %dma_start3A_284 = arith.constant 0 : i32
    %dma_start3A_285 = tpu.memref_slice %arg7[%dma_start3A_283, %dma_start3A_284] : memref<80x128xi32, #tpu.memory_space<vmem>> -> memref<1x128xi32, #tpu.memory_space<vmem>>
    %dma_start3A_286 = tpu.memref_squeeze %dma_start3A_285 : memref<1x128xi32, #tpu.memory_space<vmem>> -> memref<128xi32, #tpu.memory_space<vmem>>
    %dma_start3A_287 = arith.constant 0 : i32
    %dma_start3A_288 = arith.constant 0 : i32
    %dma_start3A_289 = tpu.memref_slice %arg2[%dma_start3A_287, %dma_start3A_288] : memref<20000x64xf32, #tpu.memory_space<hbm>> -> memref<20000x64xf32, #tpu.memory_space<hbm>>
    tpu.enqueue_indirect_dma source(%dma_start3A_289 : memref<20000x64xf32, #tpu.memory_space<hbm>>) target(%arg10 : memref<128x64xf32, #tpu.memory_space<vmem>>) offsets(%dma_start3A_286 : memref<128xi32, #tpu.memory_space<vmem>>) semaphore(%arg18 : memref<!tpu.dma_semaphore, #tpu.memory_space<semaphore_mem>>)
    %dma_start3A_290 = arith.constant 2 : i32
    %dma_start3A_291 = arith.constant 0 : i32
    %dma_start3A_292 = tpu.memref_slice %arg7[%dma_start3A_290, %dma_start3A_291] : memref<80x128xi32, #tpu.memory_space<vmem>> -> memref<1x128xi32, #tpu.memory_space<vmem>>
    %dma_start3A_293 = tpu.memref_squeeze %dma_start3A_292 : memref<1x128xi32, #tpu.memory_space<vmem>> -> memref<128xi32, #tpu.memory_space<vmem>>
    %dma_start3A_294 = arith.constant 0 : i32
    %dma_start3A_295 = arith.constant 0 : i32
    %dma_start3A_296 = tpu.memref_slice %arg2[%dma_start3A_294, %dma_start3A_295] : memref<20000x64xf32, #tpu.memory_space<hbm>> -> memref<20000x64xf32, #tpu.memory_space<hbm>>
    tpu.enqueue_indirect_dma source(%dma_start3A_296 : memref<20000x64xf32, #tpu.memory_space<hbm>>) target(%arg11 : memref<128x64xf32, #tpu.memory_space<vmem>>) offsets(%dma_start3A_293 : memref<128xi32, #tpu.memory_space<vmem>>) semaphore(%arg19 : memref<!tpu.dma_semaphore, #tpu.memory_space<semaphore_mem>>)
    %dma_start3A_297 = arith.constant 3 : i32
    %dma_start3A_298 = arith.constant 0 : i32
    %dma_start3A_299 = tpu.memref_slice %arg7[%dma_start3A_297, %dma_start3A_298] : memref<80x128xi32, #tpu.memory_space<vmem>> -> memref<1x128xi32, #tpu.memory_space<vmem>>
    %dma_start3A_300 = tpu.memref_squeeze %dma_start3A_299 : memref<1x128xi32, #tpu.memory_space<vmem>> -> memref<128xi32, #tpu.memory_space<vmem>>
    %dma_start3A_301 = arith.constant 0 : i32
    %dma_start3A_302 = arith.constant 0 : i32
    %dma_start3A_303 = tpu.memref_slice %arg2[%dma_start3A_301, %dma_start3A_302] : memref<20000x64xf32, #tpu.memory_space<hbm>> -> memref<20000x64xf32, #tpu.memory_space<hbm>>
    tpu.enqueue_indirect_dma source(%dma_start3A_303 : memref<20000x64xf32, #tpu.memory_space<hbm>>) target(%arg12 : memref<128x64xf32, #tpu.memory_space<vmem>>) offsets(%dma_start3A_300 : memref<128xi32, #tpu.memory_space<vmem>>) semaphore(%arg20 : memref<!tpu.dma_semaphore, #tpu.memory_space<semaphore_mem>>)
    %scan3A_304 = arith.constant 0 : i32
    %scan3A_305 = arith.constant 0 : i32
    %scan3A_306 = arith.constant 19 : i32
    %scan3A_307 = arith.addi %scan3A_305, %scan3A_306 : i32
    %scan3A_308 = arith.constant 1 : i32
    %scan3A_309 = scf.for %scan3A_400 = %scan3A_305 to %scan3A_307 step %scan3A_308 iter_args(%scan3A_401 = %scan3A_304) -> (i32)  : i32 {
      %mul3A_402 = arith.constant 4 : i32
      %mul3A_403 = arith.muli %scan3A_400, %mul3A_402 : i32
      %add3A_404 = arith.constant 0 : i32
      %add3A_405 = arith.addi %mul3A_403, %add3A_404 : i32
      %dma_wait3A_406 = arith.constant 0 : i32
      %dma_wait3A_407 = tpu.memref_slice %arg7[%add3A_405, %dma_wait3A_406] : memref<80x128xi32, #tpu.memory_space<vmem>> -> memref<1x128xi32, #tpu.memory_space<vmem>>
      %dma_wait3A_408 = tpu.memref_squeeze %dma_wait3A_407 : memref<1x128xi32, #tpu.memory_space<vmem>> -> memref<128xi32, #tpu.memory_space<vmem>>
      %dma_wait3A_409 = arith.constant 0 : i32
      %dma_wait3A_410 = arith.constant 0 : i32
      %dma_wait3A_411 = tpu.memref_slice %arg2[%dma_wait3A_409, %dma_wait3A_410] : memref<20000x64xf32, #tpu.memory_space<hbm>> -> memref<20000x64xf32, #tpu.memory_space<hbm>>
      tpu.wait_indirect_dma semaphore(%arg17 : memref<!tpu.dma_semaphore, #tpu.memory_space<semaphore_mem>>) src(%dma_wait3A_411 : memref<20000x64xf32, #tpu.memory_space<hbm>>) dst(%arg9 : memref<128x64xf32, #tpu.memory_space<vmem>>)
      %dma_start3A_412 = arith.constant 0 : i32
      %dma_start3A_413 = tpu.memref_slice %arg8[%add3A_405, %dma_start3A_412] : memref<80x128xi32, #tpu.memory_space<vmem>> -> memref<1x128xi32, #tpu.memory_space<vmem>>
      %dma_start3A_414 = tpu.memref_squeeze %dma_start3A_413 : memref<1x128xi32, #tpu.memory_space<vmem>> -> memref<128xi32, #tpu.memory_space<vmem>>
      %dma_start3A_415 = arith.constant 0 : i32
      %dma_start3A_416 = arith.constant 0 : i32
      %dma_start3A_417 = tpu.memref_slice %arg15[%dma_start3A_415, %dma_start3A_416] : memref<10240x64xf32, #tpu.memory_space<vmem_shared>> -> memref<10240x64xf32, #tpu.memory_space<vmem_shared>>
      tpu.enqueue_indirect_dma source(%arg9 : memref<128x64xf32, #tpu.memory_space<vmem>>) target(%dma_start3A_417 : memref<10240x64xf32, #tpu.memory_space<vmem_shared>>) offsets(%dma_start3A_414 : memref<128xi32, #tpu.memory_space<vmem>>) semaphore(%arg21 : memref<!tpu.dma_semaphore, #tpu.memory_space<semaphore_mem>>) {add = true}
      %mul3A_418 = arith.constant 4 : i32
      %mul3A_419 = arith.muli %scan3A_400, %mul3A_418 : i32
      %add3A_420 = arith.constant 1 : i32
      %add3A_421 = arith.addi %mul3A_419, %add3A_420 : i32
      %dma_wait3A_422 = arith.constant 0 : i32
      %dma_wait3A_423 = tpu.memref_slice %arg7[%add3A_421, %dma_wait3A_422] : memref<80x128xi32, #tpu.memory_space<vmem>> -> memref<1x128xi32, #tpu.memory_space<vmem>>
      %dma_wait3A_424 = tpu.memref_squeeze %dma_wait3A_423 : memref<1x128xi32, #tpu.memory_space<vmem>> -> memref<128xi32, #tpu.memory_space<vmem>>
      %dma_wait3A_425 = arith.constant 0 : i32
      %dma_wait3A_426 = arith.constant 0 : i32
      %dma_wait3A_427 = tpu.memref_slice %arg2[%dma_wait3A_425, %dma_wait3A_426] : memref<20000x64xf32, #tpu.memory_space<hbm>> -> memref<20000x64xf32, #tpu.memory_space<hbm>>
      tpu.wait_indirect_dma semaphore(%arg18 : memref<!tpu.dma_semaphore, #tpu.memory_space<semaphore_mem>>) src(%dma_wait3A_427 : memref<20000x64xf32, #tpu.memory_space<hbm>>) dst(%arg10 : memref<128x64xf32, #tpu.memory_space<vmem>>)
      %dma_start3A_428 = arith.constant 0 : i32
      %dma_start3A_429 = tpu.memref_slice %arg8[%add3A_421, %dma_start3A_428] : memref<80x128xi32, #tpu.memory_space<vmem>> -> memref<1x128xi32, #tpu.memory_space<vmem>>
      %dma_start3A_430 = tpu.memref_squeeze %dma_start3A_429 : memref<1x128xi32, #tpu.memory_space<vmem>> -> memref<128xi32, #tpu.memory_space<vmem>>
      %dma_start3A_431 = arith.constant 0 : i32
      %dma_start3A_432 = arith.constant 0 : i32
      %dma_start3A_433 = tpu.memref_slice %arg15[%dma_start3A_431, %dma_start3A_432] : memref<10240x64xf32, #tpu.memory_space<vmem_shared>> -> memref<10240x64xf32, #tpu.memory_space<vmem_shared>>
      tpu.enqueue_indirect_dma source(%arg10 : memref<128x64xf32, #tpu.memory_space<vmem>>) target(%dma_start3A_433 : memref<10240x64xf32, #tpu.memory_space<vmem_shared>>) offsets(%dma_start3A_430 : memref<128xi32, #tpu.memory_space<vmem>>) semaphore(%arg22 : memref<!tpu.dma_semaphore, #tpu.memory_space<semaphore_mem>>) {add = true}
      %mul3A_434 = arith.constant 4 : i32
      %mul3A_435 = arith.muli %scan3A_400, %mul3A_434 : i32
      %add3A_436 = arith.constant 2 : i32
      %add3A_437 = arith.addi %mul3A_435, %add3A_436 : i32
      %dma_wait3A_438 = arith.constant 0 : i32
      %dma_wait3A_439 = tpu.memref_slice %arg7[%add3A_437, %dma_wait3A_438] : memref<80x128xi32, #tpu.memory_space<vmem>> -> memref<1x128xi32, #tpu.memory_space<vmem>>
      %dma_wait3A_440 = tpu.memref_squeeze %dma_wait3A_439 : memref<1x128xi32, #tpu.memory_space<vmem>> -> memref<128xi32, #tpu.memory_space<vmem>>
      %dma_wait3A_441 = arith.constant 0 : i32
      %dma_wait3A_442 = arith.constant 0 : i32
      %dma_wait3A_443 = tpu.memref_slice %arg2[%dma_wait3A_441, %dma_wait3A_442] : memref<20000x64xf32, #tpu.memory_space<hbm>> -> memref<20000x64xf32, #tpu.memory_space<hbm>>
      tpu.wait_indirect_dma semaphore(%arg19 : memref<!tpu.dma_semaphore, #tpu.memory_space<semaphore_mem>>) src(%dma_wait3A_443 : memref<20000x64xf32, #tpu.memory_space<hbm>>) dst(%arg11 : memref<128x64xf32, #tpu.memory_space<vmem>>)
      %dma_start3A_444 = arith.constant 0 : i32
      %dma_start3A_445 = tpu.memref_slice %arg8[%add3A_437, %dma_start3A_444] : memref<80x128xi32, #tpu.memory_space<vmem>> -> memref<1x128xi32, #tpu.memory_space<vmem>>
      %dma_start3A_446 = tpu.memref_squeeze %dma_start3A_445 : memref<1x128xi32, #tpu.memory_space<vmem>> -> memref<128xi32, #tpu.memory_space<vmem>>
      %dma_start3A_447 = arith.constant 0 : i32
      %dma_start3A_448 = arith.constant 0 : i32
      %dma_start3A_449 = tpu.memref_slice %arg15[%dma_start3A_447, %dma_start3A_448] : memref<10240x64xf32, #tpu.memory_space<vmem_shared>> -> memref<10240x64xf32, #tpu.memory_space<vmem_shared>>
      tpu.enqueue_indirect_dma source(%arg11 : memref<128x64xf32, #tpu.memory_space<vmem>>) target(%dma_start3A_449 : memref<10240x64xf32, #tpu.memory_space<vmem_shared>>) offsets(%dma_start3A_446 : memref<128xi32, #tpu.memory_space<vmem>>) semaphore(%arg23 : memref<!tpu.dma_semaphore, #tpu.memory_space<semaphore_mem>>) {add = true}
      %mul3A_450 = arith.constant 4 : i32
      %mul3A_451 = arith.muli %scan3A_400, %mul3A_450 : i32
      %add3A_452 = arith.constant 3 : i32
      %add3A_453 = arith.addi %mul3A_451, %add3A_452 : i32
      %dma_wait3A_454 = arith.constant 0 : i32
      %dma_wait3A_455 = tpu.memref_slice %arg7[%add3A_453, %dma_wait3A_454] : memref<80x128xi32, #tpu.memory_space<vmem>> -> memref<1x128xi32, #tpu.memory_space<vmem>>
      %dma_wait3A_456 = tpu.memref_squeeze %dma_wait3A_455 : memref<1x128xi32, #tpu.memory_space<vmem>> -> memref<128xi32, #tpu.memory_space<vmem>>
      %dma_wait3A_457 = arith.constant 0 : i32
      %dma_wait3A_458 = arith.constant 0 : i32
      %dma_wait3A_459 = tpu.memref_slice %arg2[%dma_wait3A_457, %dma_wait3A_458] : memref<20000x64xf32, #tpu.memory_space<hbm>> -> memref<20000x64xf32, #tpu.memory_space<hbm>>
      tpu.wait_indirect_dma semaphore(%arg20 : memref<!tpu.dma_semaphore, #tpu.memory_space<semaphore_mem>>) src(%dma_wait3A_459 : memref<20000x64xf32, #tpu.memory_space<hbm>>) dst(%arg12 : memref<128x64xf32, #tpu.memory_space<vmem>>)
      %dma_start3A_460 = arith.constant 0 : i32
      %dma_start3A_461 = tpu.memref_slice %arg8[%add3A_453, %dma_start3A_460] : memref<80x128xi32, #tpu.memory_space<vmem>> -> memref<1x128xi32, #tpu.memory_space<vmem>>
      %dma_start3A_462 = tpu.memref_squeeze %dma_start3A_461 : memref<1x128xi32, #tpu.memory_space<vmem>> -> memref<128xi32, #tpu.memory_space<vmem>>
      %dma_start3A_463 = arith.constant 0 : i32
      %dma_start3A_464 = arith.constant 0 : i32
      %dma_start3A_465 = tpu.memref_slice %arg15[%dma_start3A_463, %dma_start3A_464] : memref<10240x64xf32, #tpu.memory_space<vmem_shared>> -> memref<10240x64xf32, #tpu.memory_space<vmem_shared>>
      tpu.enqueue_indirect_dma source(%arg12 : memref<128x64xf32, #tpu.memory_space<vmem>>) target(%dma_start3A_465 : memref<10240x64xf32, #tpu.memory_space<vmem_shared>>) offsets(%dma_start3A_462 : memref<128xi32, #tpu.memory_space<vmem>>) semaphore(%arg24 : memref<!tpu.dma_semaphore, #tpu.memory_space<semaphore_mem>>) {add = true}
      %mul3A_466 = arith.constant 4 : i32
      %mul3A_467 = arith.muli %scan3A_400, %mul3A_466 : i32
      %add3A_468 = arith.constant 0 : i32
      %add3A_469 = arith.addi %mul3A_467, %add3A_468 : i32
      %dma_wait3A_470 = arith.constant 0 : i32
      %dma_wait3A_471 = tpu.memref_slice %arg8[%add3A_469, %dma_wait3A_470] : memref<80x128xi32, #tpu.memory_space<vmem>> -> memref<1x128xi32, #tpu.memory_space<vmem>>
      %dma_wait3A_472 = tpu.memref_squeeze %dma_wait3A_471 : memref<1x128xi32, #tpu.memory_space<vmem>> -> memref<128xi32, #tpu.memory_space<vmem>>
      %dma_wait3A_473 = arith.constant 0 : i32
      %dma_wait3A_474 = arith.constant 0 : i32
      %dma_wait3A_475 = tpu.memref_slice %arg15[%dma_wait3A_473, %dma_wait3A_474] : memref<10240x64xf32, #tpu.memory_space<vmem_shared>> -> memref<10240x64xf32, #tpu.memory_space<vmem_shared>>
      tpu.wait_indirect_dma semaphore(%arg21 : memref<!tpu.dma_semaphore, #tpu.memory_space<semaphore_mem>>) src(%arg9 : memref<128x64xf32, #tpu.memory_space<vmem>>) dst(%dma_wait3A_475 : memref<10240x64xf32, #tpu.memory_space<vmem_shared>>)
      %add3A_476 = arith.constant 4 : i32
      %add3A_477 = arith.addi %add3A_469, %add3A_476 : i32
      %dma_start3A_478 = arith.constant 0 : i32
      %dma_start3A_479 = tpu.memref_slice %arg7[%add3A_477, %dma_start3A_478] : memref<80x128xi32, #tpu.memory_space<vmem>> -> memref<1x128xi32, #tpu.memory_space<vmem>>
      %dma_start3A_480 = tpu.memref_squeeze %dma_start3A_479 : memref<1x128xi32, #tpu.memory_space<vmem>> -> memref<128xi32, #tpu.memory_space<vmem>>
      %dma_start3A_481 = arith.constant 0 : i32
      %dma_start3A_482 = arith.constant 0 : i32
      %dma_start3A_483 = tpu.memref_slice %arg2[%dma_start3A_481, %dma_start3A_482] : memref<20000x64xf32, #tpu.memory_space<hbm>> -> memref<20000x64xf32, #tpu.memory_space<hbm>>
      tpu.enqueue_indirect_dma source(%dma_start3A_483 : memref<20000x64xf32, #tpu.memory_space<hbm>>) target(%arg9 : memref<128x64xf32, #tpu.memory_space<vmem>>) offsets(%dma_start3A_480 : memref<128xi32, #tpu.memory_space<vmem>>) semaphore(%arg17 : memref<!tpu.dma_semaphore, #tpu.memory_space<semaphore_mem>>)
      %mul3A_484 = arith.constant 4 : i32
      %mul3A_485 = arith.muli %scan3A_400, %mul3A_484 : i32
      %add3A_486 = arith.constant 1 : i32
      %add3A_487 = arith.addi %mul3A_485, %add3A_486 : i32
      %dma_wait3A_488 = arith.constant 0 : i32
      %dma_wait3A_489 = tpu.memref_slice %arg8[%add3A_487, %dma_wait3A_488] : memref<80x128xi32, #tpu.memory_space<vmem>> -> memref<1x128xi32, #tpu.memory_space<vmem>>
      %dma_wait3A_490 = tpu.memref_squeeze %dma_wait3A_489 : memref<1x128xi32, #tpu.memory_space<vmem>> -> memref<128xi32, #tpu.memory_space<vmem>>
      %dma_wait3A_491 = arith.constant 0 : i32
      %dma_wait3A_492 = arith.constant 0 : i32
      %dma_wait3A_493 = tpu.memref_slice %arg15[%dma_wait3A_491, %dma_wait3A_492] : memref<10240x64xf32, #tpu.memory_space<vmem_shared>> -> memref<10240x64xf32, #tpu.memory_space<vmem_shared>>
      tpu.wait_indirect_dma semaphore(%arg22 : memref<!tpu.dma_semaphore, #tpu.memory_space<semaphore_mem>>) src(%arg10 : memref<128x64xf32, #tpu.memory_space<vmem>>) dst(%dma_wait3A_493 : memref<10240x64xf32, #tpu.memory_space<vmem_shared>>)
      %add3A_494 = arith.constant 4 : i32
      %add3A_495 = arith.addi %add3A_487, %add3A_494 : i32
      %dma_start3A_496 = arith.constant 0 : i32
      %dma_start3A_497 = tpu.memref_slice %arg7[%add3A_495, %dma_start3A_496] : memref<80x128xi32, #tpu.memory_space<vmem>> -> memref<1x128xi32, #tpu.memory_space<vmem>>
      %dma_start3A_498 = tpu.memref_squeeze %dma_start3A_497 : memref<1x128xi32, #tpu.memory_space<vmem>> -> memref<128xi32, #tpu.memory_space<vmem>>
      %dma_start3A_499 = arith.constant 0 : i32
      %dma_start3A_500 = arith.constant 0 : i32
      %dma_start3A_501 = tpu.memref_slice %arg2[%dma_start3A_499, %dma_start3A_500] : memref<20000x64xf32, #tpu.memory_space<hbm>> -> memref<20000x64xf32, #tpu.memory_space<hbm>>
      tpu.enqueue_indirect_dma source(%dma_start3A_501 : memref<20000x64xf32, #tpu.memory_space<hbm>>) target(%arg10 : memref<128x64xf32, #tpu.memory_space<vmem>>) offsets(%dma_start3A_498 : memref<128xi32, #tpu.memory_space<vmem>>) semaphore(%arg18 : memref<!tpu.dma_semaphore, #tpu.memory_space<semaphore_mem>>)
      %mul3A_502 = arith.constant 4 : i32
      %mul3A_503 = arith.muli %scan3A_400, %mul3A_502 : i32
      %add3A_504 = arith.constant 2 : i32
      %add3A_505 = arith.addi %mul3A_503, %add3A_504 : i32
      %dma_wait3A_506 = arith.constant 0 : i32
      %dma_wait3A_507 = tpu.memref_slice %arg8[%add3A_505, %dma_wait3A_506] : memref<80x128xi32, #tpu.memory_space<vmem>> -> memref<1x128xi32, #tpu.memory_space<vmem>>
      %dma_wait3A_508 = tpu.memref_squeeze %dma_wait3A_507 : memref<1x128xi32, #tpu.memory_space<vmem>> -> memref<128xi32, #tpu.memory_space<vmem>>
      %dma_wait3A_509 = arith.constant 0 : i32
      %dma_wait3A_510 = arith.constant 0 : i32
      %dma_wait3A_511 = tpu.memref_slice %arg15[%dma_wait3A_509, %dma_wait3A_510] : memref<10240x64xf32, #tpu.memory_space<vmem_shared>> -> memref<10240x64xf32, #tpu.memory_space<vmem_shared>>
      tpu.wait_indirect_dma semaphore(%arg23 : memref<!tpu.dma_semaphore, #tpu.memory_space<semaphore_mem>>) src(%arg11 : memref<128x64xf32, #tpu.memory_space<vmem>>) dst(%dma_wait3A_511 : memref<10240x64xf32, #tpu.memory_space<vmem_shared>>)
      %add3A_512 = arith.constant 4 : i32
      %add3A_513 = arith.addi %add3A_505, %add3A_512 : i32
      %dma_start3A_514 = arith.constant 0 : i32
      %dma_start3A_515 = tpu.memref_slice %arg7[%add3A_513, %dma_start3A_514] : memref<80x128xi32, #tpu.memory_space<vmem>> -> memref<1x128xi32, #tpu.memory_space<vmem>>
      %dma_start3A_516 = tpu.memref_squeeze %dma_start3A_515 : memref<1x128xi32, #tpu.memory_space<vmem>> -> memref<128xi32, #tpu.memory_space<vmem>>
      %dma_start3A_517 = arith.constant 0 : i32
      %dma_start3A_518 = arith.constant 0 : i32
      %dma_start3A_519 = tpu.memref_slice %arg2[%dma_start3A_517, %dma_start3A_518] : memref<20000x64xf32, #tpu.memory_space<hbm>> -> memref<20000x64xf32, #tpu.memory_space<hbm>>
      tpu.enqueue_indirect_dma source(%dma_start3A_519 : memref<20000x64xf32, #tpu.memory_space<hbm>>) target(%arg11 : memref<128x64xf32, #tpu.memory_space<vmem>>) offsets(%dma_start3A_516 : memref<128xi32, #tpu.memory_space<vmem>>) semaphore(%arg19 : memref<!tpu.dma_semaphore, #tpu.memory_space<semaphore_mem>>)
      %mul3A_520 = arith.constant 4 : i32
      %mul3A_521 = arith.muli %scan3A_400, %mul3A_520 : i32
      %add3A_522 = arith.constant 3 : i32
      %add3A_523 = arith.addi %mul3A_521, %add3A_522 : i32
      %dma_wait3A_524 = arith.constant 0 : i32
      %dma_wait3A_525 = tpu.memref_slice %arg8[%add3A_523, %dma_wait3A_524] : memref<80x128xi32, #tpu.memory_space<vmem>> -> memref<1x128xi32, #tpu.memory_space<vmem>>
      %dma_wait3A_526 = tpu.memref_squeeze %dma_wait3A_525 : memref<1x128xi32, #tpu.memory_space<vmem>> -> memref<128xi32, #tpu.memory_space<vmem>>
      %dma_wait3A_527 = arith.constant 0 : i32
      %dma_wait3A_528 = arith.constant 0 : i32
      %dma_wait3A_529 = tpu.memref_slice %arg15[%dma_wait3A_527, %dma_wait3A_528] : memref<10240x64xf32, #tpu.memory_space<vmem_shared>> -> memref<10240x64xf32, #tpu.memory_space<vmem_shared>>
      tpu.wait_indirect_dma semaphore(%arg24 : memref<!tpu.dma_semaphore, #tpu.memory_space<semaphore_mem>>) src(%arg12 : memref<128x64xf32, #tpu.memory_space<vmem>>) dst(%dma_wait3A_529 : memref<10240x64xf32, #tpu.memory_space<vmem_shared>>)
      %add3A_530 = arith.constant 4 : i32
      %add3A_531 = arith.addi %add3A_523, %add3A_530 : i32
      %dma_start3A_532 = arith.constant 0 : i32
      %dma_start3A_533 = tpu.memref_slice %arg7[%add3A_531, %dma_start3A_532] : memref<80x128xi32, #tpu.memory_space<vmem>> -> memref<1x128xi32, #tpu.memory_space<vmem>>
      %dma_start3A_534 = tpu.memref_squeeze %dma_start3A_533 : memref<1x128xi32, #tpu.memory_space<vmem>> -> memref<128xi32, #tpu.memory_space<vmem>>
      %dma_start3A_535 = arith.constant 0 : i32
      %dma_start3A_536 = arith.constant 0 : i32
      %dma_start3A_537 = tpu.memref_slice %arg2[%dma_start3A_535, %dma_start3A_536] : memref<20000x64xf32, #tpu.memory_space<hbm>> -> memref<20000x64xf32, #tpu.memory_space<hbm>>
      tpu.enqueue_indirect_dma source(%dma_start3A_537 : memref<20000x64xf32, #tpu.memory_space<hbm>>) target(%arg12 : memref<128x64xf32, #tpu.memory_space<vmem>>) offsets(%dma_start3A_534 : memref<128xi32, #tpu.memory_space<vmem>>) semaphore(%arg20 : memref<!tpu.dma_semaphore, #tpu.memory_space<semaphore_mem>>)
      %scan3A_538 = arith.constant 0 : i32
      scf.yield %scan3A_538 : i32
    }
    %scan3A_310 = arith.constant 19 : i32
    %dma_wait3A_311 = arith.constant 76 : i32
    %dma_wait3A_312 = arith.constant 0 : i32
    %dma_wait3A_313 = tpu.memref_slice %arg7[%dma_wait3A_311, %dma_wait3A_312] : memref<80x128xi32, #tpu.memory_space<vmem>> -> memref<1x128xi32, #tpu.memory_space<vmem>>
    %dma_wait3A_314 = tpu.memref_squeeze %dma_wait3A_313 : memref<1x128xi32, #tpu.memory_space<vmem>> -> memref<128xi32, #tpu.memory_space<vmem>>
    %dma_wait3A_315 = arith.constant 0 : i32
    %dma_wait3A_316 = arith.constant 0 : i32
    %dma_wait3A_317 = tpu.memref_slice %arg2[%dma_wait3A_315, %dma_wait3A_316] : memref<20000x64xf32, #tpu.memory_space<hbm>> -> memref<20000x64xf32, #tpu.memory_space<hbm>>
    tpu.wait_indirect_dma semaphore(%arg17 : memref<!tpu.dma_semaphore, #tpu.memory_space<semaphore_mem>>) src(%dma_wait3A_317 : memref<20000x64xf32, #tpu.memory_space<hbm>>) dst(%arg9 : memref<128x64xf32, #tpu.memory_space<vmem>>)
    %dma_start3A_318 = arith.constant 76 : i32
    %dma_start3A_319 = arith.constant 0 : i32
    %dma_start3A_320 = tpu.memref_slice %arg8[%dma_start3A_318, %dma_start3A_319] : memref<80x128xi32, #tpu.memory_space<vmem>> -> memref<1x128xi32, #tpu.memory_space<vmem>>
    %dma_start3A_321 = tpu.memref_squeeze %dma_start3A_320 : memref<1x128xi32, #tpu.memory_space<vmem>> -> memref<128xi32, #tpu.memory_space<vmem>>
    %dma_start3A_322 = arith.constant 0 : i32
    %dma_start3A_323 = arith.constant 0 : i32
    %dma_start3A_324 = tpu.memref_slice %arg15[%dma_start3A_322, %dma_start3A_323] : memref<10240x64xf32, #tpu.memory_space<vmem_shared>> -> memref<10240x64xf32, #tpu.memory_space<vmem_shared>>
    tpu.enqueue_indirect_dma source(%arg9 : memref<128x64xf32, #tpu.memory_space<vmem>>) target(%dma_start3A_324 : memref<10240x64xf32, #tpu.memory_space<vmem_shared>>) offsets(%dma_start3A_321 : memref<128xi32, #tpu.memory_space<vmem>>) semaphore(%arg21 : memref<!tpu.dma_semaphore, #tpu.memory_space<semaphore_mem>>) {add = true}
    %dma_wait3A_325 = arith.constant 77 : i32
    %dma_wait3A_326 = arith.constant 0 : i32
    %dma_wait3A_327 = tpu.memref_slice %arg7[%dma_wait3A_325, %dma_wait3A_326] : memref<80x128xi32, #tpu.memory_space<vmem>> -> memref<1x128xi32, #tpu.memory_space<vmem>>
    %dma_wait3A_328 = tpu.memref_squeeze %dma_wait3A_327 : memref<1x128xi32, #tpu.memory_space<vmem>> -> memref<128xi32, #tpu.memory_space<vmem>>
    %dma_wait3A_329 = arith.constant 0 : i32
    %dma_wait3A_330 = arith.constant 0 : i32
    %dma_wait3A_331 = tpu.memref_slice %arg2[%dma_wait3A_329, %dma_wait3A_330] : memref<20000x64xf32, #tpu.memory_space<hbm>> -> memref<20000x64xf32, #tpu.memory_space<hbm>>
    tpu.wait_indirect_dma semaphore(%arg18 : memref<!tpu.dma_semaphore, #tpu.memory_space<semaphore_mem>>) src(%dma_wait3A_331 : memref<20000x64xf32, #tpu.memory_space<hbm>>) dst(%arg10 : memref<128x64xf32, #tpu.memory_space<vmem>>)
    %dma_start3A_332 = arith.constant 77 : i32
    %dma_start3A_333 = arith.constant 0 : i32
    %dma_start3A_334 = tpu.memref_slice %arg8[%dma_start3A_332, %dma_start3A_333] : memref<80x128xi32, #tpu.memory_space<vmem>> -> memref<1x128xi32, #tpu.memory_space<vmem>>
    %dma_start3A_335 = tpu.memref_squeeze %dma_start3A_334 : memref<1x128xi32, #tpu.memory_space<vmem>> -> memref<128xi32, #tpu.memory_space<vmem>>
    %dma_start3A_336 = arith.constant 0 : i32
    %dma_start3A_337 = arith.constant 0 : i32
    %dma_start3A_338 = tpu.memref_slice %arg15[%dma_start3A_336, %dma_start3A_337] : memref<10240x64xf32, #tpu.memory_space<vmem_shared>> -> memref<10240x64xf32, #tpu.memory_space<vmem_shared>>
    tpu.enqueue_indirect_dma source(%arg10 : memref<128x64xf32, #tpu.memory_space<vmem>>) target(%dma_start3A_338 : memref<10240x64xf32, #tpu.memory_space<vmem_shared>>) offsets(%dma_start3A_335 : memref<128xi32, #tpu.memory_space<vmem>>) semaphore(%arg22 : memref<!tpu.dma_semaphore, #tpu.memory_space<semaphore_mem>>) {add = true}
    %dma_wait3A_339 = arith.constant 78 : i32
    %dma_wait3A_340 = arith.constant 0 : i32
    %dma_wait3A_341 = tpu.memref_slice %arg7[%dma_wait3A_339, %dma_wait3A_340] : memref<80x128xi32, #tpu.memory_space<vmem>> -> memref<1x128xi32, #tpu.memory_space<vmem>>
    %dma_wait3A_342 = tpu.memref_squeeze %dma_wait3A_341 : memref<1x128xi32, #tpu.memory_space<vmem>> -> memref<128xi32, #tpu.memory_space<vmem>>
    %dma_wait3A_343 = arith.constant 0 : i32
    %dma_wait3A_344 = arith.constant 0 : i32
    %dma_wait3A_345 = tpu.memref_slice %arg2[%dma_wait3A_343, %dma_wait3A_344] : memref<20000x64xf32, #tpu.memory_space<hbm>> -> memref<20000x64xf32, #tpu.memory_space<hbm>>
    tpu.wait_indirect_dma semaphore(%arg19 : memref<!tpu.dma_semaphore, #tpu.memory_space<semaphore_mem>>) src(%dma_wait3A_345 : memref<20000x64xf32, #tpu.memory_space<hbm>>) dst(%arg11 : memref<128x64xf32, #tpu.memory_space<vmem>>)
    %dma_start3A_346 = arith.constant 78 : i32
    %dma_start3A_347 = arith.constant 0 : i32
    %dma_start3A_348 = tpu.memref_slice %arg8[%dma_start3A_346, %dma_start3A_347] : memref<80x128xi32, #tpu.memory_space<vmem>> -> memref<1x128xi32, #tpu.memory_space<vmem>>
    %dma_start3A_349 = tpu.memref_squeeze %dma_start3A_348 : memref<1x128xi32, #tpu.memory_space<vmem>> -> memref<128xi32, #tpu.memory_space<vmem>>
    %dma_start3A_350 = arith.constant 0 : i32
    %dma_start3A_351 = arith.constant 0 : i32
    %dma_start3A_352 = tpu.memref_slice %arg15[%dma_start3A_350, %dma_start3A_351] : memref<10240x64xf32, #tpu.memory_space<vmem_shared>> -> memref<10240x64xf32, #tpu.memory_space<vmem_shared>>
    tpu.enqueue_indirect_dma source(%arg11 : memref<128x64xf32, #tpu.memory_space<vmem>>) target(%dma_start3A_352 : memref<10240x64xf32, #tpu.memory_space<vmem_shared>>) offsets(%dma_start3A_349 : memref<128xi32, #tpu.memory_space<vmem>>) semaphore(%arg23 : memref<!tpu.dma_semaphore, #tpu.memory_space<semaphore_mem>>) {add = true}
    %dma_wait3A_353 = arith.constant 79 : i32
    %dma_wait3A_354 = arith.constant 0 : i32
    %dma_wait3A_355 = tpu.memref_slice %arg7[%dma_wait3A_353, %dma_wait3A_354] : memref<80x128xi32, #tpu.memory_space<vmem>> -> memref<1x128xi32, #tpu.memory_space<vmem>>
    %dma_wait3A_356 = tpu.memref_squeeze %dma_wait3A_355 : memref<1x128xi32, #tpu.memory_space<vmem>> -> memref<128xi32, #tpu.memory_space<vmem>>
    %dma_wait3A_357 = arith.constant 0 : i32
    %dma_wait3A_358 = arith.constant 0 : i32
    %dma_wait3A_359 = tpu.memref_slice %arg2[%dma_wait3A_357, %dma_wait3A_358] : memref<20000x64xf32, #tpu.memory_space<hbm>> -> memref<20000x64xf32, #tpu.memory_space<hbm>>
    tpu.wait_indirect_dma semaphore(%arg20 : memref<!tpu.dma_semaphore, #tpu.memory_space<semaphore_mem>>) src(%dma_wait3A_359 : memref<20000x64xf32, #tpu.memory_space<hbm>>) dst(%arg12 : memref<128x64xf32, #tpu.memory_space<vmem>>)
    %dma_start3A_360 = arith.constant 79 : i32
    %dma_start3A_361 = arith.constant 0 : i32
    %dma_start3A_362 = tpu.memref_slice %arg8[%dma_start3A_360, %dma_start3A_361] : memref<80x128xi32, #tpu.memory_space<vmem>> -> memref<1x128xi32, #tpu.memory_space<vmem>>
    %dma_start3A_363 = tpu.memref_squeeze %dma_start3A_362 : memref<1x128xi32, #tpu.memory_space<vmem>> -> memref<128xi32, #tpu.memory_space<vmem>>
    %dma_start3A_364 = arith.constant 0 : i32
    %dma_start3A_365 = arith.constant 0 : i32
    %dma_start3A_366 = tpu.memref_slice %arg15[%dma_start3A_364, %dma_start3A_365] : memref<10240x64xf32, #tpu.memory_space<vmem_shared>> -> memref<10240x64xf32, #tpu.memory_space<vmem_shared>>
    tpu.enqueue_indirect_dma source(%arg12 : memref<128x64xf32, #tpu.memory_space<vmem>>) target(%dma_start3A_366 : memref<10240x64xf32, #tpu.memory_space<vmem_shared>>) offsets(%dma_start3A_363 : memref<128xi32, #tpu.memory_space<vmem>>) semaphore(%arg24 : memref<!tpu.dma_semaphore, #tpu.memory_space<semaphore_mem>>) {add = true}
    %dma_wait3A_367 = arith.constant 76 : i32
    %dma_wait3A_368 = arith.constant 0 : i32
    %dma_wait3A_369 = tpu.memref_slice %arg8[%dma_wait3A_367, %dma_wait3A_368] : memref<80x128xi32, #tpu.memory_space<vmem>> -> memref<1x128xi32, #tpu.memory_space<vmem>>
    %dma_wait3A_370 = tpu.memref_squeeze %dma_wait3A_369 : memref<1x128xi32, #tpu.memory_space<vmem>> -> memref<128xi32, #tpu.memory_space<vmem>>
    %dma_wait3A_371 = arith.constant 0 : i32
    %dma_wait3A_372 = arith.constant 0 : i32
    %dma_wait3A_373 = tpu.memref_slice %arg15[%dma_wait3A_371, %dma_wait3A_372] : memref<10240x64xf32, #tpu.memory_space<vmem_shared>> -> memref<10240x64xf32, #tpu.memory_space<vmem_shared>>
    tpu.wait_indirect_dma semaphore(%arg21 : memref<!tpu.dma_semaphore, #tpu.memory_space<semaphore_mem>>) src(%arg9 : memref<128x64xf32, #tpu.memory_space<vmem>>) dst(%dma_wait3A_373 : memref<10240x64xf32, #tpu.memory_space<vmem_shared>>)
    %dma_wait3A_374 = arith.constant 77 : i32
    %dma_wait3A_375 = arith.constant 0 : i32
    %dma_wait3A_376 = tpu.memref_slice %arg8[%dma_wait3A_374, %dma_wait3A_375] : memref<80x128xi32, #tpu.memory_space<vmem>> -> memref<1x128xi32, #tpu.memory_space<vmem>>
    %dma_wait3A_377 = tpu.memref_squeeze %dma_wait3A_376 : memref<1x128xi32, #tpu.memory_space<vmem>> -> memref<128xi32, #tpu.memory_space<vmem>>
    %dma_wait3A_378 = arith.constant 0 : i32
    %dma_wait3A_379 = arith.constant 0 : i32
    %dma_wait3A_380 = tpu.memref_slice %arg15[%dma_wait3A_378, %dma_wait3A_379] : memref<10240x64xf32, #tpu.memory_space<vmem_shared>> -> memref<10240x64xf32, #tpu.memory_space<vmem_shared>>
    tpu.wait_indirect_dma semaphore(%arg22 : memref<!tpu.dma_semaphore, #tpu.memory_space<semaphore_mem>>) src(%arg10 : memref<128x64xf32, #tpu.memory_space<vmem>>) dst(%dma_wait3A_380 : memref<10240x64xf32, #tpu.memory_space<vmem_shared>>)
    %dma_wait3A_381 = arith.constant 78 : i32
    %dma_wait3A_382 = arith.constant 0 : i32
    %dma_wait3A_383 = tpu.memref_slice %arg8[%dma_wait3A_381, %dma_wait3A_382] : memref<80x128xi32, #tpu.memory_space<vmem>> -> memref<1x128xi32, #tpu.memory_space<vmem>>
    %dma_wait3A_384 = tpu.memref_squeeze %dma_wait3A_383 : memref<1x128xi32, #tpu.memory_space<vmem>> -> memref<128xi32, #tpu.memory_space<vmem>>
    %dma_wait3A_385 = arith.constant 0 : i32
    %dma_wait3A_386 = arith.constant 0 : i32
    %dma_wait3A_387 = tpu.memref_slice %arg15[%dma_wait3A_385, %dma_wait3A_386] : memref<10240x64xf32, #tpu.memory_space<vmem_shared>> -> memref<10240x64xf32, #tpu.memory_space<vmem_shared>>
    tpu.wait_indirect_dma semaphore(%arg23 : memref<!tpu.dma_semaphore, #tpu.memory_space<semaphore_mem>>) src(%arg11 : memref<128x64xf32, #tpu.memory_space<vmem>>) dst(%dma_wait3A_387 : memref<10240x64xf32, #tpu.memory_space<vmem_shared>>)
    %dma_wait3A_388 = arith.constant 79 : i32
    %dma_wait3A_389 = arith.constant 0 : i32
    %dma_wait3A_390 = tpu.memref_slice %arg8[%dma_wait3A_388, %dma_wait3A_389] : memref<80x128xi32, #tpu.memory_space<vmem>> -> memref<1x128xi32, #tpu.memory_space<vmem>>
    %dma_wait3A_391 = tpu.memref_squeeze %dma_wait3A_390 : memref<1x128xi32, #tpu.memory_space<vmem>> -> memref<128xi32, #tpu.memory_space<vmem>>
    %dma_wait3A_392 = arith.constant 0 : i32
    %dma_wait3A_393 = arith.constant 0 : i32
    %dma_wait3A_394 = tpu.memref_slice %arg15[%dma_wait3A_392, %dma_wait3A_393] : memref<10240x64xf32, #tpu.memory_space<vmem_shared>> -> memref<10240x64xf32, #tpu.memory_space<vmem_shared>>
    tpu.wait_indirect_dma semaphore(%arg24 : memref<!tpu.dma_semaphore, #tpu.memory_space<semaphore_mem>>) src(%arg12 : memref<128x64xf32, #tpu.memory_space<vmem>>) dst(%dma_wait3A_394 : memref<10240x64xf32, #tpu.memory_space<vmem_shared>>)
    %barrier3A_395 = arith.constant 0 : index
    tpu.barrier barrier_id(%barrier3A_395)
    %mul3A_396 = arith.constant 640 : i32
    %mul3A_397 = arith.muli %arg1, %mul3A_396 : i32
    %mul3A_398 = arith.constant 640 : i32
    %mul3A_399 = arith.muli %arg1, %mul3A_398 : i32
    "tpu.region"() ({
      %run_scoped3A = tpu.sem_alloc : memref<!tpu.dma_semaphore, #tpu.memory_space<semaphore_mem>>
      %dma_start3A_400 = arith.constant 64 : i32
      %dma_start3A_401 = tpu.memref_slice %arg5[%arg0, %mul3A_399, %dma_start3A_400] : memref<2x10240x128xf32, #tpu.memory_space<hbm>> -> memref<1x640x64xf32, #tpu.memory_space<hbm>>
      %dma_start3A_402 = tpu.memref_squeeze %dma_start3A_401 : memref<1x640x64xf32, #tpu.memory_space<hbm>> -> memref<640x64xf32, #tpu.memory_space<hbm>>
      %dma_start3A_403 = arith.constant 0 : i32
      %dma_start3A_404 = tpu.memref_slice %arg15[%mul3A_397, %dma_start3A_403] : memref<10240x64xf32, #tpu.memory_space<vmem_shared>> -> memref<640x64xf32, #tpu.memory_space<vmem_shared>>
      tpu.enqueue_dma source(%dma_start3A_404 : memref<640x64xf32, #tpu.memory_space<vmem_shared>>) target(%dma_start3A_402 : memref<640x64xf32, #tpu.memory_space<hbm>>) target_semaphore(%run_scoped3A : memref<!tpu.dma_semaphore, #tpu.memory_space<semaphore_mem>>)
      %dma_wait3A_405 = arith.constant 64 : i32
      %dma_wait3A_406 = tpu.memref_slice %arg5[%arg0, %mul3A_399, %dma_wait3A_405] : memref<2x10240x128xf32, #tpu.memory_space<hbm>> -> memref<1x640x64xf32, #tpu.memory_space<hbm>>
      %dma_wait3A_407 = tpu.memref_squeeze %dma_wait3A_406 : memref<1x640x64xf32, #tpu.memory_space<hbm>> -> memref<640x64xf32, #tpu.memory_space<hbm>>
      %dma_wait3A_408 = arith.constant 0 : i32
      %dma_wait3A_409 = tpu.memref_slice %arg15[%mul3A_397, %dma_wait3A_408] : memref<10240x64xf32, #tpu.memory_space<vmem_shared>> -> memref<640x64xf32, #tpu.memory_space<vmem_shared>>
      tpu.wait_dma2 semaphore(%run_scoped3A : memref<!tpu.dma_semaphore, #tpu.memory_space<semaphore_mem>>) src(%dma_wait3A_409 : memref<640x64xf32, #tpu.memory_space<vmem_shared>>) dst(%dma_wait3A_407 : memref<640x64xf32, #tpu.memory_space<hbm>>)
      tpu.yield
    }) : () -> ()
    return
  }
}

module attributes {stable_mosaic.version = 14 : i64} {
  func.func @_mm_body(%arg0: i32, %arg1: memref<2x2000x128xf32, #tpu.memory_space<vmem>>, %arg2: memref<2x2000x16xf32, #tpu.memory_space<vmem>>, %arg3: memref<2000x128xf32, #tpu.memory_space<vmem>>, %arg4: memref<128x128xf32, #tpu.memory_space<vmem>>, %arg5: memref<1x128xf32, #tpu.memory_space<vmem>>, %arg6: memref<128x128xf32, #tpu.memory_space<vmem>>, %arg7: memref<2000x128xf32, #tpu.memory_space<vmem>>) attributes {dimension_semantics = [#tpu.dimension_semantics<arbitrary>], iteration_bounds = array<i64: 5>, scalar_prefetch = 0 : i64, scratch_operands = 0 : i64, tpu.core_type = #tpu.core_type<tc>, window_params = [{transform_indices = @transform_0, window_bounds = array<i64: 2, 2000, 128>}, {transform_indices = @transform_1, window_bounds = array<i64: 2, 2000, 16>}, {transform_indices = @transform_2, window_bounds = array<i64: 2000, 128>}, {pipeline_mode = #tpu.pipeline_mode<synchronous>, transform_indices = @transform_3, window_bounds = array<i64: 128, 128>}, {pipeline_mode = #tpu.pipeline_mode<synchronous>, transform_indices = @transform_4, window_bounds = array<i64: 1, 128>}, {pipeline_mode = #tpu.pipeline_mode<synchronous>, transform_indices = @transform_5, window_bounds = array<i64: 128, 128>}, {transform_indices = @transform_6, window_bounds = array<i64: 2000, 128>}]} {
    %get3A = arith.constant 0 : index
    %get3A_0 = arith.constant 0 : index
    %get3A_1 = arith.constant 0 : index
    %get3A_2 = vector.load %arg1[%get3A, %get3A_0, %get3A_1] : memref<2x2000x128xf32, #tpu.memory_space<vmem>>, vector<1x2000x128xf32>
    %get3A_3 = vector.shape_cast %get3A_2 : vector<1x2000x128xf32> to vector<2000x128xf32>
    %get3A_4 = arith.constant 1 : index
    %get3A_5 = arith.constant 0 : index
    %get3A_6 = arith.constant 0 : index
    %get3A_7 = vector.load %arg1[%get3A_4, %get3A_5, %get3A_6] : memref<2x2000x128xf32, #tpu.memory_space<vmem>>, vector<1x2000x128xf32>
    %get3A_8 = vector.shape_cast %get3A_7 : vector<1x2000x128xf32> to vector<2000x128xf32>
    %add3A = arith.addf %get3A_3, %get3A_8 : vector<2000x128xf32>
    %get3A_9 = arith.constant 0 : index
    %get3A_10 = arith.constant 0 : index
    %get3A_11 = arith.constant 0 : index
    %get3A_12 = vector.load %arg2[%get3A_9, %get3A_10, %get3A_11] : memref<2x2000x16xf32, #tpu.memory_space<vmem>>, vector<1x2000x16xf32>
    %get3A_13 = vector.shape_cast %get3A_12 : vector<1x2000x16xf32> to vector<2000x16xf32>
    %get3A_14 = arith.constant 1 : index
    %get3A_15 = arith.constant 0 : index
    %get3A_16 = arith.constant 0 : index
    %get3A_17 = vector.load %arg2[%get3A_14, %get3A_15, %get3A_16] : memref<2x2000x16xf32, #tpu.memory_space<vmem>>, vector<1x2000x16xf32>
    %get3A_18 = vector.shape_cast %get3A_17 : vector<1x2000x16xf32> to vector<2000x16xf32>
    %add3A_19 = arith.addf %get3A_13, %get3A_18 : vector<2000x16xf32>
    %slice3A = vector.extract_strided_slice %add3A_19 {offsets = [0, 0], sizes = [2000, 1], strides = [1, 1]} : vector<2000x16xf32> to vector<2000x1xf32>
    %max3A = arith.constant 1.000000e+00 : f32
    %max3A_20 = vector.broadcast %max3A : f32 to vector<2000x1xf32>
    %max3A_21 = arith.maximumf %slice3A, %max3A_20 : vector<2000x1xf32>
    %div3A = vector.broadcast %max3A_21 : vector<2000x1xf32> to vector<2000x128xf32>
    %div3A_22 = arith.divf %add3A, %div3A : vector<2000x128xf32>
    %get3A_23 = arith.constant 0 : index
    %get3A_24 = arith.constant 0 : index
    %get3A_25 = vector.load %arg4[%get3A_23, %get3A_24] : memref<128x128xf32, #tpu.memory_space<vmem>>, vector<128x128xf32>
    %dot_general3A = arith.constant dense<0.000000e+00> : vector<2000x128xf32>
    %dot_general3A_26 = tpu.matmul %div3A_22, %get3A_25, %dot_general3A {dimension_numbers = #tpu.dot_dimension_numbers<[1], [0], [0], [1], [0, 0, 1, 1], [], []>, transpose_lhs_hint = false} : vector<2000x128xf32>, vector<128x128xf32>, vector<2000x128xf32> -> vector<2000x128xf32>
    %get3A_27 = arith.constant 0 : index
    %get3A_28 = arith.constant 0 : index
    %get3A_29 = vector.load %arg5[%get3A_27, %get3A_28] : memref<1x128xf32, #tpu.memory_space<vmem>>, vector<1x128xf32>
    %add3A_30 = vector.broadcast %get3A_29 : vector<1x128xf32> to vector<2000x128xf32>
    %add3A_31 = arith.addf %dot_general3A_26, %add3A_30 : vector<2000x128xf32>
    %get3A_32 = arith.constant 0 : index
    %get3A_33 = arith.constant 0 : index
    %get3A_34 = vector.load %arg3[%get3A_32, %get3A_33] : memref<2000x128xf32, #tpu.memory_space<vmem>>, vector<2000x128xf32>
    %get3A_35 = arith.constant 0 : index
    %get3A_36 = arith.constant 0 : index
    %get3A_37 = vector.load %arg6[%get3A_35, %get3A_36] : memref<128x128xf32, #tpu.memory_space<vmem>>, vector<128x128xf32>
    %dot_general3A_38 = arith.constant dense<0.000000e+00> : vector<2000x128xf32>
    %dot_general3A_39 = tpu.matmul %get3A_34, %get3A_37, %dot_general3A_38 {dimension_numbers = #tpu.dot_dimension_numbers<[1], [0], [0], [1], [0, 0, 1, 1], [], []>, transpose_lhs_hint = false} : vector<2000x128xf32>, vector<128x128xf32>, vector<2000x128xf32> -> vector<2000x128xf32>
    %add3A_40 = arith.addf %add3A_31, %dot_general3A_39 : vector<2000x128xf32>
    %max3A_41 = arith.constant 0.000000e+00 : f32
    %max3A_42 = vector.broadcast %max3A_41 : f32 to vector<2000x128xf32>
    %max3A_43 = arith.maximumf %add3A_40, %max3A_42 : vector<2000x128xf32>
    %swap3A = arith.constant 0 : index
    %swap3A_44 = arith.constant 0 : index
    %swap3A_45 = vector.load %arg7[%swap3A, %swap3A_44] : memref<2000x128xf32, #tpu.memory_space<vmem>>, vector<2000x128xf32>
    tpu.vector_store %arg7[%swap3A, %swap3A_44], %max3A_43 {strides = array<i32>} : memref<2000x128xf32, #tpu.memory_space<vmem>>, vector<2000x128xf32>,
    return
  }
  func.func @transform_0(%arg0: i32) -> (i32, i32, i32) {
    %c0_i32 = arith.constant 0 : i32
    %c0_i32_0 = arith.constant 0 : i32
    %c0_i32_1 = arith.constant 0 : i32
    return %c0_i32, %arg0, %c0_i32_0 : i32, i32, i32
  }
  func.func @transform_1(%arg0: i32) -> (i32, i32, i32) {
    %c0_i32 = arith.constant 0 : i32
    %c0_i32_0 = arith.constant 0 : i32
    %c0_i32_1 = arith.constant 0 : i32
    return %c0_i32, %arg0, %c0_i32_0 : i32, i32, i32
  }
  func.func @transform_2(%arg0: i32) -> (i32, i32) {
    %c0_i32 = arith.constant 0 : i32
    %c0_i32_0 = arith.constant 0 : i32
    return %arg0, %c0_i32 : i32, i32
  }
  func.func @transform_3(%arg0: i32) -> (i32, i32) {
    %c0_i32 = arith.constant 0 : i32
    %c0_i32_0 = arith.constant 0 : i32
    %c0_i32_1 = arith.constant 0 : i32
    return %c0_i32, %c0_i32_0 : i32, i32
  }
  func.func @transform_4(%arg0: i32) -> (i32, i32) {
    %c0_i32 = arith.constant 0 : i32
    %c0_i32_0 = arith.constant 0 : i32
    %c0_i32_1 = arith.constant 0 : i32
    return %c0_i32, %c0_i32_0 : i32, i32
  }
  func.func @transform_5(%arg0: i32) -> (i32, i32) {
    %c0_i32 = arith.constant 0 : i32
    %c0_i32_0 = arith.constant 0 : i32
    %c0_i32_1 = arith.constant 0 : i32
    return %c0_i32, %c0_i32_0 : i32, i32
  }
  func.func @transform_6(%arg0: i32) -> (i32, i32) {
    %c0_i32 = arith.constant 0 : i32
    %c0_i32_0 = arith.constant 0 : i32
    return %arg0, %c0_i32 : i32, i32
  }
}

module attributes {stable_mosaic.version = 14 : i64} {
  func.func @_mm_body(%arg0: i32, %arg1: memref<2x2000x128xf32, #tpu.memory_space<vmem>>, %arg2: memref<2x2000x16xf32, #tpu.memory_space<vmem>>, %arg3: memref<2000x128xf32, #tpu.memory_space<vmem>>, %arg4: memref<128x128xf32, #tpu.memory_space<vmem>>, %arg5: memref<1x128xf32, #tpu.memory_space<vmem>>, %arg6: memref<128x128xf32, #tpu.memory_space<vmem>>, %arg7: memref<2000x128xf32, #tpu.memory_space<vmem>>) attributes {dimension_semantics = [#tpu.dimension_semantics<arbitrary>], iteration_bounds = array<i64: 5>, scalar_prefetch = 0 : i64, scratch_operands = 0 : i64, tpu.core_type = #tpu.core_type<tc>, window_params = [{transform_indices = @transform_0, window_bounds = array<i64: 2, 2000, 128>}, {transform_indices = @transform_1, window_bounds = array<i64: 2, 2000, 16>}, {transform_indices = @transform_2, window_bounds = array<i64: 2000, 128>}, {pipeline_mode = #tpu.pipeline_mode<synchronous>, transform_indices = @transform_3, window_bounds = array<i64: 128, 128>}, {pipeline_mode = #tpu.pipeline_mode<synchronous>, transform_indices = @transform_4, window_bounds = array<i64: 1, 128>}, {pipeline_mode = #tpu.pipeline_mode<synchronous>, transform_indices = @transform_5, window_bounds = array<i64: 128, 128>}, {transform_indices = @transform_6, window_bounds = array<i64: 2000, 128>}]} {
    %get3A = arith.constant 0 : index
    %get3A_0 = arith.constant 0 : index
    %get3A_1 = arith.constant 0 : index
    %get3A_2 = vector.load %arg1[%get3A, %get3A_0, %get3A_1] : memref<2x2000x128xf32, #tpu.memory_space<vmem>>, vector<1x2000x128xf32>
    %get3A_3 = vector.shape_cast %get3A_2 : vector<1x2000x128xf32> to vector<2000x128xf32>
    %get3A_4 = arith.constant 1 : index
    %get3A_5 = arith.constant 0 : index
    %get3A_6 = arith.constant 0 : index
    %get3A_7 = vector.load %arg1[%get3A_4, %get3A_5, %get3A_6] : memref<2x2000x128xf32, #tpu.memory_space<vmem>>, vector<1x2000x128xf32>
    %get3A_8 = vector.shape_cast %get3A_7 : vector<1x2000x128xf32> to vector<2000x128xf32>
    %add3A = arith.addf %get3A_3, %get3A_8 : vector<2000x128xf32>
    %get3A_9 = arith.constant 0 : index
    %get3A_10 = arith.constant 0 : index
    %get3A_11 = arith.constant 0 : index
    %get3A_12 = vector.load %arg2[%get3A_9, %get3A_10, %get3A_11] : memref<2x2000x16xf32, #tpu.memory_space<vmem>>, vector<1x2000x16xf32>
    %get3A_13 = vector.shape_cast %get3A_12 : vector<1x2000x16xf32> to vector<2000x16xf32>
    %get3A_14 = arith.constant 1 : index
    %get3A_15 = arith.constant 0 : index
    %get3A_16 = arith.constant 0 : index
    %get3A_17 = vector.load %arg2[%get3A_14, %get3A_15, %get3A_16] : memref<2x2000x16xf32, #tpu.memory_space<vmem>>, vector<1x2000x16xf32>
    %get3A_18 = vector.shape_cast %get3A_17 : vector<1x2000x16xf32> to vector<2000x16xf32>
    %add3A_19 = arith.addf %get3A_13, %get3A_18 : vector<2000x16xf32>
    %slice3A = vector.extract_strided_slice %add3A_19 {offsets = [0, 0], sizes = [2000, 1], strides = [1, 1]} : vector<2000x16xf32> to vector<2000x1xf32>
    %max3A = arith.constant 1.000000e+00 : f32
    %max3A_20 = vector.broadcast %max3A : f32 to vector<2000x1xf32>
    %max3A_21 = arith.maximumf %slice3A, %max3A_20 : vector<2000x1xf32>
    %div3A = vector.broadcast %max3A_21 : vector<2000x1xf32> to vector<2000x128xf32>
    %div3A_22 = arith.divf %add3A, %div3A : vector<2000x128xf32>
    %get3A_23 = arith.constant 0 : index
    %get3A_24 = arith.constant 0 : index
    %get3A_25 = vector.load %arg4[%get3A_23, %get3A_24] : memref<128x128xf32, #tpu.memory_space<vmem>>, vector<128x128xf32>
    %dot_general3A = arith.constant dense<0.000000e+00> : vector<2000x128xf32>
    %dot_general3A_26 = tpu.matmul %div3A_22, %get3A_25, %dot_general3A {dimension_numbers = #tpu.dot_dimension_numbers<[1], [0], [0], [1], [0, 0, 1, 1], [], []>, transpose_lhs_hint = false} : vector<2000x128xf32>, vector<128x128xf32>, vector<2000x128xf32> -> vector<2000x128xf32>
    %get3A_27 = arith.constant 0 : index
    %get3A_28 = arith.constant 0 : index
    %get3A_29 = vector.load %arg5[%get3A_27, %get3A_28] : memref<1x128xf32, #tpu.memory_space<vmem>>, vector<1x128xf32>
    %add3A_30 = vector.broadcast %get3A_29 : vector<1x128xf32> to vector<2000x128xf32>
    %add3A_31 = arith.addf %dot_general3A_26, %add3A_30 : vector<2000x128xf32>
    %get3A_32 = arith.constant 0 : index
    %get3A_33 = arith.constant 0 : index
    %get3A_34 = vector.load %arg3[%get3A_32, %get3A_33] : memref<2000x128xf32, #tpu.memory_space<vmem>>, vector<2000x128xf32>
    %get3A_35 = arith.constant 0 : index
    %get3A_36 = arith.constant 0 : index
    %get3A_37 = vector.load %arg6[%get3A_35, %get3A_36] : memref<128x128xf32, #tpu.memory_space<vmem>>, vector<128x128xf32>
    %dot_general3A_38 = arith.constant dense<0.000000e+00> : vector<2000x128xf32>
    %dot_general3A_39 = tpu.matmul %get3A_34, %get3A_37, %dot_general3A_38 {dimension_numbers = #tpu.dot_dimension_numbers<[1], [0], [0], [1], [0, 0, 1, 1], [], []>, transpose_lhs_hint = false} : vector<2000x128xf32>, vector<128x128xf32>, vector<2000x128xf32> -> vector<2000x128xf32>
    %add3A_40 = arith.addf %add3A_31, %dot_general3A_39 : vector<2000x128xf32>
    %swap3A = arith.constant 0 : index
    %swap3A_41 = arith.constant 0 : index
    %swap3A_42 = vector.load %arg7[%swap3A, %swap3A_41] : memref<2000x128xf32, #tpu.memory_space<vmem>>, vector<2000x128xf32>
    tpu.vector_store %arg7[%swap3A, %swap3A_41], %add3A_40 {strides = array<i32>} : memref<2000x128xf32, #tpu.memory_space<vmem>>, vector<2000x128xf32>,
    return
  }
  func.func @transform_0(%arg0: i32) -> (i32, i32, i32) {
    %c0_i32 = arith.constant 0 : i32
    %c0_i32_0 = arith.constant 0 : i32
    %c0_i32_1 = arith.constant 0 : i32
    return %c0_i32, %arg0, %c0_i32_0 : i32, i32, i32
  }
  func.func @transform_1(%arg0: i32) -> (i32, i32, i32) {
    %c0_i32 = arith.constant 0 : i32
    %c0_i32_0 = arith.constant 0 : i32
    %c0_i32_1 = arith.constant 0 : i32
    return %c0_i32, %arg0, %c0_i32_0 : i32, i32, i32
  }
  func.func @transform_2(%arg0: i32) -> (i32, i32) {
    %c0_i32 = arith.constant 0 : i32
    %c0_i32_0 = arith.constant 0 : i32
    return %arg0, %c0_i32 : i32, i32
  }
  func.func @transform_3(%arg0: i32) -> (i32, i32) {
    %c0_i32 = arith.constant 0 : i32
    %c0_i32_0 = arith.constant 0 : i32
    %c0_i32_1 = arith.constant 0 : i32
    return %c0_i32, %c0_i32_0 : i32, i32
  }
  func.func @transform_4(%arg0: i32) -> (i32, i32) {
    %c0_i32 = arith.constant 0 : i32
    %c0_i32_0 = arith.constant 0 : i32
    %c0_i32_1 = arith.constant 0 : i32
    return %c0_i32, %c0_i32_0 : i32, i32
  }
  func.func @transform_5(%arg0: i32) -> (i32, i32) {
    %c0_i32 = arith.constant 0 : i32
    %c0_i32_0 = arith.constant 0 : i32
    %c0_i32_1 = arith.constant 0 : i32
    return %c0_i32, %c0_i32_0 : i32, i32
  }
  func.func @transform_6(%arg0: i32) -> (i32, i32) {
    %c0_i32 = arith.constant 0 : i32
    %c0_i32_0 = arith.constant 0 : i32
    return %arg0, %c0_i32 : i32, i32
  }
}

</mosaic_0001>

<sc_bundles>
// kernel: kernel.6.cloned.1.call-start
scs
__scs_entry_jumppad:
0x0: {  	(pc) =	sbr.rel $0x88, $3  }
0x1: {  	(tag) =	ssettag $0x0;
	lr =	simm.s32 $0x1  }
0x2: {  	[smem:$0x3F99] =	sst lr;
	_ =	strace $0xD0000000  }
0x3: {  	_ = 	snop  }
0x4: {  	_ = 	snop  }
0x5: {  	_ = 	snop  }
0x6: {  	_ = 	snop  }
0x7: {  	_ = 	snop  }
__scs_overlays_trampoline_lowered:
0x8: {  	[smem:$0x3FA8] =	sst s0  }
0x9: {  	[smem:$0x3FA9] =	sst s1  }
0xa: {  	[smem:$0x3FAA] =	sst s2  }
0xb: {  	[smem:$0x3FAB] =	sst s3  }
0xc: {  	[smem:$0x3FAC] =	sst s4  }
0xd: {  	[smem:$0x3FAD] =	sst s5  }
0xe: {  	[smem:$0x3FAE] =	sst s6  }
0xf: {  	[smem:$0x3FAF] =	sst s7  }
0x10: {  	[smem:$0x3FB0] =	sst s8  }
0x11: {  	[smem:$0x3FB1] =	sst s9;
	s0 =	simm.s32 @!p0 $0x0  }
0x12: {  	s1 =	sld [smem:$0x3F97];
	s0 =	simm.s32 @p0 $0x1  }
0x13: {  	[smem:$0x3FB2] =	sst s0;
	s0 =	simm.s32 @!p1 $0x0  }
0x14: {  	s2 =	sld [smem:$0x3F96];
	s0 =	simm.s32 @p1 $0x1  }
0x15: {  	[smem:$0x3FB3] =	sst s0;
	s0 =	simm.s32 @!p2 $0x0  }
0x16: {  	s3 =	sld [smem:$0x3FDB];
	s0 =	simm.s32 @p2 $0x1  }
0x17: {  	s4 =	simm.s32 $0x1BF5;
	[smem:$0x3FB5] =	sst s0  }
0x18: {  	s0 =	sld [smem:$0x3F98];
	_ =	swait.ge [sflag:s4], $0x0  }
0x19: {  	s7 =	sld [smem:$0x3F99]  }
0x1a: {  	s8 =	sadd.s32 $0xFFFFE003, lr  }
0x1b: {  	s9 =	sadd.s32 $0xFFFFFEF7, lr;
	s5 =	simm.s32 $0xFFFFFFFF;
	p2 =	slt.u32 s8, $0xFFFFF086  }
0x1c: {  	p1 =	slt.u32 s9, $0xF7A;
	s5 =	simm.s32 @!p2 $0x0  }
0x1d: {  	s5 =	simm.s32 @p1 $0x1;
	p0 =	seq.s32 s7, s2  }
0x1e: {  	s7 =	smul.u32 @!p0 $0xF7A, s2;
	p2 =	seq.s32 @!p0 s5, $0x0  }
0x1f: {  	s9 =	smul.u32 $0xF7A, s1;
	s8 =	simm.s32 @!p0 $0x1BF5;
	p2 =	por !p2, p0  }
0x20: {  	[sflag:s8] =	ssyncset.s32 @!p0 $0xFFFFF086;
	s6 =	sadd.s32 @!p0 s3, s7;
	s7 =	simm.s32 @!p0 $0x108  }
0x21: {  	s3 =	sadd.s32 s3, s9;
	s6 =	sadd.s32 @!p0 $0x88, s6;
	s7 =	simm.s32 @p2 $0x1082  }
0x22: {  	[simem:s7], [sflag:s8] =	dma.local @!p0 [hbm:s6], $0xF7A  }
0x23: {  	s9 =	sor.u32 $0xD0000000, s2;
	s6 =	simm.s32 $0x108;
	_ =	swait.ge @!p0 [sflag:s8], $0x0  }
0x24: {  	s3 =	sadd.s32 $0x88, s3;
	s6 =	simm.s32 @!p1 $0x1082;
	[sflag:s4] =	ssyncset.s32 $0xFFFFF086  }
0x25: {  	[simem:s6], [sflag:s4] =	dma.local [hbm:s3], $0xF7A  }
0x26: {  	[smem:$0x3F99] =	sst s1;
	(tag) =	ssettag s2;
	_ =	strace s9  }
0x27: {  	s1 =	sld [smem:$0x3FA9]  }
0x28: {  	s2 =	sld [smem:$0x3FAA]  }
0x29: {  	s4 =	sld [smem:$0x3FAC]  }
0x2a: {  	p0 =	seq.s32 s5, $0x0;
	s5 =	sld [smem:$0x3FAD]  }
0x2b: {  	s6 =	sld [smem:$0x3FAE]  }
0x2c: {  	s7 =	sld [smem:$0x3FAF]  }
0x2d: {  	s3 =	simm.s32 $0x108;
	s8 =	sld [smem:$0x3FB0]  }
0x2e: {  	s3 =	simm.s32 @!p0 $0x1082;
	s9 =	sld [smem:$0x3FB1]  }
0x2f: {  	lr =	sadd.s32 s0, s3;
	s0 =	sld [smem:$0x3FA8]  }
0x30: {  	s3 =	sld [smem:$0x3FAB]  }
0x31: {  	[smem:$0x3FB4] =	sst s10  }
0x32: {  	s10 =	sld [smem:$0x3FB2];
	_ =	sdelay $0x3  }
0x33: {  	p0 =	seq.s32 s10, $0x1;
	s10 =	sld [smem:$0x3FB4];
	_ =	sdelay $0x3  }
0x34: {  	[smem:$0x3FB4] =	sst s10  }
0x35: {  	s10 =	sld [smem:$0x3FB3];
	_ =	sdelay $0x3  }
0x36: {  	p1 =	seq.s32 s10, $0x1;
	s10 =	sld [smem:$0x3FB4];
	_ =	sdelay $0x3  }
0x37: {  	[smem:$0x3FB4] =	sst s10  }
0x38: {  	s10 =	sld [smem:$0x3FB5]  }
0x39: {  	_ = 	snop;
	(pc) =	sbr.ind lr, $3  }
0x3a: {  	_ = 	snop  }
0x3b: {  	_ = 	snop  }
0x3c: {  	p2 =	seq.s32 s10, $0x1;
	s10 =	sld [smem:$0x3FB4]  }
0x3d: {  	_ =	shalt  }
0x3e: {  	_ =	shalt  }
0x3f: {  	_ =	shalt  }
0x40: {  	_ =	shalt  }
0x41: {  	_ =	shalt  }
0x42: {  	_ =	shalt  }
0x43: {  	_ =	shalt  }
0x44: {  	_ =	shalt  }
0x45: {  	_ =	shalt  }
0x46: {  	_ =	shalt  }
0x47: {  	_ =	shalt  }
0x48: {  	_ =	shalt  }
0x49: {  	_ =	shalt  }
0x4a: {  	_ =	shalt  }
0x4b: {  	_ =	shalt  }
0x4c: {  	_ =	shalt  }
0x4d: {  	_ =	shalt  }
0x4e: {  	_ =	shalt  }
0x4f: {  	_ =	shalt  }
0x50: {  	_ =	shalt  }
0x51: {  	_ =	shalt  }
0x52: {  	_ =	shalt  }
0x53: {  	_ =	shalt  }
0x54: {  	_ =	shalt  }
0x55: {  	_ =	shalt  }
0x56: {  	_ =	shalt  }
0x57: {  	_ =	shalt  }
0x58: {  	_ =	shalt  }
0x59: {  	_ =	shalt  }
0x5a: {  	_ =	shalt  }
0x5b: {  	_ =	shalt  }
0x5c: {  	_ =	shalt  }
0x5d: {  	_ =	shalt  }
0x5e: {  	_ =	shalt  }
0x5f: {  	_ =	shalt  }
0x60: {  	_ =	shalt  }
0x61: {  	_ =	shalt  }
0x62: {  	_ =	shalt  }
0x63: {  	_ =	shalt  }
0x64: {  	_ =	shalt  }
0x65: {  	_ =	shalt  }
0x66: {  	_ =	shalt  }
0x67: {  	_ =	shalt  }
0x68: {  	_ =	shalt  }
0x69: {  	_ =	shalt  }
0x6a: {  	_ =	shalt  }
0x6b: {  	_ =	shalt  }
0x6c: {  	_ =	shalt  }
0x6d: {  	_ =	shalt  }
0x6e: {  	_ =	shalt  }
0x6f: {  	_ =	shalt  }
0x70: {  	_ =	shalt  }
0x71: {  	_ =	shalt  }
0x72: {  	_ =	shalt  }
0x73: {  	_ =	shalt  }
0x74: {  	_ =	shalt  }
0x75: {  	_ =	shalt  }
0x76: {  	_ =	shalt  }
0x77: {  	_ =	shalt  }
0x78: {  	_ =	shalt  }
0x79: {  	_ =	shalt  }
0x7a: {  	_ =	shalt  }
0x7b: {  	_ =	shalt  }
0x7c: {  	_ =	shalt  }
0x7d: {  	_ =	shalt  }
0x7e: {  	_ =	shalt  }
0x7f: {  	_ =	shalt  }
0x80: {  	_ =	shalt  }
0x81: {  	_ =	shalt  }
0x82: {  	_ =	shalt  }
0x83: {  	_ =	shalt  }
0x84: {  	_ =	shalt  }
0x85: {  	_ =	shalt  }
0x86: {  	_ =	shalt  }
0x87: {  	_ =	shalt  }
.Lfunc_end0:
.L_simem_size_0:
called_computation_lowered:
.L_overlay_start_0:
0x88: {  	s2 =	sld [smem:$0x3FD9]  }
0x89: {  	s3 =	sld [smem:$0x3FFE];
	_ =	sdelay $0x1  }
0x8a: {  	s1 =	srdreg.scid  }
0x8b: {  	s0 =	sand.u32 $0x1, s1  }
0x8c: {  	s17 =	sshll.u32 s0, $0xA;
	s2 =	sadd.s32 s3, s2  }
0x8d: {  	s2 =	sadd.s32 s2, s17  }
0x8e: {  	[smem:$0x3FC0] =	sst s2  }
0x8f: {  	_ = 	snop  }
0x90: {  	s2 =	sld [smem:$0x3FC9]  }
0x91: {  	s18 =	sld [smem:$0x3FD0];
	(tm) =	ssettm $0x1  }
0x92: {  	s4 =	sld [smem:$0x3FFB];
	_ =	sdelay $0x3  }
0x93: {  	_ =	strace s4  }
0x94: {  	s4 =	sld [smem:$0x3FFC];
	_ =	sdelay $0x3  }
0x95: {  	_ =	strace s4  }
0x96: {  	s4 =	sld [smem:$0x3FFD];
	_ =	sdelay $0x3  }
0x97: {  	_ =	strace s4  }
0x98: {  	_ =	strace $0x8FFFFFFF  }
0x99: {  	s19 =	sld [smem:$0x3FDB];
	_ =	sdelay $0x1  }
0x9a: {  	s5 =	simm.s32 $_scs_section_size  }
0x9b: {  	s6 =	simm.s32 $_size__tile_overlayer_lowered;
	s7 =	simm.s32 $_tile_overlayer_lowered  }
0x9c: {  	s22 =	simm.s32 $0x1BFF;
	s21 =	sshll.u32 s7, $0x1;
	s4 =	sadd.s32 s5, s19  }
0x9d: {  	s8 =	simm.s32 $0x0;
	s20 =	sshll.u32 s6, $0x1;
	s6 =	sadd.s32 s21, s4  }
0x9e: {  	[timem:s8], [sflag:s22] =	dma.local [hbm:s6], s20  }
0x9f: {  	_ =	swait.ge [sflag:s22], s20  }
0xa0: {  	s5 =	ssub.s32 $0x0, s20;
	[sflag:s22] =	ssyncset.done $0x0  }
0xa1: {  	[sflag:s22] =	ssyncadd.s32 s5;
	_ =	sdelay $0x1  }
0xa2: {  	s23 =	simm.s32 $0x1B8B  }
0xa3: {  	_ =	swait.ge [sflag:s23], $0x1  }
0xa4: {  	[sflag:s23] =	ssyncset.done $0x0  }
0xa5: {  	s25 =	simm.s32 $0x1B8E;
	s24 =	sld [smem:$0x3FFE];
	[sflag:s23] =	ssyncadd.s32 $0xFFFFFFFF  }
0xa6: {  	s26 =	simm.s32 $execute0_lowered;
	[smem:$0x3FD2] =	sst s25  }
0xa7: {  	s6 =	sshll.u32 s26, $0x1;
	_ =	strace $0x80000046;
	[dreg:$0x1] =	wrdreg $0xFFFFFFFF  }
0xa8: {  	s28 =	simm.s32 $_size_execute0_lowered;
	s4 =	sadd.s32 s4, s6;
	[dreg:$0x0] =	wrdreg $0x0  }
0xa9: {  	s6 =	sshll.u32 s28, $0x1;
	[dreg:$0x2] =	wrdreg s4  }
0xaa: {  	[dreg:$0x3] =	wrdreg s6  }
0xab: {  	[dreg:$0x4] =	wrdreg $0xC0  }
0xac: {  	_ =	task [dreg:s8], $0x5FFFF  }
0xad: {  	[dreg:$0x1] =	wrdreg $0xFFFFFFFF  }
0xae: {  	[dreg:$0x0] =	wrdreg $0x60  }
0xaf: {  	[dreg:$0x2] =	wrdreg s2  }
0xb0: {  	[dreg:$0x3] =	wrdreg s24  }
0xb1: {  	[dreg:$0x4] =	wrdreg s18  }
0xb2: {  	[dreg:$0x5] =	wrdreg $0xE0000  }
0xb3: {  	[dreg:$0x6] =	wrdreg $0x180000  }
0xb4: {  	[dreg:$0x7] =	wrdreg $0x9  }
0xb5: {  	_ =	task.clear_ibuf [dreg:s8], $0x8FFFF;
	_ =	strace $0x90000046  }
0xb6: {  	s29 =	simm.s32 $0x9;
	_ =	strace $0x80000048  }
0xb7: {  	_ =	swait.ge [sflag:s29], $0x1  }
0xb8: {  	[sflag:s29] =	ssyncadd.s32 $0xFFFFFFFF  }
0xb9: {  	_ =	strace $0x90000048  }
0xba: {  	_ =	sfence  }
0xbb: {  	s30 =	sld [smem:$0x0];
	_ =	sdelay $0x2  }
0xbc: {  	s31 =	sshll.u32 s1, $0xD;
	s1 =	sshrl.u32 s1, $0x2  }
0xbd: {  	s3 =	sand.u32 $0x4000, s31;
	s1 =	sadd.s32 s1, s30  }
0xbe: {  	s0 =	sor.u32 s3, s0;
	s1 =	sshll.u32 s1, $0x11  }
0xbf: {  	s0 =	sor.u32 s1, s0  }
0xc0: {  	s0 =	sadd.s32 $0x8F2B, s0  }
0xc1: {  	[sflag:s0] =	ssyncadd.remote.s32 $0x1  }
0xc2: {  	_ =	sfence.sel $0xFFFF  }
0xc3: {  	[dreg:$0x0] =	wrdreg $0xFFFFFFFF;
	(pc) =	sbr.abs _section_cstart, $3  }
0xc4: {  	[dreg:$0x1] =	wrdreg $0xFFFFFFFF  }
0xc5: {  	_ =	task.clear_ibuf [dreg:s8], $0x2FFFF;
	_ =	strace $0x9FFFFFFF  }
0xc6: {  	(tm) =	ssettm $0x7FFFFFFF  }
0xc7: {  	_ =	shalt  }
tec
execute0_lowered:
.L_overlay_start_1:
0x0: {  	(tag) =	ssettag $0x1  }
0x1: {  	s1 =	rddreg [dreg:$0x0];
	s0 =	srdreg.scid  }
0x2: {  	s11 =	stileid.u32;
	s2 =	rddreg [dreg:$0x1]  }
0x3: {  	s5 =	rddreg [dreg:$0x2];
	s8 =	smul.u32 $0x14000, s11  }
0x4: {  	s9 =	simm.s32 $0x0;
	s28 =	simm.s32 $0x7000;
	s26 =	smul.u32 $0x280, s11  }
0x5: {  	s30 =	simm.s32 $0x9000;
	s29 =	simm.s32 $0xB;
	s10 =	smul.u32 $0x28000, s11  }
0x6: {  	s0 =	sand.u32 $0x1, s0;
	s3 =	sshll.u32 s11, $0x1;
	s11 =	smul.u32 $0x2800, s11  }
0x7: {  	[smem:$0x7FF] =	sst s9;
	s4 =	sor.u32 s0, s3;
	s7 =	smul.u32 $0x140000, s0  }
0x8: {  	s3 =	rddreg [dreg:$0x3];
	s25 =	ssub.s32 $0x2, s0;
	s0 =	smul.u32 $0x28000, s0  }
0x9: {  	s31 =	simm.s32 $0x0;
	s6 =	smul.u32 $0x500, s4;
	s4 =	rddreg [dreg:$0x4]  }
0xa: {  	_ =	strace $0x80000047;
	s12 =	sshrl.u32 s25, $0x1;
	s14 =	sshrl.u32 s10, $0x2  }
0xb: {  	s15 =	sadd.s32 $0x80, s26;
	s18 =	sadd.s32 $0x100, s26;
	s21 =	sadd.s32 $0x180, s26  }
0xc: {  	s23 =	sadd.s32 $0x200, s26;
	s7 =	sadd.s32 s8, s7;
	s8 =	sadd.s32 s14, s3  }
0xd: {  	s14 =	sadd.s32 s11, s4;
	s16 =	sshll.u32 s15, $0x6;
	s17 =	sshll.u32 s15, $0x4  }
0xe: {  	s19 =	sshll.u32 s18, $0x6;
	s10 =	sshll.u32 s18, $0x4;
	s22 =	sshll.u32 s21, $0x6  }
0xf: {  	s9 =	sshll.u32 s23, $0x6;
	s0 =	sadd.s32 s11, s0;
	s11 =	simm.s32 $0x5  }
0x10: {  	s15 =	simm.s32 $0x6;
	s18 =	simm.s32 $0x7;
	s20 =	sadd.s32 s10, s4  }
0x11: {  	s6 =	sadd.s32 s6, s2;
	s10 =	sadd.s32 s22, s3;
	[dreg:$0xb] =	wrdreg s20  }
0x12: {  	s7 =	sshrl.u32 s7, $0x3;
	s9 =	sadd.s32 s9, s3;
	[dreg:$0xc] =	wrdreg s10  }
0x13: {  	s0 =	sshrl.u32 s0, $0x3;
	s13 =	sadd.s32 $0x2800, s6;
	[dreg:$0xe] =	wrdreg s9  }
0x14: {  	s22 =	simm.s32 $0xD;
	s6 =	sadd.s32 $0xC800, s6;
	[dreg:$0x6] =	wrdreg s13  }
0x15: {  	s2 =	sadd.s32 s7, s2;
	s0 =	sadd.s32 s5, s0;
	[dreg:$0x7] =	wrdreg s6  }
0x16: {  	s7 =	ssub.s32 s25, s12;
	s6 =	sadd.s32 s16, s3;
	[dreg:$0x11] =	wrdreg s0  }
0x17: {  	s5 =	simm.s32 $0x2;
	s24 =	sadd.s32 $0x16800, s2;
	[dreg:$0x8] =	wrdreg s6  }
0x18: {  	s20 =	simm.s32 $0xC;
	s25 =	sadd.s32 $0x16808, s2;
	[dreg:$0x10] =	wrdreg s24  }
0x19: {  	s26 =	smax.u32 s7, $0x1;
	s2 =	simm.s32 $0xB000;
	[dreg:$0x12] =	wrdreg s25  }
0x1a: {  	s0 =	simm.s32 $0xD000;
	s6 =	sadd.s32 s17, s4;
	[dreg:$0x13] =	wrdreg s26  }
0x1b: {  	s7 =	simm.s32 $0x4;
	[dreg:$0x9] =	wrdreg s6;
	s6 =	sadd.s32 s19, s3  }
0x1c: {  	s13 =	simm.s32 $0x9;
	[dreg:$0xa] =	wrdreg s6;
	s6 =	sshll.u32 s21, $0x4  }
0x1d: {  	s24 =	simm.s32 $0x5000;
	s25 =	simm.s32 $0xD800;
	s6 =	sadd.s32 s6, s4  }
0x1e: {  	s26 =	simm.s32 $0x80;
	[dreg:$0xd] =	wrdreg s6;
	s6 =	sshll.u32 s23, $0x4  }
0x1f: {  	s17 =	simm.s32 $0xA;
	s19 =	simm.s32 $0x8;
	s6 =	sadd.s32 s6, s4  }
0x20: {  	v0 =	vimm.f32 $1.000000000e+00;
	v1 =	vimm.f32 $0.0e+00;
	s23 =	simm.s32 $0x1;
	[dreg:$0xf] =	wrdreg s6;
	s6 =	simm.s32 $0x3  }
.LBB2_1:
0x21: {  	s9 =	simm.s32 $0x0;
	s10 =	rddreg [dreg:$0x6]  }
0x22: {  	[tilespmem:s9], [sflag:$0xD] =	stream.linear.gather [hbm4b:s10+s9], $0x2800, $0x38;
	[tilespmem:$0x1A800] =	vst v63  }
0x23: {  	_ =	swait.ge [sflag:s22], $0x2800  }
0x24: {  	[sflag:s22] =	ssyncset.done $0x0  }
0x25: {  	s12 =	simm.s32 $0x2800;
	s21 =	rddreg [dreg:$0x7];
	[sflag:s22] =	ssyncadd.s32 $0xFFFFD800  }
0x26: {  	[tilespmem:s12], [sflag:$0xD] =	stream.linear.gather [hbm4b:s21+s9], $0x2800, $0x38;
	[tilespmem:$0x1A800] =	vst v63  }
0x27: {  	_ =	swait.ge [sflag:s22], $0x2800  }
0x28: {  	[sflag:s22] =	ssyncset.done $0x0  }
0x29: {  	s9 =	simm.s32 $0x0;
	[sflag:s22] =	ssyncadd.s32 $0xFFFFD800  }
.LBB2_2:
0x2a: {  	p0 =	sne.s32 s9, $0x1FC0  }
.Ltmp0:
0x2b: {  	_ = 	snop;
	(pc) =	sbr.rel @p0 .LBB2_2-.Ltmp0, $4  }
0x2c: {  	_ = 	snop  }
0x2d: {  	s10 =	sshra.s32 s9, $0x2  }
0x2e: {  	[tilespmem:s10+$0xD000] =	vst v0  }
0x2f: {  	s9 =	sadd.s32 $0x40, s9;
	[tilespmem:s10+$0xD800] =	vst v1  }
0x30: {  	s10 =	simm.s32 $0x100;
	s9 =	simm.s32 $0x0  }
.LBB2_4:
0x31: {  	p0 =	sne.s32 s10, $0x7F00;
	[tilespmem:s9+$0x5030] =	vst v1;
	s12 =	smov.u32 s10;
	s10 =	sadd.s32 $0x100, s10  }
.Ltmp1:
0x32: {  	[tilespmem:s9+$0x5020] =	vst v1;
	(pc) =	sbr.rel @p0 .LBB2_4-.Ltmp1, $3  }
0x33: {  	[tilespmem:s9+$0x5000] =	vst v1  }
0x34: {  	[tilespmem:s9+$0x5010] =	vst v1;
	_ =	sdelay $0x1  }
0x35: {  	s9 =	sshra.s32 s12, $0x2  }
0x36: {  	[tilespmem:s9+$0x5030] =	vst v1  }
0x37: {  	[tilespmem:s9+$0x5020] =	vst v1  }
0x38: {  	[tilespmem:s9+$0x5000] =	vst v1  }
0x39: {  	[tilespmem:s9+$0x5010] =	vst v1  }
0x3a: {  	[spmem:s8] =	stream.linear.scatter [tilespmem:s24], [sflag:$0xD], $0x2000, $0x38;
	[tilespmem:$0x1A800] =	vst v63  }
0x3b: {  	_ =	swait.ge [sflag:s22], $0x2000  }
0x3c: {  	[sflag:s22] =	ssyncset.done $0x0  }
0x3d: {  	[sflag:s22] =	ssyncadd.s32 $0xFFFFE000  }
0x3e: {  	[spmem:s14] =	stream.linear.scatter [tilespmem:s25], [sflag:$0xD], $0x800, $0x38;
	[tilespmem:$0x1A800] =	vst v63  }
0x3f: {  	_ =	swait.ge [sflag:s22], $0x800  }
0x40: {  	[sflag:s22] =	ssyncset.done $0x0  }
0x41: {  	s16 =	rddreg [dreg:$0x8];
	[sflag:s22] =	ssyncadd.s32 $0xFFFFF800  }
0x42: {  	[spmem:s16] =	stream.linear.scatter [tilespmem:s24], [sflag:$0xD], $0x2000, $0x38;
	[tilespmem:$0x1A800] =	vst v63  }
0x43: {  	_ =	swait.ge [sflag:s22], $0x2000  }
0x44: {  	[sflag:s22] =	ssyncset.done $0x0  }
0x45: {  	s21 =	rddreg [dreg:$0x9];
	[sflag:s22] =	ssyncadd.s32 $0xFFFFE000  }
0x46: {  	[spmem:s21] =	stream.linear.scatter [tilespmem:s25], [sflag:$0xD], $0x800, $0x38;
	[tilespmem:$0x1A800] =	vst v63  }
0x47: {  	_ =	swait.ge [sflag:s22], $0x800  }
0x48: {  	[sflag:s22] =	ssyncset.done $0x0  }
0x49: {  	s10 =	rddreg [dreg:$0xa];
	[sflag:s22] =	ssyncadd.s32 $0xFFFFF800  }
0x4a: {  	[spmem:s10] =	stream.linear.scatter [tilespmem:s24], [sflag:$0xD], $0x2000, $0x38;
	[tilespmem:$0x1A800] =	vst v63  }
0x4b: {  	_ =	swait.ge [sflag:s22], $0x2000  }
0x4c: {  	[sflag:s22] =	ssyncset.done $0x0  }
0x4d: {  	s12 =	rddreg [dreg:$0xb];
	[sflag:s22] =	ssyncadd.s32 $0xFFFFE000  }
0x4e: {  	[spmem:s12] =	stream.linear.scatter [tilespmem:s25], [sflag:$0xD], $0x800, $0x38;
	[tilespmem:$0x1A800] =	vst v63  }
0x4f: {  	_ =	swait.ge [sflag:s22], $0x800  }
0x50: {  	[sflag:s22] =	ssyncset.done $0x0  }
0x51: {  	s16 =	rddreg [dreg:$0xc];
	[sflag:s22] =	ssyncadd.s32 $0xFFFFF800  }
0x52: {  	[spmem:s16] =	stream.linear.scatter [tilespmem:s24], [sflag:$0xD], $0x2000, $0x38;
	[tilespmem:$0x1A800] =	vst v63  }
0x53: {  	_ =	swait.ge [sflag:s22], $0x2000  }
0x54: {  	[sflag:s22] =	ssyncset.done $0x0  }
0x55: {  	s21 =	rddreg [dreg:$0xd];
	[sflag:s22] =	ssyncadd.s32 $0xFFFFE000  }
0x56: {  	[spmem:s21] =	stream.linear.scatter [tilespmem:s25], [sflag:$0xD], $0x800, $0x38;
	[tilespmem:$0x1A800] =	vst v63  }
0x57: {  	_ =	swait.ge [sflag:s22], $0x800  }
0x58: {  	[sflag:s22] =	ssyncset.done $0x0  }
0x59: {  	s10 =	rddreg [dreg:$0xe];
	[sflag:s22] =	ssyncadd.s32 $0xFFFFF800  }
0x5a: {  	[spmem:s10] =	stream.linear.scatter [tilespmem:s24], [sflag:$0xD], $0x2000, $0x38;
	[tilespmem:$0x1A800] =	vst v63  }
0x5b: {  	_ =	swait.ge [sflag:s22], $0x2000  }
0x5c: {  	[sflag:s22] =	ssyncset.done $0x0  }
0x5d: {  	s12 =	rddreg [dreg:$0xf];
	[sflag:s22] =	ssyncadd.s32 $0xFFFFE000  }
0x5e: {  	[spmem:s12] =	stream.linear.scatter [tilespmem:s25], [sflag:$0xD], $0x800, $0x38;
	[tilespmem:$0x1A800] =	vst v63  }
0x5f: {  	_ =	swait.ge [sflag:s22], $0x800  }
0x60: {  	[sflag:s22] =	ssyncset.done $0x0  }
0x61: {  	[sflag:s22] =	ssyncadd.s32 $0xFFFFF800  }
0x62: {  	s16 =	simm.s32 $0x0;
	[bflag:$0x0] =	sbarrier.arrive $0xFFFF  }
0x63: {  	[tilespmem:s24], [sflag:$0x1] =	stream.indirect.gather [hbm4b:s1+s26], $0x40, s16, s26, $0xb8;
	[tilespmem:$0x1A800] =	vst v63  }
0x64: {  	_ = 	snop  }
0x65: {  	[tilespmem:s28], [sflag:$0x2] =	stream.indirect.gather [hbm4b:s1+s26], $0x40, s26, s26, $0xb8;
	[tilespmem:$0x1A800] =	vst v63  }
0x66: {  	s21 =	simm.s32 $0x100  }
0x67: {  	[tilespmem:s30], [sflag:$0x3] =	stream.indirect.gather [hbm4b:s1+s26], $0x40, s21, s26, $0xb8;
	[tilespmem:$0x1A800] =	vst v63  }
0x68: {  	s10 =	simm.s32 $0x180  }
0x69: {  	[tilespmem:s2], [sflag:$0x4] =	stream.indirect.gather [hbm4b:s1+s26], $0x40, s10, s26, $0xb8;
	[tilespmem:$0x1A800] =	vst v63  }
0x6a: {  	_ =	swait.ge [sflag:s23], $0x2000  }
0x6b: {  	[sflag:s23] =	ssyncset.done $0x0  }
0x6c: {  	s12 =	simm.s32 $0x2800;
	[sflag:s23] =	ssyncadd.s32 $0xFFFFE000  }
0x6d: {  	[spmem:s3] =	stream.indirect.scatter.add.f32 [tilespmem:s24], [sflag:$0x5], $0x40, s12, s26, $0xb8;
	[tilespmem:$0x1A800] =	vst v63  }
0x6e: {  	_ = 	snop  }
0x6f: {  	[spmem:s4] =	stream.indirect.scatter.add.f32 [tilespmem:s0], [sflag:$0x9], $0x10, s12, s26, $0xb8;
	[tilespmem:$0x1A800] =	vst v63  }
0x70: {  	_ =	swait.ge [sflag:s5], $0x2000  }
0x71: {  	[sflag:s5] =	ssyncset.done $0x0  }
0x72: {  	s16 =	simm.s32 $0x2880;
	[sflag:s5] =	ssyncadd.s32 $0xFFFFE000  }
0x73: {  	[spmem:s3] =	stream.indirect.scatter.add.f32 [tilespmem:s28], [sflag:$0x6], $0x40, s16, s26, $0xb8;
	[tilespmem:$0x1A800] =	vst v63  }
0x74: {  	_ = 	snop  }
0x75: {  	[spmem:s4] =	stream.indirect.scatter.add.f32 [tilespmem:s0], [sflag:$0xA], $0x10, s16, s26, $0xb8;
	[tilespmem:$0x1A800] =	vst v63  }
0x76: {  	_ =	swait.ge [sflag:s6], $0x2000  }
0x77: {  	[sflag:s6] =	ssyncset.done $0x0  }
0x78: {  	s21 =	simm.s32 $0x2900;
	[sflag:s6] =	ssyncadd.s32 $0xFFFFE000  }
0x79: {  	[spmem:s3] =	stream.indirect.scatter.add.f32 [tilespmem:s30], [sflag:$0x7], $0x40, s21, s26, $0xb8;
	[tilespmem:$0x1A800] =	vst v63  }
0x7a: {  	_ = 	snop  }
0x7b: {  	[spmem:s4] =	stream.indirect.scatter.add.f32 [tilespmem:s0], [sflag:$0xB], $0x10, s21, s26, $0xb8;
	[tilespmem:$0x1A800] =	vst v63  }
0x7c: {  	_ =	swait.ge [sflag:s7], $0x2000  }
0x7d: {  	[sflag:s7] =	ssyncset.done $0x0  }
0x7e: {  	s10 =	simm.s32 $0x2980;
	[sflag:s7] =	ssyncadd.s32 $0xFFFFE000  }
0x7f: {  	[spmem:s3] =	stream.indirect.scatter.add.f32 [tilespmem:s2], [sflag:$0x8], $0x40, s10, s26, $0xb8;
	[tilespmem:$0x1A800] =	vst v63  }
0x80: {  	_ = 	snop  }
0x81: {  	[spmem:s4] =	stream.indirect.scatter.add.f32 [tilespmem:s0], [sflag:$0xC], $0x10, s10, s26, $0xb8;
	[tilespmem:$0x1A800] =	vst v63  }
0x82: {  	_ =	swait.ge [sflag:s11], $0x2000  }
0x83: {  	[sflag:s11] =	ssyncset.done $0x0  }
0x84: {  	[sflag:s11] =	ssyncadd.s32 $0xFFFFE000  }
0x85: {  	_ =	swait.ge [sflag:s13], $0x800  }
0x86: {  	[sflag:s13] =	ssyncset.done $0x0  }
0x87: {  	s12 =	simm.s32 $0x200;
	[sflag:s13] =	ssyncadd.s32 $0xFFFFF800  }
0x88: {  	[tilespmem:s24], [sflag:$0x1] =	stream.indirect.gather [hbm4b:s1+s26], $0x40, s12, s26, $0xb8;
	[tilespmem:$0x1A800] =	vst v63  }
0x89: {  	_ =	swait.ge [sflag:s15], $0x2000  }
0x8a: {  	[sflag:s15] =	ssyncset.done $0x0  }
0x8b: {  	[sflag:s15] =	ssyncadd.s32 $0xFFFFE000  }
0x8c: {  	_ =	swait.ge [sflag:s17], $0x800  }
0x8d: {  	[sflag:s17] =	ssyncset.done $0x0  }
0x8e: {  	s16 =	simm.s32 $0x280;
	[sflag:s17] =	ssyncadd.s32 $0xFFFFF800  }
0x8f: {  	[tilespmem:s28], [sflag:$0x2] =	stream.indirect.gather [hbm4b:s1+s26], $0x40, s16, s26, $0xb8;
	[tilespmem:$0x1A800] =	vst v63  }
0x90: {  	_ =	swait.ge [sflag:s18], $0x2000  }
0x91: {  	[sflag:s18] =	ssyncset.done $0x0  }
0x92: {  	[sflag:s18] =	ssyncadd.s32 $0xFFFFE000  }
0x93: {  	_ =	swait.ge [sflag:s29], $0x800  }
0x94: {  	[sflag:s29] =	ssyncset.done $0x0  }
0x95: {  	s21 =	simm.s32 $0x300;
	[sflag:s29] =	ssyncadd.s32 $0xFFFFF800  }
0x96: {  	[tilespmem:s30], [sflag:$0x3] =	stream.indirect.gather [hbm4b:s1+s26], $0x40, s21, s26, $0xb8;
	[tilespmem:$0x1A800] =	vst v63  }
0x97: {  	_ =	swait.ge [sflag:s19], $0x2000  }
0x98: {  	[sflag:s19] =	ssyncset.done $0x0  }
0x99: {  	[sflag:s19] =	ssyncadd.s32 $0xFFFFE000  }
0x9a: {  	_ =	swait.ge [sflag:s20], $0x800  }
0x9b: {  	[sflag:s20] =	ssyncset.done $0x0  }
0x9c: {  	s9 =	simm.s32 $0x800;
	s10 =	simm.s32 $0x380;
	[sflag:s20] =	ssyncadd.s32 $0xFFFFF800  }
.LBB2_6:
0x9d: {  	[tilespmem:s2], [sflag:$0x4] =	stream.indirect.gather [hbm4b:s1+s26], $0x40, s10, s26, $0xb8;
	[tilespmem:$0x1A800] =	vst v63  }
0x9e: {  	s10 =	smov.u32 s9  }
0x9f: {  	p0 =	sne.s32 s9, $0x9000;
	s9 =	sadd.s32 $0x800, s9;
	_ =	swait.ge [sflag:s23], $0x2000  }
0xa0: {  	s21 =	sshra.s32 s10, $0x2;
	[sflag:s23] =	ssyncset.done $0x0  }
0xa1: {  	s10 =	sadd.s32 $0x2800, s21;
	[sflag:s23] =	ssyncadd.s32 $0xFFFFE000  }
0xa2: {  	[spmem:s3] =	stream.indirect.scatter.add.f32 [tilespmem:s24], [sflag:$0x5], $0x40, s10, s26, $0xb8;
	[tilespmem:$0x1A800] =	vst v63  }
0xa3: {  	_ = 	snop  }
0xa4: {  	[spmem:s4] =	stream.indirect.scatter.add.f32 [tilespmem:s0], [sflag:$0x9], $0x10, s10, s26, $0xb8;
	[tilespmem:$0x1A800] =	vst v63  }
0xa5: {  	_ =	swait.ge [sflag:s5], $0x2000  }
0xa6: {  	[sflag:s5] =	ssyncset.done $0x0  }
0xa7: {  	s10 =	sadd.s32 $0x2880, s21;
	[sflag:s5] =	ssyncadd.s32 $0xFFFFE000  }
0xa8: {  	[spmem:s3] =	stream.indirect.scatter.add.f32 [tilespmem:s28], [sflag:$0x6], $0x40, s10, s26, $0xb8;
	[tilespmem:$0x1A800] =	vst v63  }
0xa9: {  	_ = 	snop  }
0xaa: {  	[spmem:s4] =	stream.indirect.scatter.add.f32 [tilespmem:s0], [sflag:$0xA], $0x10, s10, s26, $0xb8;
	[tilespmem:$0x1A800] =	vst v63  }
0xab: {  	_ =	swait.ge [sflag:s6], $0x2000  }
0xac: {  	[sflag:s6] =	ssyncset.done $0x0  }
0xad: {  	s10 =	sadd.s32 $0x2900, s21;
	[sflag:s6] =	ssyncadd.s32 $0xFFFFE000  }
0xae: {  	[spmem:s3] =	stream.indirect.scatter.add.f32 [tilespmem:s30], [sflag:$0x7], $0x40, s10, s26, $0xb8;
	[tilespmem:$0x1A800] =	vst v63  }
0xaf: {  	_ = 	snop  }
0xb0: {  	[spmem:s4] =	stream.indirect.scatter.add.f32 [tilespmem:s0], [sflag:$0xB], $0x10, s10, s26, $0xb8;
	[tilespmem:$0x1A800] =	vst v63  }
0xb1: {  	_ =	swait.ge [sflag:s7], $0x2000  }
0xb2: {  	[sflag:s7] =	ssyncset.done $0x0  }
0xb3: {  	s10 =	sadd.s32 $0x2980, s21;
	[sflag:s7] =	ssyncadd.s32 $0xFFFFE000  }
0xb4: {  	[spmem:s3] =	stream.indirect.scatter.add.f32 [tilespmem:s2], [sflag:$0x8], $0x40, s10, s26, $0xb8;
	[tilespmem:$0x1A800] =	vst v63  }
0xb5: {  	_ = 	snop  }
0xb6: {  	[spmem:s4] =	stream.indirect.scatter.add.f32 [tilespmem:s0], [sflag:$0xC], $0x10, s10, s26, $0xb8;
	[tilespmem:$0x1A800] =	vst v63  }
0xb7: {  	_ =	swait.ge [sflag:s11], $0x2000  }
0xb8: {  	[sflag:s11] =	ssyncset.done $0x0  }
0xb9: {  	[sflag:s11] =	ssyncadd.s32 $0xFFFFE000  }
0xba: {  	_ =	swait.ge [sflag:s13], $0x800  }
0xbb: {  	[sflag:s13] =	ssyncset.done $0x0  }
0xbc: {  	s10 =	sadd.s32 $0x200, s21;
	[sflag:s13] =	ssyncadd.s32 $0xFFFFF800  }
0xbd: {  	[tilespmem:s24], [sflag:$0x1] =	stream.indirect.gather [hbm4b:s1+s26], $0x40, s10, s26, $0xb8;
	[tilespmem:$0x1A800] =	vst v63  }
0xbe: {  	_ =	swait.ge [sflag:s15], $0x2000  }
0xbf: {  	[sflag:s15] =	ssyncset.done $0x0  }
0xc0: {  	[sflag:s15] =	ssyncadd.s32 $0xFFFFE000  }
0xc1: {  	_ =	swait.ge [sflag:s17], $0x800  }
0xc2: {  	[sflag:s17] =	ssyncset.done $0x0  }
0xc3: {  	s10 =	sadd.s32 $0x280, s21;
	[sflag:s17] =	ssyncadd.s32 $0xFFFFF800  }
0xc4: {  	[tilespmem:s28], [sflag:$0x2] =	stream.indirect.gather [hbm4b:s1+s26], $0x40, s10, s26, $0xb8;
	[tilespmem:$0x1A800] =	vst v63  }
0xc5: {  	_ =	swait.ge [sflag:s18], $0x2000  }
0xc6: {  	[sflag:s18] =	ssyncset.done $0x0  }
0xc7: {  	[sflag:s18] =	ssyncadd.s32 $0xFFFFE000  }
0xc8: {  	_ =	swait.ge [sflag:s29], $0x800  }
0xc9: {  	[sflag:s29] =	ssyncset.done $0x0  }
0xca: {  	s10 =	sadd.s32 $0x300, s21;
	[sflag:s29] =	ssyncadd.s32 $0xFFFFF800  }
0xcb: {  	[tilespmem:s30], [sflag:$0x3] =	stream.indirect.gather [hbm4b:s1+s26], $0x40, s10, s26, $0xb8;
	[tilespmem:$0x1A800] =	vst v63  }
0xcc: {  	_ =	swait.ge [sflag:s19], $0x2000  }
.Ltmp2:
0xcd: {  	[sflag:s19] =	ssyncset.done $0x0;
	(pc) =	sbr.rel @p0 .LBB2_6-.Ltmp2, $4  }
0xce: {  	[sflag:s19] =	ssyncadd.s32 $0xFFFFE000  }
0xcf: {  	_ =	swait.ge [sflag:s20], $0x800  }
0xd0: {  	[sflag:s20] =	ssyncset.done $0x0  }
0xd1: {  	s10 =	sadd.s32 $0x380, s21;
	[sflag:s20] =	ssyncadd.s32 $0xFFFFF800  }
0xd2: {  	[tilespmem:s2], [sflag:$0x4] =	stream.indirect.gather [hbm4b:s1+s26], $0x40, s10, s26, $0xb8;
	[tilespmem:$0x1A800] =	vst v63  }
0xd3: {  	_ =	swait.ge [sflag:s23], $0x2000  }
0xd4: {  	[sflag:s23] =	ssyncset.done $0x0  }
0xd5: {  	s9 =	simm.s32 $0x4E00;
	[sflag:s23] =	ssyncadd.s32 $0xFFFFE000  }
0xd6: {  	[spmem:s3] =	stream.indirect.scatter.add.f32 [tilespmem:s24], [sflag:$0x5], $0x40, s9, s26, $0xb8;
	[tilespmem:$0x1A800] =	vst v63  }
0xd7: {  	_ = 	snop  }
0xd8: {  	[spmem:s4] =	stream.indirect.scatter.add.f32 [tilespmem:s0], [sflag:$0x9], $0x10, s9, s26, $0xb8;
	[tilespmem:$0x1A800] =	vst v63  }
0xd9: {  	_ =	swait.ge [sflag:s5], $0x2000  }
0xda: {  	[sflag:s5] =	ssyncset.done $0x0  }
0xdb: {  	s16 =	simm.s32 $0x4E80;
	[sflag:s5] =	ssyncadd.s32 $0xFFFFE000  }
0xdc: {  	[spmem:s3] =	stream.indirect.scatter.add.f32 [tilespmem:s28], [sflag:$0x6], $0x40, s16, s26, $0xb8;
	[tilespmem:$0x1A800] =	vst v63  }
0xdd: {  	_ = 	snop  }
0xde: {  	[spmem:s4] =	stream.indirect.scatter.add.f32 [tilespmem:s0], [sflag:$0xA], $0x10, s16, s26, $0xb8;
	[tilespmem:$0x1A800] =	vst v63  }
0xdf: {  	_ =	swait.ge [sflag:s6], $0x2000  }
0xe0: {  	[sflag:s6] =	ssyncset.done $0x0  }
0xe1: {  	s21 =	simm.s32 $0x4F00;
	[sflag:s6] =	ssyncadd.s32 $0xFFFFE000  }
0xe2: {  	[spmem:s3] =	stream.indirect.scatter.add.f32 [tilespmem:s30], [sflag:$0x7], $0x40, s21, s26, $0xb8;
	[tilespmem:$0x1A800] =	vst v63  }
0xe3: {  	_ = 	snop  }
0xe4: {  	[spmem:s4] =	stream.indirect.scatter.add.f32 [tilespmem:s0], [sflag:$0xB], $0x10, s21, s26, $0xb8;
	[tilespmem:$0x1A800] =	vst v63  }
0xe5: {  	_ =	swait.ge [sflag:s7], $0x2000  }
0xe6: {  	[sflag:s7] =	ssyncset.done $0x0  }
0xe7: {  	s10 =	simm.s32 $0x4F80;
	[sflag:s7] =	ssyncadd.s32 $0xFFFFE000  }
0xe8: {  	[spmem:s3] =	stream.indirect.scatter.add.f32 [tilespmem:s2], [sflag:$0x8], $0x40, s10, s26, $0xb8;
	[tilespmem:$0x1A800] =	vst v63  }
0xe9: {  	_ = 	snop  }
0xea: {  	[spmem:s4] =	stream.indirect.scatter.add.f32 [tilespmem:s0], [sflag:$0xC], $0x10, s10, s26, $0xb8;
	[tilespmem:$0x1A800] =	vst v63  }
0xeb: {  	_ =	swait.ge [sflag:s11], $0x2000  }
0xec: {  	[sflag:s11] =	ssyncset.done $0x0  }
0xed: {  	[sflag:s11] =	ssyncadd.s32 $0xFFFFE000  }
0xee: {  	_ =	swait.ge [sflag:s13], $0x800  }
0xef: {  	[sflag:s13] =	ssyncset.done $0x0  }
0xf0: {  	[sflag:s13] =	ssyncadd.s32 $0xFFFFF800  }
0xf1: {  	_ =	swait.ge [sflag:s15], $0x2000  }
0xf2: {  	[sflag:s15] =	ssyncset.done $0x0  }
0xf3: {  	[sflag:s15] =	ssyncadd.s32 $0xFFFFE000  }
0xf4: {  	_ =	swait.ge [sflag:s17], $0x800  }
0xf5: {  	[sflag:s17] =	ssyncset.done $0x0  }
0xf6: {  	[sflag:s17] =	ssyncadd.s32 $0xFFFFF800  }
0xf7: {  	_ =	swait.ge [sflag:s18], $0x2000  }
0xf8: {  	[sflag:s18] =	ssyncset.done $0x0  }
0xf9: {  	[sflag:s18] =	ssyncadd.s32 $0xFFFFE000  }
0xfa: {  	_ =	swait.ge [sflag:s29], $0x800  }
0xfb: {  	[sflag:s29] =	ssyncset.done $0x0  }
0xfc: {  	[sflag:s29] =	ssyncadd.s32 $0xFFFFF800  }
0xfd: {  	_ =	swait.ge [sflag:s19], $0x2000  }
0xfe: {  	[sflag:s19] =	ssyncset.done $0x0  }
0xff: {  	[sflag:s19] =	ssyncadd.s32 $0xFFFFE000  }
0x100: {  	_ =	swait.ge [sflag:s20], $0x800  }
0x101: {  	[sflag:s20] =	ssyncset.done $0x0  }
0x102: {  	s12 =	stileid.u32;
	[sflag:s20] =	ssyncadd.s32 $0xFFFFF800  }
0x103: {  	s9 =	sshll.u32 s12, $0x6;
	s12 =	simm.s32 $0x10;
	[bflag:$0x0] =	sbarrier.arrive $0xFFFF  }
0x104: {  	s21 =	sor.u32 $0x1C0D, s9;
	s9 =	sshrl.u32 s8, $0x3;
	s16 =	rddreg [dreg:$0x10]  }
0x105: {  	[hbm:s16@s12], [sflag:s21] =	dma.strided [spmem:s9@s19], $0x1400, s23, $0x8   }
0x106: {  	_ =	swait.ge [sflag:s22], $0x1400  }
0x107: {  	s16 =	smov.u32 s14;
	[sflag:s22] =	ssyncset.done $0x0  }
0x108: {  	s12 =	sshrl.u32 s14, $0x3;
	s14 =	rddreg [dreg:$0x11];
	[sflag:s22] =	ssyncadd.s32 $0xFFFFEC00  }
0x109: {  	[hbm:s14], [sflag:s21] =	dma.local [spmem:s12], $0x500  }
0x10a: {  	_ =	swait.ge [sflag:s22], $0x500  }
0x10b: {  	[sflag:s22] =	ssyncset.done $0x0  }
0x10c: {  	s10 =	simm.s32 $0x0;
	[sflag:s22] =	ssyncadd.s32 $0xFFFFFB00  }
0x10d: {  	v4 =	vld [tilespmem:s10+$0x0]  }
0x10e: {  	v6 =	vld [tilespmem:s10+$0x10]  }
0x10f: {  	v5 =	vld [tilespmem:s10+$0x20]  }
0x110: {  	v3 =	vld [tilespmem:s10+$0x30]  }
0x111: {  	v2 =	vld [tilespmem:s10+$0x40]  }
0x112: {  	v7 =	vadd.s32 $0x1, v4;
	v4 =	vld [tilespmem:s10+$0x50]  }
0x113: {  	s12 =	simm.s32 $0x200;
	[tilespmem:s10+$0x0] =	vst v7;
	v7 =	vadd.s32 $0x1, v6;
	v6 =	vld [tilespmem:s10+$0x60]  }
.LBB2_8:
0x114: {  	s14 =	sshra.s32 s12, $0x2;
	p0 =	sne.s32 s12, $0x9E00;
	[tilespmem:s10+$0x10] =	vst v7;
	v5 =	vadd.s32 $0x1, v5;
	v7 =	vld [tilespmem:s10+$0x70]  }
0x115: {  	v8 =	vld [tilespmem:s14+$0x0];
	[tilespmem:s10+$0x20] =	vst v5;
	v3 =	vadd.s32 $0x1, v3  }
0x116: {  	v9 =	vld [tilespmem:s14+$0x10];
	[tilespmem:s10+$0x30] =	vst v3;
	v2 =	vadd.s32 $0x1, v2  }
.Ltmp3:
0x117: {  	v5 =	vld [tilespmem:s14+$0x20];
	[tilespmem:s10+$0x40] =	vst v2;
	v2 =	vadd.s32 $0x1, v4;
	(pc) =	sbr.rel @p0 .LBB2_8-.Ltmp3, $4  }
0x118: {  	v3 =	vld [tilespmem:s14+$0x30];
	[tilespmem:s10+$0x50] =	vst v2;
	v4 =	vadd.s32 $0x1, v6  }
0x119: {  	v2 =	vld [tilespmem:s14+$0x40];
	[tilespmem:s10+$0x60] =	vst v4;
	v6 =	vadd.s32 $0x1, v7  }
0x11a: {  	v7 =	vadd.s32 $0x1, v8;
	v4 =	vld [tilespmem:s14+$0x50];
	[tilespmem:s10+$0x70] =	vst v6;
	s10 =	smov.u32 s14  }
0x11b: {  	s12 =	sadd.s32 $0x200, s12;
	[tilespmem:s10+$0x0] =	vst v7;
	v7 =	vadd.s32 $0x1, v9;
	v6 =	vld [tilespmem:s10+$0x60]  }
0x11c: {  	[tilespmem:s10+$0x10] =	vst v7;
	v5 =	vadd.s32 $0x1, v5;
	v63 =	vld [tilespmem:s10+$0x70]  }
0x11d: {  	[tilespmem:s10+$0x20] =	vst v5;
	v3 =	vadd.s32 $0x1, v3  }
0x11e: {  	[tilespmem:s10+$0x30] =	vst v3;
	v2 =	vadd.s32 $0x1, v2  }
0x11f: {  	[tilespmem:s10+$0x40] =	vst v2;
	v2 =	vadd.s32 $0x1, v4  }
0x120: {  	[tilespmem:s10+$0x50] =	vst v2;
	v2 =	vadd.s32 $0x1, v6  }
0x121: {  	[tilespmem:s10+$0x60] =	vst v2;
	v2 =	vadd.s32 $0x1, v63  }
0x122: {  	s12 =	simm.s32 $0x100;
	[tilespmem:s10+$0x70] =	vst v2;
	s10 =	simm.s32 $0x0  }
.LBB2_10:
0x123: {  	p0 =	sne.s32 s12, $0x7F00;
	[tilespmem:s10+$0x5030] =	vst v1;
	s14 =	smov.u32 s12;
	s12 =	sadd.s32 $0x100, s12  }
.Ltmp4:
0x124: {  	[tilespmem:s10+$0x5020] =	vst v1;
	(pc) =	sbr.rel @p0 .LBB2_10-.Ltmp4, $3  }
0x125: {  	[tilespmem:s10+$0x5000] =	vst v1  }
0x126: {  	[tilespmem:s10+$0x5010] =	vst v1;
	_ =	sdelay $0x1  }
0x127: {  	s10 =	sshra.s32 s14, $0x2  }
0x128: {  	[tilespmem:s10+$0x5030] =	vst v1  }
0x129: {  	[tilespmem:s10+$0x5020] =	vst v1  }
0x12a: {  	[tilespmem:s10+$0x5000] =	vst v1  }
0x12b: {  	[tilespmem:s10+$0x5010] =	vst v1  }
0x12c: {  	[spmem:s8] =	stream.linear.scatter [tilespmem:s24], [sflag:$0xD], $0x2000, $0x38;
	[tilespmem:$0x1A800] =	vst v63  }
0x12d: {  	_ =	swait.ge [sflag:s22], $0x2000  }
0x12e: {  	[sflag:s22] =	ssyncset.done $0x0  }
0x12f: {  	s12 =	rddreg [dreg:$0x8];
	[sflag:s22] =	ssyncadd.s32 $0xFFFFE000  }
0x130: {  	[spmem:s12] =	stream.linear.scatter [tilespmem:s24], [sflag:$0xD], $0x2000, $0x38;
	[tilespmem:$0x1A800] =	vst v63  }
0x131: {  	_ =	swait.ge [sflag:s22], $0x2000  }
0x132: {  	[sflag:s22] =	ssyncset.done $0x0  }
0x133: {  	s14 =	rddreg [dreg:$0xa];
	[sflag:s22] =	ssyncadd.s32 $0xFFFFE000  }
0x134: {  	[spmem:s14] =	stream.linear.scatter [tilespmem:s24], [sflag:$0xD], $0x2000, $0x38;
	[tilespmem:$0x1A800] =	vst v63  }
0x135: {  	_ =	swait.ge [sflag:s22], $0x2000  }
0x136: {  	[sflag:s22] =	ssyncset.done $0x0  }
0x137: {  	s12 =	rddreg [dreg:$0xc];
	[sflag:s22] =	ssyncadd.s32 $0xFFFFE000  }
0x138: {  	[spmem:s12] =	stream.linear.scatter [tilespmem:s24], [sflag:$0xD], $0x2000, $0x38;
	[tilespmem:$0x1A800] =	vst v63  }
0x139: {  	_ =	swait.ge [sflag:s22], $0x2000  }
0x13a: {  	[sflag:s22] =	ssyncset.done $0x0  }
0x13b: {  	s14 =	rddreg [dreg:$0xe];
	[sflag:s22] =	ssyncadd.s32 $0xFFFFE000  }
0x13c: {  	[spmem:s14] =	stream.linear.scatter [tilespmem:s24], [sflag:$0xD], $0x2000, $0x38;
	[tilespmem:$0x1A800] =	vst v63  }
0x13d: {  	_ =	swait.ge [sflag:s22], $0x2000  }
0x13e: {  	[sflag:s22] =	ssyncset.done $0x0  }
0x13f: {  	[sflag:s22] =	ssyncadd.s32 $0xFFFFE000  }
0x140: {  	s12 =	simm.s32 $0x0;
	[bflag:$0x0] =	sbarrier.arrive $0xFFFF  }
0x141: {  	[tilespmem:s24], [sflag:$0x1] =	stream.indirect.gather [hbm4b:s1+s26], $0x40, s12, s26, $0xb8;
	[tilespmem:$0x1A800] =	vst v63  }
0x142: {  	_ = 	snop  }
0x143: {  	[tilespmem:s28], [sflag:$0x2] =	stream.indirect.gather [hbm4b:s1+s26], $0x40, s26, s26, $0xb8;
	[tilespmem:$0x1A800] =	vst v63  }
0x144: {  	s14 =	simm.s32 $0x100  }
0x145: {  	[tilespmem:s30], [sflag:$0x3] =	stream.indirect.gather [hbm4b:s1+s26], $0x40, s14, s26, $0xb8;
	[tilespmem:$0x1A800] =	vst v63  }
0x146: {  	s12 =	simm.s32 $0x180  }
0x147: {  	[tilespmem:s2], [sflag:$0x4] =	stream.indirect.gather [hbm4b:s1+s26], $0x40, s12, s26, $0xb8;
	[tilespmem:$0x1A800] =	vst v63  }
0x148: {  	_ =	swait.ge [sflag:s23], $0x2000  }
0x149: {  	[sflag:s23] =	ssyncset.done $0x0  }
0x14a: {  	s14 =	simm.s32 $0x2800;
	[sflag:s23] =	ssyncadd.s32 $0xFFFFE000  }
0x14b: {  	[spmem:s3] =	stream.indirect.scatter.add.f32 [tilespmem:s24], [sflag:$0x5], $0x40, s14, s26, $0xb8;
	[tilespmem:$0x1A800] =	vst v63  }
0x14c: {  	_ =	swait.ge [sflag:s5], $0x2000  }
0x14d: {  	[sflag:s5] =	ssyncset.done $0x0  }
0x14e: {  	s12 =	simm.s32 $0x2880;
	[sflag:s5] =	ssyncadd.s32 $0xFFFFE000  }
0x14f: {  	[spmem:s3] =	stream.indirect.scatter.add.f32 [tilespmem:s28], [sflag:$0x6], $0x40, s12, s26, $0xb8;
	[tilespmem:$0x1A800] =	vst v63  }
0x150: {  	_ =	swait.ge [sflag:s6], $0x2000  }
0x151: {  	[sflag:s6] =	ssyncset.done $0x0  }
0x152: {  	s14 =	simm.s32 $0x2900;
	[sflag:s6] =	ssyncadd.s32 $0xFFFFE000  }
0x153: {  	[spmem:s3] =	stream.indirect.scatter.add.f32 [tilespmem:s30], [sflag:$0x7], $0x40, s14, s26, $0xb8;
	[tilespmem:$0x1A800] =	vst v63  }
0x154: {  	_ =	swait.ge [sflag:s7], $0x2000  }
0x155: {  	[sflag:s7] =	ssyncset.done $0x0  }
0x156: {  	s12 =	simm.s32 $0x2980;
	[sflag:s7] =	ssyncadd.s32 $0xFFFFE000  }
0x157: {  	[spmem:s3] =	stream.indirect.scatter.add.f32 [tilespmem:s2], [sflag:$0x8], $0x40, s12, s26, $0xb8;
	[tilespmem:$0x1A800] =	vst v63  }
0x158: {  	_ =	swait.ge [sflag:s11], $0x2000  }
0x159: {  	[sflag:s11] =	ssyncset.done $0x0  }
0x15a: {  	s14 =	simm.s32 $0x200;
	[sflag:s11] =	ssyncadd.s32 $0xFFFFE000  }
0x15b: {  	[tilespmem:s24], [sflag:$0x1] =	stream.indirect.gather [hbm4b:s1+s26], $0x40, s14, s26, $0xb8;
	[tilespmem:$0x1A800] =	vst v63  }
0x15c: {  	_ =	swait.ge [sflag:s15], $0x2000  }
0x15d: {  	[sflag:s15] =	ssyncset.done $0x0  }
0x15e: {  	s12 =	simm.s32 $0x280;
	[sflag:s15] =	ssyncadd.s32 $0xFFFFE000  }
0x15f: {  	[tilespmem:s28], [sflag:$0x2] =	stream.indirect.gather [hbm4b:s1+s26], $0x40, s12, s26, $0xb8;
	[tilespmem:$0x1A800] =	vst v63  }
0x160: {  	_ =	swait.ge [sflag:s18], $0x2000  }
0x161: {  	[sflag:s18] =	ssyncset.done $0x0  }
0x162: {  	s14 =	simm.s32 $0x300;
	[sflag:s18] =	ssyncadd.s32 $0xFFFFE000  }
0x163: {  	[tilespmem:s30], [sflag:$0x3] =	stream.indirect.gather [hbm4b:s1+s26], $0x40, s14, s26, $0xb8;
	[tilespmem:$0x1A800] =	vst v63  }
0x164: {  	_ =	swait.ge [sflag:s19], $0x2000  }
0x165: {  	[sflag:s19] =	ssyncset.done $0x0  }
0x166: {  	s10 =	simm.s32 $0x800;
	s12 =	simm.s32 $0x380;
	[sflag:s19] =	ssyncadd.s32 $0xFFFFE000  }
.LBB2_12:
0x167: {  	[tilespmem:s2], [sflag:$0x4] =	stream.indirect.gather [hbm4b:s1+s26], $0x40, s12, s26, $0xb8;
	[tilespmem:$0x1A800] =	vst v63  }
0x168: {  	s12 =	smov.u32 s10  }
0x169: {  	p0 =	sne.s32 s10, $0x9000;
	s10 =	sadd.s32 $0x800, s10;
	_ =	swait.ge [sflag:s23], $0x2000  }
0x16a: {  	s12 =	sshra.s32 s12, $0x2;
	[sflag:s23] =	ssyncset.done $0x0  }
0x16b: {  	s14 =	sadd.s32 $0x2800, s12;
	[sflag:s23] =	ssyncadd.s32 $0xFFFFE000  }
0x16c: {  	[spmem:s3] =	stream.indirect.scatter.add.f32 [tilespmem:s24], [sflag:$0x5], $0x40, s14, s26, $0xb8;
	[tilespmem:$0x1A800] =	vst v63  }
0x16d: {  	_ =	swait.ge [sflag:s5], $0x2000  }
0x16e: {  	[sflag:s5] =	ssyncset.done $0x0  }
0x16f: {  	s14 =	sadd.s32 $0x2880, s12;
	[sflag:s5] =	ssyncadd.s32 $0xFFFFE000  }
0x170: {  	[spmem:s3] =	stream.indirect.scatter.add.f32 [tilespmem:s28], [sflag:$0x6], $0x40, s14, s26, $0xb8;
	[tilespmem:$0x1A800] =	vst v63  }
0x171: {  	_ =	swait.ge [sflag:s6], $0x2000  }
0x172: {  	[sflag:s6] =	ssyncset.done $0x0  }
0x173: {  	s14 =	sadd.s32 $0x2900, s12;
	[sflag:s6] =	ssyncadd.s32 $0xFFFFE000  }
0x174: {  	[spmem:s3] =	stream.indirect.scatter.add.f32 [tilespmem:s30], [sflag:$0x7], $0x40, s14, s26, $0xb8;
	[tilespmem:$0x1A800] =	vst v63  }
0x175: {  	_ =	swait.ge [sflag:s7], $0x2000  }
0x176: {  	[sflag:s7] =	ssyncset.done $0x0  }
0x177: {  	s14 =	sadd.s32 $0x2980, s12;
	[sflag:s7] =	ssyncadd.s32 $0xFFFFE000  }
0x178: {  	[spmem:s3] =	stream.indirect.scatter.add.f32 [tilespmem:s2], [sflag:$0x8], $0x40, s14, s26, $0xb8;
	[tilespmem:$0x1A800] =	vst v63  }
0x179: {  	_ =	swait.ge [sflag:s11], $0x2000  }
0x17a: {  	[sflag:s11] =	ssyncset.done $0x0  }
0x17b: {  	s14 =	sadd.s32 $0x200, s12;
	[sflag:s11] =	ssyncadd.s32 $0xFFFFE000  }
0x17c: {  	[tilespmem:s24], [sflag:$0x1] =	stream.indirect.gather [hbm4b:s1+s26], $0x40, s14, s26, $0xb8;
	[tilespmem:$0x1A800] =	vst v63  }
0x17d: {  	_ =	swait.ge [sflag:s15], $0x2000  }
0x17e: {  	[sflag:s15] =	ssyncset.done $0x0  }
0x17f: {  	s14 =	sadd.s32 $0x280, s12;
	[sflag:s15] =	ssyncadd.s32 $0xFFFFE000  }
0x180: {  	[tilespmem:s28], [sflag:$0x2] =	stream.indirect.gather [hbm4b:s1+s26], $0x40, s14, s26, $0xb8;
	[tilespmem:$0x1A800] =	vst v63  }
0x181: {  	_ =	swait.ge [sflag:s18], $0x2000  }
0x182: {  	[sflag:s18] =	ssyncset.done $0x0  }
.Ltmp5:
0x183: {  	s14 =	sadd.s32 $0x300, s12;
	[sflag:s18] =	ssyncadd.s32 $0xFFFFE000;
	(pc) =	sbr.rel @p0 .LBB2_12-.Ltmp5, $4  }
0x184: {  	[tilespmem:s30], [sflag:$0x3] =	stream.indirect.gather [hbm4b:s1+s26], $0x40, s14, s26, $0xb8;
	[tilespmem:$0x1A800] =	vst v63  }
0x185: {  	_ =	swait.ge [sflag:s19], $0x2000  }
0x186: {  	[sflag:s19] =	ssyncset.done $0x0  }
0x187: {  	s12 =	sadd.s32 $0x380, s12;
	[sflag:s19] =	ssyncadd.s32 $0xFFFFE000  }
0x188: {  	[tilespmem:s2], [sflag:$0x4] =	stream.indirect.gather [hbm4b:s1+s26], $0x40, s12, s26, $0xb8;
	[tilespmem:$0x1A800] =	vst v63  }
0x189: {  	_ =	swait.ge [sflag:s23], $0x2000  }
0x18a: {  	[sflag:s23] =	ssyncset.done $0x0  }
0x18b: {  	s10 =	simm.s32 $0x4E00;
	[sflag:s23] =	ssyncadd.s32 $0xFFFFE000  }
0x18c: {  	[spmem:s3] =	stream.indirect.scatter.add.f32 [tilespmem:s24], [sflag:$0x5], $0x40, s10, s26, $0xb8;
	[tilespmem:$0x1A800] =	vst v63  }
0x18d: {  	_ =	swait.ge [sflag:s5], $0x2000  }
0x18e: {  	[sflag:s5] =	ssyncset.done $0x0  }
0x18f: {  	s14 =	simm.s32 $0x4E80;
	[sflag:s5] =	ssyncadd.s32 $0xFFFFE000  }
0x190: {  	[spmem:s3] =	stream.indirect.scatter.add.f32 [tilespmem:s28], [sflag:$0x6], $0x40, s14, s26, $0xb8;
	[tilespmem:$0x1A800] =	vst v63  }
0x191: {  	_ =	swait.ge [sflag:s6], $0x2000  }
0x192: {  	[sflag:s6] =	ssyncset.done $0x0  }
0x193: {  	s12 =	simm.s32 $0x4F00;
	[sflag:s6] =	ssyncadd.s32 $0xFFFFE000  }
0x194: {  	[spmem:s3] =	stream.indirect.scatter.add.f32 [tilespmem:s30], [sflag:$0x7], $0x40, s12, s26, $0xb8;
	[tilespmem:$0x1A800] =	vst v63  }
0x195: {  	_ =	swait.ge [sflag:s7], $0x2000  }
0x196: {  	[sflag:s7] =	ssyncset.done $0x0  }
0x197: {  	s14 =	simm.s32 $0x4F80;
	[sflag:s7] =	ssyncadd.s32 $0xFFFFE000  }
0x198: {  	[spmem:s3] =	stream.indirect.scatter.add.f32 [tilespmem:s2], [sflag:$0x8], $0x40, s14, s26, $0xb8;
	[tilespmem:$0x1A800] =	vst v63  }
0x199: {  	_ =	swait.ge [sflag:s11], $0x2000  }
0x19a: {  	[sflag:s11] =	ssyncset.done $0x0  }
0x19b: {  	[sflag:s11] =	ssyncadd.s32 $0xFFFFE000  }
0x19c: {  	_ =	swait.ge [sflag:s15], $0x2000  }
0x19d: {  	[sflag:s15] =	ssyncset.done $0x0  }
0x19e: {  	[sflag:s15] =	ssyncadd.s32 $0xFFFFE000  }
0x19f: {  	_ =	swait.ge [sflag:s18], $0x2000  }
0x1a0: {  	[sflag:s18] =	ssyncset.done $0x0  }
0x1a1: {  	[sflag:s18] =	ssyncadd.s32 $0xFFFFE000  }
0x1a2: {  	_ =	swait.ge [sflag:s19], $0x2000  }
0x1a3: {  	[sflag:s19] =	ssyncset.done $0x0  }
0x1a4: {  	[sflag:s19] =	ssyncadd.s32 $0xFFFFE000  }
0x1a5: {  	[bflag:$0x0] =	sbarrier.arrive $0xFFFF  }
0x1a6: {  	s14 =	simm.s32 $0x10;
	s12 =	rddreg [dreg:$0x12]  }
0x1a7: {  	[hbm:s12@s14], [sflag:s21] =	dma.strided [spmem:s9@s19], $0x1400, s23, $0x8   }
0x1a8: {  	_ =	swait.ge [sflag:s22], $0x1400  }
0x1a9: {  	s31 =	sadd.s32 $0x1, s31;
	s21 =	rddreg [dreg:$0x13]  }
0x1aa: {  	p0 =	sne.s32 s31, s21  }
.Ltmp6:
0x1ab: {  	_ = 	snop;
	(pc) =	sbr.rel @p0 .LBB2_1-.Ltmp6, $3  }
0x1ac: {  	_ =	sdelay $0x1  }
0x1ad: {  	[sflag:s22] =	ssyncset.done $0x0  }
0x1ae: {  	s14 =	smov.u32 s16;
	[sflag:s22] =	ssyncadd.s32 $0xFFFFEC00  }
0x1af: {  	_ =	sfence.sel $0x180000  }
0x1b0: {  	[bflag:$0x0] =	sbarrier.arrive $0xFFFF  }
0x1b1: {  	_ =	strace $0x90000047  }
0x1b2: {  	s0 =	stileid.u32;
	[bflag:$0x2] =	sbarrier.arrive $0xFFFF  }
0x1b3: {  	p0 =	sne.s32 s0, $0x0;
	s0 =	rddreg [dreg:$0x5]  }
0x1b4: {  	s0 =	sadd.s32 @!p0 $0x100000, s0  }
0x1b5: {  	[sflag:s0] =	ssyncadd.tile.s32 @!p0 $0x1;
	_ =	shalt  }
.Lfunc_end2:
_tile_overlayer_lowered:
.L_overlay_start_2:
0x1b6: {  	(tag) =	ssettag $0x2  }
0x1b7: {  	s0 =	rddreg [dreg:$0x0];
	s2 =	stileid.u32  }
0x1b8: {  	s1 =	rddreg [dreg:$0x1];
	p0 =	sne.s32 s2, $0x0  }
0x1b9: {  	s3 =	rddreg [dreg:$0x2];
	[bflag:$0x3] =	sbarrier.arrive $0xFFFF;
	s2 =	simm.s32 @!p0 $0x1C0D  }
0x1ba: {  	[timem:s3], [sflag:s2] =	dma.local @!p0 [hbm:s0], s1  }
0x1bb: {  	s0 =	simm.s32 @!p0 $0xD  }
0x1bc: {  	_ =	swait.ge @!p0 [sflag:s0], s1  }
0x1bd: {  	s1 =	ssub.s32 @!p0 $0x0, s1;
	[sflag:s0] =	ssyncset.done @!p0 $0x0  }
0x1be: {  	[sflag:s0] =	ssyncadd.s32 @!p0 s1  }
0x1bf: {  	[bflag:$0x3] =	sbarrier.arrive $0xFFFF  }
0x1c0: {  	_ =	shalt  }

// kernel: kernel.9.cloned.1.call-start
scs
__scs_entry_jumppad:
0x0: {  	(pc) =	sbr.rel $0x88, $3  }
0x1: {  	(tag) =	ssettag $0x0;
	lr =	simm.s32 $0x1  }
0x2: {  	[smem:$0x3F99] =	sst lr;
	_ =	strace $0xD0000000  }
0x3: {  	_ = 	snop  }
0x4: {  	_ = 	snop  }
0x5: {  	_ = 	snop  }
0x6: {  	_ = 	snop  }
0x7: {  	_ = 	snop  }
__scs_overlays_trampoline_lowered:
0x8: {  	[smem:$0x3FA8] =	sst s0  }
0x9: {  	[smem:$0x3FA9] =	sst s1  }
0xa: {  	[smem:$0x3FAA] =	sst s2  }
0xb: {  	[smem:$0x3FAB] =	sst s3  }
0xc: {  	[smem:$0x3FAC] =	sst s4  }
0xd: {  	[smem:$0x3FAD] =	sst s5  }
0xe: {  	[smem:$0x3FAE] =	sst s6  }
0xf: {  	[smem:$0x3FAF] =	sst s7  }
0x10: {  	[smem:$0x3FB0] =	sst s8  }
0x11: {  	[smem:$0x3FB1] =	sst s9;
	s0 =	simm.s32 @!p0 $0x0  }
0x12: {  	s1 =	sld [smem:$0x3F97];
	s0 =	simm.s32 @p0 $0x1  }
0x13: {  	[smem:$0x3FB2] =	sst s0;
	s0 =	simm.s32 @!p1 $0x0  }
0x14: {  	s2 =	sld [smem:$0x3F96];
	s0 =	simm.s32 @p1 $0x1  }
0x15: {  	[smem:$0x3FB3] =	sst s0;
	s0 =	simm.s32 @!p2 $0x0  }
0x16: {  	s3 =	sld [smem:$0x3FDB];
	s0 =	simm.s32 @p2 $0x1  }
0x17: {  	s4 =	simm.s32 $0x1BF5;
	[smem:$0x3FB5] =	sst s0  }
0x18: {  	s0 =	sld [smem:$0x3F98];
	_ =	swait.ge [sflag:s4], $0x0  }
0x19: {  	s7 =	sld [smem:$0x3F99]  }
0x1a: {  	s8 =	sadd.s32 $0xFFFFE003, lr  }
0x1b: {  	s9 =	sadd.s32 $0xFFFFFEF7, lr;
	s5 =	simm.s32 $0xFFFFFFFF;
	p2 =	slt.u32 s8, $0xFFFFF086  }
0x1c: {  	p1 =	slt.u32 s9, $0xF7A;
	s5 =	simm.s32 @!p2 $0x0  }
0x1d: {  	s5 =	simm.s32 @p1 $0x1;
	p0 =	seq.s32 s7, s2  }
0x1e: {  	s7 =	smul.u32 @!p0 $0xF7A, s2;
	p2 =	seq.s32 @!p0 s5, $0x0  }
0x1f: {  	s9 =	smul.u32 $0xF7A, s1;
	s8 =	simm.s32 @!p0 $0x1BF5;
	p2 =	por !p2, p0  }
0x20: {  	[sflag:s8] =	ssyncset.s32 @!p0 $0xFFFFF086;
	s6 =	sadd.s32 @!p0 s3, s7;
	s7 =	simm.s32 @!p0 $0x108  }
0x21: {  	s3 =	sadd.s32 s3, s9;
	s6 =	sadd.s32 @!p0 $0x88, s6;
	s7 =	simm.s32 @p2 $0x1082  }
0x22: {  	[simem:s7], [sflag:s8] =	dma.local @!p0 [hbm:s6], $0xF7A  }
0x23: {  	s9 =	sor.u32 $0xD0000000, s2;
	s6 =	simm.s32 $0x108;
	_ =	swait.ge @!p0 [sflag:s8], $0x0  }
0x24: {  	s3 =	sadd.s32 $0x88, s3;
	s6 =	simm.s32 @!p1 $0x1082;
	[sflag:s4] =	ssyncset.s32 $0xFFFFF086  }
0x25: {  	[simem:s6], [sflag:s4] =	dma.local [hbm:s3], $0xF7A  }
0x26: {  	[smem:$0x3F99] =	sst s1;
	(tag) =	ssettag s2;
	_ =	strace s9  }
0x27: {  	s1 =	sld [smem:$0x3FA9]  }
0x28: {  	s2 =	sld [smem:$0x3FAA]  }
0x29: {  	s4 =	sld [smem:$0x3FAC]  }
0x2a: {  	p0 =	seq.s32 s5, $0x0;
	s5 =	sld [smem:$0x3FAD]  }
0x2b: {  	s6 =	sld [smem:$0x3FAE]  }
0x2c: {  	s7 =	sld [smem:$0x3FAF]  }
0x2d: {  	s3 =	simm.s32 $0x108;
	s8 =	sld [smem:$0x3FB0]  }
0x2e: {  	s3 =	simm.s32 @!p0 $0x1082;
	s9 =	sld [smem:$0x3FB1]  }
0x2f: {  	lr =	sadd.s32 s0, s3;
	s0 =	sld [smem:$0x3FA8]  }
0x30: {  	s3 =	sld [smem:$0x3FAB]  }
0x31: {  	[smem:$0x3FB4] =	sst s10  }
0x32: {  	s10 =	sld [smem:$0x3FB2];
	_ =	sdelay $0x3  }
0x33: {  	p0 =	seq.s32 s10, $0x1;
	s10 =	sld [smem:$0x3FB4];
	_ =	sdelay $0x3  }
0x34: {  	[smem:$0x3FB4] =	sst s10  }
0x35: {  	s10 =	sld [smem:$0x3FB3];
	_ =	sdelay $0x3  }
0x36: {  	p1 =	seq.s32 s10, $0x1;
	s10 =	sld [smem:$0x3FB4];
	_ =	sdelay $0x3  }
0x37: {  	[smem:$0x3FB4] =	sst s10  }
0x38: {  	s10 =	sld [smem:$0x3FB5]  }
0x39: {  	_ = 	snop;
	(pc) =	sbr.ind lr, $3  }
0x3a: {  	_ = 	snop  }
0x3b: {  	_ = 	snop  }
0x3c: {  	p2 =	seq.s32 s10, $0x1;
	s10 =	sld [smem:$0x3FB4]  }
0x3d: {  	_ =	shalt  }
0x3e: {  	_ =	shalt  }
0x3f: {  	_ =	shalt  }
0x40: {  	_ =	shalt  }
0x41: {  	_ =	shalt  }
0x42: {  	_ =	shalt  }
0x43: {  	_ =	shalt  }
0x44: {  	_ =	shalt  }
0x45: {  	_ =	shalt  }
0x46: {  	_ =	shalt  }
0x47: {  	_ =	shalt  }
0x48: {  	_ =	shalt  }
0x49: {  	_ =	shalt  }
0x4a: {  	_ =	shalt  }
0x4b: {  	_ =	shalt  }
0x4c: {  	_ =	shalt  }
0x4d: {  	_ =	shalt  }
0x4e: {  	_ =	shalt  }
0x4f: {  	_ =	shalt  }
0x50: {  	_ =	shalt  }
0x51: {  	_ =	shalt  }
0x52: {  	_ =	shalt  }
0x53: {  	_ =	shalt  }
0x54: {  	_ =	shalt  }
0x55: {  	_ =	shalt  }
0x56: {  	_ =	shalt  }
0x57: {  	_ =	shalt  }
0x58: {  	_ =	shalt  }
0x59: {  	_ =	shalt  }
0x5a: {  	_ =	shalt  }
0x5b: {  	_ =	shalt  }
0x5c: {  	_ =	shalt  }
0x5d: {  	_ =	shalt  }
0x5e: {  	_ =	shalt  }
0x5f: {  	_ =	shalt  }
0x60: {  	_ =	shalt  }
0x61: {  	_ =	shalt  }
0x62: {  	_ =	shalt  }
0x63: {  	_ =	shalt  }
0x64: {  	_ =	shalt  }
0x65: {  	_ =	shalt  }
0x66: {  	_ =	shalt  }
0x67: {  	_ =	shalt  }
0x68: {  	_ =	shalt  }
0x69: {  	_ =	shalt  }
0x6a: {  	_ =	shalt  }
0x6b: {  	_ =	shalt  }
0x6c: {  	_ =	shalt  }
0x6d: {  	_ =	shalt  }
0x6e: {  	_ =	shalt  }
0x6f: {  	_ =	shalt  }
0x70: {  	_ =	shalt  }
0x71: {  	_ =	shalt  }
0x72: {  	_ =	shalt  }
0x73: {  	_ =	shalt  }
0x74: {  	_ =	shalt  }
0x75: {  	_ =	shalt  }
0x76: {  	_ =	shalt  }
0x77: {  	_ =	shalt  }
0x78: {  	_ =	shalt  }
0x79: {  	_ =	shalt  }
0x7a: {  	_ =	shalt  }
0x7b: {  	_ =	shalt  }
0x7c: {  	_ =	shalt  }
0x7d: {  	_ =	shalt  }
0x7e: {  	_ =	shalt  }
0x7f: {  	_ =	shalt  }
0x80: {  	_ =	shalt  }
0x81: {  	_ =	shalt  }
0x82: {  	_ =	shalt  }
0x83: {  	_ =	shalt  }
0x84: {  	_ =	shalt  }
0x85: {  	_ =	shalt  }
0x86: {  	_ =	shalt  }
0x87: {  	_ =	shalt  }
.Lfunc_end0:
.L_simem_size_0:
called_computation.1_lowered:
.L_overlay_start_0:
0x88: {  	s2 =	sld [smem:$0x3FD9]  }
0x89: {  	s3 =	sld [smem:$0x3FFE];
	_ =	sdelay $0x1  }
0x8a: {  	s1 =	srdreg.scid  }
0x8b: {  	s0 =	sand.u32 $0x1, s1  }
0x8c: {  	s17 =	sshll.u32 s0, $0xA;
	s2 =	sadd.s32 s3, s2  }
0x8d: {  	s2 =	sadd.s32 s2, s17  }
0x8e: {  	[smem:$0x3FC0] =	sst s2  }
0x8f: {  	_ = 	snop  }
0x90: {  	s2 =	sld [smem:$0x3FD0];
	(tm) =	ssettm $0x1  }
0x91: {  	s18 =	sld [smem:$0x3FFB];
	_ =	sdelay $0x3  }
0x92: {  	_ =	strace s18  }
0x93: {  	s3 =	sld [smem:$0x3FFC];
	_ =	sdelay $0x3  }
0x94: {  	_ =	strace s3  }
0x95: {  	s3 =	sld [smem:$0x3FFD];
	_ =	sdelay $0x3  }
0x96: {  	_ =	strace s3  }
0x97: {  	_ =	strace $0x8FFFFFFF  }
0x98: {  	s19 =	sld [smem:$0x3FDB];
	_ =	sdelay $0x1  }
0x99: {  	s4 =	simm.s32 $_scs_section_size  }
0x9a: {  	s5 =	simm.s32 $_size__tile_overlayer_lowered;
	s6 =	simm.s32 $_tile_overlayer_lowered  }
0x9b: {  	s22 =	simm.s32 $0x1BFF;
	s21 =	sshll.u32 s6, $0x1;
	s3 =	sadd.s32 s4, s19  }
0x9c: {  	s7 =	simm.s32 $0x0;
	s20 =	sshll.u32 s5, $0x1;
	s5 =	sadd.s32 s21, s3  }
0x9d: {  	[timem:s7], [sflag:s22] =	dma.local [hbm:s5], s20  }
0x9e: {  	_ =	swait.ge [sflag:s22], s20  }
0x9f: {  	s4 =	ssub.s32 $0x0, s20;
	[sflag:s22] =	ssyncset.done $0x0  }
0xa0: {  	[sflag:s22] =	ssyncadd.s32 s4;
	_ =	sdelay $0x1  }
0xa1: {  	s23 =	simm.s32 $0x1B8B  }
0xa2: {  	_ =	swait.ge [sflag:s23], $0x1  }
0xa3: {  	[sflag:s23] =	ssyncset.done $0x0  }
0xa4: {  	s25 =	simm.s32 $0x1B8E;
	s24 =	sld [smem:$0x3FFE];
	[sflag:s23] =	ssyncadd.s32 $0xFFFFFFFF  }
0xa5: {  	s26 =	simm.s32 $execute0_lowered;
	[smem:$0x3FD2] =	sst s25  }
0xa6: {  	s5 =	sshll.u32 s26, $0x1;
	_ =	strace $0x80000049;
	[dreg:$0x1] =	wrdreg $0xFFFFFFFF  }
0xa7: {  	s28 =	simm.s32 $_size_execute0_lowered;
	s3 =	sadd.s32 s3, s5;
	[dreg:$0x0] =	wrdreg $0x0  }
0xa8: {  	s5 =	sshll.u32 s28, $0x1;
	[dreg:$0x2] =	wrdreg s3  }
0xa9: {  	[dreg:$0x3] =	wrdreg s5  }
0xaa: {  	[dreg:$0x4] =	wrdreg $0xC0  }
0xab: {  	_ =	task [dreg:s7], $0x5FFFF  }
0xac: {  	[dreg:$0x1] =	wrdreg $0xFFFFFFFF  }
0xad: {  	[dreg:$0x0] =	wrdreg $0x60  }
0xae: {  	[dreg:$0x2] =	wrdreg s2  }
0xaf: {  	[dreg:$0x3] =	wrdreg s24  }
0xb0: {  	[dreg:$0x4] =	wrdreg $0x150000  }
0xb1: {  	[dreg:$0x5] =	wrdreg $0x9  }
0xb2: {  	_ =	task.clear_ibuf [dreg:s7], $0x6FFFF;
	_ =	strace $0x90000049  }
0xb3: {  	s29 =	simm.s32 $0x9;
	_ =	strace $0x8000004B  }
0xb4: {  	_ =	swait.ge [sflag:s29], $0x1  }
0xb5: {  	[sflag:s29] =	ssyncadd.s32 $0xFFFFFFFF  }
0xb6: {  	_ =	strace $0x9000004B  }
0xb7: {  	_ =	sfence  }
0xb8: {  	s30 =	sld [smem:$0x0];
	_ =	sdelay $0x2  }
0xb9: {  	s31 =	sshll.u32 s1, $0xD;
	s1 =	sshrl.u32 s1, $0x2  }
0xba: {  	s3 =	sand.u32 $0x4000, s31;
	s1 =	sadd.s32 s1, s30  }
0xbb: {  	s0 =	sor.u32 s3, s0;
	s1 =	sshll.u32 s1, $0x11  }
0xbc: {  	s0 =	sor.u32 s1, s0  }
0xbd: {  	s0 =	sadd.s32 $0x8F2B, s0  }
0xbe: {  	[sflag:s0] =	ssyncadd.remote.s32 $0x1  }
0xbf: {  	_ =	sfence.sel $0xFFFF  }
0xc0: {  	[dreg:$0x0] =	wrdreg $0xFFFFFFFF;
	(pc) =	sbr.abs _section_cstart, $3  }
0xc1: {  	[dreg:$0x1] =	wrdreg $0xFFFFFFFF  }
0xc2: {  	_ =	task.clear_ibuf [dreg:s7], $0x2FFFF;
	_ =	strace $0x9FFFFFFF  }
0xc3: {  	(tm) =	ssettm $0x7FFFFFFF  }
tec
execute0_lowered:
.L_overlay_start_1:
0x0: {  	(tag) =	ssettag $0x1  }
0x1: {  	s0 =	srdreg.scid;
	s1 =	rddreg [dreg:$0x0]  }
0x2: {  	s7 =	stileid.u32;
	s4 =	rddreg [dreg:$0x1]  }
0x3: {  	s3 =	rddreg [dreg:$0x2];
	s6 =	simm.s32 $0x0;
	s15 =	simm.s32 $0x11  }
0x4: {  	s28 =	simm.s32 $0xF000;
	s30 =	simm.s32 $0x11000;
	s16 =	simm.s32 $0x1  }
0x5: {  	s12 =	simm.s32 $0x9;
	s13 =	simm.s32 $0xA;
	s14 =	simm.s32 $0xC  }
0x6: {  	s29 =	simm.s32 $0xD;
	s31 =	simm.s32 $0xE;
	s8 =	simm.s32 $0xF  }
0x7: {  	s9 =	simm.s32 $0x10;
	s10 =	simm.s32 $0x0;
	s0 =	sand.u32 $0x1, s0  }
0x8: {  	s2 =	sshll.u32 s7, $0x1;
	[smem:$0x7FF] =	sst s6;
	s17 =	smul.u32 $0x14000, s7  }
0x9: {  	s7 =	smul.u32 $0x28000, s7;
	s6 =	simm.s32 $0x4;
	s2 =	sor.u32 s0, s2  }
0xa: {  	s5 =	smul.u32 $0x140000, s0;
	_ =	strace $0x8000004A;
	s0 =	ssub.s32 $0x2, s0  }
0xb: {  	s2 =	smul.u32 $0x500, s2;
	s18 =	sshrl.u32 s0, $0x1;
	s7 =	sshrl.u32 s7, $0x2  }
0xc: {  	s5 =	sadd.s32 s17, s5;
	s0 =	ssub.s32 s0, s18;
	s19 =	sadd.s32 s7, s3  }
0xd: {  	s17 =	simm.s32 $0x5000;
	s18 =	simm.s32 $0x80;
	s7 =	simm.s32 $0x5  }
0xe: {  	s2 =	sadd.s32 s2, s4;
	s21 =	sadd.s32 $0x2000, s19;
	[dreg:$0x4] =	wrdreg s19  }
0xf: {  	s5 =	sshrl.u32 s5, $0x3;
	s22 =	sadd.s32 $0x4000, s19;
	[dreg:$0x7] =	wrdreg s21  }
0x10: {  	s23 =	sadd.s32 $0x6000, s19;
	s24 =	sadd.s32 $0x8000, s19;
	[dreg:$0x8] =	wrdreg s22  }
0x11: {  	s0 =	smax.u32 s0, $0x1;
	s19 =	simm.s32 $0x7000;
	[dreg:$0x9] =	wrdreg s23  }
0x12: {  	s4 =	sadd.s32 s5, s4;
	s20 =	sadd.s32 $0x2800, s2;
	[dreg:$0xa] =	wrdreg s24  }
0x13: {  	s2 =	sadd.s32 $0xC800, s2;
	[dreg:$0xd] =	wrdreg s0;
	s21 =	simm.s32 $0x9000  }
0x14: {  	s23 =	simm.s32 $0xB000;
	s0 =	simm.s32 $0x2;
	[dreg:$0x5] =	wrdreg s20  }
0x15: {  	s22 =	simm.s32 $0x7;
	s24 =	simm.s32 $0x8;
	[dreg:$0x6] =	wrdreg s2  }
0x16: {  	s25 =	sadd.s32 $0x16800, s4;
	s26 =	sadd.s32 $0x16808, s4;
	s2 =	simm.s32 $0x13000  }
0x17: {  	s4 =	simm.s32 $0x3;
	s20 =	simm.s32 $0x6;
	[dreg:$0xb] =	wrdreg s25  }
0x18: {  	v0 =	vimm.f32 $0.0e+00;
	[dreg:$0xc] =	wrdreg s26;
	s25 =	simm.s32 $0xD000;
	s26 =	simm.s32 $0xB  }
.LBB2_1:
0x19: {  	[dreg:$0xe] =	wrdreg s10  }
0x1a: {  	s5 =	simm.s32 $0x0;
	s11 =	rddreg [dreg:$0x5]  }
0x1b: {  	[tilespmem:s5], [sflag:$0x11] =	stream.linear.gather [hbm4b:s11+s5], $0x2800, $0x38;
	[tilespmem:$0x1F000] =	vst v63  }
0x1c: {  	_ =	swait.ge [sflag:s15], $0x2800  }
0x1d: {  	[sflag:s15] =	ssyncset.done $0x0  }
0x1e: {  	s11 =	simm.s32 $0x2800;
	s10 =	rddreg [dreg:$0x6];
	[sflag:s15] =	ssyncadd.s32 $0xFFFFD800  }
0x1f: {  	[tilespmem:s11], [sflag:$0x11] =	stream.linear.gather [hbm4b:s10+s5], $0x2800, $0x38;
	[tilespmem:$0x1F000] =	vst v63  }
0x20: {  	_ =	swait.ge [sflag:s15], $0x2800  }
0x21: {  	[sflag:s15] =	ssyncset.done $0x0  }
0x22: {  	s11 =	simm.s32 $0x100;
	s5 =	simm.s32 $0x0;
	[sflag:s15] =	ssyncadd.s32 $0xFFFFD800  }
.LBB2_2:
0x23: {  	p0 =	sne.s32 s11, $0x7F00;
	[tilespmem:s5+$0x5030] =	vst v0;
	s10 =	smov.u32 s11;
	s11 =	sadd.s32 $0x100, s11  }
.Ltmp0:
0x24: {  	[tilespmem:s5+$0x5020] =	vst v0;
	(pc) =	sbr.rel @p0 .LBB2_2-.Ltmp0, $3  }
0x25: {  	[tilespmem:s5+$0x5000] =	vst v0  }
0x26: {  	[tilespmem:s5+$0x5010] =	vst v0;
	_ =	sdelay $0x1  }
0x27: {  	s5 =	sshra.s32 s10, $0x2  }
0x28: {  	[tilespmem:s5+$0x5030] =	vst v0  }
0x29: {  	[tilespmem:s5+$0x5020] =	vst v0  }
0x2a: {  	[tilespmem:s5+$0x5000] =	vst v0  }
0x2b: {  	[tilespmem:s5+$0x5010] =	vst v0;
	s11 =	rddreg [dreg:$0x4]  }
0x2c: {  	[spmem:s11] =	stream.linear.scatter [tilespmem:s17], [sflag:$0x11], $0x2000, $0x38;
	[tilespmem:$0x1F000] =	vst v63  }
0x2d: {  	_ =	swait.ge [sflag:s15], $0x2000  }
0x2e: {  	[sflag:s15] =	ssyncset.done $0x0  }
0x2f: {  	s10 =	rddreg [dreg:$0x7];
	[sflag:s15] =	ssyncadd.s32 $0xFFFFE000  }
0x30: {  	[spmem:s10] =	stream.linear.scatter [tilespmem:s17], [sflag:$0x11], $0x2000, $0x38;
	[tilespmem:$0x1F000] =	vst v63  }
0x31: {  	_ =	swait.ge [sflag:s15], $0x2000  }
0x32: {  	[sflag:s15] =	ssyncset.done $0x0  }
0x33: {  	s11 =	rddreg [dreg:$0x8];
	[sflag:s15] =	ssyncadd.s32 $0xFFFFE000  }
0x34: {  	[spmem:s11] =	stream.linear.scatter [tilespmem:s17], [sflag:$0x11], $0x2000, $0x38;
	[tilespmem:$0x1F000] =	vst v63  }
0x35: {  	_ =	swait.ge [sflag:s15], $0x2000  }
0x36: {  	[sflag:s15] =	ssyncset.done $0x0  }
0x37: {  	s10 =	rddreg [dreg:$0x9];
	[sflag:s15] =	ssyncadd.s32 $0xFFFFE000  }
0x38: {  	[spmem:s10] =	stream.linear.scatter [tilespmem:s17], [sflag:$0x11], $0x2000, $0x38;
	[tilespmem:$0x1F000] =	vst v63  }
0x39: {  	_ =	swait.ge [sflag:s15], $0x2000  }
0x3a: {  	[sflag:s15] =	ssyncset.done $0x0  }
0x3b: {  	s11 =	rddreg [dreg:$0xa];
	[sflag:s15] =	ssyncadd.s32 $0xFFFFE000  }
0x3c: {  	[spmem:s11] =	stream.linear.scatter [tilespmem:s17], [sflag:$0x11], $0x2000, $0x38;
	[tilespmem:$0x1F000] =	vst v63  }
0x3d: {  	_ =	swait.ge [sflag:s15], $0x2000  }
0x3e: {  	[sflag:s15] =	ssyncset.done $0x0  }
0x3f: {  	[sflag:s15] =	ssyncadd.s32 $0xFFFFE000  }
0x40: {  	s10 =	simm.s32 $0x0;
	[bflag:$0x0] =	sbarrier.arrive $0xFFFF  }
0x41: {  	[tilespmem:s17], [sflag:$0x1] =	stream.indirect.gather [hbm4b:s1+s18], $0x40, s10, s18, $0xb8;
	[tilespmem:$0x1F000] =	vst v63  }
0x42: {  	_ = 	snop  }
0x43: {  	[tilespmem:s19], [sflag:$0x2] =	stream.indirect.gather [hbm4b:s1+s18], $0x40, s18, s18, $0xb8;
	[tilespmem:$0x1F000] =	vst v63  }
0x44: {  	s11 =	simm.s32 $0x100  }
0x45: {  	[tilespmem:s21], [sflag:$0x3] =	stream.indirect.gather [hbm4b:s1+s18], $0x40, s11, s18, $0xb8;
	[tilespmem:$0x1F000] =	vst v63  }
0x46: {  	s10 =	simm.s32 $0x180  }
0x47: {  	[tilespmem:s23], [sflag:$0x4] =	stream.indirect.gather [hbm4b:s1+s18], $0x40, s10, s18, $0xb8;
	[tilespmem:$0x1F000] =	vst v63  }
0x48: {  	s11 =	simm.s32 $0x200  }
0x49: {  	[tilespmem:s25], [sflag:$0x5] =	stream.indirect.gather [hbm4b:s1+s18], $0x40, s11, s18, $0xb8;
	[tilespmem:$0x1F000] =	vst v63  }
0x4a: {  	s10 =	simm.s32 $0x280  }
0x4b: {  	[tilespmem:s28], [sflag:$0x6] =	stream.indirect.gather [hbm4b:s1+s18], $0x40, s10, s18, $0xb8;
	[tilespmem:$0x1F000] =	vst v63  }
0x4c: {  	s11 =	simm.s32 $0x300  }
0x4d: {  	[tilespmem:s30], [sflag:$0x7] =	stream.indirect.gather [hbm4b:s1+s18], $0x40, s11, s18, $0xb8;
	[tilespmem:$0x1F000] =	vst v63  }
0x4e: {  	s10 =	simm.s32 $0x380  }
0x4f: {  	[tilespmem:s2], [sflag:$0x8] =	stream.indirect.gather [hbm4b:s1+s18], $0x40, s10, s18, $0xb8;
	[tilespmem:$0x1F000] =	vst v63  }
0x50: {  	_ =	swait.ge [sflag:s16], $0x2000  }
0x51: {  	[sflag:s16] =	ssyncset.done $0x0  }
0x52: {  	s11 =	simm.s32 $0x2800;
	[sflag:s16] =	ssyncadd.s32 $0xFFFFE000  }
0x53: {  	[spmem:s3] =	stream.indirect.scatter.add.f32 [tilespmem:s17], [sflag:$0x9], $0x40, s11, s18, $0xb8;
	[tilespmem:$0x1F000] =	vst v63  }
0x54: {  	_ =	swait.ge [sflag:s0], $0x2000  }
0x55: {  	[sflag:s0] =	ssyncset.done $0x0  }
0x56: {  	s10 =	simm.s32 $0x2880;
	[sflag:s0] =	ssyncadd.s32 $0xFFFFE000  }
0x57: {  	[spmem:s3] =	stream.indirect.scatter.add.f32 [tilespmem:s19], [sflag:$0xA], $0x40, s10, s18, $0xb8;
	[tilespmem:$0x1F000] =	vst v63  }
0x58: {  	_ =	swait.ge [sflag:s4], $0x2000  }
0x59: {  	[sflag:s4] =	ssyncset.done $0x0  }
0x5a: {  	s11 =	simm.s32 $0x2900;
	[sflag:s4] =	ssyncadd.s32 $0xFFFFE000  }
0x5b: {  	[spmem:s3] =	stream.indirect.scatter.add.f32 [tilespmem:s21], [sflag:$0xB], $0x40, s11, s18, $0xb8;
	[tilespmem:$0x1F000] =	vst v63  }
0x5c: {  	_ =	swait.ge [sflag:s6], $0x2000  }
0x5d: {  	[sflag:s6] =	ssyncset.done $0x0  }
0x5e: {  	s10 =	simm.s32 $0x2980;
	[sflag:s6] =	ssyncadd.s32 $0xFFFFE000  }
0x5f: {  	[spmem:s3] =	stream.indirect.scatter.add.f32 [tilespmem:s23], [sflag:$0xC], $0x40, s10, s18, $0xb8;
	[tilespmem:$0x1F000] =	vst v63  }
0x60: {  	_ =	swait.ge [sflag:s7], $0x2000  }
0x61: {  	[sflag:s7] =	ssyncset.done $0x0  }
0x62: {  	s11 =	simm.s32 $0x2A00;
	[sflag:s7] =	ssyncadd.s32 $0xFFFFE000  }
0x63: {  	[spmem:s3] =	stream.indirect.scatter.add.f32 [tilespmem:s25], [sflag:$0xD], $0x40, s11, s18, $0xb8;
	[tilespmem:$0x1F000] =	vst v63  }
0x64: {  	_ =	swait.ge [sflag:s20], $0x2000  }
0x65: {  	[sflag:s20] =	ssyncset.done $0x0  }
0x66: {  	s10 =	simm.s32 $0x2A80;
	[sflag:s20] =	ssyncadd.s32 $0xFFFFE000  }
0x67: {  	[spmem:s3] =	stream.indirect.scatter.add.f32 [tilespmem:s28], [sflag:$0xE], $0x40, s10, s18, $0xb8;
	[tilespmem:$0x1F000] =	vst v63  }
0x68: {  	_ =	swait.ge [sflag:s22], $0x2000  }
0x69: {  	[sflag:s22] =	ssyncset.done $0x0  }
0x6a: {  	s11 =	simm.s32 $0x2B00;
	[sflag:s22] =	ssyncadd.s32 $0xFFFFE000  }
0x6b: {  	[spmem:s3] =	stream.indirect.scatter.add.f32 [tilespmem:s30], [sflag:$0xF], $0x40, s11, s18, $0xb8;
	[tilespmem:$0x1F000] =	vst v63  }
0x6c: {  	_ =	swait.ge [sflag:s24], $0x2000  }
0x6d: {  	[sflag:s24] =	ssyncset.done $0x0  }
0x6e: {  	s10 =	simm.s32 $0x2B80;
	[sflag:s24] =	ssyncadd.s32 $0xFFFFE000  }
0x6f: {  	[spmem:s3] =	stream.indirect.scatter.add.f32 [tilespmem:s2], [sflag:$0x10], $0x40, s10, s18, $0xb8;
	[tilespmem:$0x1F000] =	vst v63  }
0x70: {  	_ =	swait.ge [sflag:s12], $0x2000  }
0x71: {  	[sflag:s12] =	ssyncset.done $0x0  }
0x72: {  	s11 =	simm.s32 $0x400;
	[sflag:s12] =	ssyncadd.s32 $0xFFFFE000  }
0x73: {  	[tilespmem:s17], [sflag:$0x1] =	stream.indirect.gather [hbm4b:s1+s18], $0x40, s11, s18, $0xb8;
	[tilespmem:$0x1F000] =	vst v63  }
0x74: {  	_ =	swait.ge [sflag:s13], $0x2000  }
0x75: {  	[sflag:s13] =	ssyncset.done $0x0  }
0x76: {  	s10 =	simm.s32 $0x480;
	[sflag:s13] =	ssyncadd.s32 $0xFFFFE000  }
0x77: {  	[tilespmem:s19], [sflag:$0x2] =	stream.indirect.gather [hbm4b:s1+s18], $0x40, s10, s18, $0xb8;
	[tilespmem:$0x1F000] =	vst v63  }
0x78: {  	_ =	swait.ge [sflag:s26], $0x2000  }
0x79: {  	[sflag:s26] =	ssyncset.done $0x0  }
0x7a: {  	s11 =	simm.s32 $0x500;
	[sflag:s26] =	ssyncadd.s32 $0xFFFFE000  }
0x7b: {  	[tilespmem:s21], [sflag:$0x3] =	stream.indirect.gather [hbm4b:s1+s18], $0x40, s11, s18, $0xb8;
	[tilespmem:$0x1F000] =	vst v63  }
0x7c: {  	_ =	swait.ge [sflag:s14], $0x2000  }
0x7d: {  	[sflag:s14] =	ssyncset.done $0x0  }
0x7e: {  	s10 =	simm.s32 $0x580;
	[sflag:s14] =	ssyncadd.s32 $0xFFFFE000  }
0x7f: {  	[tilespmem:s23], [sflag:$0x4] =	stream.indirect.gather [hbm4b:s1+s18], $0x40, s10, s18, $0xb8;
	[tilespmem:$0x1F000] =	vst v63  }
0x80: {  	_ =	swait.ge [sflag:s29], $0x2000  }
0x81: {  	[sflag:s29] =	ssyncset.done $0x0  }
0x82: {  	s11 =	simm.s32 $0x600;
	[sflag:s29] =	ssyncadd.s32 $0xFFFFE000  }
0x83: {  	[tilespmem:s25], [sflag:$0x5] =	stream.indirect.gather [hbm4b:s1+s18], $0x40, s11, s18, $0xb8;
	[tilespmem:$0x1F000] =	vst v63  }
0x84: {  	_ =	swait.ge [sflag:s31], $0x2000  }
0x85: {  	[sflag:s31] =	ssyncset.done $0x0  }
0x86: {  	s10 =	simm.s32 $0x680;
	[sflag:s31] =	ssyncadd.s32 $0xFFFFE000  }
0x87: {  	[tilespmem:s28], [sflag:$0x6] =	stream.indirect.gather [hbm4b:s1+s18], $0x40, s10, s18, $0xb8;
	[tilespmem:$0x1F000] =	vst v63  }
0x88: {  	_ =	swait.ge [sflag:s8], $0x2000  }
0x89: {  	[sflag:s8] =	ssyncset.done $0x0  }
0x8a: {  	s11 =	simm.s32 $0x700;
	[sflag:s8] =	ssyncadd.s32 $0xFFFFE000  }
0x8b: {  	[tilespmem:s30], [sflag:$0x7] =	stream.indirect.gather [hbm4b:s1+s18], $0x40, s11, s18, $0xb8;
	[tilespmem:$0x1F000] =	vst v63  }
0x8c: {  	_ =	swait.ge [sflag:s9], $0x2000  }
0x8d: {  	[sflag:s9] =	ssyncset.done $0x0  }
0x8e: {  	s5 =	simm.s32 $0x1000;
	s11 =	simm.s32 $0x780;
	[sflag:s9] =	ssyncadd.s32 $0xFFFFE000  }
.LBB2_4:
0x8f: {  	[tilespmem:s2], [sflag:$0x8] =	stream.indirect.gather [hbm4b:s1+s18], $0x40, s11, s18, $0xb8;
	[tilespmem:$0x1F000] =	vst v63  }
0x90: {  	s10 =	smov.u32 s5  }
0x91: {  	p0 =	sne.s32 s5, $0x8000;
	s5 =	sadd.s32 $0x1000, s5;
	_ =	swait.ge [sflag:s16], $0x2000  }
0x92: {  	s11 =	sshra.s32 s10, $0x2;
	[sflag:s16] =	ssyncset.done $0x0  }
0x93: {  	s10 =	sadd.s32 $0x2800, s11;
	[sflag:s16] =	ssyncadd.s32 $0xFFFFE000  }
0x94: {  	[spmem:s3] =	stream.indirect.scatter.add.f32 [tilespmem:s17], [sflag:$0x9], $0x40, s10, s18, $0xb8;
	[tilespmem:$0x1F000] =	vst v63  }
0x95: {  	_ =	swait.ge [sflag:s0], $0x2000  }
0x96: {  	[sflag:s0] =	ssyncset.done $0x0  }
0x97: {  	s10 =	sadd.s32 $0x2880, s11;
	[sflag:s0] =	ssyncadd.s32 $0xFFFFE000  }
0x98: {  	[spmem:s3] =	stream.indirect.scatter.add.f32 [tilespmem:s19], [sflag:$0xA], $0x40, s10, s18, $0xb8;
	[tilespmem:$0x1F000] =	vst v63  }
0x99: {  	_ =	swait.ge [sflag:s4], $0x2000  }
0x9a: {  	[sflag:s4] =	ssyncset.done $0x0  }
0x9b: {  	s10 =	sadd.s32 $0x2900, s11;
	[sflag:s4] =	ssyncadd.s32 $0xFFFFE000  }
0x9c: {  	[spmem:s3] =	stream.indirect.scatter.add.f32 [tilespmem:s21], [sflag:$0xB], $0x40, s10, s18, $0xb8;
	[tilespmem:$0x1F000] =	vst v63  }
0x9d: {  	_ =	swait.ge [sflag:s6], $0x2000  }
0x9e: {  	[sflag:s6] =	ssyncset.done $0x0  }
0x9f: {  	s10 =	sadd.s32 $0x2980, s11;
	[sflag:s6] =	ssyncadd.s32 $0xFFFFE000  }
0xa0: {  	[spmem:s3] =	stream.indirect.scatter.add.f32 [tilespmem:s23], [sflag:$0xC], $0x40, s10, s18, $0xb8;
	[tilespmem:$0x1F000] =	vst v63  }
0xa1: {  	_ =	swait.ge [sflag:s7], $0x2000  }
0xa2: {  	[sflag:s7] =	ssyncset.done $0x0  }
0xa3: {  	s10 =	sadd.s32 $0x2A00, s11;
	[sflag:s7] =	ssyncadd.s32 $0xFFFFE000  }
0xa4: {  	[spmem:s3] =	stream.indirect.scatter.add.f32 [tilespmem:s25], [sflag:$0xD], $0x40, s10, s18, $0xb8;
	[tilespmem:$0x1F000] =	vst v63  }
0xa5: {  	_ =	swait.ge [sflag:s20], $0x2000  }
0xa6: {  	[sflag:s20] =	ssyncset.done $0x0  }
0xa7: {  	s10 =	sadd.s32 $0x2A80, s11;
	[sflag:s20] =	ssyncadd.s32 $0xFFFFE000  }
0xa8: {  	[spmem:s3] =	stream.indirect.scatter.add.f32 [tilespmem:s28], [sflag:$0xE], $0x40, s10, s18, $0xb8;
	[tilespmem:$0x1F000] =	vst v63  }
0xa9: {  	_ =	swait.ge [sflag:s22], $0x2000  }
0xaa: {  	[sflag:s22] =	ssyncset.done $0x0  }
0xab: {  	s10 =	sadd.s32 $0x2B00, s11;
	[sflag:s22] =	ssyncadd.s32 $0xFFFFE000  }
0xac: {  	[spmem:s3] =	stream.indirect.scatter.add.f32 [tilespmem:s30], [sflag:$0xF], $0x40, s10, s18, $0xb8;
	[tilespmem:$0x1F000] =	vst v63  }
0xad: {  	_ =	swait.ge [sflag:s24], $0x2000  }
0xae: {  	[sflag:s24] =	ssyncset.done $0x0  }
0xaf: {  	s10 =	sadd.s32 $0x2B80, s11;
	[sflag:s24] =	ssyncadd.s32 $0xFFFFE000  }
0xb0: {  	[spmem:s3] =	stream.indirect.scatter.add.f32 [tilespmem:s2], [sflag:$0x10], $0x40, s10, s18, $0xb8;
	[tilespmem:$0x1F000] =	vst v63  }
0xb1: {  	_ =	swait.ge [sflag:s12], $0x2000  }
0xb2: {  	[sflag:s12] =	ssyncset.done $0x0  }
0xb3: {  	s10 =	sadd.s32 $0x400, s11;
	[sflag:s12] =	ssyncadd.s32 $0xFFFFE000  }
0xb4: {  	[tilespmem:s17], [sflag:$0x1] =	stream.indirect.gather [hbm4b:s1+s18], $0x40, s10, s18, $0xb8;
	[tilespmem:$0x1F000] =	vst v63  }
0xb5: {  	_ =	swait.ge [sflag:s13], $0x2000  }
0xb6: {  	[sflag:s13] =	ssyncset.done $0x0  }
0xb7: {  	s10 =	sadd.s32 $0x480, s11;
	[sflag:s13] =	ssyncadd.s32 $0xFFFFE000  }
0xb8: {  	[tilespmem:s19], [sflag:$0x2] =	stream.indirect.gather [hbm4b:s1+s18], $0x40, s10, s18, $0xb8;
	[tilespmem:$0x1F000] =	vst v63  }
0xb9: {  	_ =	swait.ge [sflag:s26], $0x2000  }
0xba: {  	[sflag:s26] =	ssyncset.done $0x0  }
0xbb: {  	s10 =	sadd.s32 $0x500, s11;
	[sflag:s26] =	ssyncadd.s32 $0xFFFFE000  }
0xbc: {  	[tilespmem:s21], [sflag:$0x3] =	stream.indirect.gather [hbm4b:s1+s18], $0x40, s10, s18, $0xb8;
	[tilespmem:$0x1F000] =	vst v63  }
0xbd: {  	_ =	swait.ge [sflag:s14], $0x2000  }
0xbe: {  	[sflag:s14] =	ssyncset.done $0x0  }
0xbf: {  	s10 =	sadd.s32 $0x580, s11;
	[sflag:s14] =	ssyncadd.s32 $0xFFFFE000  }
0xc0: {  	[tilespmem:s23], [sflag:$0x4] =	stream.indirect.gather [hbm4b:s1+s18], $0x40, s10, s18, $0xb8;
	[tilespmem:$0x1F000] =	vst v63  }
0xc1: {  	_ =	swait.ge [sflag:s29], $0x2000  }
0xc2: {  	[sflag:s29] =	ssyncset.done $0x0  }
0xc3: {  	s10 =	sadd.s32 $0x600, s11;
	[sflag:s29] =	ssyncadd.s32 $0xFFFFE000  }
0xc4: {  	[tilespmem:s25], [sflag:$0x5] =	stream.indirect.gather [hbm4b:s1+s18], $0x40, s10, s18, $0xb8;
	[tilespmem:$0x1F000] =	vst v63  }
0xc5: {  	_ =	swait.ge [sflag:s31], $0x2000  }
0xc6: {  	[sflag:s31] =	ssyncset.done $0x0  }
0xc7: {  	s10 =	sadd.s32 $0x680, s11;
	[sflag:s31] =	ssyncadd.s32 $0xFFFFE000  }
0xc8: {  	[tilespmem:s28], [sflag:$0x6] =	stream.indirect.gather [hbm4b:s1+s18], $0x40, s10, s18, $0xb8;
	[tilespmem:$0x1F000] =	vst v63  }
0xc9: {  	_ =	swait.ge [sflag:s8], $0x2000  }
0xca: {  	[sflag:s8] =	ssyncset.done $0x0  }
.Ltmp1:
0xcb: {  	s10 =	sadd.s32 $0x700, s11;
	[sflag:s8] =	ssyncadd.s32 $0xFFFFE000;
	(pc) =	sbr.rel @p0 .LBB2_4-.Ltmp1, $4  }
0xcc: {  	[tilespmem:s30], [sflag:$0x7] =	stream.indirect.gather [hbm4b:s1+s18], $0x40, s10, s18, $0xb8;
	[tilespmem:$0x1F000] =	vst v63  }
0xcd: {  	_ =	swait.ge [sflag:s9], $0x2000  }
0xce: {  	[sflag:s9] =	ssyncset.done $0x0  }
0xcf: {  	s11 =	sadd.s32 $0x780, s11;
	[sflag:s9] =	ssyncadd.s32 $0xFFFFE000  }
0xd0: {  	[tilespmem:s2], [sflag:$0x8] =	stream.indirect.gather [hbm4b:s1+s18], $0x40, s11, s18, $0xb8;
	[tilespmem:$0x1F000] =	vst v63  }
0xd1: {  	_ =	swait.ge [sflag:s16], $0x2000  }
0xd2: {  	[sflag:s16] =	ssyncset.done $0x0  }
0xd3: {  	s5 =	simm.s32 $0x4C00;
	[sflag:s16] =	ssyncadd.s32 $0xFFFFE000  }
0xd4: {  	[spmem:s3] =	stream.indirect.scatter.add.f32 [tilespmem:s17], [sflag:$0x9], $0x40, s5, s18, $0xb8;
	[tilespmem:$0x1F000] =	vst v63  }
0xd5: {  	_ =	swait.ge [sflag:s0], $0x2000  }
0xd6: {  	[sflag:s0] =	ssyncset.done $0x0  }
0xd7: {  	s11 =	simm.s32 $0x4C80;
	[sflag:s0] =	ssyncadd.s32 $0xFFFFE000  }
0xd8: {  	[spmem:s3] =	stream.indirect.scatter.add.f32 [tilespmem:s19], [sflag:$0xA], $0x40, s11, s18, $0xb8;
	[tilespmem:$0x1F000] =	vst v63  }
0xd9: {  	_ =	swait.ge [sflag:s4], $0x2000  }
0xda: {  	[sflag:s4] =	ssyncset.done $0x0  }
0xdb: {  	s10 =	simm.s32 $0x4D00;
	[sflag:s4] =	ssyncadd.s32 $0xFFFFE000  }
0xdc: {  	[spmem:s3] =	stream.indirect.scatter.add.f32 [tilespmem:s21], [sflag:$0xB], $0x40, s10, s18, $0xb8;
	[tilespmem:$0x1F000] =	vst v63  }
0xdd: {  	_ =	swait.ge [sflag:s6], $0x2000  }
0xde: {  	[sflag:s6] =	ssyncset.done $0x0  }
0xdf: {  	s11 =	simm.s32 $0x4D80;
	[sflag:s6] =	ssyncadd.s32 $0xFFFFE000  }
0xe0: {  	[spmem:s3] =	stream.indirect.scatter.add.f32 [tilespmem:s23], [sflag:$0xC], $0x40, s11, s18, $0xb8;
	[tilespmem:$0x1F000] =	vst v63  }
0xe1: {  	_ =	swait.ge [sflag:s7], $0x2000  }
0xe2: {  	[sflag:s7] =	ssyncset.done $0x0  }
0xe3: {  	s10 =	simm.s32 $0x4E00;
	[sflag:s7] =	ssyncadd.s32 $0xFFFFE000  }
0xe4: {  	[spmem:s3] =	stream.indirect.scatter.add.f32 [tilespmem:s25], [sflag:$0xD], $0x40, s10, s18, $0xb8;
	[tilespmem:$0x1F000] =	vst v63  }
0xe5: {  	_ =	swait.ge [sflag:s20], $0x2000  }
0xe6: {  	[sflag:s20] =	ssyncset.done $0x0  }
0xe7: {  	s11 =	simm.s32 $0x4E80;
	[sflag:s20] =	ssyncadd.s32 $0xFFFFE000  }
0xe8: {  	[spmem:s3] =	stream.indirect.scatter.add.f32 [tilespmem:s28], [sflag:$0xE], $0x40, s11, s18, $0xb8;
	[tilespmem:$0x1F000] =	vst v63  }
0xe9: {  	_ =	swait.ge [sflag:s22], $0x2000  }
0xea: {  	[sflag:s22] =	ssyncset.done $0x0  }
0xeb: {  	s10 =	simm.s32 $0x4F00;
	[sflag:s22] =	ssyncadd.s32 $0xFFFFE000  }
0xec: {  	[spmem:s3] =	stream.indirect.scatter.add.f32 [tilespmem:s30], [sflag:$0xF], $0x40, s10, s18, $0xb8;
	[tilespmem:$0x1F000] =	vst v63  }
0xed: {  	_ =	swait.ge [sflag:s24], $0x2000  }
0xee: {  	[sflag:s24] =	ssyncset.done $0x0  }
0xef: {  	s11 =	simm.s32 $0x4F80;
	[sflag:s24] =	ssyncadd.s32 $0xFFFFE000  }
0xf0: {  	[spmem:s3] =	stream.indirect.scatter.add.f32 [tilespmem:s2], [sflag:$0x10], $0x40, s11, s18, $0xb8;
	[tilespmem:$0x1F000] =	vst v63  }
0xf1: {  	_ =	swait.ge [sflag:s12], $0x2000  }
0xf2: {  	[sflag:s12] =	ssyncset.done $0x0  }
0xf3: {  	[sflag:s12] =	ssyncadd.s32 $0xFFFFE000  }
0xf4: {  	_ =	swait.ge [sflag:s13], $0x2000  }
0xf5: {  	[sflag:s13] =	ssyncset.done $0x0  }
0xf6: {  	[sflag:s13] =	ssyncadd.s32 $0xFFFFE000  }
0xf7: {  	_ =	swait.ge [sflag:s26], $0x2000  }
0xf8: {  	[sflag:s26] =	ssyncset.done $0x0  }
0xf9: {  	[sflag:s26] =	ssyncadd.s32 $0xFFFFE000  }
0xfa: {  	_ =	swait.ge [sflag:s14], $0x2000  }
0xfb: {  	[sflag:s14] =	ssyncset.done $0x0  }
0xfc: {  	[sflag:s14] =	ssyncadd.s32 $0xFFFFE000  }
0xfd: {  	_ =	swait.ge [sflag:s29], $0x2000  }
0xfe: {  	[sflag:s29] =	ssyncset.done $0x0  }
0xff: {  	[sflag:s29] =	ssyncadd.s32 $0xFFFFE000  }
0x100: {  	_ =	swait.ge [sflag:s31], $0x2000  }
0x101: {  	[sflag:s31] =	ssyncset.done $0x0  }
0x102: {  	[sflag:s31] =	ssyncadd.s32 $0xFFFFE000  }
0x103: {  	_ =	swait.ge [sflag:s8], $0x2000  }
0x104: {  	[sflag:s8] =	ssyncset.done $0x0  }
0x105: {  	[sflag:s8] =	ssyncadd.s32 $0xFFFFE000  }
0x106: {  	_ =	swait.ge [sflag:s9], $0x2000  }
0x107: {  	[sflag:s9] =	ssyncset.done $0x0  }
0x108: {  	[sflag:s9] =	ssyncadd.s32 $0xFFFFE000  }
0x109: {  	s10 =	stileid.u32;
	[bflag:$0x0] =	sbarrier.arrive $0xFFFF  }
0x10a: {  	s5 =	sshll.u32 s10, $0x6;
	s11 =	rddreg [dreg:$0x4]  }
0x10b: {  	s10 =	sor.u32 $0x1C11, s5;
	s5 =	rddreg [dreg:$0xb]  }
0x10c: {  	[dreg:$0xf] =	wrdreg s10;
	s11 =	sshrl.u32 s11, $0x3  }
0x10d: {  	[dreg:$0x10] =	wrdreg s11  }
0x10e: {  	[hbm:s5@s9], [sflag:s10] =	dma.strided [spmem:s11@s24], $0x1400, s16, $0x8   }
0x10f: {  	_ =	swait.ge [sflag:s15], $0x1400  }
0x110: {  	[sflag:s15] =	ssyncset.done $0x0  }
0x111: {  	s5 =	simm.s32 $0x0;
	[sflag:s15] =	ssyncadd.s32 $0xFFFFEC00  }
0x112: {  	v3 =	vld [tilespmem:s5+$0x0]  }
0x113: {  	v5 =	vld [tilespmem:s5+$0x10]  }
0x114: {  	v4 =	vld [tilespmem:s5+$0x20]  }
0x115: {  	v2 =	vld [tilespmem:s5+$0x30]  }
0x116: {  	v1 =	vld [tilespmem:s5+$0x40]  }
0x117: {  	v6 =	vadd.s32 $0x1, v3;
	v3 =	vld [tilespmem:s5+$0x50]  }
0x118: {  	s11 =	simm.s32 $0x200;
	[tilespmem:s5+$0x0] =	vst v6;
	v6 =	vadd.s32 $0x1, v5;
	v5 =	vld [tilespmem:s5+$0x60]  }
.LBB2_6:
0x119: {  	s10 =	sshra.s32 s11, $0x2;
	p0 =	sne.s32 s11, $0x9E00;
	[tilespmem:s5+$0x10] =	vst v6;
	v4 =	vadd.s32 $0x1, v4;
	v6 =	vld [tilespmem:s5+$0x70]  }
0x11a: {  	v7 =	vld [tilespmem:s10+$0x0];
	[tilespmem:s5+$0x20] =	vst v4;
	v2 =	vadd.s32 $0x1, v2  }
0x11b: {  	v8 =	vld [tilespmem:s10+$0x10];
	[tilespmem:s5+$0x30] =	vst v2;
	v1 =	vadd.s32 $0x1, v1  }
.Ltmp2:
0x11c: {  	v4 =	vld [tilespmem:s10+$0x20];
	[tilespmem:s5+$0x40] =	vst v1;
	v1 =	vadd.s32 $0x1, v3;
	(pc) =	sbr.rel @p0 .LBB2_6-.Ltmp2, $4  }
0x11d: {  	v2 =	vld [tilespmem:s10+$0x30];
	[tilespmem:s5+$0x50] =	vst v1;
	v3 =	vadd.s32 $0x1, v5  }
0x11e: {  	v1 =	vld [tilespmem:s10+$0x40];
	[tilespmem:s5+$0x60] =	vst v3;
	v5 =	vadd.s32 $0x1, v6  }
0x11f: {  	v6 =	vadd.s32 $0x1, v7;
	v3 =	vld [tilespmem:s10+$0x50];
	[tilespmem:s5+$0x70] =	vst v5;
	s5 =	smov.u32 s10  }
0x120: {  	s11 =	sadd.s32 $0x200, s11;
	[tilespmem:s5+$0x0] =	vst v6;
	v6 =	vadd.s32 $0x1, v8;
	v5 =	vld [tilespmem:s5+$0x60]  }
0x121: {  	[tilespmem:s5+$0x10] =	vst v6;
	v4 =	vadd.s32 $0x1, v4;
	v63 =	vld [tilespmem:s5+$0x70]  }
0x122: {  	[tilespmem:s5+$0x20] =	vst v4;
	v2 =	vadd.s32 $0x1, v2  }
0x123: {  	[tilespmem:s5+$0x30] =	vst v2;
	v1 =	vadd.s32 $0x1, v1  }
0x124: {  	[tilespmem:s5+$0x40] =	vst v1;
	v1 =	vadd.s32 $0x1, v3  }
0x125: {  	[tilespmem:s5+$0x50] =	vst v1;
	v1 =	vadd.s32 $0x1, v5  }
0x126: {  	[tilespmem:s5+$0x60] =	vst v1;
	v1 =	vadd.s32 $0x1, v63  }
0x127: {  	s11 =	simm.s32 $0x100;
	[tilespmem:s5+$0x70] =	vst v1;
	s5 =	simm.s32 $0x0  }
.LBB2_8:
0x128: {  	p0 =	sne.s32 s11, $0x7F00;
	[tilespmem:s5+$0x5030] =	vst v0;
	s10 =	smov.u32 s11;
	s11 =	sadd.s32 $0x100, s11  }
.Ltmp3:
0x129: {  	[tilespmem:s5+$0x5020] =	vst v0;
	(pc) =	sbr.rel @p0 .LBB2_8-.Ltmp3, $3  }
0x12a: {  	[tilespmem:s5+$0x5000] =	vst v0  }
0x12b: {  	[tilespmem:s5+$0x5010] =	vst v0;
	_ =	sdelay $0x1  }
0x12c: {  	s5 =	sshra.s32 s10, $0x2  }
0x12d: {  	[tilespmem:s5+$0x5030] =	vst v0  }
0x12e: {  	[tilespmem:s5+$0x5020] =	vst v0  }
0x12f: {  	[tilespmem:s5+$0x5000] =	vst v0  }
0x130: {  	[tilespmem:s5+$0x5010] =	vst v0;
	s11 =	rddreg [dreg:$0x4]  }
0x131: {  	[spmem:s11] =	stream.linear.scatter [tilespmem:s17], [sflag:$0x11], $0x2000, $0x38;
	[tilespmem:$0x1F000] =	vst v63  }
0x132: {  	_ =	swait.ge [sflag:s15], $0x2000  }
0x133: {  	[sflag:s15] =	ssyncset.done $0x0  }
0x134: {  	s10 =	rddreg [dreg:$0x7];
	[sflag:s15] =	ssyncadd.s32 $0xFFFFE000  }
0x135: {  	[spmem:s10] =	stream.linear.scatter [tilespmem:s17], [sflag:$0x11], $0x2000, $0x38;
	[tilespmem:$0x1F000] =	vst v63  }
0x136: {  	_ =	swait.ge [sflag:s15], $0x2000  }
0x137: {  	[sflag:s15] =	ssyncset.done $0x0  }
0x138: {  	s11 =	rddreg [dreg:$0x8];
	[sflag:s15] =	ssyncadd.s32 $0xFFFFE000  }
0x139: {  	[spmem:s11] =	stream.linear.scatter [tilespmem:s17], [sflag:$0x11], $0x2000, $0x38;
	[tilespmem:$0x1F000] =	vst v63  }
0x13a: {  	_ =	swait.ge [sflag:s15], $0x2000  }
0x13b: {  	[sflag:s15] =	ssyncset.done $0x0  }
0x13c: {  	s10 =	rddreg [dreg:$0x9];
	[sflag:s15] =	ssyncadd.s32 $0xFFFFE000  }
0x13d: {  	[spmem:s10] =	stream.linear.scatter [tilespmem:s17], [sflag:$0x11], $0x2000, $0x38;
	[tilespmem:$0x1F000] =	vst v63  }
0x13e: {  	_ =	swait.ge [sflag:s15], $0x2000  }
0x13f: {  	[sflag:s15] =	ssyncset.done $0x0  }
0x140: {  	s11 =	rddreg [dreg:$0xa];
	[sflag:s15] =	ssyncadd.s32 $0xFFFFE000  }
0x141: {  	[spmem:s11] =	stream.linear.scatter [tilespmem:s17], [sflag:$0x11], $0x2000, $0x38;
	[tilespmem:$0x1F000] =	vst v63  }
0x142: {  	_ =	swait.ge [sflag:s15], $0x2000  }
0x143: {  	[sflag:s15] =	ssyncset.done $0x0  }
0x144: {  	[sflag:s15] =	ssyncadd.s32 $0xFFFFE000  }
0x145: {  	s10 =	simm.s32 $0x0;
	[bflag:$0x0] =	sbarrier.arrive $0xFFFF  }
0x146: {  	[tilespmem:s17], [sflag:$0x1] =	stream.indirect.gather [hbm4b:s1+s18], $0x40, s10, s18, $0xb8;
	[tilespmem:$0x1F000] =	vst v63  }
0x147: {  	_ = 	snop  }
0x148: {  	[tilespmem:s19], [sflag:$0x2] =	stream.indirect.gather [hbm4b:s1+s18], $0x40, s18, s18, $0xb8;
	[tilespmem:$0x1F000] =	vst v63  }
0x149: {  	s11 =	simm.s32 $0x100  }
0x14a: {  	[tilespmem:s21], [sflag:$0x3] =	stream.indirect.gather [hbm4b:s1+s18], $0x40, s11, s18, $0xb8;
	[tilespmem:$0x1F000] =	vst v63  }
0x14b: {  	s10 =	simm.s32 $0x180  }
0x14c: {  	[tilespmem:s23], [sflag:$0x4] =	stream.indirect.gather [hbm4b:s1+s18], $0x40, s10, s18, $0xb8;
	[tilespmem:$0x1F000] =	vst v63  }
0x14d: {  	s11 =	simm.s32 $0x200  }
0x14e: {  	[tilespmem:s25], [sflag:$0x5] =	stream.indirect.gather [hbm4b:s1+s18], $0x40, s11, s18, $0xb8;
	[tilespmem:$0x1F000] =	vst v63  }
0x14f: {  	s10 =	simm.s32 $0x280  }
0x150: {  	[tilespmem:s28], [sflag:$0x6] =	stream.indirect.gather [hbm4b:s1+s18], $0x40, s10, s18, $0xb8;
	[tilespmem:$0x1F000] =	vst v63  }
0x151: {  	s11 =	simm.s32 $0x300  }
0x152: {  	[tilespmem:s30], [sflag:$0x7] =	stream.indirect.gather [hbm4b:s1+s18], $0x40, s11, s18, $0xb8;
	[tilespmem:$0x1F000] =	vst v63  }
0x153: {  	s10 =	simm.s32 $0x380  }
0x154: {  	[tilespmem:s2], [sflag:$0x8] =	stream.indirect.gather [hbm4b:s1+s18], $0x40, s10, s18, $0xb8;
	[tilespmem:$0x1F000] =	vst v63  }
0x155: {  	_ =	swait.ge [sflag:s16], $0x2000  }
0x156: {  	[sflag:s16] =	ssyncset.done $0x0  }
0x157: {  	s11 =	simm.s32 $0x2800;
	[sflag:s16] =	ssyncadd.s32 $0xFFFFE000  }
0x158: {  	[spmem:s3] =	stream.indirect.scatter.add.f32 [tilespmem:s17], [sflag:$0x9], $0x40, s11, s18, $0xb8;
	[tilespmem:$0x1F000] =	vst v63  }
0x159: {  	_ =	swait.ge [sflag:s0], $0x2000  }
0x15a: {  	[sflag:s0] =	ssyncset.done $0x0  }
0x15b: {  	s10 =	simm.s32 $0x2880;
	[sflag:s0] =	ssyncadd.s32 $0xFFFFE000  }
0x15c: {  	[spmem:s3] =	stream.indirect.scatter.add.f32 [tilespmem:s19], [sflag:$0xA], $0x40, s10, s18, $0xb8;
	[tilespmem:$0x1F000] =	vst v63  }
0x15d: {  	_ =	swait.ge [sflag:s4], $0x2000  }
0x15e: {  	[sflag:s4] =	ssyncset.done $0x0  }
0x15f: {  	s11 =	simm.s32 $0x2900;
	[sflag:s4] =	ssyncadd.s32 $0xFFFFE000  }
0x160: {  	[spmem:s3] =	stream.indirect.scatter.add.f32 [tilespmem:s21], [sflag:$0xB], $0x40, s11, s18, $0xb8;
	[tilespmem:$0x1F000] =	vst v63  }
0x161: {  	_ =	swait.ge [sflag:s6], $0x2000  }
0x162: {  	[sflag:s6] =	ssyncset.done $0x0  }
0x163: {  	s10 =	simm.s32 $0x2980;
	[sflag:s6] =	ssyncadd.s32 $0xFFFFE000  }
0x164: {  	[spmem:s3] =	stream.indirect.scatter.add.f32 [tilespmem:s23], [sflag:$0xC], $0x40, s10, s18, $0xb8;
	[tilespmem:$0x1F000] =	vst v63  }
0x165: {  	_ =	swait.ge [sflag:s7], $0x2000  }
0x166: {  	[sflag:s7] =	ssyncset.done $0x0  }
0x167: {  	s11 =	simm.s32 $0x2A00;
	[sflag:s7] =	ssyncadd.s32 $0xFFFFE000  }
0x168: {  	[spmem:s3] =	stream.indirect.scatter.add.f32 [tilespmem:s25], [sflag:$0xD], $0x40, s11, s18, $0xb8;
	[tilespmem:$0x1F000] =	vst v63  }
0x169: {  	_ =	swait.ge [sflag:s20], $0x2000  }
0x16a: {  	[sflag:s20] =	ssyncset.done $0x0  }
0x16b: {  	s10 =	simm.s32 $0x2A80;
	[sflag:s20] =	ssyncadd.s32 $0xFFFFE000  }
0x16c: {  	[spmem:s3] =	stream.indirect.scatter.add.f32 [tilespmem:s28], [sflag:$0xE], $0x40, s10, s18, $0xb8;
	[tilespmem:$0x1F000] =	vst v63  }
0x16d: {  	_ =	swait.ge [sflag:s22], $0x2000  }
0x16e: {  	[sflag:s22] =	ssyncset.done $0x0  }
0x16f: {  	s11 =	simm.s32 $0x2B00;
	[sflag:s22] =	ssyncadd.s32 $0xFFFFE000  }
0x170: {  	[spmem:s3] =	stream.indirect.scatter.add.f32 [tilespmem:s30], [sflag:$0xF], $0x40, s11, s18, $0xb8;
	[tilespmem:$0x1F000] =	vst v63  }
0x171: {  	_ =	swait.ge [sflag:s24], $0x2000  }
0x172: {  	[sflag:s24] =	ssyncset.done $0x0  }
0x173: {  	s10 =	simm.s32 $0x2B80;
	[sflag:s24] =	ssyncadd.s32 $0xFFFFE000  }
0x174: {  	[spmem:s3] =	stream.indirect.scatter.add.f32 [tilespmem:s2], [sflag:$0x10], $0x40, s10, s18, $0xb8;
	[tilespmem:$0x1F000] =	vst v63  }
0x175: {  	_ =	swait.ge [sflag:s12], $0x2000  }
0x176: {  	[sflag:s12] =	ssyncset.done $0x0  }
0x177: {  	s11 =	simm.s32 $0x400;
	[sflag:s12] =	ssyncadd.s32 $0xFFFFE000  }
0x178: {  	[tilespmem:s17], [sflag:$0x1] =	stream.indirect.gather [hbm4b:s1+s18], $0x40, s11, s18, $0xb8;
	[tilespmem:$0x1F000] =	vst v63  }
0x179: {  	_ =	swait.ge [sflag:s13], $0x2000  }
0x17a: {  	[sflag:s13] =	ssyncset.done $0x0  }
0x17b: {  	s10 =	simm.s32 $0x480;
	[sflag:s13] =	ssyncadd.s32 $0xFFFFE000  }
0x17c: {  	[tilespmem:s19], [sflag:$0x2] =	stream.indirect.gather [hbm4b:s1+s18], $0x40, s10, s18, $0xb8;
	[tilespmem:$0x1F000] =	vst v63  }
0x17d: {  	_ =	swait.ge [sflag:s26], $0x2000  }
0x17e: {  	[sflag:s26] =	ssyncset.done $0x0  }
0x17f: {  	s11 =	simm.s32 $0x500;
	[sflag:s26] =	ssyncadd.s32 $0xFFFFE000  }
0x180: {  	[tilespmem:s21], [sflag:$0x3] =	stream.indirect.gather [hbm4b:s1+s18], $0x40, s11, s18, $0xb8;
	[tilespmem:$0x1F000] =	vst v63  }
0x181: {  	_ =	swait.ge [sflag:s14], $0x2000  }
0x182: {  	[sflag:s14] =	ssyncset.done $0x0  }
0x183: {  	s10 =	simm.s32 $0x580;
	[sflag:s14] =	ssyncadd.s32 $0xFFFFE000  }
0x184: {  	[tilespmem:s23], [sflag:$0x4] =	stream.indirect.gather [hbm4b:s1+s18], $0x40, s10, s18, $0xb8;
	[tilespmem:$0x1F000] =	vst v63  }
0x185: {  	_ =	swait.ge [sflag:s29], $0x2000  }
0x186: {  	[sflag:s29] =	ssyncset.done $0x0  }
0x187: {  	s11 =	simm.s32 $0x600;
	[sflag:s29] =	ssyncadd.s32 $0xFFFFE000  }
0x188: {  	[tilespmem:s25], [sflag:$0x5] =	stream.indirect.gather [hbm4b:s1+s18], $0x40, s11, s18, $0xb8;
	[tilespmem:$0x1F000] =	vst v63  }
0x189: {  	_ =	swait.ge [sflag:s31], $0x2000  }
0x18a: {  	[sflag:s31] =	ssyncset.done $0x0  }
0x18b: {  	s10 =	simm.s32 $0x680;
	[sflag:s31] =	ssyncadd.s32 $0xFFFFE000  }
0x18c: {  	[tilespmem:s28], [sflag:$0x6] =	stream.indirect.gather [hbm4b:s1+s18], $0x40, s10, s18, $0xb8;
	[tilespmem:$0x1F000] =	vst v63  }
0x18d: {  	_ =	swait.ge [sflag:s8], $0x2000  }
0x18e: {  	[sflag:s8] =	ssyncset.done $0x0  }
0x18f: {  	s11 =	simm.s32 $0x700;
	[sflag:s8] =	ssyncadd.s32 $0xFFFFE000  }
0x190: {  	[tilespmem:s30], [sflag:$0x7] =	stream.indirect.gather [hbm4b:s1+s18], $0x40, s11, s18, $0xb8;
	[tilespmem:$0x1F000] =	vst v63  }
0x191: {  	_ =	swait.ge [sflag:s9], $0x2000  }
0x192: {  	[sflag:s9] =	ssyncset.done $0x0  }
0x193: {  	s5 =	simm.s32 $0x780;
	s11 =	simm.s32 $0x1000;
	[sflag:s9] =	ssyncadd.s32 $0xFFFFE000  }
.LBB2_10:
0x194: {  	[tilespmem:s2], [sflag:$0x8] =	stream.indirect.gather [hbm4b:s1+s18], $0x40, s5, s18, $0xb8;
	[tilespmem:$0x1F000] =	vst v63  }
0x195: {  	s5 =	smov.u32 s11  }
0x196: {  	p0 =	sne.s32 s11, $0x8000;
	s11 =	sadd.s32 $0x1000, s11;
	_ =	swait.ge [sflag:s16], $0x2000  }
0x197: {  	s5 =	sshra.s32 s5, $0x2;
	[sflag:s16] =	ssyncset.done $0x0  }
0x198: {  	s10 =	sadd.s32 $0x2800, s5;
	[sflag:s16] =	ssyncadd.s32 $0xFFFFE000  }
0x199: {  	[spmem:s3] =	stream.indirect.scatter.add.f32 [tilespmem:s17], [sflag:$0x9], $0x40, s10, s18, $0xb8;
	[tilespmem:$0x1F000] =	vst v63  }
0x19a: {  	_ =	swait.ge [sflag:s0], $0x2000  }
0x19b: {  	[sflag:s0] =	ssyncset.done $0x0  }
0x19c: {  	s10 =	sadd.s32 $0x2880, s5;
	[sflag:s0] =	ssyncadd.s32 $0xFFFFE000  }
0x19d: {  	[spmem:s3] =	stream.indirect.scatter.add.f32 [tilespmem:s19], [sflag:$0xA], $0x40, s10, s18, $0xb8;
	[tilespmem:$0x1F000] =	vst v63  }
0x19e: {  	_ =	swait.ge [sflag:s4], $0x2000  }
0x19f: {  	[sflag:s4] =	ssyncset.done $0x0  }
0x1a0: {  	s10 =	sadd.s32 $0x2900, s5;
	[sflag:s4] =	ssyncadd.s32 $0xFFFFE000  }
0x1a1: {  	[spmem:s3] =	stream.indirect.scatter.add.f32 [tilespmem:s21], [sflag:$0xB], $0x40, s10, s18, $0xb8;
	[tilespmem:$0x1F000] =	vst v63  }
0x1a2: {  	_ =	swait.ge [sflag:s6], $0x2000  }
0x1a3: {  	[sflag:s6] =	ssyncset.done $0x0  }
0x1a4: {  	s10 =	sadd.s32 $0x2980, s5;
	[sflag:s6] =	ssyncadd.s32 $0xFFFFE000  }
0x1a5: {  	[spmem:s3] =	stream.indirect.scatter.add.f32 [tilespmem:s23], [sflag:$0xC], $0x40, s10, s18, $0xb8;
	[tilespmem:$0x1F000] =	vst v63  }
0x1a6: {  	_ =	swait.ge [sflag:s7], $0x2000  }
0x1a7: {  	[sflag:s7] =	ssyncset.done $0x0  }
0x1a8: {  	s10 =	sadd.s32 $0x2A00, s5;
	[sflag:s7] =	ssyncadd.s32 $0xFFFFE000  }
0x1a9: {  	[spmem:s3] =	stream.indirect.scatter.add.f32 [tilespmem:s25], [sflag:$0xD], $0x40, s10, s18, $0xb8;
	[tilespmem:$0x1F000] =	vst v63  }
0x1aa: {  	_ =	swait.ge [sflag:s20], $0x2000  }
0x1ab: {  	[sflag:s20] =	ssyncset.done $0x0  }
0x1ac: {  	s10 =	sadd.s32 $0x2A80, s5;
	[sflag:s20] =	ssyncadd.s32 $0xFFFFE000  }
0x1ad: {  	[spmem:s3] =	stream.indirect.scatter.add.f32 [tilespmem:s28], [sflag:$0xE], $0x40, s10, s18, $0xb8;
	[tilespmem:$0x1F000] =	vst v63  }
0x1ae: {  	_ =	swait.ge [sflag:s22], $0x2000  }
0x1af: {  	[sflag:s22] =	ssyncset.done $0x0  }
0x1b0: {  	s10 =	sadd.s32 $0x2B00, s5;
	[sflag:s22] =	ssyncadd.s32 $0xFFFFE000  }
0x1b1: {  	[spmem:s3] =	stream.indirect.scatter.add.f32 [tilespmem:s30], [sflag:$0xF], $0x40, s10, s18, $0xb8;
	[tilespmem:$0x1F000] =	vst v63  }
0x1b2: {  	_ =	swait.ge [sflag:s24], $0x2000  }
0x1b3: {  	[sflag:s24] =	ssyncset.done $0x0  }
0x1b4: {  	s10 =	sadd.s32 $0x2B80, s5;
	[sflag:s24] =	ssyncadd.s32 $0xFFFFE000  }
0x1b5: {  	[spmem:s3] =	stream.indirect.scatter.add.f32 [tilespmem:s2], [sflag:$0x10], $0x40, s10, s18, $0xb8;
	[tilespmem:$0x1F000] =	vst v63  }
0x1b6: {  	_ =	swait.ge [sflag:s12], $0x2000  }
0x1b7: {  	[sflag:s12] =	ssyncset.done $0x0  }
0x1b8: {  	s10 =	sadd.s32 $0x400, s5;
	[sflag:s12] =	ssyncadd.s32 $0xFFFFE000  }
0x1b9: {  	[tilespmem:s17], [sflag:$0x1] =	stream.indirect.gather [hbm4b:s1+s18], $0x40, s10, s18, $0xb8;
	[tilespmem:$0x1F000] =	vst v63  }
0x1ba: {  	_ =	swait.ge [sflag:s13], $0x2000  }
0x1bb: {  	[sflag:s13] =	ssyncset.done $0x0  }
0x1bc: {  	s10 =	sadd.s32 $0x480, s5;
	[sflag:s13] =	ssyncadd.s32 $0xFFFFE000  }
0x1bd: {  	[tilespmem:s19], [sflag:$0x2] =	stream.indirect.gather [hbm4b:s1+s18], $0x40, s10, s18, $0xb8;
	[tilespmem:$0x1F000] =	vst v63  }
0x1be: {  	_ =	swait.ge [sflag:s26], $0x2000  }
0x1bf: {  	[sflag:s26] =	ssyncset.done $0x0  }
0x1c0: {  	s10 =	sadd.s32 $0x500, s5;
	[sflag:s26] =	ssyncadd.s32 $0xFFFFE000  }
0x1c1: {  	[tilespmem:s21], [sflag:$0x3] =	stream.indirect.gather [hbm4b:s1+s18], $0x40, s10, s18, $0xb8;
	[tilespmem:$0x1F000] =	vst v63  }
0x1c2: {  	_ =	swait.ge [sflag:s14], $0x2000  }
0x1c3: {  	[sflag:s14] =	ssyncset.done $0x0  }
0x1c4: {  	s10 =	sadd.s32 $0x580, s5;
	[sflag:s14] =	ssyncadd.s32 $0xFFFFE000  }
0x1c5: {  	[tilespmem:s23], [sflag:$0x4] =	stream.indirect.gather [hbm4b:s1+s18], $0x40, s10, s18, $0xb8;
	[tilespmem:$0x1F000] =	vst v63  }
0x1c6: {  	_ =	swait.ge [sflag:s29], $0x2000  }
0x1c7: {  	[sflag:s29] =	ssyncset.done $0x0  }
0x1c8: {  	s10 =	sadd.s32 $0x600, s5;
	[sflag:s29] =	ssyncadd.s32 $0xFFFFE000  }
0x1c9: {  	[tilespmem:s25], [sflag:$0x5] =	stream.indirect.gather [hbm4b:s1+s18], $0x40, s10, s18, $0xb8;
	[tilespmem:$0x1F000] =	vst v63  }
0x1ca: {  	_ =	swait.ge [sflag:s31], $0x2000  }
0x1cb: {  	[sflag:s31] =	ssyncset.done $0x0  }
0x1cc: {  	s10 =	sadd.s32 $0x680, s5;
	[sflag:s31] =	ssyncadd.s32 $0xFFFFE000  }
0x1cd: {  	[tilespmem:s28], [sflag:$0x6] =	stream.indirect.gather [hbm4b:s1+s18], $0x40, s10, s18, $0xb8;
	[tilespmem:$0x1F000] =	vst v63  }
0x1ce: {  	_ =	swait.ge [sflag:s8], $0x2000  }
0x1cf: {  	[sflag:s8] =	ssyncset.done $0x0  }
.Ltmp4:
0x1d0: {  	s10 =	sadd.s32 $0x700, s5;
	[sflag:s8] =	ssyncadd.s32 $0xFFFFE000;
	(pc) =	sbr.rel @p0 .LBB2_10-.Ltmp4, $4  }
0x1d1: {  	[tilespmem:s30], [sflag:$0x7] =	stream.indirect.gather [hbm4b:s1+s18], $0x40, s10, s18, $0xb8;
	[tilespmem:$0x1F000] =	vst v63  }
0x1d2: {  	_ =	swait.ge [sflag:s9], $0x2000  }
0x1d3: {  	[sflag:s9] =	ssyncset.done $0x0  }
0x1d4: {  	s5 =	sadd.s32 $0x780, s5;
	[sflag:s9] =	ssyncadd.s32 $0xFFFFE000  }
0x1d5: {  	[tilespmem:s2], [sflag:$0x8] =	stream.indirect.gather [hbm4b:s1+s18], $0x40, s5, s18, $0xb8;
	[tilespmem:$0x1F000] =	vst v63  }
0x1d6: {  	_ =	swait.ge [sflag:s16], $0x2000  }
0x1d7: {  	[sflag:s16] =	ssyncset.done $0x0  }
0x1d8: {  	s10 =	simm.s32 $0x4C00;
	[sflag:s16] =	ssyncadd.s32 $0xFFFFE000  }
0x1d9: {  	[spmem:s3] =	stream.indirect.scatter.add.f32 [tilespmem:s17], [sflag:$0x9], $0x40, s10, s18, $0xb8;
	[tilespmem:$0x1F000] =	vst v63  }
0x1da: {  	_ =	swait.ge [sflag:s0], $0x2000  }
0x1db: {  	[sflag:s0] =	ssyncset.done $0x0  }
0x1dc: {  	s11 =	simm.s32 $0x4C80;
	[sflag:s0] =	ssyncadd.s32 $0xFFFFE000  }
0x1dd: {  	[spmem:s3] =	stream.indirect.scatter.add.f32 [tilespmem:s19], [sflag:$0xA], $0x40, s11, s18, $0xb8;
	[tilespmem:$0x1F000] =	vst v63  }
0x1de: {  	_ =	swait.ge [sflag:s4], $0x2000  }
0x1df: {  	[sflag:s4] =	ssyncset.done $0x0  }
0x1e0: {  	s10 =	simm.s32 $0x4D00;
	[sflag:s4] =	ssyncadd.s32 $0xFFFFE000  }
0x1e1: {  	[spmem:s3] =	stream.indirect.scatter.add.f32 [tilespmem:s21], [sflag:$0xB], $0x40, s10, s18, $0xb8;
	[tilespmem:$0x1F000] =	vst v63  }
0x1e2: {  	_ =	swait.ge [sflag:s6], $0x2000  }
0x1e3: {  	[sflag:s6] =	ssyncset.done $0x0  }
0x1e4: {  	s11 =	simm.s32 $0x4D80;
	[sflag:s6] =	ssyncadd.s32 $0xFFFFE000  }
0x1e5: {  	[spmem:s3] =	stream.indirect.scatter.add.f32 [tilespmem:s23], [sflag:$0xC], $0x40, s11, s18, $0xb8;
	[tilespmem:$0x1F000] =	vst v63  }
0x1e6: {  	_ =	swait.ge [sflag:s7], $0x2000  }
0x1e7: {  	[sflag:s7] =	ssyncset.done $0x0  }
0x1e8: {  	s10 =	simm.s32 $0x4E00;
	[sflag:s7] =	ssyncadd.s32 $0xFFFFE000  }
0x1e9: {  	[spmem:s3] =	stream.indirect.scatter.add.f32 [tilespmem:s25], [sflag:$0xD], $0x40, s10, s18, $0xb8;
	[tilespmem:$0x1F000] =	vst v63  }
0x1ea: {  	_ =	swait.ge [sflag:s20], $0x2000  }
0x1eb: {  	[sflag:s20] =	ssyncset.done $0x0  }
0x1ec: {  	s11 =	simm.s32 $0x4E80;
	[sflag:s20] =	ssyncadd.s32 $0xFFFFE000  }
0x1ed: {  	[spmem:s3] =	stream.indirect.scatter.add.f32 [tilespmem:s28], [sflag:$0xE], $0x40, s11, s18, $0xb8;
	[tilespmem:$0x1F000] =	vst v63  }
0x1ee: {  	_ =	swait.ge [sflag:s22], $0x2000  }
0x1ef: {  	[sflag:s22] =	ssyncset.done $0x0  }
0x1f0: {  	s10 =	simm.s32 $0x4F00;
	[sflag:s22] =	ssyncadd.s32 $0xFFFFE000  }
0x1f1: {  	[spmem:s3] =	stream.indirect.scatter.add.f32 [tilespmem:s30], [sflag:$0xF], $0x40, s10, s18, $0xb8;
	[tilespmem:$0x1F000] =	vst v63  }
0x1f2: {  	_ =	swait.ge [sflag:s24], $0x2000  }
0x1f3: {  	[sflag:s24] =	ssyncset.done $0x0  }
0x1f4: {  	s11 =	simm.s32 $0x4F80;
	[sflag:s24] =	ssyncadd.s32 $0xFFFFE000  }
0x1f5: {  	[spmem:s3] =	stream.indirect.scatter.add.f32 [tilespmem:s2], [sflag:$0x10], $0x40, s11, s18, $0xb8;
	[tilespmem:$0x1F000] =	vst v63  }
0x1f6: {  	_ =	swait.ge [sflag:s12], $0x2000  }
0x1f7: {  	[sflag:s12] =	ssyncset.done $0x0  }
0x1f8: {  	[sflag:s12] =	ssyncadd.s32 $0xFFFFE000  }
0x1f9: {  	_ =	swait.ge [sflag:s13], $0x2000  }
0x1fa: {  	[sflag:s13] =	ssyncset.done $0x0  }
0x1fb: {  	[sflag:s13] =	ssyncadd.s32 $0xFFFFE000  }
0x1fc: {  	_ =	swait.ge [sflag:s26], $0x2000  }
0x1fd: {  	[sflag:s26] =	ssyncset.done $0x0  }
0x1fe: {  	[sflag:s26] =	ssyncadd.s32 $0xFFFFE000  }
0x1ff: {  	_ =	swait.ge [sflag:s14], $0x2000  }
0x200: {  	[sflag:s14] =	ssyncset.done $0x0  }
0x201: {  	[sflag:s14] =	ssyncadd.s32 $0xFFFFE000  }
0x202: {  	_ =	swait.ge [sflag:s29], $0x2000  }
0x203: {  	[sflag:s29] =	ssyncset.done $0x0  }
0x204: {  	[sflag:s29] =	ssyncadd.s32 $0xFFFFE000  }
0x205: {  	_ =	swait.ge [sflag:s31], $0x2000  }
0x206: {  	[sflag:s31] =	ssyncset.done $0x0  }
0x207: {  	[sflag:s31] =	ssyncadd.s32 $0xFFFFE000  }
0x208: {  	_ =	swait.ge [sflag:s8], $0x2000  }
0x209: {  	[sflag:s8] =	ssyncset.done $0x0  }
0x20a: {  	[sflag:s8] =	ssyncadd.s32 $0xFFFFE000  }
0x20b: {  	_ =	swait.ge [sflag:s9], $0x2000  }
0x20c: {  	[sflag:s9] =	ssyncset.done $0x0  }
0x20d: {  	[sflag:s9] =	ssyncadd.s32 $0xFFFFE000  }
0x20e: {  	[bflag:$0x0] =	sbarrier.arrive $0xFFFF  }
0x20f: {  	s5 =	rddreg [dreg:$0xc]  }
0x210: {  	s10 =	rddreg [dreg:$0xf]  }
0x211: {  	s11 =	rddreg [dreg:$0x10]  }
0x212: {  	[hbm:s5@s9], [sflag:s10] =	dma.strided [spmem:s11@s24], $0x1400, s16, $0x8   }
0x213: {  	_ =	swait.ge [sflag:s15], $0x1400  }
0x214: {  	s5 =	rddreg [dreg:$0xe]  }
0x215: {  	s11 =	rddreg [dreg:$0xd];
	s10 =	sadd.s32 $0x1, s5  }
0x216: {  	p0 =	sne.s32 s10, s11  }
.Ltmp5:
0x217: {  	_ = 	snop;
	(pc) =	sbr.rel @p0 .LBB2_1-.Ltmp5, $3  }
0x218: {  	_ =	sdelay $0x1  }
0x219: {  	[sflag:s15] =	ssyncset.done $0x0  }
0x21a: {  	[sflag:s15] =	ssyncadd.s32 $0xFFFFEC00  }
0x21b: {  	_ =	sfence.sel $0x180000  }
0x21c: {  	[bflag:$0x0] =	sbarrier.arrive $0xFFFF  }
0x21d: {  	_ =	strace $0x9000004A  }
0x21e: {  	s0 =	stileid.u32;
	[bflag:$0x2] =	sbarrier.arrive $0xFFFF  }
0x21f: {  	p0 =	sne.s32 s0, $0x0;
	s0 =	rddreg [dreg:$0x3]  }
0x220: {  	s0 =	sadd.s32 @!p0 $0x100000, s0  }
0x221: {  	[sflag:s0] =	ssyncadd.tile.s32 @!p0 $0x1;
	_ =	shalt  }
.Lfunc_end2:
_tile_overlayer_lowered:
.L_overlay_start_2:
0x222: {  	(tag) =	ssettag $0x2  }
0x223: {  	s0 =	rddreg [dreg:$0x0];
	s2 =	stileid.u32  }
0x224: {  	s1 =	rddreg [dreg:$0x1];
	p0 =	sne.s32 s2, $0x0  }
0x225: {  	s3 =	rddreg [dreg:$0x2];
	[bflag:$0x3] =	sbarrier.arrive $0xFFFF;
	s2 =	simm.s32 @!p0 $0x1C11  }
0x226: {  	[timem:s3], [sflag:s2] =	dma.local @!p0 [hbm:s0], s1  }
0x227: {  	s0 =	simm.s32 @!p0 $0x11  }
0x228: {  	_ =	swait.ge @!p0 [sflag:s0], s1  }
0x229: {  	s1 =	ssub.s32 @!p0 $0x0, s1;
	[sflag:s0] =	ssyncset.done @!p0 $0x0  }
0x22a: {  	[sflag:s0] =	ssyncadd.s32 @!p0 s1  }
0x22b: {  	[bflag:$0x3] =	sbarrier.arrive $0xFFFF  }
0x22c: {  	_ =	shalt  }

</sc_bundles>
